<compile_context>
chip_gen: v7x
topology: tpu7x:2x2x1
jax: 0.10.2.dev20260603
libtpu: 0.0.44.dev20260713+nightly
codegen_flags: <defaults>
</compile_context>

<pallas_src>
import functools

import numpy as np
import jax
import jax.numpy as jnp
from jax import lax
from jax.experimental import pallas as pl
from jax.experimental.pallas import tpu as pltpu
from jax.experimental.pallas import tpu_sc as plsc

NC, NS, L = 2, 16, 16
NW = NC * NS


def _pad8(n):
    return (n + 7) // 8 * 8


@functools.lru_cache(maxsize=None)
def _sc_scores(B, K, D):
    P = K + 1
    b_w = B // NW
    CB = 128
    NCH = b_w // CB
    ROWS = CB * P
    NIDX = ROWS // 128
    NV = D // L
    CSTRIDE = _pad8(NCH)
    XSTRIDE = _pad8(NCH * NIDX)

    mesh = plsc.VectorSubcoreMesh(
        core_axis_name="c", subcore_axis_name="s", num_cores=NC, num_subcores=NS
    )

    @functools.partial(
        pl.kernel,
        out_type=jax.ShapeDtypeStruct((B, P * L), jnp.float32),
        mesh=mesh,
        compiler_params=pltpu.CompilerParams(use_tc_tiling_on_sc=False),
        scratch_types=[
            pltpu.VMEM((CSTRIDE, 128), jnp.int32),
            pltpu.VMEM((XSTRIDE, 128), jnp.int32),
            pltpu.VMEM((CB, D), jnp.float32),
            pltpu.VMEM((ROWS, D), jnp.float32),
            pltpu.VMEM((CB, P * L), jnp.float32),
            pltpu.SemaphoreType.DMA,
            pltpu.SemaphoreType.DMA,
        ],
    )
    def k(cen_hbm, ctx_hbm, tw_hbm, cw_hbm, out_hbm,
          cidx, xidx, vbuf, ubuf, part, sem_v, sem_u):
        wid = lax.axis_index("s") * NC + lax.axis_index("c")
        pltpu.sync_copy(cen_hbm.at[pl.ds(wid * CSTRIDE, CSTRIDE)], cidx)
        pltpu.sync_copy(ctx_hbm.at[pl.ds(wid * XSTRIDE, XSTRIDE)], xidx)
        for c in range(NCH):
            cp_v = pltpu.async_copy(tw_hbm.at[cidx.at[c]], vbuf, sem_v)
            cps = [
                pltpu.async_copy(cw_hbm.at[xidx.at[c * NIDX + t]],
                                 ubuf.at[pl.ds(t * 128, 128)], sem_u)
                for t in range(NIDX)
            ]
            cp_v.wait()
            for cp in cps:
                cp.wait()

            def body(b, carry):
                vr = [vbuf[b, pl.ds(i * L, L)] for i in range(NV)]
                for j in range(P):
                    p = b * P + j
                    acc = vr[0] * ubuf[p, pl.ds(0, L)]
                    for i in range(1, NV):
                        acc = acc + vr[i] * ubuf[p, pl.ds(i * L, L)]
                    part[b, pl.ds(j * L, L)] = acc
                return carry

            lax.fori_loop(0, CB, body, 0)
            pltpu.sync_copy(part, out_hbm.at[pl.ds((wid * NCH + c) * CB, CB)])

    return k


@functools.lru_cache(maxsize=None)
def _tc_loss(B, P):
    BLK = 512
    G = B // BLK

    def body(x_ref, m_ref, out_ref):
        x = x_ref[...]
        s = jnp.dot(x, m_ref[...], preferred_element_type=jnp.float32)
        col = lax.broadcasted_iota(jnp.int32, s.shape, 1)
        t = jnp.where(col == 0, s, -s)
        loss = -jnp.log(jax.nn.sigmoid(t) + 1e-09)

        @pl.when(pl.program_id(0) == 0)
        def _():
            out_ref[...] = jnp.zeros((1, 1), jnp.float32)

        out_ref[...] = out_ref[...] + jnp.sum(loss)

        @pl.when(pl.program_id(0) == G - 1)
        def _():
            out_ref[...] = out_ref[...] / B

    return pl.pallas_call(
        body,
        grid=(G,),
        in_specs=[
            pl.BlockSpec((BLK, P * L), lambda i: (i, 0)),
            pl.BlockSpec((P * L, P), lambda i: (0, 0)),
        ],
        out_specs=pl.BlockSpec((1, 1), lambda i: (0, 0)),
        out_shape=jax.ShapeDtypeStruct((1, 1), jnp.float32),
    )


@functools.lru_cache(maxsize=None)
def _lane_sum_matrix(P):
    m = np.zeros((P * L, P), dtype=np.float32)
    for j in range(P):
        m[j * L:(j + 1) * L, j] = 1.0
    return jnp.asarray(m)


def _pad_rows(x2d, nw):
    r = x2d.shape[0] // nw
    rp = _pad8(r)
    if rp == r:
        return x2d
    x3 = x2d.reshape(nw, r, 128)
    x3 = jnp.pad(x3, ((0, 0), (0, rp - r), (0, 0)))
    return x3.reshape(nw * rp, 128)


def kernel(center_ids, pos_ctx_ids, neg_ctx_ids, target_W, context_W):
    B = center_ids.shape[0]
    K = neg_ctx_ids.shape[1]
    D = target_W.shape[1]
    P = K + 1
    cen = _pad_rows(center_ids.astype(jnp.int32).reshape(B // 128, 128), NW)
    ctx = jnp.concatenate(
        [pos_ctx_ids.astype(jnp.int32)[:, None], neg_ctx_ids.astype(jnp.int32)],
        axis=1,
    ).reshape(B * P // 128, 128)
    ctx = _pad_rows(ctx, NW)
    part = _sc_scores(B, K, D)(cen, ctx, target_W, context_W)
    out = _tc_loss(B, P)(part, _lane_sum_matrix(P))
    return out[0, 0]

# --- scband reference (transcript-rebuilt; emitter-appended) ---
"""Pipeline reference for scband-sgns-57664230916145 (READ-ONLY COPY).

The authoritative reference and input builder live on the scoring server;
editing this copy changes nothing except your own understanding.
"""

import jax, jax.numpy as jnp
import numpy as np

VOCAB = 1000000
DIM = 64
B = 16384
K = 10


def setup_inputs(seed: int = 0) -> dict:
    key = jax.random.key(seed)
    k1, k2, k3, k4 = jax.random.split(key, 4)
    center_ids = jax.random.randint(k1, (B,), 0, VOCAB, dtype=jnp.int64 if jax.config.jax_enable_x64 else jnp.int32)
    pos_ctx_ids = jax.random.randint(k2, (B,), 0, VOCAB, dtype=jnp.int64 if jax.config.jax_enable_x64 else jnp.int32)
    neg_ctx_ids = jax.random.randint(k3, (B, K), 0, VOCAB, dtype=jnp.int64 if jax.config.jax_enable_x64 else jnp.int32)
    # target embedding: uniform(-0.5/dim, 0.5/dim); context embedding: zeros (per module init)
    target_W = jax.random.uniform(k4, (VOCAB, DIM), dtype=jnp.float32, minval=-0.5 / DIM, maxval=0.5 / DIM)
    context_W = jnp.zeros((VOCAB, DIM), dtype=jnp.float32)
    return {
        "center_ids": center_ids,
        "pos_ctx_ids": pos_ctx_ids,
        "neg_ctx_ids": neg_ctx_ids,
        "target_W": target_W,
        "context_W": context_W,
    }


def reference(center_ids, pos_ctx_ids, neg_ctx_ids, target_W, context_W):
    v = jnp.take(target_W, center_ids, axis=0)            # [B, d]
    u_pos = jnp.take(context_W, pos_ctx_ids, axis=0)      # [B, d]
    u_neg = jnp.take(context_W, neg_ctx_ids, axis=0)      # [B, K, d]
    pos_score = jnp.sum(v * u_pos, axis=1)                 # [B]
    pos_loss = -jnp.log(jax.nn.sigmoid(pos_score) + 1e-09)
    neg_score = jnp.einsum('bd,bkd->bk', v, u_neg)         # [B, K]
    neg_loss = -jnp.sum(jnp.log(jax.nn.sigmoid(-neg_score) + 1e-09), axis=1)
    return jnp.mean(pos_loss + neg_loss)

if __name__ == "__main__":
    import jax
    _d = setup_inputs()
    print(jax.jit(kernel)(*tuple(_d.values())))

</pallas_src>

<mosaic_0001>
#map = affine_map<(d0, d1) -> (0, 0)>
module attributes {stable_mosaic.version = 14 : i64} {
  func.func @k(%arg0: i32, %arg1: i32, %arg2: memref<256x128xi32, #tpu.memory_space<hbm>>, %arg3: memref<1536x128xi32, #tpu.memory_space<hbm>>, %arg4: memref<1000000x64xf32, #tpu.memory_space<hbm>>, %arg5: memref<1000000x64xf32, #tpu.memory_space<hbm>>, %arg6: memref<16384x176xf32, #tpu.memory_space<hbm>>, %arg7: memref<8x128xi32, #tpu.memory_space<vmem>>, %arg8: memref<48x128xi32, #tpu.memory_space<vmem>>, %arg9: memref<128x64xf32, #tpu.memory_space<vmem>>, %arg10: memref<1408x64xf32, #tpu.memory_space<vmem>>, %arg11: memref<128x176xf32, #tpu.memory_space<vmem>>, %arg12: memref<!tpu.dma_semaphore, #tpu.memory_space<semaphore_mem>>, %arg13: memref<!tpu.dma_semaphore, #tpu.memory_space<semaphore_mem>>) attributes {dimension_semantics = [#tpu.dimension_semantics<core_parallel>, #tpu.dimension_semantics<subcore_parallel>], iteration_bounds = array<i64: 2, 16>, scalar_prefetch = 0 : i64, scratch_operands = 7 : i64, tpu.core_type = #tpu.core_type<sc_vector_subcore>, window_params = [{transform_indices = #map}, {transform_indices = #map}, {transform_indices = #map}, {transform_indices = #map}, {transform_indices = #map}]} {
    %mul3A = arith.constant 2 : i32
    %mul3A_0 = arith.muli %arg1, %mul3A : i32
    %add3A = arith.addi %mul3A_0, %arg0 : i32
    %mul3A_1 = arith.constant 8 : i32
    %mul3A_2 = arith.muli %add3A, %mul3A_1 : i32
    "tpu.region"() ({
      %run_scoped3A = tpu.sem_alloc : memref<!tpu.dma_semaphore, #tpu.memory_space<semaphore_mem>>
      %dma_start3A_986 = arith.constant 0 : i32
      %dma_start3A_987 = tpu.memref_slice %arg2[%mul3A_2, %dma_start3A_986] : memref<256x128xi32, #tpu.memory_space<hbm>> -> memref<8x128xi32, #tpu.memory_space<hbm>>
      %dma_start3A_988 = arith.constant 0 : i32
      %dma_start3A_989 = tpu.memref_slice %arg2[%mul3A_2, %dma_start3A_988] : memref<256x128xi32, #tpu.memory_space<hbm>> -> memref<8x128xi32, #tpu.memory_space<hbm>>
      tpu.enqueue_dma source(%dma_start3A_989 : memref<8x128xi32, #tpu.memory_space<hbm>>) target(%arg7 : memref<8x128xi32, #tpu.memory_space<vmem>>) target_semaphore(%run_scoped3A : memref<!tpu.dma_semaphore, #tpu.memory_space<semaphore_mem>>)
      %dma_wait3A_990 = arith.constant 0 : i32
      %dma_wait3A_991 = tpu.memref_slice %arg2[%mul3A_2, %dma_wait3A_990] : memref<256x128xi32, #tpu.memory_space<hbm>> -> memref<8x128xi32, #tpu.memory_space<hbm>>
      %dma_wait3A_992 = arith.constant 0 : i32
      %dma_wait3A_993 = tpu.memref_slice %arg2[%mul3A_2, %dma_wait3A_992] : memref<256x128xi32, #tpu.memory_space<hbm>> -> memref<8x128xi32, #tpu.memory_space<hbm>>
      tpu.wait_dma2 semaphore(%run_scoped3A : memref<!tpu.dma_semaphore, #tpu.memory_space<semaphore_mem>>) src(%dma_wait3A_993 : memref<8x128xi32, #tpu.memory_space<hbm>>) dst(%arg7 : memref<8x128xi32, #tpu.memory_space<vmem>>)
      tpu.yield
    }) : () -> ()
    %mul3A_3 = arith.constant 48 : i32
    %mul3A_4 = arith.muli %add3A, %mul3A_3 : i32
    "tpu.region"() ({
      %run_scoped3A = tpu.sem_alloc : memref<!tpu.dma_semaphore, #tpu.memory_space<semaphore_mem>>
      %dma_start3A_986 = arith.constant 0 : i32
      %dma_start3A_987 = tpu.memref_slice %arg3[%mul3A_4, %dma_start3A_986] : memref<1536x128xi32, #tpu.memory_space<hbm>> -> memref<48x128xi32, #tpu.memory_space<hbm>>
      %dma_start3A_988 = arith.constant 0 : i32
      %dma_start3A_989 = tpu.memref_slice %arg3[%mul3A_4, %dma_start3A_988] : memref<1536x128xi32, #tpu.memory_space<hbm>> -> memref<48x128xi32, #tpu.memory_space<hbm>>
      tpu.enqueue_dma source(%dma_start3A_989 : memref<48x128xi32, #tpu.memory_space<hbm>>) target(%arg8 : memref<48x128xi32, #tpu.memory_space<vmem>>) target_semaphore(%run_scoped3A : memref<!tpu.dma_semaphore, #tpu.memory_space<semaphore_mem>>)
      %dma_wait3A_990 = arith.constant 0 : i32
      %dma_wait3A_991 = tpu.memref_slice %arg3[%mul3A_4, %dma_wait3A_990] : memref<1536x128xi32, #tpu.memory_space<hbm>> -> memref<48x128xi32, #tpu.memory_space<hbm>>
      %dma_wait3A_992 = arith.constant 0 : i32
      %dma_wait3A_993 = tpu.memref_slice %arg3[%mul3A_4, %dma_wait3A_992] : memref<1536x128xi32, #tpu.memory_space<hbm>> -> memref<48x128xi32, #tpu.memory_space<hbm>>
      tpu.wait_dma2 semaphore(%run_scoped3A : memref<!tpu.dma_semaphore, #tpu.memory_space<semaphore_mem>>) src(%dma_wait3A_993 : memref<48x128xi32, #tpu.memory_space<hbm>>) dst(%arg8 : memref<48x128xi32, #tpu.memory_space<vmem>>)
      tpu.yield
    }) : () -> ()
    %dma_start3A = arith.constant 0 : i32
    %dma_start3A_5 = arith.constant 0 : i32
    %dma_start3A_6 = tpu.memref_slice %arg7[%dma_start3A, %dma_start3A_5] : memref<8x128xi32, #tpu.memory_space<vmem>> -> memref<1x128xi32, #tpu.memory_space<vmem>>
    %dma_start3A_7 = tpu.memref_squeeze %dma_start3A_6 : memref<1x128xi32, #tpu.memory_space<vmem>> -> memref<128xi32, #tpu.memory_space<vmem>>
    %dma_start3A_8 = arith.constant 0 : i32
    %dma_start3A_9 = arith.constant 0 : i32
    %dma_start3A_10 = tpu.memref_slice %arg4[%dma_start3A_8, %dma_start3A_9] : memref<1000000x64xf32, #tpu.memory_space<hbm>> -> memref<1000000x64xf32, #tpu.memory_space<hbm>>
    tpu.enqueue_indirect_dma source(%dma_start3A_10 : memref<1000000x64xf32, #tpu.memory_space<hbm>>) target(%arg9 : memref<128x64xf32, #tpu.memory_space<vmem>>) offsets(%dma_start3A_7 : memref<128xi32, #tpu.memory_space<vmem>>) semaphore(%arg12 : memref<!tpu.dma_semaphore, #tpu.memory_space<semaphore_mem>>)
    %dma_start3A_11 = arith.constant 0 : i32
    %dma_start3A_12 = arith.constant 0 : i32
    %dma_start3A_13 = arith.constant 0 : i32
    %dma_start3A_14 = tpu.memref_slice %arg10[%dma_start3A_12, %dma_start3A_13] : memref<1408x64xf32, #tpu.memory_space<vmem>> -> memref<128x64xf32, #tpu.memory_space<vmem>>
    %dma_start3A_15 = arith.constant 0 : i32
    %dma_start3A_16 = tpu.memref_slice %arg8[%dma_start3A_11, %dma_start3A_15] : memref<48x128xi32, #tpu.memory_space<vmem>> -> memref<1x128xi32, #tpu.memory_space<vmem>>
    %dma_start3A_17 = tpu.memref_squeeze %dma_start3A_16 : memref<1x128xi32, #tpu.memory_space<vmem>> -> memref<128xi32, #tpu.memory_space<vmem>>
    %dma_start3A_18 = arith.constant 0 : i32
    %dma_start3A_19 = arith.constant 0 : i32
    %dma_start3A_20 = tpu.memref_slice %arg5[%dma_start3A_18, %dma_start3A_19] : memref<1000000x64xf32, #tpu.memory_space<hbm>> -> memref<1000000x64xf32, #tpu.memory_space<hbm>>
    tpu.enqueue_indirect_dma source(%dma_start3A_20 : memref<1000000x64xf32, #tpu.memory_space<hbm>>) target(%dma_start3A_14 : memref<128x64xf32, #tpu.memory_space<vmem>>) offsets(%dma_start3A_17 : memref<128xi32, #tpu.memory_space<vmem>>) semaphore(%arg13 : memref<!tpu.dma_semaphore, #tpu.memory_space<semaphore_mem>>)
    %dma_start3A_21 = arith.constant 1 : i32
    %dma_start3A_22 = arith.constant 128 : i32
    %dma_start3A_23 = arith.constant 0 : i32
    %dma_start3A_24 = tpu.memref_slice %arg10[%dma_start3A_22, %dma_start3A_23] : memref<1408x64xf32, #tpu.memory_space<vmem>> -> memref<128x64xf32, #tpu.memory_space<vmem>>
    %dma_start3A_25 = arith.constant 0 : i32
    %dma_start3A_26 = tpu.memref_slice %arg8[%dma_start3A_21, %dma_start3A_25] : memref<48x128xi32, #tpu.memory_space<vmem>> -> memref<1x128xi32, #tpu.memory_space<vmem>>
    %dma_start3A_27 = tpu.memref_squeeze %dma_start3A_26 : memref<1x128xi32, #tpu.memory_space<vmem>> -> memref<128xi32, #tpu.memory_space<vmem>>
    %dma_start3A_28 = arith.constant 0 : i32
    %dma_start3A_29 = arith.constant 0 : i32
    %dma_start3A_30 = tpu.memref_slice %arg5[%dma_start3A_28, %dma_start3A_29] : memref<1000000x64xf32, #tpu.memory_space<hbm>> -> memref<1000000x64xf32, #tpu.memory_space<hbm>>
    tpu.enqueue_indirect_dma source(%dma_start3A_30 : memref<1000000x64xf32, #tpu.memory_space<hbm>>) target(%dma_start3A_24 : memref<128x64xf32, #tpu.memory_space<vmem>>) offsets(%dma_start3A_27 : memref<128xi32, #tpu.memory_space<vmem>>) semaphore(%arg13 : memref<!tpu.dma_semaphore, #tpu.memory_space<semaphore_mem>>)
    %dma_start3A_31 = arith.constant 2 : i32
    %dma_start3A_32 = arith.constant 256 : i32
    %dma_start3A_33 = arith.constant 0 : i32
    %dma_start3A_34 = tpu.memref_slice %arg10[%dma_start3A_32, %dma_start3A_33] : memref<1408x64xf32, #tpu.memory_space<vmem>> -> memref<128x64xf32, #tpu.memory_space<vmem>>
    %dma_start3A_35 = arith.constant 0 : i32
    %dma_start3A_36 = tpu.memref_slice %arg8[%dma_start3A_31, %dma_start3A_35] : memref<48x128xi32, #tpu.memory_space<vmem>> -> memref<1x128xi32, #tpu.memory_space<vmem>>
    %dma_start3A_37 = tpu.memref_squeeze %dma_start3A_36 : memref<1x128xi32, #tpu.memory_space<vmem>> -> memref<128xi32, #tpu.memory_space<vmem>>
    %dma_start3A_38 = arith.constant 0 : i32
    %dma_start3A_39 = arith.constant 0 : i32
    %dma_start3A_40 = tpu.memref_slice %arg5[%dma_start3A_38, %dma_start3A_39] : memref<1000000x64xf32, #tpu.memory_space<hbm>> -> memref<1000000x64xf32, #tpu.memory_space<hbm>>
    tpu.enqueue_indirect_dma source(%dma_start3A_40 : memref<1000000x64xf32, #tpu.memory_space<hbm>>) target(%dma_start3A_34 : memref<128x64xf32, #tpu.memory_space<vmem>>) offsets(%dma_start3A_37 : memref<128xi32, #tpu.memory_space<vmem>>) semaphore(%arg13 : memref<!tpu.dma_semaphore, #tpu.memory_space<semaphore_mem>>)
    %dma_start3A_41 = arith.constant 3 : i32
    %dma_start3A_42 = arith.constant 384 : i32
    %dma_start3A_43 = arith.constant 0 : i32
    %dma_start3A_44 = tpu.memref_slice %arg10[%dma_start3A_42, %dma_start3A_43] : memref<1408x64xf32, #tpu.memory_space<vmem>> -> memref<128x64xf32, #tpu.memory_space<vmem>>
    %dma_start3A_45 = arith.constant 0 : i32
    %dma_start3A_46 = tpu.memref_slice %arg8[%dma_start3A_41, %dma_start3A_45] : memref<48x128xi32, #tpu.memory_space<vmem>> -> memref<1x128xi32, #tpu.memory_space<vmem>>
    %dma_start3A_47 = tpu.memref_squeeze %dma_start3A_46 : memref<1x128xi32, #tpu.memory_space<vmem>> -> memref<128xi32, #tpu.memory_space<vmem>>
    %dma_start3A_48 = arith.constant 0 : i32
    %dma_start3A_49 = arith.constant 0 : i32
    %dma_start3A_50 = tpu.memref_slice %arg5[%dma_start3A_48, %dma_start3A_49] : memref<1000000x64xf32, #tpu.memory_space<hbm>> -> memref<1000000x64xf32, #tpu.memory_space<hbm>>
    tpu.enqueue_indirect_dma source(%dma_start3A_50 : memref<1000000x64xf32, #tpu.memory_space<hbm>>) target(%dma_start3A_44 : memref<128x64xf32, #tpu.memory_space<vmem>>) offsets(%dma_start3A_47 : memref<128xi32, #tpu.memory_space<vmem>>) semaphore(%arg13 : memref<!tpu.dma_semaphore, #tpu.memory_space<semaphore_mem>>)
    %dma_start3A_51 = arith.constant 4 : i32
    %dma_start3A_52 = arith.constant 512 : i32
    %dma_start3A_53 = arith.constant 0 : i32
    %dma_start3A_54 = tpu.memref_slice %arg10[%dma_start3A_52, %dma_start3A_53] : memref<1408x64xf32, #tpu.memory_space<vmem>> -> memref<128x64xf32, #tpu.memory_space<vmem>>
    %dma_start3A_55 = arith.constant 0 : i32
    %dma_start3A_56 = tpu.memref_slice %arg8[%dma_start3A_51, %dma_start3A_55] : memref<48x128xi32, #tpu.memory_space<vmem>> -> memref<1x128xi32, #tpu.memory_space<vmem>>
    %dma_start3A_57 = tpu.memref_squeeze %dma_start3A_56 : memref<1x128xi32, #tpu.memory_space<vmem>> -> memref<128xi32, #tpu.memory_space<vmem>>
    %dma_start3A_58 = arith.constant 0 : i32
    %dma_start3A_59 = arith.constant 0 : i32
    %dma_start3A_60 = tpu.memref_slice %arg5[%dma_start3A_58, %dma_start3A_59] : memref<1000000x64xf32, #tpu.memory_space<hbm>> -> memref<1000000x64xf32, #tpu.memory_space<hbm>>
    tpu.enqueue_indirect_dma source(%dma_start3A_60 : memref<1000000x64xf32, #tpu.memory_space<hbm>>) target(%dma_start3A_54 : memref<128x64xf32, #tpu.memory_space<vmem>>) offsets(%dma_start3A_57 : memref<128xi32, #tpu.memory_space<vmem>>) semaphore(%arg13 : memref<!tpu.dma_semaphore, #tpu.memory_space<semaphore_mem>>)
    %dma_start3A_61 = arith.constant 5 : i32
    %dma_start3A_62 = arith.constant 640 : i32
    %dma_start3A_63 = arith.constant 0 : i32
    %dma_start3A_64 = tpu.memref_slice %arg10[%dma_start3A_62, %dma_start3A_63] : memref<1408x64xf32, #tpu.memory_space<vmem>> -> memref<128x64xf32, #tpu.memory_space<vmem>>
    %dma_start3A_65 = arith.constant 0 : i32
    %dma_start3A_66 = tpu.memref_slice %arg8[%dma_start3A_61, %dma_start3A_65] : memref<48x128xi32, #tpu.memory_space<vmem>> -> memref<1x128xi32, #tpu.memory_space<vmem>>
    %dma_start3A_67 = tpu.memref_squeeze %dma_start3A_66 : memref<1x128xi32, #tpu.memory_space<vmem>> -> memref<128xi32, #tpu.memory_space<vmem>>
    %dma_start3A_68 = arith.constant 0 : i32
    %dma_start3A_69 = arith.constant 0 : i32
    %dma_start3A_70 = tpu.memref_slice %arg5[%dma_start3A_68, %dma_start3A_69] : memref<1000000x64xf32, #tpu.memory_space<hbm>> -> memref<1000000x64xf32, #tpu.memory_space<hbm>>
    tpu.enqueue_indirect_dma source(%dma_start3A_70 : memref<1000000x64xf32, #tpu.memory_space<hbm>>) target(%dma_start3A_64 : memref<128x64xf32, #tpu.memory_space<vmem>>) offsets(%dma_start3A_67 : memref<128xi32, #tpu.memory_space<vmem>>) semaphore(%arg13 : memref<!tpu.dma_semaphore, #tpu.memory_space<semaphore_mem>>)
    %dma_start3A_71 = arith.constant 6 : i32
    %dma_start3A_72 = arith.constant 768 : i32
    %dma_start3A_73 = arith.constant 0 : i32
    %dma_start3A_74 = tpu.memref_slice %arg10[%dma_start3A_72, %dma_start3A_73] : memref<1408x64xf32, #tpu.memory_space<vmem>> -> memref<128x64xf32, #tpu.memory_space<vmem>>
    %dma_start3A_75 = arith.constant 0 : i32
    %dma_start3A_76 = tpu.memref_slice %arg8[%dma_start3A_71, %dma_start3A_75] : memref<48x128xi32, #tpu.memory_space<vmem>> -> memref<1x128xi32, #tpu.memory_space<vmem>>
    %dma_start3A_77 = tpu.memref_squeeze %dma_start3A_76 : memref<1x128xi32, #tpu.memory_space<vmem>> -> memref<128xi32, #tpu.memory_space<vmem>>
    %dma_start3A_78 = arith.constant 0 : i32
    %dma_start3A_79 = arith.constant 0 : i32
    %dma_start3A_80 = tpu.memref_slice %arg5[%dma_start3A_78, %dma_start3A_79] : memref<1000000x64xf32, #tpu.memory_space<hbm>> -> memref<1000000x64xf32, #tpu.memory_space<hbm>>
    tpu.enqueue_indirect_dma source(%dma_start3A_80 : memref<1000000x64xf32, #tpu.memory_space<hbm>>) target(%dma_start3A_74 : memref<128x64xf32, #tpu.memory_space<vmem>>) offsets(%dma_start3A_77 : memref<128xi32, #tpu.memory_space<vmem>>) semaphore(%arg13 : memref<!tpu.dma_semaphore, #tpu.memory_space<semaphore_mem>>)
    %dma_start3A_81 = arith.constant 7 : i32
    %dma_start3A_82 = arith.constant 896 : i32
    %dma_start3A_83 = arith.constant 0 : i32
    %dma_start3A_84 = tpu.memref_slice %arg10[%dma_start3A_82, %dma_start3A_83] : memref<1408x64xf32, #tpu.memory_space<vmem>> -> memref<128x64xf32, #tpu.memory_space<vmem>>
    %dma_start3A_85 = arith.constant 0 : i32
    %dma_start3A_86 = tpu.memref_slice %arg8[%dma_start3A_81, %dma_start3A_85] : memref<48x128xi32, #tpu.memory_space<vmem>> -> memref<1x128xi32, #tpu.memory_space<vmem>>
    %dma_start3A_87 = tpu.memref_squeeze %dma_start3A_86 : memref<1x128xi32, #tpu.memory_space<vmem>> -> memref<128xi32, #tpu.memory_space<vmem>>
    %dma_start3A_88 = arith.constant 0 : i32
    %dma_start3A_89 = arith.constant 0 : i32
    %dma_start3A_90 = tpu.memref_slice %arg5[%dma_start3A_88, %dma_start3A_89] : memref<1000000x64xf32, #tpu.memory_space<hbm>> -> memref<1000000x64xf32, #tpu.memory_space<hbm>>
    tpu.enqueue_indirect_dma source(%dma_start3A_90 : memref<1000000x64xf32, #tpu.memory_space<hbm>>) target(%dma_start3A_84 : memref<128x64xf32, #tpu.memory_space<vmem>>) offsets(%dma_start3A_87 : memref<128xi32, #tpu.memory_space<vmem>>) semaphore(%arg13 : memref<!tpu.dma_semaphore, #tpu.memory_space<semaphore_mem>>)
    %dma_start3A_91 = arith.constant 8 : i32
    %dma_start3A_92 = arith.constant 1024 : i32
    %dma_start3A_93 = arith.constant 0 : i32
    %dma_start3A_94 = tpu.memref_slice %arg10[%dma_start3A_92, %dma_start3A_93] : memref<1408x64xf32, #tpu.memory_space<vmem>> -> memref<128x64xf32, #tpu.memory_space<vmem>>
    %dma_start3A_95 = arith.constant 0 : i32
    %dma_start3A_96 = tpu.memref_slice %arg8[%dma_start3A_91, %dma_start3A_95] : memref<48x128xi32, #tpu.memory_space<vmem>> -> memref<1x128xi32, #tpu.memory_space<vmem>>
    %dma_start3A_97 = tpu.memref_squeeze %dma_start3A_96 : memref<1x128xi32, #tpu.memory_space<vmem>> -> memref<128xi32, #tpu.memory_space<vmem>>
    %dma_start3A_98 = arith.constant 0 : i32
    %dma_start3A_99 = arith.constant 0 : i32
    %dma_start3A_100 = tpu.memref_slice %arg5[%dma_start3A_98, %dma_start3A_99] : memref<1000000x64xf32, #tpu.memory_space<hbm>> -> memref<1000000x64xf32, #tpu.memory_space<hbm>>
    tpu.enqueue_indirect_dma source(%dma_start3A_100 : memref<1000000x64xf32, #tpu.memory_space<hbm>>) target(%dma_start3A_94 : memref<128x64xf32, #tpu.memory_space<vmem>>) offsets(%dma_start3A_97 : memref<128xi32, #tpu.memory_space<vmem>>) semaphore(%arg13 : memref<!tpu.dma_semaphore, #tpu.memory_space<semaphore_mem>>)
    %dma_start3A_101 = arith.constant 9 : i32
    %dma_start3A_102 = arith.constant 1152 : i32
    %dma_start3A_103 = arith.constant 0 : i32
    %dma_start3A_104 = tpu.memref_slice %arg10[%dma_start3A_102, %dma_start3A_103] : memref<1408x64xf32, #tpu.memory_space<vmem>> -> memref<128x64xf32, #tpu.memory_space<vmem>>
    %dma_start3A_105 = arith.constant 0 : i32
    %dma_start3A_106 = tpu.memref_slice %arg8[%dma_start3A_101, %dma_start3A_105] : memref<48x128xi32, #tpu.memory_space<vmem>> -> memref<1x128xi32, #tpu.memory_space<vmem>>
    %dma_start3A_107 = tpu.memref_squeeze %dma_start3A_106 : memref<1x128xi32, #tpu.memory_space<vmem>> -> memref<128xi32, #tpu.memory_space<vmem>>
    %dma_start3A_108 = arith.constant 0 : i32
    %dma_start3A_109 = arith.constant 0 : i32
    %dma_start3A_110 = tpu.memref_slice %arg5[%dma_start3A_108, %dma_start3A_109] : memref<1000000x64xf32, #tpu.memory_space<hbm>> -> memref<1000000x64xf32, #tpu.memory_space<hbm>>
    tpu.enqueue_indirect_dma source(%dma_start3A_110 : memref<1000000x64xf32, #tpu.memory_space<hbm>>) target(%dma_start3A_104 : memref<128x64xf32, #tpu.memory_space<vmem>>) offsets(%dma_start3A_107 : memref<128xi32, #tpu.memory_space<vmem>>) semaphore(%arg13 : memref<!tpu.dma_semaphore, #tpu.memory_space<semaphore_mem>>)
    %dma_start3A_111 = arith.constant 10 : i32
    %dma_start3A_112 = arith.constant 1280 : i32
    %dma_start3A_113 = arith.constant 0 : i32
    %dma_start3A_114 = tpu.memref_slice %arg10[%dma_start3A_112, %dma_start3A_113] : memref<1408x64xf32, #tpu.memory_space<vmem>> -> memref<128x64xf32, #tpu.memory_space<vmem>>
    %dma_start3A_115 = arith.constant 0 : i32
    %dma_start3A_116 = tpu.memref_slice %arg8[%dma_start3A_111, %dma_start3A_115] : memref<48x128xi32, #tpu.memory_space<vmem>> -> memref<1x128xi32, #tpu.memory_space<vmem>>
    %dma_start3A_117 = tpu.memref_squeeze %dma_start3A_116 : memref<1x128xi32, #tpu.memory_space<vmem>> -> memref<128xi32, #tpu.memory_space<vmem>>
    %dma_start3A_118 = arith.constant 0 : i32
    %dma_start3A_119 = arith.constant 0 : i32
    %dma_start3A_120 = tpu.memref_slice %arg5[%dma_start3A_118, %dma_start3A_119] : memref<1000000x64xf32, #tpu.memory_space<hbm>> -> memref<1000000x64xf32, #tpu.memory_space<hbm>>
    tpu.enqueue_indirect_dma source(%dma_start3A_120 : memref<1000000x64xf32, #tpu.memory_space<hbm>>) target(%dma_start3A_114 : memref<128x64xf32, #tpu.memory_space<vmem>>) offsets(%dma_start3A_117 : memref<128xi32, #tpu.memory_space<vmem>>) semaphore(%arg13 : memref<!tpu.dma_semaphore, #tpu.memory_space<semaphore_mem>>)
    %dma_wait3A = arith.constant 0 : i32
    %dma_wait3A_121 = arith.constant 0 : i32
    %dma_wait3A_122 = tpu.memref_slice %arg7[%dma_wait3A, %dma_wait3A_121] : memref<8x128xi32, #tpu.memory_space<vmem>> -> memref<1x128xi32, #tpu.memory_space<vmem>>
    %dma_wait3A_123 = tpu.memref_squeeze %dma_wait3A_122 : memref<1x128xi32, #tpu.memory_space<vmem>> -> memref<128xi32, #tpu.memory_space<vmem>>
    %dma_wait3A_124 = arith.constant 0 : i32
    %dma_wait3A_125 = arith.constant 0 : i32
    %dma_wait3A_126 = tpu.memref_slice %arg4[%dma_wait3A_124, %dma_wait3A_125] : memref<1000000x64xf32, #tpu.memory_space<hbm>> -> memref<1000000x64xf32, #tpu.memory_space<hbm>>
    tpu.wait_indirect_dma semaphore(%arg12 : memref<!tpu.dma_semaphore, #tpu.memory_space<semaphore_mem>>) src(%dma_wait3A_126 : memref<1000000x64xf32, #tpu.memory_space<hbm>>) dst(%arg9 : memref<128x64xf32, #tpu.memory_space<vmem>>)
    %dma_wait3A_127 = arith.constant 0 : i32
    %dma_wait3A_128 = arith.constant 0 : i32
    %dma_wait3A_129 = arith.constant 0 : i32
    %dma_wait3A_130 = tpu.memref_slice %arg10[%dma_wait3A_128, %dma_wait3A_129] : memref<1408x64xf32, #tpu.memory_space<vmem>> -> memref<128x64xf32, #tpu.memory_space<vmem>>
    %dma_wait3A_131 = arith.constant 0 : i32
    %dma_wait3A_132 = tpu.memref_slice %arg8[%dma_wait3A_127, %dma_wait3A_131] : memref<48x128xi32, #tpu.memory_space<vmem>> -> memref<1x128xi32, #tpu.memory_space<vmem>>
    %dma_wait3A_133 = tpu.memref_squeeze %dma_wait3A_132 : memref<1x128xi32, #tpu.memory_space<vmem>> -> memref<128xi32, #tpu.memory_space<vmem>>
    %dma_wait3A_134 = arith.constant 0 : i32
    %dma_wait3A_135 = arith.constant 0 : i32
    %dma_wait3A_136 = tpu.memref_slice %arg5[%dma_wait3A_134, %dma_wait3A_135] : memref<1000000x64xf32, #tpu.memory_space<hbm>> -> memref<1000000x64xf32, #tpu.memory_space<hbm>>
    tpu.wait_indirect_dma semaphore(%arg13 : memref<!tpu.dma_semaphore, #tpu.memory_space<semaphore_mem>>) src(%dma_wait3A_136 : memref<1000000x64xf32, #tpu.memory_space<hbm>>) dst(%dma_wait3A_130 : memref<128x64xf32, #tpu.memory_space<vmem>>)
    %dma_wait3A_137 = arith.constant 1 : i32
    %dma_wait3A_138 = arith.constant 128 : i32
    %dma_wait3A_139 = arith.constant 0 : i32
    %dma_wait3A_140 = tpu.memref_slice %arg10[%dma_wait3A_138, %dma_wait3A_139] : memref<1408x64xf32, #tpu.memory_space<vmem>> -> memref<128x64xf32, #tpu.memory_space<vmem>>
    %dma_wait3A_141 = arith.constant 0 : i32
    %dma_wait3A_142 = tpu.memref_slice %arg8[%dma_wait3A_137, %dma_wait3A_141] : memref<48x128xi32, #tpu.memory_space<vmem>> -> memref<1x128xi32, #tpu.memory_space<vmem>>
    %dma_wait3A_143 = tpu.memref_squeeze %dma_wait3A_142 : memref<1x128xi32, #tpu.memory_space<vmem>> -> memref<128xi32, #tpu.memory_space<vmem>>
    %dma_wait3A_144 = arith.constant 0 : i32
    %dma_wait3A_145 = arith.constant 0 : i32
    %dma_wait3A_146 = tpu.memref_slice %arg5[%dma_wait3A_144, %dma_wait3A_145] : memref<1000000x64xf32, #tpu.memory_space<hbm>> -> memref<1000000x64xf32, #tpu.memory_space<hbm>>
    tpu.wait_indirect_dma semaphore(%arg13 : memref<!tpu.dma_semaphore, #tpu.memory_space<semaphore_mem>>) src(%dma_wait3A_146 : memref<1000000x64xf32, #tpu.memory_space<hbm>>) dst(%dma_wait3A_140 : memref<128x64xf32, #tpu.memory_space<vmem>>)
    %dma_wait3A_147 = arith.constant 2 : i32
    %dma_wait3A_148 = arith.constant 256 : i32
    %dma_wait3A_149 = arith.constant 0 : i32
    %dma_wait3A_150 = tpu.memref_slice %arg10[%dma_wait3A_148, %dma_wait3A_149] : memref<1408x64xf32, #tpu.memory_space<vmem>> -> memref<128x64xf32, #tpu.memory_space<vmem>>
    %dma_wait3A_151 = arith.constant 0 : i32
    %dma_wait3A_152 = tpu.memref_slice %arg8[%dma_wait3A_147, %dma_wait3A_151] : memref<48x128xi32, #tpu.memory_space<vmem>> -> memref<1x128xi32, #tpu.memory_space<vmem>>
    %dma_wait3A_153 = tpu.memref_squeeze %dma_wait3A_152 : memref<1x128xi32, #tpu.memory_space<vmem>> -> memref<128xi32, #tpu.memory_space<vmem>>
    %dma_wait3A_154 = arith.constant 0 : i32
    %dma_wait3A_155 = arith.constant 0 : i32
    %dma_wait3A_156 = tpu.memref_slice %arg5[%dma_wait3A_154, %dma_wait3A_155] : memref<1000000x64xf32, #tpu.memory_space<hbm>> -> memref<1000000x64xf32, #tpu.memory_space<hbm>>
    tpu.wait_indirect_dma semaphore(%arg13 : memref<!tpu.dma_semaphore, #tpu.memory_space<semaphore_mem>>) src(%dma_wait3A_156 : memref<1000000x64xf32, #tpu.memory_space<hbm>>) dst(%dma_wait3A_150 : memref<128x64xf32, #tpu.memory_space<vmem>>)
    %dma_wait3A_157 = arith.constant 3 : i32
    %dma_wait3A_158 = arith.constant 384 : i32
    %dma_wait3A_159 = arith.constant 0 : i32
    %dma_wait3A_160 = tpu.memref_slice %arg10[%dma_wait3A_158, %dma_wait3A_159] : memref<1408x64xf32, #tpu.memory_space<vmem>> -> memref<128x64xf32, #tpu.memory_space<vmem>>
    %dma_wait3A_161 = arith.constant 0 : i32
    %dma_wait3A_162 = tpu.memref_slice %arg8[%dma_wait3A_157, %dma_wait3A_161] : memref<48x128xi32, #tpu.memory_space<vmem>> -> memref<1x128xi32, #tpu.memory_space<vmem>>
    %dma_wait3A_163 = tpu.memref_squeeze %dma_wait3A_162 : memref<1x128xi32, #tpu.memory_space<vmem>> -> memref<128xi32, #tpu.memory_space<vmem>>
    %dma_wait3A_164 = arith.constant 0 : i32
    %dma_wait3A_165 = arith.constant 0 : i32
    %dma_wait3A_166 = tpu.memref_slice %arg5[%dma_wait3A_164, %dma_wait3A_165] : memref<1000000x64xf32, #tpu.memory_space<hbm>> -> memref<1000000x64xf32, #tpu.memory_space<hbm>>
    tpu.wait_indirect_dma semaphore(%arg13 : memref<!tpu.dma_semaphore, #tpu.memory_space<semaphore_mem>>) src(%dma_wait3A_166 : memref<1000000x64xf32, #tpu.memory_space<hbm>>) dst(%dma_wait3A_160 : memref<128x64xf32, #tpu.memory_space<vmem>>)
    %dma_wait3A_167 = arith.constant 4 : i32
    %dma_wait3A_168 = arith.constant 512 : i32
    %dma_wait3A_169 = arith.constant 0 : i32
    %dma_wait3A_170 = tpu.memref_slice %arg10[%dma_wait3A_168, %dma_wait3A_169] : memref<1408x64xf32, #tpu.memory_space<vmem>> -> memref<128x64xf32, #tpu.memory_space<vmem>>
    %dma_wait3A_171 = arith.constant 0 : i32
    %dma_wait3A_172 = tpu.memref_slice %arg8[%dma_wait3A_167, %dma_wait3A_171] : memref<48x128xi32, #tpu.memory_space<vmem>> -> memref<1x128xi32, #tpu.memory_space<vmem>>
    %dma_wait3A_173 = tpu.memref_squeeze %dma_wait3A_172 : memref<1x128xi32, #tpu.memory_space<vmem>> -> memref<128xi32, #tpu.memory_space<vmem>>
    %dma_wait3A_174 = arith.constant 0 : i32
    %dma_wait3A_175 = arith.constant 0 : i32
    %dma_wait3A_176 = tpu.memref_slice %arg5[%dma_wait3A_174, %dma_wait3A_175] : memref<1000000x64xf32, #tpu.memory_space<hbm>> -> memref<1000000x64xf32, #tpu.memory_space<hbm>>
    tpu.wait_indirect_dma semaphore(%arg13 : memref<!tpu.dma_semaphore, #tpu.memory_space<semaphore_mem>>) src(%dma_wait3A_176 : memref<1000000x64xf32, #tpu.memory_space<hbm>>) dst(%dma_wait3A_170 : memref<128x64xf32, #tpu.memory_space<vmem>>)
    %dma_wait3A_177 = arith.constant 5 : i32
    %dma_wait3A_178 = arith.constant 640 : i32
    %dma_wait3A_179 = arith.constant 0 : i32
    %dma_wait3A_180 = tpu.memref_slice %arg10[%dma_wait3A_178, %dma_wait3A_179] : memref<1408x64xf32, #tpu.memory_space<vmem>> -> memref<128x64xf32, #tpu.memory_space<vmem>>
    %dma_wait3A_181 = arith.constant 0 : i32
    %dma_wait3A_182 = tpu.memref_slice %arg8[%dma_wait3A_177, %dma_wait3A_181] : memref<48x128xi32, #tpu.memory_space<vmem>> -> memref<1x128xi32, #tpu.memory_space<vmem>>
    %dma_wait3A_183 = tpu.memref_squeeze %dma_wait3A_182 : memref<1x128xi32, #tpu.memory_space<vmem>> -> memref<128xi32, #tpu.memory_space<vmem>>
    %dma_wait3A_184 = arith.constant 0 : i32
    %dma_wait3A_185 = arith.constant 0 : i32
    %dma_wait3A_186 = tpu.memref_slice %arg5[%dma_wait3A_184, %dma_wait3A_185] : memref<1000000x64xf32, #tpu.memory_space<hbm>> -> memref<1000000x64xf32, #tpu.memory_space<hbm>>
    tpu.wait_indirect_dma semaphore(%arg13 : memref<!tpu.dma_semaphore, #tpu.memory_space<semaphore_mem>>) src(%dma_wait3A_186 : memref<1000000x64xf32, #tpu.memory_space<hbm>>) dst(%dma_wait3A_180 : memref<128x64xf32, #tpu.memory_space<vmem>>)
    %dma_wait3A_187 = arith.constant 6 : i32
    %dma_wait3A_188 = arith.constant 768 : i32
    %dma_wait3A_189 = arith.constant 0 : i32
    %dma_wait3A_190 = tpu.memref_slice %arg10[%dma_wait3A_188, %dma_wait3A_189] : memref<1408x64xf32, #tpu.memory_space<vmem>> -> memref<128x64xf32, #tpu.memory_space<vmem>>
    %dma_wait3A_191 = arith.constant 0 : i32
    %dma_wait3A_192 = tpu.memref_slice %arg8[%dma_wait3A_187, %dma_wait3A_191] : memref<48x128xi32, #tpu.memory_space<vmem>> -> memref<1x128xi32, #tpu.memory_space<vmem>>
    %dma_wait3A_193 = tpu.memref_squeeze %dma_wait3A_192 : memref<1x128xi32, #tpu.memory_space<vmem>> -> memref<128xi32, #tpu.memory_space<vmem>>
    %dma_wait3A_194 = arith.constant 0 : i32
    %dma_wait3A_195 = arith.constant 0 : i32
    %dma_wait3A_196 = tpu.memref_slice %arg5[%dma_wait3A_194, %dma_wait3A_195] : memref<1000000x64xf32, #tpu.memory_space<hbm>> -> memref<1000000x64xf32, #tpu.memory_space<hbm>>
    tpu.wait_indirect_dma semaphore(%arg13 : memref<!tpu.dma_semaphore, #tpu.memory_space<semaphore_mem>>) src(%dma_wait3A_196 : memref<1000000x64xf32, #tpu.memory_space<hbm>>) dst(%dma_wait3A_190 : memref<128x64xf32, #tpu.memory_space<vmem>>)
    %dma_wait3A_197 = arith.constant 7 : i32
    %dma_wait3A_198 = arith.constant 896 : i32
    %dma_wait3A_199 = arith.constant 0 : i32
    %dma_wait3A_200 = tpu.memref_slice %arg10[%dma_wait3A_198, %dma_wait3A_199] : memref<1408x64xf32, #tpu.memory_space<vmem>> -> memref<128x64xf32, #tpu.memory_space<vmem>>
    %dma_wait3A_201 = arith.constant 0 : i32
    %dma_wait3A_202 = tpu.memref_slice %arg8[%dma_wait3A_197, %dma_wait3A_201] : memref<48x128xi32, #tpu.memory_space<vmem>> -> memref<1x128xi32, #tpu.memory_space<vmem>>
    %dma_wait3A_203 = tpu.memref_squeeze %dma_wait3A_202 : memref<1x128xi32, #tpu.memory_space<vmem>> -> memref<128xi32, #tpu.memory_space<vmem>>
    %dma_wait3A_204 = arith.constant 0 : i32
    %dma_wait3A_205 = arith.constant 0 : i32
    %dma_wait3A_206 = tpu.memref_slice %arg5[%dma_wait3A_204, %dma_wait3A_205] : memref<1000000x64xf32, #tpu.memory_space<hbm>> -> memref<1000000x64xf32, #tpu.memory_space<hbm>>
    tpu.wait_indirect_dma semaphore(%arg13 : memref<!tpu.dma_semaphore, #tpu.memory_space<semaphore_mem>>) src(%dma_wait3A_206 : memref<1000000x64xf32, #tpu.memory_space<hbm>>) dst(%dma_wait3A_200 : memref<128x64xf32, #tpu.memory_space<vmem>>)
    %dma_wait3A_207 = arith.constant 8 : i32
    %dma_wait3A_208 = arith.constant 1024 : i32
    %dma_wait3A_209 = arith.constant 0 : i32
    %dma_wait3A_210 = tpu.memref_slice %arg10[%dma_wait3A_208, %dma_wait3A_209] : memref<1408x64xf32, #tpu.memory_space<vmem>> -> memref<128x64xf32, #tpu.memory_space<vmem>>
    %dma_wait3A_211 = arith.constant 0 : i32
    %dma_wait3A_212 = tpu.memref_slice %arg8[%dma_wait3A_207, %dma_wait3A_211] : memref<48x128xi32, #tpu.memory_space<vmem>> -> memref<1x128xi32, #tpu.memory_space<vmem>>
    %dma_wait3A_213 = tpu.memref_squeeze %dma_wait3A_212 : memref<1x128xi32, #tpu.memory_space<vmem>> -> memref<128xi32, #tpu.memory_space<vmem>>
    %dma_wait3A_214 = arith.constant 0 : i32
    %dma_wait3A_215 = arith.constant 0 : i32
    %dma_wait3A_216 = tpu.memref_slice %arg5[%dma_wait3A_214, %dma_wait3A_215] : memref<1000000x64xf32, #tpu.memory_space<hbm>> -> memref<1000000x64xf32, #tpu.memory_space<hbm>>
    tpu.wait_indirect_dma semaphore(%arg13 : memref<!tpu.dma_semaphore, #tpu.memory_space<semaphore_mem>>) src(%dma_wait3A_216 : memref<1000000x64xf32, #tpu.memory_space<hbm>>) dst(%dma_wait3A_210 : memref<128x64xf32, #tpu.memory_space<vmem>>)
    %dma_wait3A_217 = arith.constant 9 : i32
    %dma_wait3A_218 = arith.constant 1152 : i32
    %dma_wait3A_219 = arith.constant 0 : i32
    %dma_wait3A_220 = tpu.memref_slice %arg10[%dma_wait3A_218, %dma_wait3A_219] : memref<1408x64xf32, #tpu.memory_space<vmem>> -> memref<128x64xf32, #tpu.memory_space<vmem>>
    %dma_wait3A_221 = arith.constant 0 : i32
    %dma_wait3A_222 = tpu.memref_slice %arg8[%dma_wait3A_217, %dma_wait3A_221] : memref<48x128xi32, #tpu.memory_space<vmem>> -> memref<1x128xi32, #tpu.memory_space<vmem>>
    %dma_wait3A_223 = tpu.memref_squeeze %dma_wait3A_222 : memref<1x128xi32, #tpu.memory_space<vmem>> -> memref<128xi32, #tpu.memory_space<vmem>>
    %dma_wait3A_224 = arith.constant 0 : i32
    %dma_wait3A_225 = arith.constant 0 : i32
    %dma_wait3A_226 = tpu.memref_slice %arg5[%dma_wait3A_224, %dma_wait3A_225] : memref<1000000x64xf32, #tpu.memory_space<hbm>> -> memref<1000000x64xf32, #tpu.memory_space<hbm>>
    tpu.wait_indirect_dma semaphore(%arg13 : memref<!tpu.dma_semaphore, #tpu.memory_space<semaphore_mem>>) src(%dma_wait3A_226 : memref<1000000x64xf32, #tpu.memory_space<hbm>>) dst(%dma_wait3A_220 : memref<128x64xf32, #tpu.memory_space<vmem>>)
    %dma_wait3A_227 = arith.constant 10 : i32
    %dma_wait3A_228 = arith.constant 1280 : i32
    %dma_wait3A_229 = arith.constant 0 : i32
    %dma_wait3A_230 = tpu.memref_slice %arg10[%dma_wait3A_228, %dma_wait3A_229] : memref<1408x64xf32, #tpu.memory_space<vmem>> -> memref<128x64xf32, #tpu.memory_space<vmem>>
    %dma_wait3A_231 = arith.constant 0 : i32
    %dma_wait3A_232 = tpu.memref_slice %arg8[%dma_wait3A_227, %dma_wait3A_231] : memref<48x128xi32, #tpu.memory_space<vmem>> -> memref<1x128xi32, #tpu.memory_space<vmem>>
    %dma_wait3A_233 = tpu.memref_squeeze %dma_wait3A_232 : memref<1x128xi32, #tpu.memory_space<vmem>> -> memref<128xi32, #tpu.memory_space<vmem>>
    %dma_wait3A_234 = arith.constant 0 : i32
    %dma_wait3A_235 = arith.constant 0 : i32
    %dma_wait3A_236 = tpu.memref_slice %arg5[%dma_wait3A_234, %dma_wait3A_235] : memref<1000000x64xf32, #tpu.memory_space<hbm>> -> memref<1000000x64xf32, #tpu.memory_space<hbm>>
    tpu.wait_indirect_dma semaphore(%arg13 : memref<!tpu.dma_semaphore, #tpu.memory_space<semaphore_mem>>) src(%dma_wait3A_236 : memref<1000000x64xf32, #tpu.memory_space<hbm>>) dst(%dma_wait3A_230 : memref<128x64xf32, #tpu.memory_space<vmem>>)
    %scan3A = arith.constant 0 : i32
    %scan3A_237 = arith.constant 0 : i32
    %scan3A_238 = arith.constant 128 : i32
    %scan3A_239 = arith.addi %scan3A_237, %scan3A_238 : i32
    %scan3A_240 = arith.constant 1 : i32
    scf.for %scan3A_986 = %scan3A_237 to %scan3A_239 step %scan3A_240  : i32 {
      %get3A = arith.index_cast %scan3A_986 : i32 to index
      %get3A_987 = arith.constant 0 : index
      %get3A_988 = tpu.vector_load %arg9[%get3A, %get3A_987] {strides = array<i32>} : memref<128x64xf32, #tpu.memory_space<vmem>>, vector<1x16xf32>,
      %get3A_989 = vector.shape_cast %get3A_988 : vector<1x16xf32> to vector<16xf32>
      %get3A_990 = arith.index_cast %scan3A_986 : i32 to index
      %get3A_991 = arith.constant 16 : index
      %get3A_992 = tpu.vector_load %arg9[%get3A_990, %get3A_991] {strides = array<i32>} : memref<128x64xf32, #tpu.memory_space<vmem>>, vector<1x16xf32>,
      %get3A_993 = vector.shape_cast %get3A_992 : vector<1x16xf32> to vector<16xf32>
      %get3A_994 = arith.index_cast %scan3A_986 : i32 to index
      %get3A_995 = arith.constant 32 : index
      %get3A_996 = tpu.vector_load %arg9[%get3A_994, %get3A_995] {strides = array<i32>} : memref<128x64xf32, #tpu.memory_space<vmem>>, vector<1x16xf32>,
      %get3A_997 = vector.shape_cast %get3A_996 : vector<1x16xf32> to vector<16xf32>
      %get3A_998 = arith.index_cast %scan3A_986 : i32 to index
      %get3A_999 = arith.constant 48 : index
      %get3A_1000 = tpu.vector_load %arg9[%get3A_998, %get3A_999] {strides = array<i32>} : memref<128x64xf32, #tpu.memory_space<vmem>>, vector<1x16xf32>,
      %get3A_1001 = vector.shape_cast %get3A_1000 : vector<1x16xf32> to vector<16xf32>
      %mul3A_1002 = arith.constant 11 : i32
      %mul3A_1003 = arith.muli %scan3A_986, %mul3A_1002 : i32
      %add3A_1004 = arith.constant 0 : i32
      %add3A_1005 = arith.addi %mul3A_1003, %add3A_1004 : i32
      %get3A_1006 = arith.index_cast %add3A_1005 : i32 to index
      %get3A_1007 = arith.constant 0 : index
      %get3A_1008 = tpu.vector_load %arg10[%get3A_1006, %get3A_1007] {strides = array<i32>} : memref<1408x64xf32, #tpu.memory_space<vmem>>, vector<1x16xf32>,
      %get3A_1009 = vector.shape_cast %get3A_1008 : vector<1x16xf32> to vector<16xf32>
      %mul3A_1010 = arith.mulf %get3A_989, %get3A_1009 : vector<16xf32>
      %get3A_1011 = arith.index_cast %add3A_1005 : i32 to index
      %get3A_1012 = arith.constant 16 : index
      %get3A_1013 = tpu.vector_load %arg10[%get3A_1011, %get3A_1012] {strides = array<i32>} : memref<1408x64xf32, #tpu.memory_space<vmem>>, vector<1x16xf32>,
      %get3A_1014 = vector.shape_cast %get3A_1013 : vector<1x16xf32> to vector<16xf32>
      %mul3A_1015 = arith.mulf %get3A_993, %get3A_1014 : vector<16xf32>
      %add3A_1016 = arith.addf %mul3A_1010, %mul3A_1015 : vector<16xf32>
      %get3A_1017 = arith.index_cast %add3A_1005 : i32 to index
      %get3A_1018 = arith.constant 32 : index
      %get3A_1019 = tpu.vector_load %arg10[%get3A_1017, %get3A_1018] {strides = array<i32>} : memref<1408x64xf32, #tpu.memory_space<vmem>>, vector<1x16xf32>,
      %get3A_1020 = vector.shape_cast %get3A_1019 : vector<1x16xf32> to vector<16xf32>
      %mul3A_1021 = arith.mulf %get3A_997, %get3A_1020 : vector<16xf32>
      %add3A_1022 = arith.addf %add3A_1016, %mul3A_1021 : vector<16xf32>
      %get3A_1023 = arith.index_cast %add3A_1005 : i32 to index
      %get3A_1024 = arith.constant 48 : index
      %get3A_1025 = tpu.vector_load %arg10[%get3A_1023, %get3A_1024] {strides = array<i32>} : memref<1408x64xf32, #tpu.memory_space<vmem>>, vector<1x16xf32>,
      %get3A_1026 = vector.shape_cast %get3A_1025 : vector<1x16xf32> to vector<16xf32>
      %mul3A_1027 = arith.mulf %get3A_1001, %get3A_1026 : vector<16xf32>
      %add3A_1028 = arith.addf %add3A_1022, %mul3A_1027 : vector<16xf32>
      %swap3A = arith.index_cast %scan3A_986 : i32 to index
      %swap3A_1029 = arith.constant 0 : index
      %swap3A_1030 = tpu.vector_load %arg11[%swap3A, %swap3A_1029] {strides = array<i32>} : memref<128x176xf32, #tpu.memory_space<vmem>>, vector<1x16xf32>,
      %swap3A_1031 = vector.shape_cast %swap3A_1030 : vector<1x16xf32> to vector<16xf32>
      %swap3A_1032 = vector.shape_cast %add3A_1028 : vector<16xf32> to vector<1x16xf32>
      tpu.vector_store %arg11[%swap3A, %swap3A_1029], %swap3A_1032 {strides = array<i32>} : memref<128x176xf32, #tpu.memory_space<vmem>>, vector<1x16xf32>,
      %mul3A_1033 = arith.constant 11 : i32
      %mul3A_1034 = arith.muli %scan3A_986, %mul3A_1033 : i32
      %add3A_1035 = arith.constant 1 : i32
      %add3A_1036 = arith.addi %mul3A_1034, %add3A_1035 : i32
      %get3A_1037 = arith.index_cast %add3A_1036 : i32 to index
      %get3A_1038 = arith.constant 0 : index
      %get3A_1039 = tpu.vector_load %arg10[%get3A_1037, %get3A_1038] {strides = array<i32>} : memref<1408x64xf32, #tpu.memory_space<vmem>>, vector<1x16xf32>,
      %get3A_1040 = vector.shape_cast %get3A_1039 : vector<1x16xf32> to vector<16xf32>
      %mul3A_1041 = arith.mulf %get3A_989, %get3A_1040 : vector<16xf32>
      %get3A_1042 = arith.index_cast %add3A_1036 : i32 to index
      %get3A_1043 = arith.constant 16 : index
      %get3A_1044 = tpu.vector_load %arg10[%get3A_1042, %get3A_1043] {strides = array<i32>} : memref<1408x64xf32, #tpu.memory_space<vmem>>, vector<1x16xf32>,
      %get3A_1045 = vector.shape_cast %get3A_1044 : vector<1x16xf32> to vector<16xf32>
      %mul3A_1046 = arith.mulf %get3A_993, %get3A_1045 : vector<16xf32>
      %add3A_1047 = arith.addf %mul3A_1041, %mul3A_1046 : vector<16xf32>
      %get3A_1048 = arith.index_cast %add3A_1036 : i32 to index
      %get3A_1049 = arith.constant 32 : index
      %get3A_1050 = tpu.vector_load %arg10[%get3A_1048, %get3A_1049] {strides = array<i32>} : memref<1408x64xf32, #tpu.memory_space<vmem>>, vector<1x16xf32>,
      %get3A_1051 = vector.shape_cast %get3A_1050 : vector<1x16xf32> to vector<16xf32>
      %mul3A_1052 = arith.mulf %get3A_997, %get3A_1051 : vector<16xf32>
      %add3A_1053 = arith.addf %add3A_1047, %mul3A_1052 : vector<16xf32>
      %get3A_1054 = arith.index_cast %add3A_1036 : i32 to index
      %get3A_1055 = arith.constant 48 : index
      %get3A_1056 = tpu.vector_load %arg10[%get3A_1054, %get3A_1055] {strides = array<i32>} : memref<1408x64xf32, #tpu.memory_space<vmem>>, vector<1x16xf32>,
      %get3A_1057 = vector.shape_cast %get3A_1056 : vector<1x16xf32> to vector<16xf32>
      %mul3A_1058 = arith.mulf %get3A_1001, %get3A_1057 : vector<16xf32>
      %add3A_1059 = arith.addf %add3A_1053, %mul3A_1058 : vector<16xf32>
      %swap3A_1060 = arith.index_cast %scan3A_986 : i32 to index
      %swap3A_1061 = arith.constant 16 : index
      %swap3A_1062 = tpu.vector_load %arg11[%swap3A_1060, %swap3A_1061] {strides = array<i32>} : memref<128x176xf32, #tpu.memory_space<vmem>>, vector<1x16xf32>,
      %swap3A_1063 = vector.shape_cast %swap3A_1062 : vector<1x16xf32> to vector<16xf32>
      %swap3A_1064 = vector.shape_cast %add3A_1059 : vector<16xf32> to vector<1x16xf32>
      tpu.vector_store %arg11[%swap3A_1060, %swap3A_1061], %swap3A_1064 {strides = array<i32>} : memref<128x176xf32, #tpu.memory_space<vmem>>, vector<1x16xf32>,
      %mul3A_1065 = arith.constant 11 : i32
      %mul3A_1066 = arith.muli %scan3A_986, %mul3A_1065 : i32
      %add3A_1067 = arith.constant 2 : i32
      %add3A_1068 = arith.addi %mul3A_1066, %add3A_1067 : i32
      %get3A_1069 = arith.index_cast %add3A_1068 : i32 to index
      %get3A_1070 = arith.constant 0 : index
      %get3A_1071 = tpu.vector_load %arg10[%get3A_1069, %get3A_1070] {strides = array<i32>} : memref<1408x64xf32, #tpu.memory_space<vmem>>, vector<1x16xf32>,
      %get3A_1072 = vector.shape_cast %get3A_1071 : vector<1x16xf32> to vector<16xf32>
      %mul3A_1073 = arith.mulf %get3A_989, %get3A_1072 : vector<16xf32>
      %get3A_1074 = arith.index_cast %add3A_1068 : i32 to index
      %get3A_1075 = arith.constant 16 : index
      %get3A_1076 = tpu.vector_load %arg10[%get3A_1074, %get3A_1075] {strides = array<i32>} : memref<1408x64xf32, #tpu.memory_space<vmem>>, vector<1x16xf32>,
      %get3A_1077 = vector.shape_cast %get3A_1076 : vector<1x16xf32> to vector<16xf32>
      %mul3A_1078 = arith.mulf %get3A_993, %get3A_1077 : vector<16xf32>
      %add3A_1079 = arith.addf %mul3A_1073, %mul3A_1078 : vector<16xf32>
      %get3A_1080 = arith.index_cast %add3A_1068 : i32 to index
      %get3A_1081 = arith.constant 32 : index
      %get3A_1082 = tpu.vector_load %arg10[%get3A_1080, %get3A_1081] {strides = array<i32>} : memref<1408x64xf32, #tpu.memory_space<vmem>>, vector<1x16xf32>,
      %get3A_1083 = vector.shape_cast %get3A_1082 : vector<1x16xf32> to vector<16xf32>
      %mul3A_1084 = arith.mulf %get3A_997, %get3A_1083 : vector<16xf32>
      %add3A_1085 = arith.addf %add3A_1079, %mul3A_1084 : vector<16xf32>
      %get3A_1086 = arith.index_cast %add3A_1068 : i32 to index
      %get3A_1087 = arith.constant 48 : index
      %get3A_1088 = tpu.vector_load %arg10[%get3A_1086, %get3A_1087] {strides = array<i32>} : memref<1408x64xf32, #tpu.memory_space<vmem>>, vector<1x16xf32>,
      %get3A_1089 = vector.shape_cast %get3A_1088 : vector<1x16xf32> to vector<16xf32>
      %mul3A_1090 = arith.mulf %get3A_1001, %get3A_1089 : vector<16xf32>
      %add3A_1091 = arith.addf %add3A_1085, %mul3A_1090 : vector<16xf32>
      %swap3A_1092 = arith.index_cast %scan3A_986 : i32 to index
      %swap3A_1093 = arith.constant 32 : index
      %swap3A_1094 = tpu.vector_load %arg11[%swap3A_1092, %swap3A_1093] {strides = array<i32>} : memref<128x176xf32, #tpu.memory_space<vmem>>, vector<1x16xf32>,
      %swap3A_1095 = vector.shape_cast %swap3A_1094 : vector<1x16xf32> to vector<16xf32>
      %swap3A_1096 = vector.shape_cast %add3A_1091 : vector<16xf32> to vector<1x16xf32>
      tpu.vector_store %arg11[%swap3A_1092, %swap3A_1093], %swap3A_1096 {strides = array<i32>} : memref<128x176xf32, #tpu.memory_space<vmem>>, vector<1x16xf32>,
      %mul3A_1097 = arith.constant 11 : i32
      %mul3A_1098 = arith.muli %scan3A_986, %mul3A_1097 : i32
      %add3A_1099 = arith.constant 3 : i32
      %add3A_1100 = arith.addi %mul3A_1098, %add3A_1099 : i32
      %get3A_1101 = arith.index_cast %add3A_1100 : i32 to index
      %get3A_1102 = arith.constant 0 : index
      %get3A_1103 = tpu.vector_load %arg10[%get3A_1101, %get3A_1102] {strides = array<i32>} : memref<1408x64xf32, #tpu.memory_space<vmem>>, vector<1x16xf32>,
      %get3A_1104 = vector.shape_cast %get3A_1103 : vector<1x16xf32> to vector<16xf32>
      %mul3A_1105 = arith.mulf %get3A_989, %get3A_1104 : vector<16xf32>
      %get3A_1106 = arith.index_cast %add3A_1100 : i32 to index
      %get3A_1107 = arith.constant 16 : index
      %get3A_1108 = tpu.vector_load %arg10[%get3A_1106, %get3A_1107] {strides = array<i32>} : memref<1408x64xf32, #tpu.memory_space<vmem>>, vector<1x16xf32>,
      %get3A_1109 = vector.shape_cast %get3A_1108 : vector<1x16xf32> to vector<16xf32>
      %mul3A_1110 = arith.mulf %get3A_993, %get3A_1109 : vector<16xf32>
      %add3A_1111 = arith.addf %mul3A_1105, %mul3A_1110 : vector<16xf32>
      %get3A_1112 = arith.index_cast %add3A_1100 : i32 to index
      %get3A_1113 = arith.constant 32 : index
      %get3A_1114 = tpu.vector_load %arg10[%get3A_1112, %get3A_1113] {strides = array<i32>} : memref<1408x64xf32, #tpu.memory_space<vmem>>, vector<1x16xf32>,
      %get3A_1115 = vector.shape_cast %get3A_1114 : vector<1x16xf32> to vector<16xf32>
      %mul3A_1116 = arith.mulf %get3A_997, %get3A_1115 : vector<16xf32>
      %add3A_1117 = arith.addf %add3A_1111, %mul3A_1116 : vector<16xf32>
      %get3A_1118 = arith.index_cast %add3A_1100 : i32 to index
      %get3A_1119 = arith.constant 48 : index
      %get3A_1120 = tpu.vector_load %arg10[%get3A_1118, %get3A_1119] {strides = array<i32>} : memref<1408x64xf32, #tpu.memory_space<vmem>>, vector<1x16xf32>,
      %get3A_1121 = vector.shape_cast %get3A_1120 : vector<1x16xf32> to vector<16xf32>
      %mul3A_1122 = arith.mulf %get3A_1001, %get3A_1121 : vector<16xf32>
      %add3A_1123 = arith.addf %add3A_1117, %mul3A_1122 : vector<16xf32>
      %swap3A_1124 = arith.index_cast %scan3A_986 : i32 to index
      %swap3A_1125 = arith.constant 48 : index
      %swap3A_1126 = tpu.vector_load %arg11[%swap3A_1124, %swap3A_1125] {strides = array<i32>} : memref<128x176xf32, #tpu.memory_space<vmem>>, vector<1x16xf32>,
      %swap3A_1127 = vector.shape_cast %swap3A_1126 : vector<1x16xf32> to vector<16xf32>
      %swap3A_1128 = vector.shape_cast %add3A_1123 : vector<16xf32> to vector<1x16xf32>
      tpu.vector_store %arg11[%swap3A_1124, %swap3A_1125], %swap3A_1128 {strides = array<i32>} : memref<128x176xf32, #tpu.memory_space<vmem>>, vector<1x16xf32>,
      %mul3A_1129 = arith.constant 11 : i32
      %mul3A_1130 = arith.muli %scan3A_986, %mul3A_1129 : i32
      %add3A_1131 = arith.constant 4 : i32
      %add3A_1132 = arith.addi %mul3A_1130, %add3A_1131 : i32
      %get3A_1133 = arith.index_cast %add3A_1132 : i32 to index
      %get3A_1134 = arith.constant 0 : index
      %get3A_1135 = tpu.vector_load %arg10[%get3A_1133, %get3A_1134] {strides = array<i32>} : memref<1408x64xf32, #tpu.memory_space<vmem>>, vector<1x16xf32>,
      %get3A_1136 = vector.shape_cast %get3A_1135 : vector<1x16xf32> to vector<16xf32>
      %mul3A_1137 = arith.mulf %get3A_989, %get3A_1136 : vector<16xf32>
      %get3A_1138 = arith.index_cast %add3A_1132 : i32 to index
      %get3A_1139 = arith.constant 16 : index
      %get3A_1140 = tpu.vector_load %arg10[%get3A_1138, %get3A_1139] {strides = array<i32>} : memref<1408x64xf32, #tpu.memory_space<vmem>>, vector<1x16xf32>,
      %get3A_1141 = vector.shape_cast %get3A_1140 : vector<1x16xf32> to vector<16xf32>
      %mul3A_1142 = arith.mulf %get3A_993, %get3A_1141 : vector<16xf32>
      %add3A_1143 = arith.addf %mul3A_1137, %mul3A_1142 : vector<16xf32>
      %get3A_1144 = arith.index_cast %add3A_1132 : i32 to index
      %get3A_1145 = arith.constant 32 : index
      %get3A_1146 = tpu.vector_load %arg10[%get3A_1144, %get3A_1145] {strides = array<i32>} : memref<1408x64xf32, #tpu.memory_space<vmem>>, vector<1x16xf32>,
      %get3A_1147 = vector.shape_cast %get3A_1146 : vector<1x16xf32> to vector<16xf32>
      %mul3A_1148 = arith.mulf %get3A_997, %get3A_1147 : vector<16xf32>
      %add3A_1149 = arith.addf %add3A_1143, %mul3A_1148 : vector<16xf32>
      %get3A_1150 = arith.index_cast %add3A_1132 : i32 to index
      %get3A_1151 = arith.constant 48 : index
      %get3A_1152 = tpu.vector_load %arg10[%get3A_1150, %get3A_1151] {strides = array<i32>} : memref<1408x64xf32, #tpu.memory_space<vmem>>, vector<1x16xf32>,
      %get3A_1153 = vector.shape_cast %get3A_1152 : vector<1x16xf32> to vector<16xf32>
      %mul3A_1154 = arith.mulf %get3A_1001, %get3A_1153 : vector<16xf32>
      %add3A_1155 = arith.addf %add3A_1149, %mul3A_1154 : vector<16xf32>
      %swap3A_1156 = arith.index_cast %scan3A_986 : i32 to index
      %swap3A_1157 = arith.constant 64 : index
      %swap3A_1158 = tpu.vector_load %arg11[%swap3A_1156, %swap3A_1157] {strides = array<i32>} : memref<128x176xf32, #tpu.memory_space<vmem>>, vector<1x16xf32>,
      %swap3A_1159 = vector.shape_cast %swap3A_1158 : vector<1x16xf32> to vector<16xf32>
      %swap3A_1160 = vector.shape_cast %add3A_1155 : vector<16xf32> to vector<1x16xf32>
      tpu.vector_store %arg11[%swap3A_1156, %swap3A_1157], %swap3A_1160 {strides = array<i32>} : memref<128x176xf32, #tpu.memory_space<vmem>>, vector<1x16xf32>,
      %mul3A_1161 = arith.constant 11 : i32
      %mul3A_1162 = arith.muli %scan3A_986, %mul3A_1161 : i32
      %add3A_1163 = arith.constant 5 : i32
      %add3A_1164 = arith.addi %mul3A_1162, %add3A_1163 : i32
      %get3A_1165 = arith.index_cast %add3A_1164 : i32 to index
      %get3A_1166 = arith.constant 0 : index
      %get3A_1167 = tpu.vector_load %arg10[%get3A_1165, %get3A_1166] {strides = array<i32>} : memref<1408x64xf32, #tpu.memory_space<vmem>>, vector<1x16xf32>,
      %get3A_1168 = vector.shape_cast %get3A_1167 : vector<1x16xf32> to vector<16xf32>
      %mul3A_1169 = arith.mulf %get3A_989, %get3A_1168 : vector<16xf32>
      %get3A_1170 = arith.index_cast %add3A_1164 : i32 to index
      %get3A_1171 = arith.constant 16 : index
      %get3A_1172 = tpu.vector_load %arg10[%get3A_1170, %get3A_1171] {strides = array<i32>} : memref<1408x64xf32, #tpu.memory_space<vmem>>, vector<1x16xf32>,
      %get3A_1173 = vector.shape_cast %get3A_1172 : vector<1x16xf32> to vector<16xf32>
      %mul3A_1174 = arith.mulf %get3A_993, %get3A_1173 : vector<16xf32>
      %add3A_1175 = arith.addf %mul3A_1169, %mul3A_1174 : vector<16xf32>
      %get3A_1176 = arith.index_cast %add3A_1164 : i32 to index
      %get3A_1177 = arith.constant 32 : index
      %get3A_1178 = tpu.vector_load %arg10[%get3A_1176, %get3A_1177] {strides = array<i32>} : memref<1408x64xf32, #tpu.memory_space<vmem>>, vector<1x16xf32>,
      %get3A_1179 = vector.shape_cast %get3A_1178 : vector<1x16xf32> to vector<16xf32>
      %mul3A_1180 = arith.mulf %get3A_997, %get3A_1179 : vector<16xf32>
      %add3A_1181 = arith.addf %add3A_1175, %mul3A_1180 : vector<16xf32>
      %get3A_1182 = arith.index_cast %add3A_1164 : i32 to index
      %get3A_1183 = arith.constant 48 : index
      %get3A_1184 = tpu.vector_load %arg10[%get3A_1182, %get3A_1183] {strides = array<i32>} : memref<1408x64xf32, #tpu.memory_space<vmem>>, vector<1x16xf32>,
      %get3A_1185 = vector.shape_cast %get3A_1184 : vector<1x16xf32> to vector<16xf32>
      %mul3A_1186 = arith.mulf %get3A_1001, %get3A_1185 : vector<16xf32>
      %add3A_1187 = arith.addf %add3A_1181, %mul3A_1186 : vector<16xf32>
      %swap3A_1188 = arith.index_cast %scan3A_986 : i32 to index
      %swap3A_1189 = arith.constant 80 : index
      %swap3A_1190 = tpu.vector_load %arg11[%swap3A_1188, %swap3A_1189] {strides = array<i32>} : memref<128x176xf32, #tpu.memory_space<vmem>>, vector<1x16xf32>,
      %swap3A_1191 = vector.shape_cast %swap3A_1190 : vector<1x16xf32> to vector<16xf32>
      %swap3A_1192 = vector.shape_cast %add3A_1187 : vector<16xf32> to vector<1x16xf32>
      tpu.vector_store %arg11[%swap3A_1188, %swap3A_1189], %swap3A_1192 {strides = array<i32>} : memref<128x176xf32, #tpu.memory_space<vmem>>, vector<1x16xf32>,
      %mul3A_1193 = arith.constant 11 : i32
      %mul3A_1194 = arith.muli %scan3A_986, %mul3A_1193 : i32
      %add3A_1195 = arith.constant 6 : i32
      %add3A_1196 = arith.addi %mul3A_1194, %add3A_1195 : i32
      %get3A_1197 = arith.index_cast %add3A_1196 : i32 to index
      %get3A_1198 = arith.constant 0 : index
      %get3A_1199 = tpu.vector_load %arg10[%get3A_1197, %get3A_1198] {strides = array<i32>} : memref<1408x64xf32, #tpu.memory_space<vmem>>, vector<1x16xf32>,
      %get3A_1200 = vector.shape_cast %get3A_1199 : vector<1x16xf32> to vector<16xf32>
      %mul3A_1201 = arith.mulf %get3A_989, %get3A_1200 : vector<16xf32>
      %get3A_1202 = arith.index_cast %add3A_1196 : i32 to index
      %get3A_1203 = arith.constant 16 : index
      %get3A_1204 = tpu.vector_load %arg10[%get3A_1202, %get3A_1203] {strides = array<i32>} : memref<1408x64xf32, #tpu.memory_space<vmem>>, vector<1x16xf32>,
      %get3A_1205 = vector.shape_cast %get3A_1204 : vector<1x16xf32> to vector<16xf32>
      %mul3A_1206 = arith.mulf %get3A_993, %get3A_1205 : vector<16xf32>
      %add3A_1207 = arith.addf %mul3A_1201, %mul3A_1206 : vector<16xf32>
      %get3A_1208 = arith.index_cast %add3A_1196 : i32 to index
      %get3A_1209 = arith.constant 32 : index
      %get3A_1210 = tpu.vector_load %arg10[%get3A_1208, %get3A_1209] {strides = array<i32>} : memref<1408x64xf32, #tpu.memory_space<vmem>>, vector<1x16xf32>,
      %get3A_1211 = vector.shape_cast %get3A_1210 : vector<1x16xf32> to vector<16xf32>
      %mul3A_1212 = arith.mulf %get3A_997, %get3A_1211 : vector<16xf32>
      %add3A_1213 = arith.addf %add3A_1207, %mul3A_1212 : vector<16xf32>
      %get3A_1214 = arith.index_cast %add3A_1196 : i32 to index
      %get3A_1215 = arith.constant 48 : index
      %get3A_1216 = tpu.vector_load %arg10[%get3A_1214, %get3A_1215] {strides = array<i32>} : memref<1408x64xf32, #tpu.memory_space<vmem>>, vector<1x16xf32>,
      %get3A_1217 = vector.shape_cast %get3A_1216 : vector<1x16xf32> to vector<16xf32>
      %mul3A_1218 = arith.mulf %get3A_1001, %get3A_1217 : vector<16xf32>
      %add3A_1219 = arith.addf %add3A_1213, %mul3A_1218 : vector<16xf32>
      %swap3A_1220 = arith.index_cast %scan3A_986 : i32 to index
      %swap3A_1221 = arith.constant 96 : index
      %swap3A_1222 = tpu.vector_load %arg11[%swap3A_1220, %swap3A_1221] {strides = array<i32>} : memref<128x176xf32, #tpu.memory_space<vmem>>, vector<1x16xf32>,
      %swap3A_1223 = vector.shape_cast %swap3A_1222 : vector<1x16xf32> to vector<16xf32>
      %swap3A_1224 = vector.shape_cast %add3A_1219 : vector<16xf32> to vector<1x16xf32>
      tpu.vector_store %arg11[%swap3A_1220, %swap3A_1221], %swap3A_1224 {strides = array<i32>} : memref<128x176xf32, #tpu.memory_space<vmem>>, vector<1x16xf32>,
      %mul3A_1225 = arith.constant 11 : i32
      %mul3A_1226 = arith.muli %scan3A_986, %mul3A_1225 : i32
      %add3A_1227 = arith.constant 7 : i32
      %add3A_1228 = arith.addi %mul3A_1226, %add3A_1227 : i32
      %get3A_1229 = arith.index_cast %add3A_1228 : i32 to index
      %get3A_1230 = arith.constant 0 : index
      %get3A_1231 = tpu.vector_load %arg10[%get3A_1229, %get3A_1230] {strides = array<i32>} : memref<1408x64xf32, #tpu.memory_space<vmem>>, vector<1x16xf32>,
      %get3A_1232 = vector.shape_cast %get3A_1231 : vector<1x16xf32> to vector<16xf32>
      %mul3A_1233 = arith.mulf %get3A_989, %get3A_1232 : vector<16xf32>
      %get3A_1234 = arith.index_cast %add3A_1228 : i32 to index
      %get3A_1235 = arith.constant 16 : index
      %get3A_1236 = tpu.vector_load %arg10[%get3A_1234, %get3A_1235] {strides = array<i32>} : memref<1408x64xf32, #tpu.memory_space<vmem>>, vector<1x16xf32>,
      %get3A_1237 = vector.shape_cast %get3A_1236 : vector<1x16xf32> to vector<16xf32>
      %mul3A_1238 = arith.mulf %get3A_993, %get3A_1237 : vector<16xf32>
      %add3A_1239 = arith.addf %mul3A_1233, %mul3A_1238 : vector<16xf32>
      %get3A_1240 = arith.index_cast %add3A_1228 : i32 to index
      %get3A_1241 = arith.constant 32 : index
      %get3A_1242 = tpu.vector_load %arg10[%get3A_1240, %get3A_1241] {strides = array<i32>} : memref<1408x64xf32, #tpu.memory_space<vmem>>, vector<1x16xf32>,
      %get3A_1243 = vector.shape_cast %get3A_1242 : vector<1x16xf32> to vector<16xf32>
      %mul3A_1244 = arith.mulf %get3A_997, %get3A_1243 : vector<16xf32>
      %add3A_1245 = arith.addf %add3A_1239, %mul3A_1244 : vector<16xf32>
      %get3A_1246 = arith.index_cast %add3A_1228 : i32 to index
      %get3A_1247 = arith.constant 48 : index
      %get3A_1248 = tpu.vector_load %arg10[%get3A_1246, %get3A_1247] {strides = array<i32>} : memref<1408x64xf32, #tpu.memory_space<vmem>>, vector<1x16xf32>,
      %get3A_1249 = vector.shape_cast %get3A_1248 : vector<1x16xf32> to vector<16xf32>
      %mul3A_1250 = arith.mulf %get3A_1001, %get3A_1249 : vector<16xf32>
      %add3A_1251 = arith.addf %add3A_1245, %mul3A_1250 : vector<16xf32>
      %swap3A_1252 = arith.index_cast %scan3A_986 : i32 to index
      %swap3A_1253 = arith.constant 112 : index
      %swap3A_1254 = tpu.vector_load %arg11[%swap3A_1252, %swap3A_1253] {strides = array<i32>} : memref<128x176xf32, #tpu.memory_space<vmem>>, vector<1x16xf32>,
      %swap3A_1255 = vector.shape_cast %swap3A_1254 : vector<1x16xf32> to vector<16xf32>
      %swap3A_1256 = vector.shape_cast %add3A_1251 : vector<16xf32> to vector<1x16xf32>
      tpu.vector_store %arg11[%swap3A_1252, %swap3A_1253], %swap3A_1256 {strides = array<i32>} : memref<128x176xf32, #tpu.memory_space<vmem>>, vector<1x16xf32>,
      %mul3A_1257 = arith.constant 11 : i32
      %mul3A_1258 = arith.muli %scan3A_986, %mul3A_1257 : i32
      %add3A_1259 = arith.constant 8 : i32
      %add3A_1260 = arith.addi %mul3A_1258, %add3A_1259 : i32
      %get3A_1261 = arith.index_cast %add3A_1260 : i32 to index
      %get3A_1262 = arith.constant 0 : index
      %get3A_1263 = tpu.vector_load %arg10[%get3A_1261, %get3A_1262] {strides = array<i32>} : memref<1408x64xf32, #tpu.memory_space<vmem>>, vector<1x16xf32>,
      %get3A_1264 = vector.shape_cast %get3A_1263 : vector<1x16xf32> to vector<16xf32>
      %mul3A_1265 = arith.mulf %get3A_989, %get3A_1264 : vector<16xf32>
      %get3A_1266 = arith.index_cast %add3A_1260 : i32 to index
      %get3A_1267 = arith.constant 16 : index
      %get3A_1268 = tpu.vector_load %arg10[%get3A_1266, %get3A_1267] {strides = array<i32>} : memref<1408x64xf32, #tpu.memory_space<vmem>>, vector<1x16xf32>,
      %get3A_1269 = vector.shape_cast %get3A_1268 : vector<1x16xf32> to vector<16xf32>
      %mul3A_1270 = arith.mulf %get3A_993, %get3A_1269 : vector<16xf32>
      %add3A_1271 = arith.addf %mul3A_1265, %mul3A_1270 : vector<16xf32>
      %get3A_1272 = arith.index_cast %add3A_1260 : i32 to index
      %get3A_1273 = arith.constant 32 : index
      %get3A_1274 = tpu.vector_load %arg10[%get3A_1272, %get3A_1273] {strides = array<i32>} : memref<1408x64xf32, #tpu.memory_space<vmem>>, vector<1x16xf32>,
      %get3A_1275 = vector.shape_cast %get3A_1274 : vector<1x16xf32> to vector<16xf32>
      %mul3A_1276 = arith.mulf %get3A_997, %get3A_1275 : vector<16xf32>
      %add3A_1277 = arith.addf %add3A_1271, %mul3A_1276 : vector<16xf32>
      %get3A_1278 = arith.index_cast %add3A_1260 : i32 to index
      %get3A_1279 = arith.constant 48 : index
      %get3A_1280 = tpu.vector_load %arg10[%get3A_1278, %get3A_1279] {strides = array<i32>} : memref<1408x64xf32, #tpu.memory_space<vmem>>, vector<1x16xf32>,
      %get3A_1281 = vector.shape_cast %get3A_1280 : vector<1x16xf32> to vector<16xf32>
      %mul3A_1282 = arith.mulf %get3A_1001, %get3A_1281 : vector<16xf32>
      %add3A_1283 = arith.addf %add3A_1277, %mul3A_1282 : vector<16xf32>
      %swap3A_1284 = arith.index_cast %scan3A_986 : i32 to index
      %swap3A_1285 = arith.constant 128 : index
      %swap3A_1286 = tpu.vector_load %arg11[%swap3A_1284, %swap3A_1285] {strides = array<i32>} : memref<128x176xf32, #tpu.memory_space<vmem>>, vector<1x16xf32>,
      %swap3A_1287 = vector.shape_cast %swap3A_1286 : vector<1x16xf32> to vector<16xf32>
      %swap3A_1288 = vector.shape_cast %add3A_1283 : vector<16xf32> to vector<1x16xf32>
      tpu.vector_store %arg11[%swap3A_1284, %swap3A_1285], %swap3A_1288 {strides = array<i32>} : memref<128x176xf32, #tpu.memory_space<vmem>>, vector<1x16xf32>,
      %mul3A_1289 = arith.constant 11 : i32
      %mul3A_1290 = arith.muli %scan3A_986, %mul3A_1289 : i32
      %add3A_1291 = arith.constant 9 : i32
      %add3A_1292 = arith.addi %mul3A_1290, %add3A_1291 : i32
      %get3A_1293 = arith.index_cast %add3A_1292 : i32 to index
      %get3A_1294 = arith.constant 0 : index
      %get3A_1295 = tpu.vector_load %arg10[%get3A_1293, %get3A_1294] {strides = array<i32>} : memref<1408x64xf32, #tpu.memory_space<vmem>>, vector<1x16xf32>,
      %get3A_1296 = vector.shape_cast %get3A_1295 : vector<1x16xf32> to vector<16xf32>
      %mul3A_1297 = arith.mulf %get3A_989, %get3A_1296 : vector<16xf32>
      %get3A_1298 = arith.index_cast %add3A_1292 : i32 to index
      %get3A_1299 = arith.constant 16 : index
      %get3A_1300 = tpu.vector_load %arg10[%get3A_1298, %get3A_1299] {strides = array<i32>} : memref<1408x64xf32, #tpu.memory_space<vmem>>, vector<1x16xf32>,
      %get3A_1301 = vector.shape_cast %get3A_1300 : vector<1x16xf32> to vector<16xf32>
      %mul3A_1302 = arith.mulf %get3A_993, %get3A_1301 : vector<16xf32>
      %add3A_1303 = arith.addf %mul3A_1297, %mul3A_1302 : vector<16xf32>
      %get3A_1304 = arith.index_cast %add3A_1292 : i32 to index
      %get3A_1305 = arith.constant 32 : index
      %get3A_1306 = tpu.vector_load %arg10[%get3A_1304, %get3A_1305] {strides = array<i32>} : memref<1408x64xf32, #tpu.memory_space<vmem>>, vector<1x16xf32>,
      %get3A_1307 = vector.shape_cast %get3A_1306 : vector<1x16xf32> to vector<16xf32>
      %mul3A_1308 = arith.mulf %get3A_997, %get3A_1307 : vector<16xf32>
      %add3A_1309 = arith.addf %add3A_1303, %mul3A_1308 : vector<16xf32>
      %get3A_1310 = arith.index_cast %add3A_1292 : i32 to index
      %get3A_1311 = arith.constant 48 : index
      %get3A_1312 = tpu.vector_load %arg10[%get3A_1310, %get3A_1311] {strides = array<i32>} : memref<1408x64xf32, #tpu.memory_space<vmem>>, vector<1x16xf32>,
      %get3A_1313 = vector.shape_cast %get3A_1312 : vector<1x16xf32> to vector<16xf32>
      %mul3A_1314 = arith.mulf %get3A_1001, %get3A_1313 : vector<16xf32>
      %add3A_1315 = arith.addf %add3A_1309, %mul3A_1314 : vector<16xf32>
      %swap3A_1316 = arith.index_cast %scan3A_986 : i32 to index
      %swap3A_1317 = arith.constant 144 : index
      %swap3A_1318 = tpu.vector_load %arg11[%swap3A_1316, %swap3A_1317] {strides = array<i32>} : memref<128x176xf32, #tpu.memory_space<vmem>>, vector<1x16xf32>,
      %swap3A_1319 = vector.shape_cast %swap3A_1318 : vector<1x16xf32> to vector<16xf32>
      %swap3A_1320 = vector.shape_cast %add3A_1315 : vector<16xf32> to vector<1x16xf32>
      tpu.vector_store %arg11[%swap3A_1316, %swap3A_1317], %swap3A_1320 {strides = array<i32>} : memref<128x176xf32, #tpu.memory_space<vmem>>, vector<1x16xf32>,
      %mul3A_1321 = arith.constant 11 : i32
      %mul3A_1322 = arith.muli %scan3A_986, %mul3A_1321 : i32
      %add3A_1323 = arith.constant 10 : i32
      %add3A_1324 = arith.addi %mul3A_1322, %add3A_1323 : i32
      %get3A_1325 = arith.index_cast %add3A_1324 : i32 to index
      %get3A_1326 = arith.constant 0 : index
      %get3A_1327 = tpu.vector_load %arg10[%get3A_1325, %get3A_1326] {strides = array<i32>} : memref<1408x64xf32, #tpu.memory_space<vmem>>, vector<1x16xf32>,
      %get3A_1328 = vector.shape_cast %get3A_1327 : vector<1x16xf32> to vector<16xf32>
      %mul3A_1329 = arith.mulf %get3A_989, %get3A_1328 : vector<16xf32>
      %get3A_1330 = arith.index_cast %add3A_1324 : i32 to index
      %get3A_1331 = arith.constant 16 : index
      %get3A_1332 = tpu.vector_load %arg10[%get3A_1330, %get3A_1331] {strides = array<i32>} : memref<1408x64xf32, #tpu.memory_space<vmem>>, vector<1x16xf32>,
      %get3A_1333 = vector.shape_cast %get3A_1332 : vector<1x16xf32> to vector<16xf32>
      %mul3A_1334 = arith.mulf %get3A_993, %get3A_1333 : vector<16xf32>
      %add3A_1335 = arith.addf %mul3A_1329, %mul3A_1334 : vector<16xf32>
      %get3A_1336 = arith.index_cast %add3A_1324 : i32 to index
      %get3A_1337 = arith.constant 32 : index
      %get3A_1338 = tpu.vector_load %arg10[%get3A_1336, %get3A_1337] {strides = array<i32>} : memref<1408x64xf32, #tpu.memory_space<vmem>>, vector<1x16xf32>,
      %get3A_1339 = vector.shape_cast %get3A_1338 : vector<1x16xf32> to vector<16xf32>
      %mul3A_1340 = arith.mulf %get3A_997, %get3A_1339 : vector<16xf32>
      %add3A_1341 = arith.addf %add3A_1335, %mul3A_1340 : vector<16xf32>
      %get3A_1342 = arith.index_cast %add3A_1324 : i32 to index
      %get3A_1343 = arith.constant 48 : index
      %get3A_1344 = tpu.vector_load %arg10[%get3A_1342, %get3A_1343] {strides = array<i32>} : memref<1408x64xf32, #tpu.memory_space<vmem>>, vector<1x16xf32>,
      %get3A_1345 = vector.shape_cast %get3A_1344 : vector<1x16xf32> to vector<16xf32>
      %mul3A_1346 = arith.mulf %get3A_1001, %get3A_1345 : vector<16xf32>
      %add3A_1347 = arith.addf %add3A_1341, %mul3A_1346 : vector<16xf32>
      %swap3A_1348 = arith.index_cast %scan3A_986 : i32 to index
      %swap3A_1349 = arith.constant 160 : index
      %swap3A_1350 = tpu.vector_load %arg11[%swap3A_1348, %swap3A_1349] {strides = array<i32>} : memref<128x176xf32, #tpu.memory_space<vmem>>, vector<1x16xf32>,
      %swap3A_1351 = vector.shape_cast %swap3A_1350 : vector<1x16xf32> to vector<16xf32>
      %swap3A_1352 = vector.shape_cast %add3A_1347 : vector<16xf32> to vector<1x16xf32>
      tpu.vector_store %arg11[%swap3A_1348, %swap3A_1349], %swap3A_1352 {strides = array<i32>} : memref<128x176xf32, #tpu.memory_space<vmem>>, vector<1x16xf32>,
    }
    %scan3A_241 = arith.constant 128 : i32
    %mul3A_242 = arith.constant 4 : i32
    %mul3A_243 = arith.muli %add3A, %mul3A_242 : i32
    %add3A_244 = arith.constant 0 : i32
    %add3A_245 = arith.addi %mul3A_243, %add3A_244 : i32
    %mul3A_246 = arith.constant 128 : i32
    %mul3A_247 = arith.muli %add3A_245, %mul3A_246 : i32
    "tpu.region"() ({
      %run_scoped3A = tpu.sem_alloc : memref<!tpu.dma_semaphore, #tpu.memory_space<semaphore_mem>>
      %dma_start3A_986 = arith.constant 0 : i32
      %dma_start3A_987 = tpu.memref_slice %arg6[%mul3A_247, %dma_start3A_986] : memref<16384x176xf32, #tpu.memory_space<hbm>> -> memref<128x176xf32, #tpu.memory_space<hbm>>
      %dma_start3A_988 = arith.constant 0 : i32
      %dma_start3A_989 = tpu.memref_slice %arg6[%mul3A_247, %dma_start3A_988] : memref<16384x176xf32, #tpu.memory_space<hbm>> -> memref<128x176xf32, #tpu.memory_space<hbm>>
      tpu.enqueue_dma source(%arg11 : memref<128x176xf32, #tpu.memory_space<vmem>>) target(%dma_start3A_989 : memref<128x176xf32, #tpu.memory_space<hbm>>) target_semaphore(%run_scoped3A : memref<!tpu.dma_semaphore, #tpu.memory_space<semaphore_mem>>)
      %dma_wait3A_990 = arith.constant 0 : i32
      %dma_wait3A_991 = tpu.memref_slice %arg6[%mul3A_247, %dma_wait3A_990] : memref<16384x176xf32, #tpu.memory_space<hbm>> -> memref<128x176xf32, #tpu.memory_space<hbm>>
      %dma_wait3A_992 = arith.constant 0 : i32
      %dma_wait3A_993 = tpu.memref_slice %arg6[%mul3A_247, %dma_wait3A_992] : memref<16384x176xf32, #tpu.memory_space<hbm>> -> memref<128x176xf32, #tpu.memory_space<hbm>>
      tpu.wait_dma2 semaphore(%run_scoped3A : memref<!tpu.dma_semaphore, #tpu.memory_space<semaphore_mem>>) src(%arg11 : memref<128x176xf32, #tpu.memory_space<vmem>>) dst(%dma_wait3A_993 : memref<128x176xf32, #tpu.memory_space<hbm>>)
      tpu.yield
    }) : () -> ()
    %dma_start3A_248 = arith.constant 1 : i32
    %dma_start3A_249 = arith.constant 0 : i32
    %dma_start3A_250 = tpu.memref_slice %arg7[%dma_start3A_248, %dma_start3A_249] : memref<8x128xi32, #tpu.memory_space<vmem>> -> memref<1x128xi32, #tpu.memory_space<vmem>>
    %dma_start3A_251 = tpu.memref_squeeze %dma_start3A_250 : memref<1x128xi32, #tpu.memory_space<vmem>> -> memref<128xi32, #tpu.memory_space<vmem>>
    %dma_start3A_252 = arith.constant 0 : i32
    %dma_start3A_253 = arith.constant 0 : i32
    %dma_start3A_254 = tpu.memref_slice %arg4[%dma_start3A_252, %dma_start3A_253] : memref<1000000x64xf32, #tpu.memory_space<hbm>> -> memref<1000000x64xf32, #tpu.memory_space<hbm>>
    tpu.enqueue_indirect_dma source(%dma_start3A_254 : memref<1000000x64xf32, #tpu.memory_space<hbm>>) target(%arg9 : memref<128x64xf32, #tpu.memory_space<vmem>>) offsets(%dma_start3A_251 : memref<128xi32, #tpu.memory_space<vmem>>) semaphore(%arg12 : memref<!tpu.dma_semaphore, #tpu.memory_space<semaphore_mem>>)
    %dma_start3A_255 = arith.constant 11 : i32
    %dma_start3A_256 = arith.constant 0 : i32
    %dma_start3A_257 = arith.constant 0 : i32
    %dma_start3A_258 = tpu.memref_slice %arg10[%dma_start3A_256, %dma_start3A_257] : memref<1408x64xf32, #tpu.memory_space<vmem>> -> memref<128x64xf32, #tpu.memory_space<vmem>>
    %dma_start3A_259 = arith.constant 0 : i32
    %dma_start3A_260 = tpu.memref_slice %arg8[%dma_start3A_255, %dma_start3A_259] : memref<48x128xi32, #tpu.memory_space<vmem>> -> memref<1x128xi32, #tpu.memory_space<vmem>>
    %dma_start3A_261 = tpu.memref_squeeze %dma_start3A_260 : memref<1x128xi32, #tpu.memory_space<vmem>> -> memref<128xi32, #tpu.memory_space<vmem>>
    %dma_start3A_262 = arith.constant 0 : i32
    %dma_start3A_263 = arith.constant 0 : i32
    %dma_start3A_264 = tpu.memref_slice %arg5[%dma_start3A_262, %dma_start3A_263] : memref<1000000x64xf32, #tpu.memory_space<hbm>> -> memref<1000000x64xf32, #tpu.memory_space<hbm>>
    tpu.enqueue_indirect_dma source(%dma_start3A_264 : memref<1000000x64xf32, #tpu.memory_space<hbm>>) target(%dma_start3A_258 : memref<128x64xf32, #tpu.memory_space<vmem>>) offsets(%dma_start3A_261 : memref<128xi32, #tpu.memory_space<vmem>>) semaphore(%arg13 : memref<!tpu.dma_semaphore, #tpu.memory_space<semaphore_mem>>)
    %dma_start3A_265 = arith.constant 12 : i32
    %dma_start3A_266 = arith.constant 128 : i32
    %dma_start3A_267 = arith.constant 0 : i32
    %dma_start3A_268 = tpu.memref_slice %arg10[%dma_start3A_266, %dma_start3A_267] : memref<1408x64xf32, #tpu.memory_space<vmem>> -> memref<128x64xf32, #tpu.memory_space<vmem>>
    %dma_start3A_269 = arith.constant 0 : i32
    %dma_start3A_270 = tpu.memref_slice %arg8[%dma_start3A_265, %dma_start3A_269] : memref<48x128xi32, #tpu.memory_space<vmem>> -> memref<1x128xi32, #tpu.memory_space<vmem>>
    %dma_start3A_271 = tpu.memref_squeeze %dma_start3A_270 : memref<1x128xi32, #tpu.memory_space<vmem>> -> memref<128xi32, #tpu.memory_space<vmem>>
    %dma_start3A_272 = arith.constant 0 : i32
    %dma_start3A_273 = arith.constant 0 : i32
    %dma_start3A_274 = tpu.memref_slice %arg5[%dma_start3A_272, %dma_start3A_273] : memref<1000000x64xf32, #tpu.memory_space<hbm>> -> memref<1000000x64xf32, #tpu.memory_space<hbm>>
    tpu.enqueue_indirect_dma source(%dma_start3A_274 : memref<1000000x64xf32, #tpu.memory_space<hbm>>) target(%dma_start3A_268 : memref<128x64xf32, #tpu.memory_space<vmem>>) offsets(%dma_start3A_271 : memref<128xi32, #tpu.memory_space<vmem>>) semaphore(%arg13 : memref<!tpu.dma_semaphore, #tpu.memory_space<semaphore_mem>>)
    %dma_start3A_275 = arith.constant 13 : i32
    %dma_start3A_276 = arith.constant 256 : i32
    %dma_start3A_277 = arith.constant 0 : i32
    %dma_start3A_278 = tpu.memref_slice %arg10[%dma_start3A_276, %dma_start3A_277] : memref<1408x64xf32, #tpu.memory_space<vmem>> -> memref<128x64xf32, #tpu.memory_space<vmem>>
    %dma_start3A_279 = arith.constant 0 : i32
    %dma_start3A_280 = tpu.memref_slice %arg8[%dma_start3A_275, %dma_start3A_279] : memref<48x128xi32, #tpu.memory_space<vmem>> -> memref<1x128xi32, #tpu.memory_space<vmem>>
    %dma_start3A_281 = tpu.memref_squeeze %dma_start3A_280 : memref<1x128xi32, #tpu.memory_space<vmem>> -> memref<128xi32, #tpu.memory_space<vmem>>
    %dma_start3A_282 = arith.constant 0 : i32
    %dma_start3A_283 = arith.constant 0 : i32
    %dma_start3A_284 = tpu.memref_slice %arg5[%dma_start3A_282, %dma_start3A_283] : memref<1000000x64xf32, #tpu.memory_space<hbm>> -> memref<1000000x64xf32, #tpu.memory_space<hbm>>
    tpu.enqueue_indirect_dma source(%dma_start3A_284 : memref<1000000x64xf32, #tpu.memory_space<hbm>>) target(%dma_start3A_278 : memref<128x64xf32, #tpu.memory_space<vmem>>) offsets(%dma_start3A_281 : memref<128xi32, #tpu.memory_space<vmem>>) semaphore(%arg13 : memref<!tpu.dma_semaphore, #tpu.memory_space<semaphore_mem>>)
    %dma_start3A_285 = arith.constant 14 : i32
    %dma_start3A_286 = arith.constant 384 : i32
    %dma_start3A_287 = arith.constant 0 : i32
    %dma_start3A_288 = tpu.memref_slice %arg10[%dma_start3A_286, %dma_start3A_287] : memref<1408x64xf32, #tpu.memory_space<vmem>> -> memref<128x64xf32, #tpu.memory_space<vmem>>
    %dma_start3A_289 = arith.constant 0 : i32
    %dma_start3A_290 = tpu.memref_slice %arg8[%dma_start3A_285, %dma_start3A_289] : memref<48x128xi32, #tpu.memory_space<vmem>> -> memref<1x128xi32, #tpu.memory_space<vmem>>
    %dma_start3A_291 = tpu.memref_squeeze %dma_start3A_290 : memref<1x128xi32, #tpu.memory_space<vmem>> -> memref<128xi32, #tpu.memory_space<vmem>>
    %dma_start3A_292 = arith.constant 0 : i32
    %dma_start3A_293 = arith.constant 0 : i32
    %dma_start3A_294 = tpu.memref_slice %arg5[%dma_start3A_292, %dma_start3A_293] : memref<1000000x64xf32, #tpu.memory_space<hbm>> -> memref<1000000x64xf32, #tpu.memory_space<hbm>>
    tpu.enqueue_indirect_dma source(%dma_start3A_294 : memref<1000000x64xf32, #tpu.memory_space<hbm>>) target(%dma_start3A_288 : memref<128x64xf32, #tpu.memory_space<vmem>>) offsets(%dma_start3A_291 : memref<128xi32, #tpu.memory_space<vmem>>) semaphore(%arg13 : memref<!tpu.dma_semaphore, #tpu.memory_space<semaphore_mem>>)
    %dma_start3A_295 = arith.constant 15 : i32
    %dma_start3A_296 = arith.constant 512 : i32
    %dma_start3A_297 = arith.constant 0 : i32
    %dma_start3A_298 = tpu.memref_slice %arg10[%dma_start3A_296, %dma_start3A_297] : memref<1408x64xf32, #tpu.memory_space<vmem>> -> memref<128x64xf32, #tpu.memory_space<vmem>>
    %dma_start3A_299 = arith.constant 0 : i32
    %dma_start3A_300 = tpu.memref_slice %arg8[%dma_start3A_295, %dma_start3A_299] : memref<48x128xi32, #tpu.memory_space<vmem>> -> memref<1x128xi32, #tpu.memory_space<vmem>>
    %dma_start3A_301 = tpu.memref_squeeze %dma_start3A_300 : memref<1x128xi32, #tpu.memory_space<vmem>> -> memref<128xi32, #tpu.memory_space<vmem>>
    %dma_start3A_302 = arith.constant 0 : i32
    %dma_start3A_303 = arith.constant 0 : i32
    %dma_start3A_304 = tpu.memref_slice %arg5[%dma_start3A_302, %dma_start3A_303] : memref<1000000x64xf32, #tpu.memory_space<hbm>> -> memref<1000000x64xf32, #tpu.memory_space<hbm>>
    tpu.enqueue_indirect_dma source(%dma_start3A_304 : memref<1000000x64xf32, #tpu.memory_space<hbm>>) target(%dma_start3A_298 : memref<128x64xf32, #tpu.memory_space<vmem>>) offsets(%dma_start3A_301 : memref<128xi32, #tpu.memory_space<vmem>>) semaphore(%arg13 : memref<!tpu.dma_semaphore, #tpu.memory_space<semaphore_mem>>)
    %dma_start3A_305 = arith.constant 16 : i32
    %dma_start3A_306 = arith.constant 640 : i32
    %dma_start3A_307 = arith.constant 0 : i32
    %dma_start3A_308 = tpu.memref_slice %arg10[%dma_start3A_306, %dma_start3A_307] : memref<1408x64xf32, #tpu.memory_space<vmem>> -> memref<128x64xf32, #tpu.memory_space<vmem>>
    %dma_start3A_309 = arith.constant 0 : i32
    %dma_start3A_310 = tpu.memref_slice %arg8[%dma_start3A_305, %dma_start3A_309] : memref<48x128xi32, #tpu.memory_space<vmem>> -> memref<1x128xi32, #tpu.memory_space<vmem>>
    %dma_start3A_311 = tpu.memref_squeeze %dma_start3A_310 : memref<1x128xi32, #tpu.memory_space<vmem>> -> memref<128xi32, #tpu.memory_space<vmem>>
    %dma_start3A_312 = arith.constant 0 : i32
    %dma_start3A_313 = arith.constant 0 : i32
    %dma_start3A_314 = tpu.memref_slice %arg5[%dma_start3A_312, %dma_start3A_313] : memref<1000000x64xf32, #tpu.memory_space<hbm>> -> memref<1000000x64xf32, #tpu.memory_space<hbm>>
    tpu.enqueue_indirect_dma source(%dma_start3A_314 : memref<1000000x64xf32, #tpu.memory_space<hbm>>) target(%dma_start3A_308 : memref<128x64xf32, #tpu.memory_space<vmem>>) offsets(%dma_start3A_311 : memref<128xi32, #tpu.memory_space<vmem>>) semaphore(%arg13 : memref<!tpu.dma_semaphore, #tpu.memory_space<semaphore_mem>>)
    %dma_start3A_315 = arith.constant 17 : i32
    %dma_start3A_316 = arith.constant 768 : i32
    %dma_start3A_317 = arith.constant 0 : i32
    %dma_start3A_318 = tpu.memref_slice %arg10[%dma_start3A_316, %dma_start3A_317] : memref<1408x64xf32, #tpu.memory_space<vmem>> -> memref<128x64xf32, #tpu.memory_space<vmem>>
    %dma_start3A_319 = arith.constant 0 : i32
    %dma_start3A_320 = tpu.memref_slice %arg8[%dma_start3A_315, %dma_start3A_319] : memref<48x128xi32, #tpu.memory_space<vmem>> -> memref<1x128xi32, #tpu.memory_space<vmem>>
    %dma_start3A_321 = tpu.memref_squeeze %dma_start3A_320 : memref<1x128xi32, #tpu.memory_space<vmem>> -> memref<128xi32, #tpu.memory_space<vmem>>
    %dma_start3A_322 = arith.constant 0 : i32
    %dma_start3A_323 = arith.constant 0 : i32
    %dma_start3A_324 = tpu.memref_slice %arg5[%dma_start3A_322, %dma_start3A_323] : memref<1000000x64xf32, #tpu.memory_space<hbm>> -> memref<1000000x64xf32, #tpu.memory_space<hbm>>
    tpu.enqueue_indirect_dma source(%dma_start3A_324 : memref<1000000x64xf32, #tpu.memory_space<hbm>>) target(%dma_start3A_318 : memref<128x64xf32, #tpu.memory_space<vmem>>) offsets(%dma_start3A_321 : memref<128xi32, #tpu.memory_space<vmem>>) semaphore(%arg13 : memref<!tpu.dma_semaphore, #tpu.memory_space<semaphore_mem>>)
    %dma_start3A_325 = arith.constant 18 : i32
    %dma_start3A_326 = arith.constant 896 : i32
    %dma_start3A_327 = arith.constant 0 : i32
    %dma_start3A_328 = tpu.memref_slice %arg10[%dma_start3A_326, %dma_start3A_327] : memref<1408x64xf32, #tpu.memory_space<vmem>> -> memref<128x64xf32, #tpu.memory_space<vmem>>
    %dma_start3A_329 = arith.constant 0 : i32
    %dma_start3A_330 = tpu.memref_slice %arg8[%dma_start3A_325, %dma_start3A_329] : memref<48x128xi32, #tpu.memory_space<vmem>> -> memref<1x128xi32, #tpu.memory_space<vmem>>
    %dma_start3A_331 = tpu.memref_squeeze %dma_start3A_330 : memref<1x128xi32, #tpu.memory_space<vmem>> -> memref<128xi32, #tpu.memory_space<vmem>>
    %dma_start3A_332 = arith.constant 0 : i32
    %dma_start3A_333 = arith.constant 0 : i32
    %dma_start3A_334 = tpu.memref_slice %arg5[%dma_start3A_332, %dma_start3A_333] : memref<1000000x64xf32, #tpu.memory_space<hbm>> -> memref<1000000x64xf32, #tpu.memory_space<hbm>>
    tpu.enqueue_indirect_dma source(%dma_start3A_334 : memref<1000000x64xf32, #tpu.memory_space<hbm>>) target(%dma_start3A_328 : memref<128x64xf32, #tpu.memory_space<vmem>>) offsets(%dma_start3A_331 : memref<128xi32, #tpu.memory_space<vmem>>) semaphore(%arg13 : memref<!tpu.dma_semaphore, #tpu.memory_space<semaphore_mem>>)
    %dma_start3A_335 = arith.constant 19 : i32
    %dma_start3A_336 = arith.constant 1024 : i32
    %dma_start3A_337 = arith.constant 0 : i32
    %dma_start3A_338 = tpu.memref_slice %arg10[%dma_start3A_336, %dma_start3A_337] : memref<1408x64xf32, #tpu.memory_space<vmem>> -> memref<128x64xf32, #tpu.memory_space<vmem>>
    %dma_start3A_339 = arith.constant 0 : i32
    %dma_start3A_340 = tpu.memref_slice %arg8[%dma_start3A_335, %dma_start3A_339] : memref<48x128xi32, #tpu.memory_space<vmem>> -> memref<1x128xi32, #tpu.memory_space<vmem>>
    %dma_start3A_341 = tpu.memref_squeeze %dma_start3A_340 : memref<1x128xi32, #tpu.memory_space<vmem>> -> memref<128xi32, #tpu.memory_space<vmem>>
    %dma_start3A_342 = arith.constant 0 : i32
    %dma_start3A_343 = arith.constant 0 : i32
    %dma_start3A_344 = tpu.memref_slice %arg5[%dma_start3A_342, %dma_start3A_343] : memref<1000000x64xf32, #tpu.memory_space<hbm>> -> memref<1000000x64xf32, #tpu.memory_space<hbm>>
    tpu.enqueue_indirect_dma source(%dma_start3A_344 : memref<1000000x64xf32, #tpu.memory_space<hbm>>) target(%dma_start3A_338 : memref<128x64xf32, #tpu.memory_space<vmem>>) offsets(%dma_start3A_341 : memref<128xi32, #tpu.memory_space<vmem>>) semaphore(%arg13 : memref<!tpu.dma_semaphore, #tpu.memory_space<semaphore_mem>>)
    %dma_start3A_345 = arith.constant 20 : i32
    %dma_start3A_346 = arith.constant 1152 : i32
    %dma_start3A_347 = arith.constant 0 : i32
    %dma_start3A_348 = tpu.memref_slice %arg10[%dma_start3A_346, %dma_start3A_347] : memref<1408x64xf32, #tpu.memory_space<vmem>> -> memref<128x64xf32, #tpu.memory_space<vmem>>
    %dma_start3A_349 = arith.constant 0 : i32
    %dma_start3A_350 = tpu.memref_slice %arg8[%dma_start3A_345, %dma_start3A_349] : memref<48x128xi32, #tpu.memory_space<vmem>> -> memref<1x128xi32, #tpu.memory_space<vmem>>
    %dma_start3A_351 = tpu.memref_squeeze %dma_start3A_350 : memref<1x128xi32, #tpu.memory_space<vmem>> -> memref<128xi32, #tpu.memory_space<vmem>>
    %dma_start3A_352 = arith.constant 0 : i32
    %dma_start3A_353 = arith.constant 0 : i32
    %dma_start3A_354 = tpu.memref_slice %arg5[%dma_start3A_352, %dma_start3A_353] : memref<1000000x64xf32, #tpu.memory_space<hbm>> -> memref<1000000x64xf32, #tpu.memory_space<hbm>>
    tpu.enqueue_indirect_dma source(%dma_start3A_354 : memref<1000000x64xf32, #tpu.memory_space<hbm>>) target(%dma_start3A_348 : memref<128x64xf32, #tpu.memory_space<vmem>>) offsets(%dma_start3A_351 : memref<128xi32, #tpu.memory_space<vmem>>) semaphore(%arg13 : memref<!tpu.dma_semaphore, #tpu.memory_space<semaphore_mem>>)
    %dma_start3A_355 = arith.constant 21 : i32
    %dma_start3A_356 = arith.constant 1280 : i32
    %dma_start3A_357 = arith.constant 0 : i32
    %dma_start3A_358 = tpu.memref_slice %arg10[%dma_start3A_356, %dma_start3A_357] : memref<1408x64xf32, #tpu.memory_space<vmem>> -> memref<128x64xf32, #tpu.memory_space<vmem>>
    %dma_start3A_359 = arith.constant 0 : i32
    %dma_start3A_360 = tpu.memref_slice %arg8[%dma_start3A_355, %dma_start3A_359] : memref<48x128xi32, #tpu.memory_space<vmem>> -> memref<1x128xi32, #tpu.memory_space<vmem>>
    %dma_start3A_361 = tpu.memref_squeeze %dma_start3A_360 : memref<1x128xi32, #tpu.memory_space<vmem>> -> memref<128xi32, #tpu.memory_space<vmem>>
    %dma_start3A_362 = arith.constant 0 : i32
    %dma_start3A_363 = arith.constant 0 : i32
    %dma_start3A_364 = tpu.memref_slice %arg5[%dma_start3A_362, %dma_start3A_363] : memref<1000000x64xf32, #tpu.memory_space<hbm>> -> memref<1000000x64xf32, #tpu.memory_space<hbm>>
    tpu.enqueue_indirect_dma source(%dma_start3A_364 : memref<1000000x64xf32, #tpu.memory_space<hbm>>) target(%dma_start3A_358 : memref<128x64xf32, #tpu.memory_space<vmem>>) offsets(%dma_start3A_361 : memref<128xi32, #tpu.memory_space<vmem>>) semaphore(%arg13 : memref<!tpu.dma_semaphore, #tpu.memory_space<semaphore_mem>>)
    %dma_wait3A_365 = arith.constant 1 : i32
    %dma_wait3A_366 = arith.constant 0 : i32
    %dma_wait3A_367 = tpu.memref_slice %arg7[%dma_wait3A_365, %dma_wait3A_366] : memref<8x128xi32, #tpu.memory_space<vmem>> -> memref<1x128xi32, #tpu.memory_space<vmem>>
    %dma_wait3A_368 = tpu.memref_squeeze %dma_wait3A_367 : memref<1x128xi32, #tpu.memory_space<vmem>> -> memref<128xi32, #tpu.memory_space<vmem>>
    %dma_wait3A_369 = arith.constant 0 : i32
    %dma_wait3A_370 = arith.constant 0 : i32
    %dma_wait3A_371 = tpu.memref_slice %arg4[%dma_wait3A_369, %dma_wait3A_370] : memref<1000000x64xf32, #tpu.memory_space<hbm>> -> memref<1000000x64xf32, #tpu.memory_space<hbm>>
    tpu.wait_indirect_dma semaphore(%arg12 : memref<!tpu.dma_semaphore, #tpu.memory_space<semaphore_mem>>) src(%dma_wait3A_371 : memref<1000000x64xf32, #tpu.memory_space<hbm>>) dst(%arg9 : memref<128x64xf32, #tpu.memory_space<vmem>>)
    %dma_wait3A_372 = arith.constant 11 : i32
    %dma_wait3A_373 = arith.constant 0 : i32
    %dma_wait3A_374 = arith.constant 0 : i32
    %dma_wait3A_375 = tpu.memref_slice %arg10[%dma_wait3A_373, %dma_wait3A_374] : memref<1408x64xf32, #tpu.memory_space<vmem>> -> memref<128x64xf32, #tpu.memory_space<vmem>>
    %dma_wait3A_376 = arith.constant 0 : i32
    %dma_wait3A_377 = tpu.memref_slice %arg8[%dma_wait3A_372, %dma_wait3A_376] : memref<48x128xi32, #tpu.memory_space<vmem>> -> memref<1x128xi32, #tpu.memory_space<vmem>>
    %dma_wait3A_378 = tpu.memref_squeeze %dma_wait3A_377 : memref<1x128xi32, #tpu.memory_space<vmem>> -> memref<128xi32, #tpu.memory_space<vmem>>
    %dma_wait3A_379 = arith.constant 0 : i32
    %dma_wait3A_380 = arith.constant 0 : i32
    %dma_wait3A_381 = tpu.memref_slice %arg5[%dma_wait3A_379, %dma_wait3A_380] : memref<1000000x64xf32, #tpu.memory_space<hbm>> -> memref<1000000x64xf32, #tpu.memory_space<hbm>>
    tpu.wait_indirect_dma semaphore(%arg13 : memref<!tpu.dma_semaphore, #tpu.memory_space<semaphore_mem>>) src(%dma_wait3A_381 : memref<1000000x64xf32, #tpu.memory_space<hbm>>) dst(%dma_wait3A_375 : memref<128x64xf32, #tpu.memory_space<vmem>>)
    %dma_wait3A_382 = arith.constant 12 : i32
    %dma_wait3A_383 = arith.constant 128 : i32
    %dma_wait3A_384 = arith.constant 0 : i32
    %dma_wait3A_385 = tpu.memref_slice %arg10[%dma_wait3A_383, %dma_wait3A_384] : memref<1408x64xf32, #tpu.memory_space<vmem>> -> memref<128x64xf32, #tpu.memory_space<vmem>>
    %dma_wait3A_386 = arith.constant 0 : i32
    %dma_wait3A_387 = tpu.memref_slice %arg8[%dma_wait3A_382, %dma_wait3A_386] : memref<48x128xi32, #tpu.memory_space<vmem>> -> memref<1x128xi32, #tpu.memory_space<vmem>>
    %dma_wait3A_388 = tpu.memref_squeeze %dma_wait3A_387 : memref<1x128xi32, #tpu.memory_space<vmem>> -> memref<128xi32, #tpu.memory_space<vmem>>
    %dma_wait3A_389 = arith.constant 0 : i32
    %dma_wait3A_390 = arith.constant 0 : i32
    %dma_wait3A_391 = tpu.memref_slice %arg5[%dma_wait3A_389, %dma_wait3A_390] : memref<1000000x64xf32, #tpu.memory_space<hbm>> -> memref<1000000x64xf32, #tpu.memory_space<hbm>>
    tpu.wait_indirect_dma semaphore(%arg13 : memref<!tpu.dma_semaphore, #tpu.memory_space<semaphore_mem>>) src(%dma_wait3A_391 : memref<1000000x64xf32, #tpu.memory_space<hbm>>) dst(%dma_wait3A_385 : memref<128x64xf32, #tpu.memory_space<vmem>>)
    %dma_wait3A_392 = arith.constant 13 : i32
    %dma_wait3A_393 = arith.constant 256 : i32
    %dma_wait3A_394 = arith.constant 0 : i32
    %dma_wait3A_395 = tpu.memref_slice %arg10[%dma_wait3A_393, %dma_wait3A_394] : memref<1408x64xf32, #tpu.memory_space<vmem>> -> memref<128x64xf32, #tpu.memory_space<vmem>>
    %dma_wait3A_396 = arith.constant 0 : i32
    %dma_wait3A_397 = tpu.memref_slice %arg8[%dma_wait3A_392, %dma_wait3A_396] : memref<48x128xi32, #tpu.memory_space<vmem>> -> memref<1x128xi32, #tpu.memory_space<vmem>>
    %dma_wait3A_398 = tpu.memref_squeeze %dma_wait3A_397 : memref<1x128xi32, #tpu.memory_space<vmem>> -> memref<128xi32, #tpu.memory_space<vmem>>
    %dma_wait3A_399 = arith.constant 0 : i32
    %dma_wait3A_400 = arith.constant 0 : i32
    %dma_wait3A_401 = tpu.memref_slice %arg5[%dma_wait3A_399, %dma_wait3A_400] : memref<1000000x64xf32, #tpu.memory_space<hbm>> -> memref<1000000x64xf32, #tpu.memory_space<hbm>>
    tpu.wait_indirect_dma semaphore(%arg13 : memref<!tpu.dma_semaphore, #tpu.memory_space<semaphore_mem>>) src(%dma_wait3A_401 : memref<1000000x64xf32, #tpu.memory_space<hbm>>) dst(%dma_wait3A_395 : memref<128x64xf32, #tpu.memory_space<vmem>>)
    %dma_wait3A_402 = arith.constant 14 : i32
    %dma_wait3A_403 = arith.constant 384 : i32
    %dma_wait3A_404 = arith.constant 0 : i32
    %dma_wait3A_405 = tpu.memref_slice %arg10[%dma_wait3A_403, %dma_wait3A_404] : memref<1408x64xf32, #tpu.memory_space<vmem>> -> memref<128x64xf32, #tpu.memory_space<vmem>>
    %dma_wait3A_406 = arith.constant 0 : i32
    %dma_wait3A_407 = tpu.memref_slice %arg8[%dma_wait3A_402, %dma_wait3A_406] : memref<48x128xi32, #tpu.memory_space<vmem>> -> memref<1x128xi32, #tpu.memory_space<vmem>>
    %dma_wait3A_408 = tpu.memref_squeeze %dma_wait3A_407 : memref<1x128xi32, #tpu.memory_space<vmem>> -> memref<128xi32, #tpu.memory_space<vmem>>
    %dma_wait3A_409 = arith.constant 0 : i32
    %dma_wait3A_410 = arith.constant 0 : i32
    %dma_wait3A_411 = tpu.memref_slice %arg5[%dma_wait3A_409, %dma_wait3A_410] : memref<1000000x64xf32, #tpu.memory_space<hbm>> -> memref<1000000x64xf32, #tpu.memory_space<hbm>>
    tpu.wait_indirect_dma semaphore(%arg13 : memref<!tpu.dma_semaphore, #tpu.memory_space<semaphore_mem>>) src(%dma_wait3A_411 : memref<1000000x64xf32, #tpu.memory_space<hbm>>) dst(%dma_wait3A_405 : memref<128x64xf32, #tpu.memory_space<vmem>>)
    %dma_wait3A_412 = arith.constant 15 : i32
    %dma_wait3A_413 = arith.constant 512 : i32
    %dma_wait3A_414 = arith.constant 0 : i32
    %dma_wait3A_415 = tpu.memref_slice %arg10[%dma_wait3A_413, %dma_wait3A_414] : memref<1408x64xf32, #tpu.memory_space<vmem>> -> memref<128x64xf32, #tpu.memory_space<vmem>>
    %dma_wait3A_416 = arith.constant 0 : i32
    %dma_wait3A_417 = tpu.memref_slice %arg8[%dma_wait3A_412, %dma_wait3A_416] : memref<48x128xi32, #tpu.memory_space<vmem>> -> memref<1x128xi32, #tpu.memory_space<vmem>>
    %dma_wait3A_418 = tpu.memref_squeeze %dma_wait3A_417 : memref<1x128xi32, #tpu.memory_space<vmem>> -> memref<128xi32, #tpu.memory_space<vmem>>
    %dma_wait3A_419 = arith.constant 0 : i32
    %dma_wait3A_420 = arith.constant 0 : i32
    %dma_wait3A_421 = tpu.memref_slice %arg5[%dma_wait3A_419, %dma_wait3A_420] : memref<1000000x64xf32, #tpu.memory_space<hbm>> -> memref<1000000x64xf32, #tpu.memory_space<hbm>>
    tpu.wait_indirect_dma semaphore(%arg13 : memref<!tpu.dma_semaphore, #tpu.memory_space<semaphore_mem>>) src(%dma_wait3A_421 : memref<1000000x64xf32, #tpu.memory_space<hbm>>) dst(%dma_wait3A_415 : memref<128x64xf32, #tpu.memory_space<vmem>>)
    %dma_wait3A_422 = arith.constant 16 : i32
    %dma_wait3A_423 = arith.constant 640 : i32
    %dma_wait3A_424 = arith.constant 0 : i32
    %dma_wait3A_425 = tpu.memref_slice %arg10[%dma_wait3A_423, %dma_wait3A_424] : memref<1408x64xf32, #tpu.memory_space<vmem>> -> memref<128x64xf32, #tpu.memory_space<vmem>>
    %dma_wait3A_426 = arith.constant 0 : i32
    %dma_wait3A_427 = tpu.memref_slice %arg8[%dma_wait3A_422, %dma_wait3A_426] : memref<48x128xi32, #tpu.memory_space<vmem>> -> memref<1x128xi32, #tpu.memory_space<vmem>>
    %dma_wait3A_428 = tpu.memref_squeeze %dma_wait3A_427 : memref<1x128xi32, #tpu.memory_space<vmem>> -> memref<128xi32, #tpu.memory_space<vmem>>
    %dma_wait3A_429 = arith.constant 0 : i32
    %dma_wait3A_430 = arith.constant 0 : i32
    %dma_wait3A_431 = tpu.memref_slice %arg5[%dma_wait3A_429, %dma_wait3A_430] : memref<1000000x64xf32, #tpu.memory_space<hbm>> -> memref<1000000x64xf32, #tpu.memory_space<hbm>>
    tpu.wait_indirect_dma semaphore(%arg13 : memref<!tpu.dma_semaphore, #tpu.memory_space<semaphore_mem>>) src(%dma_wait3A_431 : memref<1000000x64xf32, #tpu.memory_space<hbm>>) dst(%dma_wait3A_425 : memref<128x64xf32, #tpu.memory_space<vmem>>)
    %dma_wait3A_432 = arith.constant 17 : i32
    %dma_wait3A_433 = arith.constant 768 : i32
    %dma_wait3A_434 = arith.constant 0 : i32
    %dma_wait3A_435 = tpu.memref_slice %arg10[%dma_wait3A_433, %dma_wait3A_434] : memref<1408x64xf32, #tpu.memory_space<vmem>> -> memref<128x64xf32, #tpu.memory_space<vmem>>
    %dma_wait3A_436 = arith.constant 0 : i32
    %dma_wait3A_437 = tpu.memref_slice %arg8[%dma_wait3A_432, %dma_wait3A_436] : memref<48x128xi32, #tpu.memory_space<vmem>> -> memref<1x128xi32, #tpu.memory_space<vmem>>
    %dma_wait3A_438 = tpu.memref_squeeze %dma_wait3A_437 : memref<1x128xi32, #tpu.memory_space<vmem>> -> memref<128xi32, #tpu.memory_space<vmem>>
    %dma_wait3A_439 = arith.constant 0 : i32
    %dma_wait3A_440 = arith.constant 0 : i32
    %dma_wait3A_441 = tpu.memref_slice %arg5[%dma_wait3A_439, %dma_wait3A_440] : memref<1000000x64xf32, #tpu.memory_space<hbm>> -> memref<1000000x64xf32, #tpu.memory_space<hbm>>
    tpu.wait_indirect_dma semaphore(%arg13 : memref<!tpu.dma_semaphore, #tpu.memory_space<semaphore_mem>>) src(%dma_wait3A_441 : memref<1000000x64xf32, #tpu.memory_space<hbm>>) dst(%dma_wait3A_435 : memref<128x64xf32, #tpu.memory_space<vmem>>)
    %dma_wait3A_442 = arith.constant 18 : i32
    %dma_wait3A_443 = arith.constant 896 : i32
    %dma_wait3A_444 = arith.constant 0 : i32
    %dma_wait3A_445 = tpu.memref_slice %arg10[%dma_wait3A_443, %dma_wait3A_444] : memref<1408x64xf32, #tpu.memory_space<vmem>> -> memref<128x64xf32, #tpu.memory_space<vmem>>
    %dma_wait3A_446 = arith.constant 0 : i32
    %dma_wait3A_447 = tpu.memref_slice %arg8[%dma_wait3A_442, %dma_wait3A_446] : memref<48x128xi32, #tpu.memory_space<vmem>> -> memref<1x128xi32, #tpu.memory_space<vmem>>
    %dma_wait3A_448 = tpu.memref_squeeze %dma_wait3A_447 : memref<1x128xi32, #tpu.memory_space<vmem>> -> memref<128xi32, #tpu.memory_space<vmem>>
    %dma_wait3A_449 = arith.constant 0 : i32
    %dma_wait3A_450 = arith.constant 0 : i32
    %dma_wait3A_451 = tpu.memref_slice %arg5[%dma_wait3A_449, %dma_wait3A_450] : memref<1000000x64xf32, #tpu.memory_space<hbm>> -> memref<1000000x64xf32, #tpu.memory_space<hbm>>
    tpu.wait_indirect_dma semaphore(%arg13 : memref<!tpu.dma_semaphore, #tpu.memory_space<semaphore_mem>>) src(%dma_wait3A_451 : memref<1000000x64xf32, #tpu.memory_space<hbm>>) dst(%dma_wait3A_445 : memref<128x64xf32, #tpu.memory_space<vmem>>)
    %dma_wait3A_452 = arith.constant 19 : i32
    %dma_wait3A_453 = arith.constant 1024 : i32
    %dma_wait3A_454 = arith.constant 0 : i32
    %dma_wait3A_455 = tpu.memref_slice %arg10[%dma_wait3A_453, %dma_wait3A_454] : memref<1408x64xf32, #tpu.memory_space<vmem>> -> memref<128x64xf32, #tpu.memory_space<vmem>>
    %dma_wait3A_456 = arith.constant 0 : i32
    %dma_wait3A_457 = tpu.memref_slice %arg8[%dma_wait3A_452, %dma_wait3A_456] : memref<48x128xi32, #tpu.memory_space<vmem>> -> memref<1x128xi32, #tpu.memory_space<vmem>>
    %dma_wait3A_458 = tpu.memref_squeeze %dma_wait3A_457 : memref<1x128xi32, #tpu.memory_space<vmem>> -> memref<128xi32, #tpu.memory_space<vmem>>
    %dma_wait3A_459 = arith.constant 0 : i32
    %dma_wait3A_460 = arith.constant 0 : i32
    %dma_wait3A_461 = tpu.memref_slice %arg5[%dma_wait3A_459, %dma_wait3A_460] : memref<1000000x64xf32, #tpu.memory_space<hbm>> -> memref<1000000x64xf32, #tpu.memory_space<hbm>>
    tpu.wait_indirect_dma semaphore(%arg13 : memref<!tpu.dma_semaphore, #tpu.memory_space<semaphore_mem>>) src(%dma_wait3A_461 : memref<1000000x64xf32, #tpu.memory_space<hbm>>) dst(%dma_wait3A_455 : memref<128x64xf32, #tpu.memory_space<vmem>>)
    %dma_wait3A_462 = arith.constant 20 : i32
    %dma_wait3A_463 = arith.constant 1152 : i32
    %dma_wait3A_464 = arith.constant 0 : i32
    %dma_wait3A_465 = tpu.memref_slice %arg10[%dma_wait3A_463, %dma_wait3A_464] : memref<1408x64xf32, #tpu.memory_space<vmem>> -> memref<128x64xf32, #tpu.memory_space<vmem>>
    %dma_wait3A_466 = arith.constant 0 : i32
    %dma_wait3A_467 = tpu.memref_slice %arg8[%dma_wait3A_462, %dma_wait3A_466] : memref<48x128xi32, #tpu.memory_space<vmem>> -> memref<1x128xi32, #tpu.memory_space<vmem>>
    %dma_wait3A_468 = tpu.memref_squeeze %dma_wait3A_467 : memref<1x128xi32, #tpu.memory_space<vmem>> -> memref<128xi32, #tpu.memory_space<vmem>>
    %dma_wait3A_469 = arith.constant 0 : i32
    %dma_wait3A_470 = arith.constant 0 : i32
    %dma_wait3A_471 = tpu.memref_slice %arg5[%dma_wait3A_469, %dma_wait3A_470] : memref<1000000x64xf32, #tpu.memory_space<hbm>> -> memref<1000000x64xf32, #tpu.memory_space<hbm>>
    tpu.wait_indirect_dma semaphore(%arg13 : memref<!tpu.dma_semaphore, #tpu.memory_space<semaphore_mem>>) src(%dma_wait3A_471 : memref<1000000x64xf32, #tpu.memory_space<hbm>>) dst(%dma_wait3A_465 : memref<128x64xf32, #tpu.memory_space<vmem>>)
    %dma_wait3A_472 = arith.constant 21 : i32
    %dma_wait3A_473 = arith.constant 1280 : i32
    %dma_wait3A_474 = arith.constant 0 : i32
    %dma_wait3A_475 = tpu.memref_slice %arg10[%dma_wait3A_473, %dma_wait3A_474] : memref<1408x64xf32, #tpu.memory_space<vmem>> -> memref<128x64xf32, #tpu.memory_space<vmem>>
    %dma_wait3A_476 = arith.constant 0 : i32
    %dma_wait3A_477 = tpu.memref_slice %arg8[%dma_wait3A_472, %dma_wait3A_476] : memref<48x128xi32, #tpu.memory_space<vmem>> -> memref<1x128xi32, #tpu.memory_space<vmem>>
    %dma_wait3A_478 = tpu.memref_squeeze %dma_wait3A_477 : memref<1x128xi32, #tpu.memory_space<vmem>> -> memref<128xi32, #tpu.memory_space<vmem>>
    %dma_wait3A_479 = arith.constant 0 : i32
    %dma_wait3A_480 = arith.constant 0 : i32
    %dma_wait3A_481 = tpu.memref_slice %arg5[%dma_wait3A_479, %dma_wait3A_480] : memref<1000000x64xf32, #tpu.memory_space<hbm>> -> memref<1000000x64xf32, #tpu.memory_space<hbm>>
    tpu.wait_indirect_dma semaphore(%arg13 : memref<!tpu.dma_semaphore, #tpu.memory_space<semaphore_mem>>) src(%dma_wait3A_481 : memref<1000000x64xf32, #tpu.memory_space<hbm>>) dst(%dma_wait3A_475 : memref<128x64xf32, #tpu.memory_space<vmem>>)
    %scan3A_482 = arith.constant 0 : i32
    %scan3A_483 = arith.constant 0 : i32
    %scan3A_484 = arith.constant 128 : i32
    %scan3A_485 = arith.addi %scan3A_483, %scan3A_484 : i32
    %scan3A_486 = arith.constant 1 : i32
    scf.for %scan3A_986 = %scan3A_483 to %scan3A_485 step %scan3A_486  : i32 {
      %get3A = arith.index_cast %scan3A_986 : i32 to index
      %get3A_987 = arith.constant 0 : index
      %get3A_988 = tpu.vector_load %arg9[%get3A, %get3A_987] {strides = array<i32>} : memref<128x64xf32, #tpu.memory_space<vmem>>, vector<1x16xf32>,
      %get3A_989 = vector.shape_cast %get3A_988 : vector<1x16xf32> to vector<16xf32>
      %get3A_990 = arith.index_cast %scan3A_986 : i32 to index
      %get3A_991 = arith.constant 16 : index
      %get3A_992 = tpu.vector_load %arg9[%get3A_990, %get3A_991] {strides = array<i32>} : memref<128x64xf32, #tpu.memory_space<vmem>>, vector<1x16xf32>,
      %get3A_993 = vector.shape_cast %get3A_992 : vector<1x16xf32> to vector<16xf32>
      %get3A_994 = arith.index_cast %scan3A_986 : i32 to index
      %get3A_995 = arith.constant 32 : index
      %get3A_996 = tpu.vector_load %arg9[%get3A_994, %get3A_995] {strides = array<i32>} : memref<128x64xf32, #tpu.memory_space<vmem>>, vector<1x16xf32>,
      %get3A_997 = vector.shape_cast %get3A_996 : vector<1x16xf32> to vector<16xf32>
      %get3A_998 = arith.index_cast %scan3A_986 : i32 to index
      %get3A_999 = arith.constant 48 : index
      %get3A_1000 = tpu.vector_load %arg9[%get3A_998, %get3A_999] {strides = array<i32>} : memref<128x64xf32, #tpu.memory_space<vmem>>, vector<1x16xf32>,
      %get3A_1001 = vector.shape_cast %get3A_1000 : vector<1x16xf32> to vector<16xf32>
      %mul3A_1002 = arith.constant 11 : i32
      %mul3A_1003 = arith.muli %scan3A_986, %mul3A_1002 : i32
      %add3A_1004 = arith.constant 0 : i32
      %add3A_1005 = arith.addi %mul3A_1003, %add3A_1004 : i32
      %get3A_1006 = arith.index_cast %add3A_1005 : i32 to index
      %get3A_1007 = arith.constant 0 : index
      %get3A_1008 = tpu.vector_load %arg10[%get3A_1006, %get3A_1007] {strides = array<i32>} : memref<1408x64xf32, #tpu.memory_space<vmem>>, vector<1x16xf32>,
      %get3A_1009 = vector.shape_cast %get3A_1008 : vector<1x16xf32> to vector<16xf32>
      %mul3A_1010 = arith.mulf %get3A_989, %get3A_1009 : vector<16xf32>
      %get3A_1011 = arith.index_cast %add3A_1005 : i32 to index
      %get3A_1012 = arith.constant 16 : index
      %get3A_1013 = tpu.vector_load %arg10[%get3A_1011, %get3A_1012] {strides = array<i32>} : memref<1408x64xf32, #tpu.memory_space<vmem>>, vector<1x16xf32>,
      %get3A_1014 = vector.shape_cast %get3A_1013 : vector<1x16xf32> to vector<16xf32>
      %mul3A_1015 = arith.mulf %get3A_993, %get3A_1014 : vector<16xf32>
      %add3A_1016 = arith.addf %mul3A_1010, %mul3A_1015 : vector<16xf32>
      %get3A_1017 = arith.index_cast %add3A_1005 : i32 to index
      %get3A_1018 = arith.constant 32 : index
      %get3A_1019 = tpu.vector_load %arg10[%get3A_1017, %get3A_1018] {strides = array<i32>} : memref<1408x64xf32, #tpu.memory_space<vmem>>, vector<1x16xf32>,
      %get3A_1020 = vector.shape_cast %get3A_1019 : vector<1x16xf32> to vector<16xf32>
      %mul3A_1021 = arith.mulf %get3A_997, %get3A_1020 : vector<16xf32>
      %add3A_1022 = arith.addf %add3A_1016, %mul3A_1021 : vector<16xf32>
      %get3A_1023 = arith.index_cast %add3A_1005 : i32 to index
      %get3A_1024 = arith.constant 48 : index
      %get3A_1025 = tpu.vector_load %arg10[%get3A_1023, %get3A_1024] {strides = array<i32>} : memref<1408x64xf32, #tpu.memory_space<vmem>>, vector<1x16xf32>,
      %get3A_1026 = vector.shape_cast %get3A_1025 : vector<1x16xf32> to vector<16xf32>
      %mul3A_1027 = arith.mulf %get3A_1001, %get3A_1026 : vector<16xf32>
      %add3A_1028 = arith.addf %add3A_1022, %mul3A_1027 : vector<16xf32>
      %swap3A = arith.index_cast %scan3A_986 : i32 to index
      %swap3A_1029 = arith.constant 0 : index
      %swap3A_1030 = tpu.vector_load %arg11[%swap3A, %swap3A_1029] {strides = array<i32>} : memref<128x176xf32, #tpu.memory_space<vmem>>, vector<1x16xf32>,
      %swap3A_1031 = vector.shape_cast %swap3A_1030 : vector<1x16xf32> to vector<16xf32>
      %swap3A_1032 = vector.shape_cast %add3A_1028 : vector<16xf32> to vector<1x16xf32>
      tpu.vector_store %arg11[%swap3A, %swap3A_1029], %swap3A_1032 {strides = array<i32>} : memref<128x176xf32, #tpu.memory_space<vmem>>, vector<1x16xf32>,
      %mul3A_1033 = arith.constant 11 : i32
      %mul3A_1034 = arith.muli %scan3A_986, %mul3A_1033 : i32
      %add3A_1035 = arith.constant 1 : i32
      %add3A_1036 = arith.addi %mul3A_1034, %add3A_1035 : i32
      %get3A_1037 = arith.index_cast %add3A_1036 : i32 to index
      %get3A_1038 = arith.constant 0 : index
      %get3A_1039 = tpu.vector_load %arg10[%get3A_1037, %get3A_1038] {strides = array<i32>} : memref<1408x64xf32, #tpu.memory_space<vmem>>, vector<1x16xf32>,
      %get3A_1040 = vector.shape_cast %get3A_1039 : vector<1x16xf32> to vector<16xf32>
      %mul3A_1041 = arith.mulf %get3A_989, %get3A_1040 : vector<16xf32>
      %get3A_1042 = arith.index_cast %add3A_1036 : i32 to index
      %get3A_1043 = arith.constant 16 : index
      %get3A_1044 = tpu.vector_load %arg10[%get3A_1042, %get3A_1043] {strides = array<i32>} : memref<1408x64xf32, #tpu.memory_space<vmem>>, vector<1x16xf32>,
      %get3A_1045 = vector.shape_cast %get3A_1044 : vector<1x16xf32> to vector<16xf32>
      %mul3A_1046 = arith.mulf %get3A_993, %get3A_1045 : vector<16xf32>
      %add3A_1047 = arith.addf %mul3A_1041, %mul3A_1046 : vector<16xf32>
      %get3A_1048 = arith.index_cast %add3A_1036 : i32 to index
      %get3A_1049 = arith.constant 32 : index
      %get3A_1050 = tpu.vector_load %arg10[%get3A_1048, %get3A_1049] {strides = array<i32>} : memref<1408x64xf32, #tpu.memory_space<vmem>>, vector<1x16xf32>,
      %get3A_1051 = vector.shape_cast %get3A_1050 : vector<1x16xf32> to vector<16xf32>
      %mul3A_1052 = arith.mulf %get3A_997, %get3A_1051 : vector<16xf32>
      %add3A_1053 = arith.addf %add3A_1047, %mul3A_1052 : vector<16xf32>
      %get3A_1054 = arith.index_cast %add3A_1036 : i32 to index
      %get3A_1055 = arith.constant 48 : index
      %get3A_1056 = tpu.vector_load %arg10[%get3A_1054, %get3A_1055] {strides = array<i32>} : memref<1408x64xf32, #tpu.memory_space<vmem>>, vector<1x16xf32>,
      %get3A_1057 = vector.shape_cast %get3A_1056 : vector<1x16xf32> to vector<16xf32>
      %mul3A_1058 = arith.mulf %get3A_1001, %get3A_1057 : vector<16xf32>
      %add3A_1059 = arith.addf %add3A_1053, %mul3A_1058 : vector<16xf32>
      %swap3A_1060 = arith.index_cast %scan3A_986 : i32 to index
      %swap3A_1061 = arith.constant 16 : index
      %swap3A_1062 = tpu.vector_load %arg11[%swap3A_1060, %swap3A_1061] {strides = array<i32>} : memref<128x176xf32, #tpu.memory_space<vmem>>, vector<1x16xf32>,
      %swap3A_1063 = vector.shape_cast %swap3A_1062 : vector<1x16xf32> to vector<16xf32>
      %swap3A_1064 = vector.shape_cast %add3A_1059 : vector<16xf32> to vector<1x16xf32>
      tpu.vector_store %arg11[%swap3A_1060, %swap3A_1061], %swap3A_1064 {strides = array<i32>} : memref<128x176xf32, #tpu.memory_space<vmem>>, vector<1x16xf32>,
      %mul3A_1065 = arith.constant 11 : i32
      %mul3A_1066 = arith.muli %scan3A_986, %mul3A_1065 : i32
      %add3A_1067 = arith.constant 2 : i32
      %add3A_1068 = arith.addi %mul3A_1066, %add3A_1067 : i32
      %get3A_1069 = arith.index_cast %add3A_1068 : i32 to index
      %get3A_1070 = arith.constant 0 : index
      %get3A_1071 = tpu.vector_load %arg10[%get3A_1069, %get3A_1070] {strides = array<i32>} : memref<1408x64xf32, #tpu.memory_space<vmem>>, vector<1x16xf32>,
      %get3A_1072 = vector.shape_cast %get3A_1071 : vector<1x16xf32> to vector<16xf32>
      %mul3A_1073 = arith.mulf %get3A_989, %get3A_1072 : vector<16xf32>
      %get3A_1074 = arith.index_cast %add3A_1068 : i32 to index
      %get3A_1075 = arith.constant 16 : index
      %get3A_1076 = tpu.vector_load %arg10[%get3A_1074, %get3A_1075] {strides = array<i32>} : memref<1408x64xf32, #tpu.memory_space<vmem>>, vector<1x16xf32>,
      %get3A_1077 = vector.shape_cast %get3A_1076 : vector<1x16xf32> to vector<16xf32>
      %mul3A_1078 = arith.mulf %get3A_993, %get3A_1077 : vector<16xf32>
      %add3A_1079 = arith.addf %mul3A_1073, %mul3A_1078 : vector<16xf32>
      %get3A_1080 = arith.index_cast %add3A_1068 : i32 to index
      %get3A_1081 = arith.constant 32 : index
      %get3A_1082 = tpu.vector_load %arg10[%get3A_1080, %get3A_1081] {strides = array<i32>} : memref<1408x64xf32, #tpu.memory_space<vmem>>, vector<1x16xf32>,
      %get3A_1083 = vector.shape_cast %get3A_1082 : vector<1x16xf32> to vector<16xf32>
      %mul3A_1084 = arith.mulf %get3A_997, %get3A_1083 : vector<16xf32>
      %add3A_1085 = arith.addf %add3A_1079, %mul3A_1084 : vector<16xf32>
      %get3A_1086 = arith.index_cast %add3A_1068 : i32 to index
      %get3A_1087 = arith.constant 48 : index
      %get3A_1088 = tpu.vector_load %arg10[%get3A_1086, %get3A_1087] {strides = array<i32>} : memref<1408x64xf32, #tpu.memory_space<vmem>>, vector<1x16xf32>,
      %get3A_1089 = vector.shape_cast %get3A_1088 : vector<1x16xf32> to vector<16xf32>
      %mul3A_1090 = arith.mulf %get3A_1001, %get3A_1089 : vector<16xf32>
      %add3A_1091 = arith.addf %add3A_1085, %mul3A_1090 : vector<16xf32>
      %swap3A_1092 = arith.index_cast %scan3A_986 : i32 to index
      %swap3A_1093 = arith.constant 32 : index
      %swap3A_1094 = tpu.vector_load %arg11[%swap3A_1092, %swap3A_1093] {strides = array<i32>} : memref<128x176xf32, #tpu.memory_space<vmem>>, vector<1x16xf32>,
      %swap3A_1095 = vector.shape_cast %swap3A_1094 : vector<1x16xf32> to vector<16xf32>
      %swap3A_1096 = vector.shape_cast %add3A_1091 : vector<16xf32> to vector<1x16xf32>
      tpu.vector_store %arg11[%swap3A_1092, %swap3A_1093], %swap3A_1096 {strides = array<i32>} : memref<128x176xf32, #tpu.memory_space<vmem>>, vector<1x16xf32>,
      %mul3A_1097 = arith.constant 11 : i32
      %mul3A_1098 = arith.muli %scan3A_986, %mul3A_1097 : i32
      %add3A_1099 = arith.constant 3 : i32
      %add3A_1100 = arith.addi %mul3A_1098, %add3A_1099 : i32
      %get3A_1101 = arith.index_cast %add3A_1100 : i32 to index
      %get3A_1102 = arith.constant 0 : index
      %get3A_1103 = tpu.vector_load %arg10[%get3A_1101, %get3A_1102] {strides = array<i32>} : memref<1408x64xf32, #tpu.memory_space<vmem>>, vector<1x16xf32>,
      %get3A_1104 = vector.shape_cast %get3A_1103 : vector<1x16xf32> to vector<16xf32>
      %mul3A_1105 = arith.mulf %get3A_989, %get3A_1104 : vector<16xf32>
      %get3A_1106 = arith.index_cast %add3A_1100 : i32 to index
      %get3A_1107 = arith.constant 16 : index
      %get3A_1108 = tpu.vector_load %arg10[%get3A_1106, %get3A_1107] {strides = array<i32>} : memref<1408x64xf32, #tpu.memory_space<vmem>>, vector<1x16xf32>,
      %get3A_1109 = vector.shape_cast %get3A_1108 : vector<1x16xf32> to vector<16xf32>
      %mul3A_1110 = arith.mulf %get3A_993, %get3A_1109 : vector<16xf32>
      %add3A_1111 = arith.addf %mul3A_1105, %mul3A_1110 : vector<16xf32>
      %get3A_1112 = arith.index_cast %add3A_1100 : i32 to index
      %get3A_1113 = arith.constant 32 : index
      %get3A_1114 = tpu.vector_load %arg10[%get3A_1112, %get3A_1113] {strides = array<i32>} : memref<1408x64xf32, #tpu.memory_space<vmem>>, vector<1x16xf32>,
      %get3A_1115 = vector.shape_cast %get3A_1114 : vector<1x16xf32> to vector<16xf32>
      %mul3A_1116 = arith.mulf %get3A_997, %get3A_1115 : vector<16xf32>
      %add3A_1117 = arith.addf %add3A_1111, %mul3A_1116 : vector<16xf32>
      %get3A_1118 = arith.index_cast %add3A_1100 : i32 to index
      %get3A_1119 = arith.constant 48 : index
      %get3A_1120 = tpu.vector_load %arg10[%get3A_1118, %get3A_1119] {strides = array<i32>} : memref<1408x64xf32, #tpu.memory_space<vmem>>, vector<1x16xf32>,
      %get3A_1121 = vector.shape_cast %get3A_1120 : vector<1x16xf32> to vector<16xf32>
      %mul3A_1122 = arith.mulf %get3A_1001, %get3A_1121 : vector<16xf32>
      %add3A_1123 = arith.addf %add3A_1117, %mul3A_1122 : vector<16xf32>
      %swap3A_1124 = arith.index_cast %scan3A_986 : i32 to index
      %swap3A_1125 = arith.constant 48 : index
      %swap3A_1126 = tpu.vector_load %arg11[%swap3A_1124, %swap3A_1125] {strides = array<i32>} : memref<128x176xf32, #tpu.memory_space<vmem>>, vector<1x16xf32>,
      %swap3A_1127 = vector.shape_cast %swap3A_1126 : vector<1x16xf32> to vector<16xf32>
      %swap3A_1128 = vector.shape_cast %add3A_1123 : vector<16xf32> to vector<1x16xf32>
      tpu.vector_store %arg11[%swap3A_1124, %swap3A_1125], %swap3A_1128 {strides = array<i32>} : memref<128x176xf32, #tpu.memory_space<vmem>>, vector<1x16xf32>,
      %mul3A_1129 = arith.constant 11 : i32
      %mul3A_1130 = arith.muli %scan3A_986, %mul3A_1129 : i32
      %add3A_1131 = arith.constant 4 : i32
      %add3A_1132 = arith.addi %mul3A_1130, %add3A_1131 : i32
      %get3A_1133 = arith.index_cast %add3A_1132 : i32 to index
      %get3A_1134 = arith.constant 0 : index
      %get3A_1135 = tpu.vector_load %arg10[%get3A_1133, %get3A_1134] {strides = array<i32>} : memref<1408x64xf32, #tpu.memory_space<vmem>>, vector<1x16xf32>,
      %get3A_1136 = vector.shape_cast %get3A_1135 : vector<1x16xf32> to vector<16xf32>
      %mul3A_1137 = arith.mulf %get3A_989, %get3A_1136 : vector<16xf32>
      %get3A_1138 = arith.index_cast %add3A_1132 : i32 to index
      %get3A_1139 = arith.constant 16 : index
      %get3A_1140 = tpu.vector_load %arg10[%get3A_1138, %get3A_1139] {strides = array<i32>} : memref<1408x64xf32, #tpu.memory_space<vmem>>, vector<1x16xf32>,
      %get3A_1141 = vector.shape_cast %get3A_1140 : vector<1x16xf32> to vector<16xf32>
      %mul3A_1142 = arith.mulf %get3A_993, %get3A_1141 : vector<16xf32>
      %add3A_1143 = arith.addf %mul3A_1137, %mul3A_1142 : vector<16xf32>
      %get3A_1144 = arith.index_cast %add3A_1132 : i32 to index
      %get3A_1145 = arith.constant 32 : index
      %get3A_1146 = tpu.vector_load %arg10[%get3A_1144, %get3A_1145] {strides = array<i32>} : memref<1408x64xf32, #tpu.memory_space<vmem>>, vector<1x16xf32>,
      %get3A_1147 = vector.shape_cast %get3A_1146 : vector<1x16xf32> to vector<16xf32>
      %mul3A_1148 = arith.mulf %get3A_997, %get3A_1147 : vector<16xf32>
      %add3A_1149 = arith.addf %add3A_1143, %mul3A_1148 : vector<16xf32>
      %get3A_1150 = arith.index_cast %add3A_1132 : i32 to index
      %get3A_1151 = arith.constant 48 : index
      %get3A_1152 = tpu.vector_load %arg10[%get3A_1150, %get3A_1151] {strides = array<i32>} : memref<1408x64xf32, #tpu.memory_space<vmem>>, vector<1x16xf32>,
      %get3A_1153 = vector.shape_cast %get3A_1152 : vector<1x16xf32> to vector<16xf32>
      %mul3A_1154 = arith.mulf %get3A_1001, %get3A_1153 : vector<16xf32>
      %add3A_1155 = arith.addf %add3A_1149, %mul3A_1154 : vector<16xf32>
      %swap3A_1156 = arith.index_cast %scan3A_986 : i32 to index
      %swap3A_1157 = arith.constant 64 : index
      %swap3A_1158 = tpu.vector_load %arg11[%swap3A_1156, %swap3A_1157] {strides = array<i32>} : memref<128x176xf32, #tpu.memory_space<vmem>>, vector<1x16xf32>,
      %swap3A_1159 = vector.shape_cast %swap3A_1158 : vector<1x16xf32> to vector<16xf32>
      %swap3A_1160 = vector.shape_cast %add3A_1155 : vector<16xf32> to vector<1x16xf32>
      tpu.vector_store %arg11[%swap3A_1156, %swap3A_1157], %swap3A_1160 {strides = array<i32>} : memref<128x176xf32, #tpu.memory_space<vmem>>, vector<1x16xf32>,
      %mul3A_1161 = arith.constant 11 : i32
      %mul3A_1162 = arith.muli %scan3A_986, %mul3A_1161 : i32
      %add3A_1163 = arith.constant 5 : i32
      %add3A_1164 = arith.addi %mul3A_1162, %add3A_1163 : i32
      %get3A_1165 = arith.index_cast %add3A_1164 : i32 to index
      %get3A_1166 = arith.constant 0 : index
      %get3A_1167 = tpu.vector_load %arg10[%get3A_1165, %get3A_1166] {strides = array<i32>} : memref<1408x64xf32, #tpu.memory_space<vmem>>, vector<1x16xf32>,
      %get3A_1168 = vector.shape_cast %get3A_1167 : vector<1x16xf32> to vector<16xf32>
      %mul3A_1169 = arith.mulf %get3A_989, %get3A_1168 : vector<16xf32>
      %get3A_1170 = arith.index_cast %add3A_1164 : i32 to index
      %get3A_1171 = arith.constant 16 : index
      %get3A_1172 = tpu.vector_load %arg10[%get3A_1170, %get3A_1171] {strides = array<i32>} : memref<1408x64xf32, #tpu.memory_space<vmem>>, vector<1x16xf32>,
      %get3A_1173 = vector.shape_cast %get3A_1172 : vector<1x16xf32> to vector<16xf32>
      %mul3A_1174 = arith.mulf %get3A_993, %get3A_1173 : vector<16xf32>
      %add3A_1175 = arith.addf %mul3A_1169, %mul3A_1174 : vector<16xf32>
      %get3A_1176 = arith.index_cast %add3A_1164 : i32 to index
      %get3A_1177 = arith.constant 32 : index
      %get3A_1178 = tpu.vector_load %arg10[%get3A_1176, %get3A_1177] {strides = array<i32>} : memref<1408x64xf32, #tpu.memory_space<vmem>>, vector<1x16xf32>,
      %get3A_1179 = vector.shape_cast %get3A_1178 : vector<1x16xf32> to vector<16xf32>
      %mul3A_1180 = arith.mulf %get3A_997, %get3A_1179 : vector<16xf32>
      %add3A_1181 = arith.addf %add3A_1175, %mul3A_1180 : vector<16xf32>
      %get3A_1182 = arith.index_cast %add3A_1164 : i32 to index
      %get3A_1183 = arith.constant 48 : index
      %get3A_1184 = tpu.vector_load %arg10[%get3A_1182, %get3A_1183] {strides = array<i32>} : memref<1408x64xf32, #tpu.memory_space<vmem>>, vector<1x16xf32>,
      %get3A_1185 = vector.shape_cast %get3A_1184 : vector<1x16xf32> to vector<16xf32>
      %mul3A_1186 = arith.mulf %get3A_1001, %get3A_1185 : vector<16xf32>
      %add3A_1187 = arith.addf %add3A_1181, %mul3A_1186 : vector<16xf32>
      %swap3A_1188 = arith.index_cast %scan3A_986 : i32 to index
      %swap3A_1189 = arith.constant 80 : index
      %swap3A_1190 = tpu.vector_load %arg11[%swap3A_1188, %swap3A_1189] {strides = array<i32>} : memref<128x176xf32, #tpu.memory_space<vmem>>, vector<1x16xf32>,
      %swap3A_1191 = vector.shape_cast %swap3A_1190 : vector<1x16xf32> to vector<16xf32>
      %swap3A_1192 = vector.shape_cast %add3A_1187 : vector<16xf32> to vector<1x16xf32>
      tpu.vector_store %arg11[%swap3A_1188, %swap3A_1189], %swap3A_1192 {strides = array<i32>} : memref<128x176xf32, #tpu.memory_space<vmem>>, vector<1x16xf32>,
      %mul3A_1193 = arith.constant 11 : i32
      %mul3A_1194 = arith.muli %scan3A_986, %mul3A_1193 : i32
      %add3A_1195 = arith.constant 6 : i32
      %add3A_1196 = arith.addi %mul3A_1194, %add3A_1195 : i32
      %get3A_1197 = arith.index_cast %add3A_1196 : i32 to index
      %get3A_1198 = arith.constant 0 : index
      %get3A_1199 = tpu.vector_load %arg10[%get3A_1197, %get3A_1198] {strides = array<i32>} : memref<1408x64xf32, #tpu.memory_space<vmem>>, vector<1x16xf32>,
      %get3A_1200 = vector.shape_cast %get3A_1199 : vector<1x16xf32> to vector<16xf32>
      %mul3A_1201 = arith.mulf %get3A_989, %get3A_1200 : vector<16xf32>
      %get3A_1202 = arith.index_cast %add3A_1196 : i32 to index
      %get3A_1203 = arith.constant 16 : index
      %get3A_1204 = tpu.vector_load %arg10[%get3A_1202, %get3A_1203] {strides = array<i32>} : memref<1408x64xf32, #tpu.memory_space<vmem>>, vector<1x16xf32>,
      %get3A_1205 = vector.shape_cast %get3A_1204 : vector<1x16xf32> to vector<16xf32>
      %mul3A_1206 = arith.mulf %get3A_993, %get3A_1205 : vector<16xf32>
      %add3A_1207 = arith.addf %mul3A_1201, %mul3A_1206 : vector<16xf32>
      %get3A_1208 = arith.index_cast %add3A_1196 : i32 to index
      %get3A_1209 = arith.constant 32 : index
      %get3A_1210 = tpu.vector_load %arg10[%get3A_1208, %get3A_1209] {strides = array<i32>} : memref<1408x64xf32, #tpu.memory_space<vmem>>, vector<1x16xf32>,
      %get3A_1211 = vector.shape_cast %get3A_1210 : vector<1x16xf32> to vector<16xf32>
      %mul3A_1212 = arith.mulf %get3A_997, %get3A_1211 : vector<16xf32>
      %add3A_1213 = arith.addf %add3A_1207, %mul3A_1212 : vector<16xf32>
      %get3A_1214 = arith.index_cast %add3A_1196 : i32 to index
      %get3A_1215 = arith.constant 48 : index
      %get3A_1216 = tpu.vector_load %arg10[%get3A_1214, %get3A_1215] {strides = array<i32>} : memref<1408x64xf32, #tpu.memory_space<vmem>>, vector<1x16xf32>,
      %get3A_1217 = vector.shape_cast %get3A_1216 : vector<1x16xf32> to vector<16xf32>
      %mul3A_1218 = arith.mulf %get3A_1001, %get3A_1217 : vector<16xf32>
      %add3A_1219 = arith.addf %add3A_1213, %mul3A_1218 : vector<16xf32>
      %swap3A_1220 = arith.index_cast %scan3A_986 : i32 to index
      %swap3A_1221 = arith.constant 96 : index
      %swap3A_1222 = tpu.vector_load %arg11[%swap3A_1220, %swap3A_1221] {strides = array<i32>} : memref<128x176xf32, #tpu.memory_space<vmem>>, vector<1x16xf32>,
      %swap3A_1223 = vector.shape_cast %swap3A_1222 : vector<1x16xf32> to vector<16xf32>
      %swap3A_1224 = vector.shape_cast %add3A_1219 : vector<16xf32> to vector<1x16xf32>
      tpu.vector_store %arg11[%swap3A_1220, %swap3A_1221], %swap3A_1224 {strides = array<i32>} : memref<128x176xf32, #tpu.memory_space<vmem>>, vector<1x16xf32>,
      %mul3A_1225 = arith.constant 11 : i32
      %mul3A_1226 = arith.muli %scan3A_986, %mul3A_1225 : i32
      %add3A_1227 = arith.constant 7 : i32
      %add3A_1228 = arith.addi %mul3A_1226, %add3A_1227 : i32
      %get3A_1229 = arith.index_cast %add3A_1228 : i32 to index
      %get3A_1230 = arith.constant 0 : index
      %get3A_1231 = tpu.vector_load %arg10[%get3A_1229, %get3A_1230] {strides = array<i32>} : memref<1408x64xf32, #tpu.memory_space<vmem>>, vector<1x16xf32>,
      %get3A_1232 = vector.shape_cast %get3A_1231 : vector<1x16xf32> to vector<16xf32>
      %mul3A_1233 = arith.mulf %get3A_989, %get3A_1232 : vector<16xf32>
      %get3A_1234 = arith.index_cast %add3A_1228 : i32 to index
      %get3A_1235 = arith.constant 16 : index
      %get3A_1236 = tpu.vector_load %arg10[%get3A_1234, %get3A_1235] {strides = array<i32>} : memref<1408x64xf32, #tpu.memory_space<vmem>>, vector<1x16xf32>,
      %get3A_1237 = vector.shape_cast %get3A_1236 : vector<1x16xf32> to vector<16xf32>
      %mul3A_1238 = arith.mulf %get3A_993, %get3A_1237 : vector<16xf32>
      %add3A_1239 = arith.addf %mul3A_1233, %mul3A_1238 : vector<16xf32>
      %get3A_1240 = arith.index_cast %add3A_1228 : i32 to index
      %get3A_1241 = arith.constant 32 : index
      %get3A_1242 = tpu.vector_load %arg10[%get3A_1240, %get3A_1241] {strides = array<i32>} : memref<1408x64xf32, #tpu.memory_space<vmem>>, vector<1x16xf32>,
      %get3A_1243 = vector.shape_cast %get3A_1242 : vector<1x16xf32> to vector<16xf32>
      %mul3A_1244 = arith.mulf %get3A_997, %get3A_1243 : vector<16xf32>
      %add3A_1245 = arith.addf %add3A_1239, %mul3A_1244 : vector<16xf32>
      %get3A_1246 = arith.index_cast %add3A_1228 : i32 to index
      %get3A_1247 = arith.constant 48 : index
      %get3A_1248 = tpu.vector_load %arg10[%get3A_1246, %get3A_1247] {strides = array<i32>} : memref<1408x64xf32, #tpu.memory_space<vmem>>, vector<1x16xf32>,
      %get3A_1249 = vector.shape_cast %get3A_1248 : vector<1x16xf32> to vector<16xf32>
      %mul3A_1250 = arith.mulf %get3A_1001, %get3A_1249 : vector<16xf32>
      %add3A_1251 = arith.addf %add3A_1245, %mul3A_1250 : vector<16xf32>
      %swap3A_1252 = arith.index_cast %scan3A_986 : i32 to index
      %swap3A_1253 = arith.constant 112 : index
      %swap3A_1254 = tpu.vector_load %arg11[%swap3A_1252, %swap3A_1253] {strides = array<i32>} : memref<128x176xf32, #tpu.memory_space<vmem>>, vector<1x16xf32>,
      %swap3A_1255 = vector.shape_cast %swap3A_1254 : vector<1x16xf32> to vector<16xf32>
      %swap3A_1256 = vector.shape_cast %add3A_1251 : vector<16xf32> to vector<1x16xf32>
      tpu.vector_store %arg11[%swap3A_1252, %swap3A_1253], %swap3A_1256 {strides = array<i32>} : memref<128x176xf32, #tpu.memory_space<vmem>>, vector<1x16xf32>,
      %mul3A_1257 = arith.constant 11 : i32
      %mul3A_1258 = arith.muli %scan3A_986, %mul3A_1257 : i32
      %add3A_1259 = arith.constant 8 : i32
      %add3A_1260 = arith.addi %mul3A_1258, %add3A_1259 : i32
      %get3A_1261 = arith.index_cast %add3A_1260 : i32 to index
      %get3A_1262 = arith.constant 0 : index
      %get3A_1263 = tpu.vector_load %arg10[%get3A_1261, %get3A_1262] {strides = array<i32>} : memref<1408x64xf32, #tpu.memory_space<vmem>>, vector<1x16xf32>,
      %get3A_1264 = vector.shape_cast %get3A_1263 : vector<1x16xf32> to vector<16xf32>
      %mul3A_1265 = arith.mulf %get3A_989, %get3A_1264 : vector<16xf32>
      %get3A_1266 = arith.index_cast %add3A_1260 : i32 to index
      %get3A_1267 = arith.constant 16 : index
      %get3A_1268 = tpu.vector_load %arg10[%get3A_1266, %get3A_1267] {strides = array<i32>} : memref<1408x64xf32, #tpu.memory_space<vmem>>, vector<1x16xf32>,
      %get3A_1269 = vector.shape_cast %get3A_1268 : vector<1x16xf32> to vector<16xf32>
      %mul3A_1270 = arith.mulf %get3A_993, %get3A_1269 : vector<16xf32>
      %add3A_1271 = arith.addf %mul3A_1265, %mul3A_1270 : vector<16xf32>
      %get3A_1272 = arith.index_cast %add3A_1260 : i32 to index
      %get3A_1273 = arith.constant 32 : index
      %get3A_1274 = tpu.vector_load %arg10[%get3A_1272, %get3A_1273] {strides = array<i32>} : memref<1408x64xf32, #tpu.memory_space<vmem>>, vector<1x16xf32>,
      %get3A_1275 = vector.shape_cast %get3A_1274 : vector<1x16xf32> to vector<16xf32>
      %mul3A_1276 = arith.mulf %get3A_997, %get3A_1275 : vector<16xf32>
      %add3A_1277 = arith.addf %add3A_1271, %mul3A_1276 : vector<16xf32>
      %get3A_1278 = arith.index_cast %add3A_1260 : i32 to index
      %get3A_1279 = arith.constant 48 : index
      %get3A_1280 = tpu.vector_load %arg10[%get3A_1278, %get3A_1279] {strides = array<i32>} : memref<1408x64xf32, #tpu.memory_space<vmem>>, vector<1x16xf32>,
      %get3A_1281 = vector.shape_cast %get3A_1280 : vector<1x16xf32> to vector<16xf32>
      %mul3A_1282 = arith.mulf %get3A_1001, %get3A_1281 : vector<16xf32>
      %add3A_1283 = arith.addf %add3A_1277, %mul3A_1282 : vector<16xf32>
      %swap3A_1284 = arith.index_cast %scan3A_986 : i32 to index
      %swap3A_1285 = arith.constant 128 : index
      %swap3A_1286 = tpu.vector_load %arg11[%swap3A_1284, %swap3A_1285] {strides = array<i32>} : memref<128x176xf32, #tpu.memory_space<vmem>>, vector<1x16xf32>,
      %swap3A_1287 = vector.shape_cast %swap3A_1286 : vector<1x16xf32> to vector<16xf32>
      %swap3A_1288 = vector.shape_cast %add3A_1283 : vector<16xf32> to vector<1x16xf32>
      tpu.vector_store %arg11[%swap3A_1284, %swap3A_1285], %swap3A_1288 {strides = array<i32>} : memref<128x176xf32, #tpu.memory_space<vmem>>, vector<1x16xf32>,
      %mul3A_1289 = arith.constant 11 : i32
      %mul3A_1290 = arith.muli %scan3A_986, %mul3A_1289 : i32
      %add3A_1291 = arith.constant 9 : i32
      %add3A_1292 = arith.addi %mul3A_1290, %add3A_1291 : i32
      %get3A_1293 = arith.index_cast %add3A_1292 : i32 to index
      %get3A_1294 = arith.constant 0 : index
      %get3A_1295 = tpu.vector_load %arg10[%get3A_1293, %get3A_1294] {strides = array<i32>} : memref<1408x64xf32, #tpu.memory_space<vmem>>, vector<1x16xf32>,
      %get3A_1296 = vector.shape_cast %get3A_1295 : vector<1x16xf32> to vector<16xf32>
      %mul3A_1297 = arith.mulf %get3A_989, %get3A_1296 : vector<16xf32>
      %get3A_1298 = arith.index_cast %add3A_1292 : i32 to index
      %get3A_1299 = arith.constant 16 : index
      %get3A_1300 = tpu.vector_load %arg10[%get3A_1298, %get3A_1299] {strides = array<i32>} : memref<1408x64xf32, #tpu.memory_space<vmem>>, vector<1x16xf32>,
      %get3A_1301 = vector.shape_cast %get3A_1300 : vector<1x16xf32> to vector<16xf32>
      %mul3A_1302 = arith.mulf %get3A_993, %get3A_1301 : vector<16xf32>
      %add3A_1303 = arith.addf %mul3A_1297, %mul3A_1302 : vector<16xf32>
      %get3A_1304 = arith.index_cast %add3A_1292 : i32 to index
      %get3A_1305 = arith.constant 32 : index
      %get3A_1306 = tpu.vector_load %arg10[%get3A_1304, %get3A_1305] {strides = array<i32>} : memref<1408x64xf32, #tpu.memory_space<vmem>>, vector<1x16xf32>,
      %get3A_1307 = vector.shape_cast %get3A_1306 : vector<1x16xf32> to vector<16xf32>
      %mul3A_1308 = arith.mulf %get3A_997, %get3A_1307 : vector<16xf32>
      %add3A_1309 = arith.addf %add3A_1303, %mul3A_1308 : vector<16xf32>
      %get3A_1310 = arith.index_cast %add3A_1292 : i32 to index
      %get3A_1311 = arith.constant 48 : index
      %get3A_1312 = tpu.vector_load %arg10[%get3A_1310, %get3A_1311] {strides = array<i32>} : memref<1408x64xf32, #tpu.memory_space<vmem>>, vector<1x16xf32>,
      %get3A_1313 = vector.shape_cast %get3A_1312 : vector<1x16xf32> to vector<16xf32>
      %mul3A_1314 = arith.mulf %get3A_1001, %get3A_1313 : vector<16xf32>
      %add3A_1315 = arith.addf %add3A_1309, %mul3A_1314 : vector<16xf32>
      %swap3A_1316 = arith.index_cast %scan3A_986 : i32 to index
      %swap3A_1317 = arith.constant 144 : index
      %swap3A_1318 = tpu.vector_load %arg11[%swap3A_1316, %swap3A_1317] {strides = array<i32>} : memref<128x176xf32, #tpu.memory_space<vmem>>, vector<1x16xf32>,
      %swap3A_1319 = vector.shape_cast %swap3A_1318 : vector<1x16xf32> to vector<16xf32>
      %swap3A_1320 = vector.shape_cast %add3A_1315 : vector<16xf32> to vector<1x16xf32>
      tpu.vector_store %arg11[%swap3A_1316, %swap3A_1317], %swap3A_1320 {strides = array<i32>} : memref<128x176xf32, #tpu.memory_space<vmem>>, vector<1x16xf32>,
      %mul3A_1321 = arith.constant 11 : i32
      %mul3A_1322 = arith.muli %scan3A_986, %mul3A_1321 : i32
      %add3A_1323 = arith.constant 10 : i32
      %add3A_1324 = arith.addi %mul3A_1322, %add3A_1323 : i32
      %get3A_1325 = arith.index_cast %add3A_1324 : i32 to index
      %get3A_1326 = arith.constant 0 : index
      %get3A_1327 = tpu.vector_load %arg10[%get3A_1325, %get3A_1326] {strides = array<i32>} : memref<1408x64xf32, #tpu.memory_space<vmem>>, vector<1x16xf32>,
      %get3A_1328 = vector.shape_cast %get3A_1327 : vector<1x16xf32> to vector<16xf32>
      %mul3A_1329 = arith.mulf %get3A_989, %get3A_1328 : vector<16xf32>
      %get3A_1330 = arith.index_cast %add3A_1324 : i32 to index
      %get3A_1331 = arith.constant 16 : index
      %get3A_1332 = tpu.vector_load %arg10[%get3A_1330, %get3A_1331] {strides = array<i32>} : memref<1408x64xf32, #tpu.memory_space<vmem>>, vector<1x16xf32>,
      %get3A_1333 = vector.shape_cast %get3A_1332 : vector<1x16xf32> to vector<16xf32>
      %mul3A_1334 = arith.mulf %get3A_993, %get3A_1333 : vector<16xf32>
      %add3A_1335 = arith.addf %mul3A_1329, %mul3A_1334 : vector<16xf32>
      %get3A_1336 = arith.index_cast %add3A_1324 : i32 to index
      %get3A_1337 = arith.constant 32 : index
      %get3A_1338 = tpu.vector_load %arg10[%get3A_1336, %get3A_1337] {strides = array<i32>} : memref<1408x64xf32, #tpu.memory_space<vmem>>, vector<1x16xf32>,
      %get3A_1339 = vector.shape_cast %get3A_1338 : vector<1x16xf32> to vector<16xf32>
      %mul3A_1340 = arith.mulf %get3A_997, %get3A_1339 : vector<16xf32>
      %add3A_1341 = arith.addf %add3A_1335, %mul3A_1340 : vector<16xf32>
      %get3A_1342 = arith.index_cast %add3A_1324 : i32 to index
      %get3A_1343 = arith.constant 48 : index
      %get3A_1344 = tpu.vector_load %arg10[%get3A_1342, %get3A_1343] {strides = array<i32>} : memref<1408x64xf32, #tpu.memory_space<vmem>>, vector<1x16xf32>,
      %get3A_1345 = vector.shape_cast %get3A_1344 : vector<1x16xf32> to vector<16xf32>
      %mul3A_1346 = arith.mulf %get3A_1001, %get3A_1345 : vector<16xf32>
      %add3A_1347 = arith.addf %add3A_1341, %mul3A_1346 : vector<16xf32>
      %swap3A_1348 = arith.index_cast %scan3A_986 : i32 to index
      %swap3A_1349 = arith.constant 160 : index
      %swap3A_1350 = tpu.vector_load %arg11[%swap3A_1348, %swap3A_1349] {strides = array<i32>} : memref<128x176xf32, #tpu.memory_space<vmem>>, vector<1x16xf32>,
      %swap3A_1351 = vector.shape_cast %swap3A_1350 : vector<1x16xf32> to vector<16xf32>
      %swap3A_1352 = vector.shape_cast %add3A_1347 : vector<16xf32> to vector<1x16xf32>
      tpu.vector_store %arg11[%swap3A_1348, %swap3A_1349], %swap3A_1352 {strides = array<i32>} : memref<128x176xf32, #tpu.memory_space<vmem>>, vector<1x16xf32>,
    }
    %scan3A_487 = arith.constant 128 : i32
    %mul3A_488 = arith.constant 4 : i32
    %mul3A_489 = arith.muli %add3A, %mul3A_488 : i32
    %add3A_490 = arith.constant 1 : i32
    %add3A_491 = arith.addi %mul3A_489, %add3A_490 : i32
    %mul3A_492 = arith.constant 128 : i32
    %mul3A_493 = arith.muli %add3A_491, %mul3A_492 : i32
    "tpu.region"() ({
      %run_scoped3A = tpu.sem_alloc : memref<!tpu.dma_semaphore, #tpu.memory_space<semaphore_mem>>
      %dma_start3A_986 = arith.constant 0 : i32
      %dma_start3A_987 = tpu.memref_slice %arg6[%mul3A_493, %dma_start3A_986] : memref<16384x176xf32, #tpu.memory_space<hbm>> -> memref<128x176xf32, #tpu.memory_space<hbm>>
      %dma_start3A_988 = arith.constant 0 : i32
      %dma_start3A_989 = tpu.memref_slice %arg6[%mul3A_493, %dma_start3A_988] : memref<16384x176xf32, #tpu.memory_space<hbm>> -> memref<128x176xf32, #tpu.memory_space<hbm>>
      tpu.enqueue_dma source(%arg11 : memref<128x176xf32, #tpu.memory_space<vmem>>) target(%dma_start3A_989 : memref<128x176xf32, #tpu.memory_space<hbm>>) target_semaphore(%run_scoped3A : memref<!tpu.dma_semaphore, #tpu.memory_space<semaphore_mem>>)
      %dma_wait3A_990 = arith.constant 0 : i32
      %dma_wait3A_991 = tpu.memref_slice %arg6[%mul3A_493, %dma_wait3A_990] : memref<16384x176xf32, #tpu.memory_space<hbm>> -> memref<128x176xf32, #tpu.memory_space<hbm>>
      %dma_wait3A_992 = arith.constant 0 : i32
      %dma_wait3A_993 = tpu.memref_slice %arg6[%mul3A_493, %dma_wait3A_992] : memref<16384x176xf32, #tpu.memory_space<hbm>> -> memref<128x176xf32, #tpu.memory_space<hbm>>
      tpu.wait_dma2 semaphore(%run_scoped3A : memref<!tpu.dma_semaphore, #tpu.memory_space<semaphore_mem>>) src(%arg11 : memref<128x176xf32, #tpu.memory_space<vmem>>) dst(%dma_wait3A_993 : memref<128x176xf32, #tpu.memory_space<hbm>>)
      tpu.yield
    }) : () -> ()
    %dma_start3A_494 = arith.constant 2 : i32
    %dma_start3A_495 = arith.constant 0 : i32
    %dma_start3A_496 = tpu.memref_slice %arg7[%dma_start3A_494, %dma_start3A_495] : memref<8x128xi32, #tpu.memory_space<vmem>> -> memref<1x128xi32, #tpu.memory_space<vmem>>
    %dma_start3A_497 = tpu.memref_squeeze %dma_start3A_496 : memref<1x128xi32, #tpu.memory_space<vmem>> -> memref<128xi32, #tpu.memory_space<vmem>>
    %dma_start3A_498 = arith.constant 0 : i32
    %dma_start3A_499 = arith.constant 0 : i32
    %dma_start3A_500 = tpu.memref_slice %arg4[%dma_start3A_498, %dma_start3A_499] : memref<1000000x64xf32, #tpu.memory_space<hbm>> -> memref<1000000x64xf32, #tpu.memory_space<hbm>>
    tpu.enqueue_indirect_dma source(%dma_start3A_500 : memref<1000000x64xf32, #tpu.memory_space<hbm>>) target(%arg9 : memref<128x64xf32, #tpu.memory_space<vmem>>) offsets(%dma_start3A_497 : memref<128xi32, #tpu.memory_space<vmem>>) semaphore(%arg12 : memref<!tpu.dma_semaphore, #tpu.memory_space<semaphore_mem>>)
    %dma_start3A_501 = arith.constant 22 : i32
    %dma_start3A_502 = arith.constant 0 : i32
    %dma_start3A_503 = arith.constant 0 : i32
    %dma_start3A_504 = tpu.memref_slice %arg10[%dma_start3A_502, %dma_start3A_503] : memref<1408x64xf32, #tpu.memory_space<vmem>> -> memref<128x64xf32, #tpu.memory_space<vmem>>
    %dma_start3A_505 = arith.constant 0 : i32
    %dma_start3A_506 = tpu.memref_slice %arg8[%dma_start3A_501, %dma_start3A_505] : memref<48x128xi32, #tpu.memory_space<vmem>> -> memref<1x128xi32, #tpu.memory_space<vmem>>
    %dma_start3A_507 = tpu.memref_squeeze %dma_start3A_506 : memref<1x128xi32, #tpu.memory_space<vmem>> -> memref<128xi32, #tpu.memory_space<vmem>>
    %dma_start3A_508 = arith.constant 0 : i32
    %dma_start3A_509 = arith.constant 0 : i32
    %dma_start3A_510 = tpu.memref_slice %arg5[%dma_start3A_508, %dma_start3A_509] : memref<1000000x64xf32, #tpu.memory_space<hbm>> -> memref<1000000x64xf32, #tpu.memory_space<hbm>>
    tpu.enqueue_indirect_dma source(%dma_start3A_510 : memref<1000000x64xf32, #tpu.memory_space<hbm>>) target(%dma_start3A_504 : memref<128x64xf32, #tpu.memory_space<vmem>>) offsets(%dma_start3A_507 : memref<128xi32, #tpu.memory_space<vmem>>) semaphore(%arg13 : memref<!tpu.dma_semaphore, #tpu.memory_space<semaphore_mem>>)
    %dma_start3A_511 = arith.constant 23 : i32
    %dma_start3A_512 = arith.constant 128 : i32
    %dma_start3A_513 = arith.constant 0 : i32
    %dma_start3A_514 = tpu.memref_slice %arg10[%dma_start3A_512, %dma_start3A_513] : memref<1408x64xf32, #tpu.memory_space<vmem>> -> memref<128x64xf32, #tpu.memory_space<vmem>>
    %dma_start3A_515 = arith.constant 0 : i32
    %dma_start3A_516 = tpu.memref_slice %arg8[%dma_start3A_511, %dma_start3A_515] : memref<48x128xi32, #tpu.memory_space<vmem>> -> memref<1x128xi32, #tpu.memory_space<vmem>>
    %dma_start3A_517 = tpu.memref_squeeze %dma_start3A_516 : memref<1x128xi32, #tpu.memory_space<vmem>> -> memref<128xi32, #tpu.memory_space<vmem>>
    %dma_start3A_518 = arith.constant 0 : i32
    %dma_start3A_519 = arith.constant 0 : i32
    %dma_start3A_520 = tpu.memref_slice %arg5[%dma_start3A_518, %dma_start3A_519] : memref<1000000x64xf32, #tpu.memory_space<hbm>> -> memref<1000000x64xf32, #tpu.memory_space<hbm>>
    tpu.enqueue_indirect_dma source(%dma_start3A_520 : memref<1000000x64xf32, #tpu.memory_space<hbm>>) target(%dma_start3A_514 : memref<128x64xf32, #tpu.memory_space<vmem>>) offsets(%dma_start3A_517 : memref<128xi32, #tpu.memory_space<vmem>>) semaphore(%arg13 : memref<!tpu.dma_semaphore, #tpu.memory_space<semaphore_mem>>)
    %dma_start3A_521 = arith.constant 24 : i32
    %dma_start3A_522 = arith.constant 256 : i32
    %dma_start3A_523 = arith.constant 0 : i32
    %dma_start3A_524 = tpu.memref_slice %arg10[%dma_start3A_522, %dma_start3A_523] : memref<1408x64xf32, #tpu.memory_space<vmem>> -> memref<128x64xf32, #tpu.memory_space<vmem>>
    %dma_start3A_525 = arith.constant 0 : i32
    %dma_start3A_526 = tpu.memref_slice %arg8[%dma_start3A_521, %dma_start3A_525] : memref<48x128xi32, #tpu.memory_space<vmem>> -> memref<1x128xi32, #tpu.memory_space<vmem>>
    %dma_start3A_527 = tpu.memref_squeeze %dma_start3A_526 : memref<1x128xi32, #tpu.memory_space<vmem>> -> memref<128xi32, #tpu.memory_space<vmem>>
    %dma_start3A_528 = arith.constant 0 : i32
    %dma_start3A_529 = arith.constant 0 : i32
    %dma_start3A_530 = tpu.memref_slice %arg5[%dma_start3A_528, %dma_start3A_529] : memref<1000000x64xf32, #tpu.memory_space<hbm>> -> memref<1000000x64xf32, #tpu.memory_space<hbm>>
    tpu.enqueue_indirect_dma source(%dma_start3A_530 : memref<1000000x64xf32, #tpu.memory_space<hbm>>) target(%dma_start3A_524 : memref<128x64xf32, #tpu.memory_space<vmem>>) offsets(%dma_start3A_527 : memref<128xi32, #tpu.memory_space<vmem>>) semaphore(%arg13 : memref<!tpu.dma_semaphore, #tpu.memory_space<semaphore_mem>>)
    %dma_start3A_531 = arith.constant 25 : i32
    %dma_start3A_532 = arith.constant 384 : i32
    %dma_start3A_533 = arith.constant 0 : i32
    %dma_start3A_534 = tpu.memref_slice %arg10[%dma_start3A_532, %dma_start3A_533] : memref<1408x64xf32, #tpu.memory_space<vmem>> -> memref<128x64xf32, #tpu.memory_space<vmem>>
    %dma_start3A_535 = arith.constant 0 : i32
    %dma_start3A_536 = tpu.memref_slice %arg8[%dma_start3A_531, %dma_start3A_535] : memref<48x128xi32, #tpu.memory_space<vmem>> -> memref<1x128xi32, #tpu.memory_space<vmem>>
    %dma_start3A_537 = tpu.memref_squeeze %dma_start3A_536 : memref<1x128xi32, #tpu.memory_space<vmem>> -> memref<128xi32, #tpu.memory_space<vmem>>
    %dma_start3A_538 = arith.constant 0 : i32
    %dma_start3A_539 = arith.constant 0 : i32
    %dma_start3A_540 = tpu.memref_slice %arg5[%dma_start3A_538, %dma_start3A_539] : memref<1000000x64xf32, #tpu.memory_space<hbm>> -> memref<1000000x64xf32, #tpu.memory_space<hbm>>
    tpu.enqueue_indirect_dma source(%dma_start3A_540 : memref<1000000x64xf32, #tpu.memory_space<hbm>>) target(%dma_start3A_534 : memref<128x64xf32, #tpu.memory_space<vmem>>) offsets(%dma_start3A_537 : memref<128xi32, #tpu.memory_space<vmem>>) semaphore(%arg13 : memref<!tpu.dma_semaphore, #tpu.memory_space<semaphore_mem>>)
    %dma_start3A_541 = arith.constant 26 : i32
    %dma_start3A_542 = arith.constant 512 : i32
    %dma_start3A_543 = arith.constant 0 : i32
    %dma_start3A_544 = tpu.memref_slice %arg10[%dma_start3A_542, %dma_start3A_543] : memref<1408x64xf32, #tpu.memory_space<vmem>> -> memref<128x64xf32, #tpu.memory_space<vmem>>
    %dma_start3A_545 = arith.constant 0 : i32
    %dma_start3A_546 = tpu.memref_slice %arg8[%dma_start3A_541, %dma_start3A_545] : memref<48x128xi32, #tpu.memory_space<vmem>> -> memref<1x128xi32, #tpu.memory_space<vmem>>
    %dma_start3A_547 = tpu.memref_squeeze %dma_start3A_546 : memref<1x128xi32, #tpu.memory_space<vmem>> -> memref<128xi32, #tpu.memory_space<vmem>>
    %dma_start3A_548 = arith.constant 0 : i32
    %dma_start3A_549 = arith.constant 0 : i32
    %dma_start3A_550 = tpu.memref_slice %arg5[%dma_start3A_548, %dma_start3A_549] : memref<1000000x64xf32, #tpu.memory_space<hbm>> -> memref<1000000x64xf32, #tpu.memory_space<hbm>>
    tpu.enqueue_indirect_dma source(%dma_start3A_550 : memref<1000000x64xf32, #tpu.memory_space<hbm>>) target(%dma_start3A_544 : memref<128x64xf32, #tpu.memory_space<vmem>>) offsets(%dma_start3A_547 : memref<128xi32, #tpu.memory_space<vmem>>) semaphore(%arg13 : memref<!tpu.dma_semaphore, #tpu.memory_space<semaphore_mem>>)
    %dma_start3A_551 = arith.constant 27 : i32
    %dma_start3A_552 = arith.constant 640 : i32
    %dma_start3A_553 = arith.constant 0 : i32
    %dma_start3A_554 = tpu.memref_slice %arg10[%dma_start3A_552, %dma_start3A_553] : memref<1408x64xf32, #tpu.memory_space<vmem>> -> memref<128x64xf32, #tpu.memory_space<vmem>>
    %dma_start3A_555 = arith.constant 0 : i32
    %dma_start3A_556 = tpu.memref_slice %arg8[%dma_start3A_551, %dma_start3A_555] : memref<48x128xi32, #tpu.memory_space<vmem>> -> memref<1x128xi32, #tpu.memory_space<vmem>>
    %dma_start3A_557 = tpu.memref_squeeze %dma_start3A_556 : memref<1x128xi32, #tpu.memory_space<vmem>> -> memref<128xi32, #tpu.memory_space<vmem>>
    %dma_start3A_558 = arith.constant 0 : i32
    %dma_start3A_559 = arith.constant 0 : i32
    %dma_start3A_560 = tpu.memref_slice %arg5[%dma_start3A_558, %dma_start3A_559] : memref<1000000x64xf32, #tpu.memory_space<hbm>> -> memref<1000000x64xf32, #tpu.memory_space<hbm>>
    tpu.enqueue_indirect_dma source(%dma_start3A_560 : memref<1000000x64xf32, #tpu.memory_space<hbm>>) target(%dma_start3A_554 : memref<128x64xf32, #tpu.memory_space<vmem>>) offsets(%dma_start3A_557 : memref<128xi32, #tpu.memory_space<vmem>>) semaphore(%arg13 : memref<!tpu.dma_semaphore, #tpu.memory_space<semaphore_mem>>)
    %dma_start3A_561 = arith.constant 28 : i32
    %dma_start3A_562 = arith.constant 768 : i32
    %dma_start3A_563 = arith.constant 0 : i32
    %dma_start3A_564 = tpu.memref_slice %arg10[%dma_start3A_562, %dma_start3A_563] : memref<1408x64xf32, #tpu.memory_space<vmem>> -> memref<128x64xf32, #tpu.memory_space<vmem>>
    %dma_start3A_565 = arith.constant 0 : i32
    %dma_start3A_566 = tpu.memref_slice %arg8[%dma_start3A_561, %dma_start3A_565] : memref<48x128xi32, #tpu.memory_space<vmem>> -> memref<1x128xi32, #tpu.memory_space<vmem>>
    %dma_start3A_567 = tpu.memref_squeeze %dma_start3A_566 : memref<1x128xi32, #tpu.memory_space<vmem>> -> memref<128xi32, #tpu.memory_space<vmem>>
    %dma_start3A_568 = arith.constant 0 : i32
    %dma_start3A_569 = arith.constant 0 : i32
    %dma_start3A_570 = tpu.memref_slice %arg5[%dma_start3A_568, %dma_start3A_569] : memref<1000000x64xf32, #tpu.memory_space<hbm>> -> memref<1000000x64xf32, #tpu.memory_space<hbm>>
    tpu.enqueue_indirect_dma source(%dma_start3A_570 : memref<1000000x64xf32, #tpu.memory_space<hbm>>) target(%dma_start3A_564 : memref<128x64xf32, #tpu.memory_space<vmem>>) offsets(%dma_start3A_567 : memref<128xi32, #tpu.memory_space<vmem>>) semaphore(%arg13 : memref<!tpu.dma_semaphore, #tpu.memory_space<semaphore_mem>>)
    %dma_start3A_571 = arith.constant 29 : i32
    %dma_start3A_572 = arith.constant 896 : i32
    %dma_start3A_573 = arith.constant 0 : i32
    %dma_start3A_574 = tpu.memref_slice %arg10[%dma_start3A_572, %dma_start3A_573] : memref<1408x64xf32, #tpu.memory_space<vmem>> -> memref<128x64xf32, #tpu.memory_space<vmem>>
    %dma_start3A_575 = arith.constant 0 : i32
    %dma_start3A_576 = tpu.memref_slice %arg8[%dma_start3A_571, %dma_start3A_575] : memref<48x128xi32, #tpu.memory_space<vmem>> -> memref<1x128xi32, #tpu.memory_space<vmem>>
    %dma_start3A_577 = tpu.memref_squeeze %dma_start3A_576 : memref<1x128xi32, #tpu.memory_space<vmem>> -> memref<128xi32, #tpu.memory_space<vmem>>
    %dma_start3A_578 = arith.constant 0 : i32
    %dma_start3A_579 = arith.constant 0 : i32
    %dma_start3A_580 = tpu.memref_slice %arg5[%dma_start3A_578, %dma_start3A_579] : memref<1000000x64xf32, #tpu.memory_space<hbm>> -> memref<1000000x64xf32, #tpu.memory_space<hbm>>
    tpu.enqueue_indirect_dma source(%dma_start3A_580 : memref<1000000x64xf32, #tpu.memory_space<hbm>>) target(%dma_start3A_574 : memref<128x64xf32, #tpu.memory_space<vmem>>) offsets(%dma_start3A_577 : memref<128xi32, #tpu.memory_space<vmem>>) semaphore(%arg13 : memref<!tpu.dma_semaphore, #tpu.memory_space<semaphore_mem>>)
    %dma_start3A_581 = arith.constant 30 : i32
    %dma_start3A_582 = arith.constant 1024 : i32
    %dma_start3A_583 = arith.constant 0 : i32
    %dma_start3A_584 = tpu.memref_slice %arg10[%dma_start3A_582, %dma_start3A_583] : memref<1408x64xf32, #tpu.memory_space<vmem>> -> memref<128x64xf32, #tpu.memory_space<vmem>>
    %dma_start3A_585 = arith.constant 0 : i32
    %dma_start3A_586 = tpu.memref_slice %arg8[%dma_start3A_581, %dma_start3A_585] : memref<48x128xi32, #tpu.memory_space<vmem>> -> memref<1x128xi32, #tpu.memory_space<vmem>>
    %dma_start3A_587 = tpu.memref_squeeze %dma_start3A_586 : memref<1x128xi32, #tpu.memory_space<vmem>> -> memref<128xi32, #tpu.memory_space<vmem>>
    %dma_start3A_588 = arith.constant 0 : i32
    %dma_start3A_589 = arith.constant 0 : i32
    %dma_start3A_590 = tpu.memref_slice %arg5[%dma_start3A_588, %dma_start3A_589] : memref<1000000x64xf32, #tpu.memory_space<hbm>> -> memref<1000000x64xf32, #tpu.memory_space<hbm>>
    tpu.enqueue_indirect_dma source(%dma_start3A_590 : memref<1000000x64xf32, #tpu.memory_space<hbm>>) target(%dma_start3A_584 : memref<128x64xf32, #tpu.memory_space<vmem>>) offsets(%dma_start3A_587 : memref<128xi32, #tpu.memory_space<vmem>>) semaphore(%arg13 : memref<!tpu.dma_semaphore, #tpu.memory_space<semaphore_mem>>)
    %dma_start3A_591 = arith.constant 31 : i32
    %dma_start3A_592 = arith.constant 1152 : i32
    %dma_start3A_593 = arith.constant 0 : i32
    %dma_start3A_594 = tpu.memref_slice %arg10[%dma_start3A_592, %dma_start3A_593] : memref<1408x64xf32, #tpu.memory_space<vmem>> -> memref<128x64xf32, #tpu.memory_space<vmem>>
    %dma_start3A_595 = arith.constant 0 : i32
    %dma_start3A_596 = tpu.memref_slice %arg8[%dma_start3A_591, %dma_start3A_595] : memref<48x128xi32, #tpu.memory_space<vmem>> -> memref<1x128xi32, #tpu.memory_space<vmem>>
    %dma_start3A_597 = tpu.memref_squeeze %dma_start3A_596 : memref<1x128xi32, #tpu.memory_space<vmem>> -> memref<128xi32, #tpu.memory_space<vmem>>
    %dma_start3A_598 = arith.constant 0 : i32
    %dma_start3A_599 = arith.constant 0 : i32
    %dma_start3A_600 = tpu.memref_slice %arg5[%dma_start3A_598, %dma_start3A_599] : memref<1000000x64xf32, #tpu.memory_space<hbm>> -> memref<1000000x64xf32, #tpu.memory_space<hbm>>
    tpu.enqueue_indirect_dma source(%dma_start3A_600 : memref<1000000x64xf32, #tpu.memory_space<hbm>>) target(%dma_start3A_594 : memref<128x64xf32, #tpu.memory_space<vmem>>) offsets(%dma_start3A_597 : memref<128xi32, #tpu.memory_space<vmem>>) semaphore(%arg13 : memref<!tpu.dma_semaphore, #tpu.memory_space<semaphore_mem>>)
    %dma_start3A_601 = arith.constant 32 : i32
    %dma_start3A_602 = arith.constant 1280 : i32
    %dma_start3A_603 = arith.constant 0 : i32
    %dma_start3A_604 = tpu.memref_slice %arg10[%dma_start3A_602, %dma_start3A_603] : memref<1408x64xf32, #tpu.memory_space<vmem>> -> memref<128x64xf32, #tpu.memory_space<vmem>>
    %dma_start3A_605 = arith.constant 0 : i32
    %dma_start3A_606 = tpu.memref_slice %arg8[%dma_start3A_601, %dma_start3A_605] : memref<48x128xi32, #tpu.memory_space<vmem>> -> memref<1x128xi32, #tpu.memory_space<vmem>>
    %dma_start3A_607 = tpu.memref_squeeze %dma_start3A_606 : memref<1x128xi32, #tpu.memory_space<vmem>> -> memref<128xi32, #tpu.memory_space<vmem>>
    %dma_start3A_608 = arith.constant 0 : i32
    %dma_start3A_609 = arith.constant 0 : i32
    %dma_start3A_610 = tpu.memref_slice %arg5[%dma_start3A_608, %dma_start3A_609] : memref<1000000x64xf32, #tpu.memory_space<hbm>> -> memref<1000000x64xf32, #tpu.memory_space<hbm>>
    tpu.enqueue_indirect_dma source(%dma_start3A_610 : memref<1000000x64xf32, #tpu.memory_space<hbm>>) target(%dma_start3A_604 : memref<128x64xf32, #tpu.memory_space<vmem>>) offsets(%dma_start3A_607 : memref<128xi32, #tpu.memory_space<vmem>>) semaphore(%arg13 : memref<!tpu.dma_semaphore, #tpu.memory_space<semaphore_mem>>)
    %dma_wait3A_611 = arith.constant 2 : i32
    %dma_wait3A_612 = arith.constant 0 : i32
    %dma_wait3A_613 = tpu.memref_slice %arg7[%dma_wait3A_611, %dma_wait3A_612] : memref<8x128xi32, #tpu.memory_space<vmem>> -> memref<1x128xi32, #tpu.memory_space<vmem>>
    %dma_wait3A_614 = tpu.memref_squeeze %dma_wait3A_613 : memref<1x128xi32, #tpu.memory_space<vmem>> -> memref<128xi32, #tpu.memory_space<vmem>>
    %dma_wait3A_615 = arith.constant 0 : i32
    %dma_wait3A_616 = arith.constant 0 : i32
    %dma_wait3A_617 = tpu.memref_slice %arg4[%dma_wait3A_615, %dma_wait3A_616] : memref<1000000x64xf32, #tpu.memory_space<hbm>> -> memref<1000000x64xf32, #tpu.memory_space<hbm>>
    tpu.wait_indirect_dma semaphore(%arg12 : memref<!tpu.dma_semaphore, #tpu.memory_space<semaphore_mem>>) src(%dma_wait3A_617 : memref<1000000x64xf32, #tpu.memory_space<hbm>>) dst(%arg9 : memref<128x64xf32, #tpu.memory_space<vmem>>)
    %dma_wait3A_618 = arith.constant 22 : i32
    %dma_wait3A_619 = arith.constant 0 : i32
    %dma_wait3A_620 = arith.constant 0 : i32
    %dma_wait3A_621 = tpu.memref_slice %arg10[%dma_wait3A_619, %dma_wait3A_620] : memref<1408x64xf32, #tpu.memory_space<vmem>> -> memref<128x64xf32, #tpu.memory_space<vmem>>
    %dma_wait3A_622 = arith.constant 0 : i32
    %dma_wait3A_623 = tpu.memref_slice %arg8[%dma_wait3A_618, %dma_wait3A_622] : memref<48x128xi32, #tpu.memory_space<vmem>> -> memref<1x128xi32, #tpu.memory_space<vmem>>
    %dma_wait3A_624 = tpu.memref_squeeze %dma_wait3A_623 : memref<1x128xi32, #tpu.memory_space<vmem>> -> memref<128xi32, #tpu.memory_space<vmem>>
    %dma_wait3A_625 = arith.constant 0 : i32
    %dma_wait3A_626 = arith.constant 0 : i32
    %dma_wait3A_627 = tpu.memref_slice %arg5[%dma_wait3A_625, %dma_wait3A_626] : memref<1000000x64xf32, #tpu.memory_space<hbm>> -> memref<1000000x64xf32, #tpu.memory_space<hbm>>
    tpu.wait_indirect_dma semaphore(%arg13 : memref<!tpu.dma_semaphore, #tpu.memory_space<semaphore_mem>>) src(%dma_wait3A_627 : memref<1000000x64xf32, #tpu.memory_space<hbm>>) dst(%dma_wait3A_621 : memref<128x64xf32, #tpu.memory_space<vmem>>)
    %dma_wait3A_628 = arith.constant 23 : i32
    %dma_wait3A_629 = arith.constant 128 : i32
    %dma_wait3A_630 = arith.constant 0 : i32
    %dma_wait3A_631 = tpu.memref_slice %arg10[%dma_wait3A_629, %dma_wait3A_630] : memref<1408x64xf32, #tpu.memory_space<vmem>> -> memref<128x64xf32, #tpu.memory_space<vmem>>
    %dma_wait3A_632 = arith.constant 0 : i32
    %dma_wait3A_633 = tpu.memref_slice %arg8[%dma_wait3A_628, %dma_wait3A_632] : memref<48x128xi32, #tpu.memory_space<vmem>> -> memref<1x128xi32, #tpu.memory_space<vmem>>
    %dma_wait3A_634 = tpu.memref_squeeze %dma_wait3A_633 : memref<1x128xi32, #tpu.memory_space<vmem>> -> memref<128xi32, #tpu.memory_space<vmem>>
    %dma_wait3A_635 = arith.constant 0 : i32
    %dma_wait3A_636 = arith.constant 0 : i32
    %dma_wait3A_637 = tpu.memref_slice %arg5[%dma_wait3A_635, %dma_wait3A_636] : memref<1000000x64xf32, #tpu.memory_space<hbm>> -> memref<1000000x64xf32, #tpu.memory_space<hbm>>
    tpu.wait_indirect_dma semaphore(%arg13 : memref<!tpu.dma_semaphore, #tpu.memory_space<semaphore_mem>>) src(%dma_wait3A_637 : memref<1000000x64xf32, #tpu.memory_space<hbm>>) dst(%dma_wait3A_631 : memref<128x64xf32, #tpu.memory_space<vmem>>)
    %dma_wait3A_638 = arith.constant 24 : i32
    %dma_wait3A_639 = arith.constant 256 : i32
    %dma_wait3A_640 = arith.constant 0 : i32
    %dma_wait3A_641 = tpu.memref_slice %arg10[%dma_wait3A_639, %dma_wait3A_640] : memref<1408x64xf32, #tpu.memory_space<vmem>> -> memref<128x64xf32, #tpu.memory_space<vmem>>
    %dma_wait3A_642 = arith.constant 0 : i32
    %dma_wait3A_643 = tpu.memref_slice %arg8[%dma_wait3A_638, %dma_wait3A_642] : memref<48x128xi32, #tpu.memory_space<vmem>> -> memref<1x128xi32, #tpu.memory_space<vmem>>
    %dma_wait3A_644 = tpu.memref_squeeze %dma_wait3A_643 : memref<1x128xi32, #tpu.memory_space<vmem>> -> memref<128xi32, #tpu.memory_space<vmem>>
    %dma_wait3A_645 = arith.constant 0 : i32
    %dma_wait3A_646 = arith.constant 0 : i32
    %dma_wait3A_647 = tpu.memref_slice %arg5[%dma_wait3A_645, %dma_wait3A_646] : memref<1000000x64xf32, #tpu.memory_space<hbm>> -> memref<1000000x64xf32, #tpu.memory_space<hbm>>
    tpu.wait_indirect_dma semaphore(%arg13 : memref<!tpu.dma_semaphore, #tpu.memory_space<semaphore_mem>>) src(%dma_wait3A_647 : memref<1000000x64xf32, #tpu.memory_space<hbm>>) dst(%dma_wait3A_641 : memref<128x64xf32, #tpu.memory_space<vmem>>)
    %dma_wait3A_648 = arith.constant 25 : i32
    %dma_wait3A_649 = arith.constant 384 : i32
    %dma_wait3A_650 = arith.constant 0 : i32
    %dma_wait3A_651 = tpu.memref_slice %arg10[%dma_wait3A_649, %dma_wait3A_650] : memref<1408x64xf32, #tpu.memory_space<vmem>> -> memref<128x64xf32, #tpu.memory_space<vmem>>
    %dma_wait3A_652 = arith.constant 0 : i32
    %dma_wait3A_653 = tpu.memref_slice %arg8[%dma_wait3A_648, %dma_wait3A_652] : memref<48x128xi32, #tpu.memory_space<vmem>> -> memref<1x128xi32, #tpu.memory_space<vmem>>
    %dma_wait3A_654 = tpu.memref_squeeze %dma_wait3A_653 : memref<1x128xi32, #tpu.memory_space<vmem>> -> memref<128xi32, #tpu.memory_space<vmem>>
    %dma_wait3A_655 = arith.constant 0 : i32
    %dma_wait3A_656 = arith.constant 0 : i32
    %dma_wait3A_657 = tpu.memref_slice %arg5[%dma_wait3A_655, %dma_wait3A_656] : memref<1000000x64xf32, #tpu.memory_space<hbm>> -> memref<1000000x64xf32, #tpu.memory_space<hbm>>
    tpu.wait_indirect_dma semaphore(%arg13 : memref<!tpu.dma_semaphore, #tpu.memory_space<semaphore_mem>>) src(%dma_wait3A_657 : memref<1000000x64xf32, #tpu.memory_space<hbm>>) dst(%dma_wait3A_651 : memref<128x64xf32, #tpu.memory_space<vmem>>)
    %dma_wait3A_658 = arith.constant 26 : i32
    %dma_wait3A_659 = arith.constant 512 : i32
    %dma_wait3A_660 = arith.constant 0 : i32
    %dma_wait3A_661 = tpu.memref_slice %arg10[%dma_wait3A_659, %dma_wait3A_660] : memref<1408x64xf32, #tpu.memory_space<vmem>> -> memref<128x64xf32, #tpu.memory_space<vmem>>
    %dma_wait3A_662 = arith.constant 0 : i32
    %dma_wait3A_663 = tpu.memref_slice %arg8[%dma_wait3A_658, %dma_wait3A_662] : memref<48x128xi32, #tpu.memory_space<vmem>> -> memref<1x128xi32, #tpu.memory_space<vmem>>
    %dma_wait3A_664 = tpu.memref_squeeze %dma_wait3A_663 : memref<1x128xi32, #tpu.memory_space<vmem>> -> memref<128xi32, #tpu.memory_space<vmem>>
    %dma_wait3A_665 = arith.constant 0 : i32
    %dma_wait3A_666 = arith.constant 0 : i32
    %dma_wait3A_667 = tpu.memref_slice %arg5[%dma_wait3A_665, %dma_wait3A_666] : memref<1000000x64xf32, #tpu.memory_space<hbm>> -> memref<1000000x64xf32, #tpu.memory_space<hbm>>
    tpu.wait_indirect_dma semaphore(%arg13 : memref<!tpu.dma_semaphore, #tpu.memory_space<semaphore_mem>>) src(%dma_wait3A_667 : memref<1000000x64xf32, #tpu.memory_space<hbm>>) dst(%dma_wait3A_661 : memref<128x64xf32, #tpu.memory_space<vmem>>)
    %dma_wait3A_668 = arith.constant 27 : i32
    %dma_wait3A_669 = arith.constant 640 : i32
    %dma_wait3A_670 = arith.constant 0 : i32
    %dma_wait3A_671 = tpu.memref_slice %arg10[%dma_wait3A_669, %dma_wait3A_670] : memref<1408x64xf32, #tpu.memory_space<vmem>> -> memref<128x64xf32, #tpu.memory_space<vmem>>
    %dma_wait3A_672 = arith.constant 0 : i32
    %dma_wait3A_673 = tpu.memref_slice %arg8[%dma_wait3A_668, %dma_wait3A_672] : memref<48x128xi32, #tpu.memory_space<vmem>> -> memref<1x128xi32, #tpu.memory_space<vmem>>
    %dma_wait3A_674 = tpu.memref_squeeze %dma_wait3A_673 : memref<1x128xi32, #tpu.memory_space<vmem>> -> memref<128xi32, #tpu.memory_space<vmem>>
    %dma_wait3A_675 = arith.constant 0 : i32
    %dma_wait3A_676 = arith.constant 0 : i32
    %dma_wait3A_677 = tpu.memref_slice %arg5[%dma_wait3A_675, %dma_wait3A_676] : memref<1000000x64xf32, #tpu.memory_space<hbm>> -> memref<1000000x64xf32, #tpu.memory_space<hbm>>
    tpu.wait_indirect_dma semaphore(%arg13 : memref<!tpu.dma_semaphore, #tpu.memory_space<semaphore_mem>>) src(%dma_wait3A_677 : memref<1000000x64xf32, #tpu.memory_space<hbm>>) dst(%dma_wait3A_671 : memref<128x64xf32, #tpu.memory_space<vmem>>)
    %dma_wait3A_678 = arith.constant 28 : i32
    %dma_wait3A_679 = arith.constant 768 : i32
    %dma_wait3A_680 = arith.constant 0 : i32
    %dma_wait3A_681 = tpu.memref_slice %arg10[%dma_wait3A_679, %dma_wait3A_680] : memref<1408x64xf32, #tpu.memory_space<vmem>> -> memref<128x64xf32, #tpu.memory_space<vmem>>
    %dma_wait3A_682 = arith.constant 0 : i32
    %dma_wait3A_683 = tpu.memref_slice %arg8[%dma_wait3A_678, %dma_wait3A_682] : memref<48x128xi32, #tpu.memory_space<vmem>> -> memref<1x128xi32, #tpu.memory_space<vmem>>
    %dma_wait3A_684 = tpu.memref_squeeze %dma_wait3A_683 : memref<1x128xi32, #tpu.memory_space<vmem>> -> memref<128xi32, #tpu.memory_space<vmem>>
    %dma_wait3A_685 = arith.constant 0 : i32
    %dma_wait3A_686 = arith.constant 0 : i32
    %dma_wait3A_687 = tpu.memref_slice %arg5[%dma_wait3A_685, %dma_wait3A_686] : memref<1000000x64xf32, #tpu.memory_space<hbm>> -> memref<1000000x64xf32, #tpu.memory_space<hbm>>
    tpu.wait_indirect_dma semaphore(%arg13 : memref<!tpu.dma_semaphore, #tpu.memory_space<semaphore_mem>>) src(%dma_wait3A_687 : memref<1000000x64xf32, #tpu.memory_space<hbm>>) dst(%dma_wait3A_681 : memref<128x64xf32, #tpu.memory_space<vmem>>)
    %dma_wait3A_688 = arith.constant 29 : i32
    %dma_wait3A_689 = arith.constant 896 : i32
    %dma_wait3A_690 = arith.constant 0 : i32
    %dma_wait3A_691 = tpu.memref_slice %arg10[%dma_wait3A_689, %dma_wait3A_690] : memref<1408x64xf32, #tpu.memory_space<vmem>> -> memref<128x64xf32, #tpu.memory_space<vmem>>
    %dma_wait3A_692 = arith.constant 0 : i32
    %dma_wait3A_693 = tpu.memref_slice %arg8[%dma_wait3A_688, %dma_wait3A_692] : memref<48x128xi32, #tpu.memory_space<vmem>> -> memref<1x128xi32, #tpu.memory_space<vmem>>
    %dma_wait3A_694 = tpu.memref_squeeze %dma_wait3A_693 : memref<1x128xi32, #tpu.memory_space<vmem>> -> memref<128xi32, #tpu.memory_space<vmem>>
    %dma_wait3A_695 = arith.constant 0 : i32
    %dma_wait3A_696 = arith.constant 0 : i32
    %dma_wait3A_697 = tpu.memref_slice %arg5[%dma_wait3A_695, %dma_wait3A_696] : memref<1000000x64xf32, #tpu.memory_space<hbm>> -> memref<1000000x64xf32, #tpu.memory_space<hbm>>
    tpu.wait_indirect_dma semaphore(%arg13 : memref<!tpu.dma_semaphore, #tpu.memory_space<semaphore_mem>>) src(%dma_wait3A_697 : memref<1000000x64xf32, #tpu.memory_space<hbm>>) dst(%dma_wait3A_691 : memref<128x64xf32, #tpu.memory_space<vmem>>)
    %dma_wait3A_698 = arith.constant 30 : i32
    %dma_wait3A_699 = arith.constant 1024 : i32
    %dma_wait3A_700 = arith.constant 0 : i32
    %dma_wait3A_701 = tpu.memref_slice %arg10[%dma_wait3A_699, %dma_wait3A_700] : memref<1408x64xf32, #tpu.memory_space<vmem>> -> memref<128x64xf32, #tpu.memory_space<vmem>>
    %dma_wait3A_702 = arith.constant 0 : i32
    %dma_wait3A_703 = tpu.memref_slice %arg8[%dma_wait3A_698, %dma_wait3A_702] : memref<48x128xi32, #tpu.memory_space<vmem>> -> memref<1x128xi32, #tpu.memory_space<vmem>>
    %dma_wait3A_704 = tpu.memref_squeeze %dma_wait3A_703 : memref<1x128xi32, #tpu.memory_space<vmem>> -> memref<128xi32, #tpu.memory_space<vmem>>
    %dma_wait3A_705 = arith.constant 0 : i32
    %dma_wait3A_706 = arith.constant 0 : i32
    %dma_wait3A_707 = tpu.memref_slice %arg5[%dma_wait3A_705, %dma_wait3A_706] : memref<1000000x64xf32, #tpu.memory_space<hbm>> -> memref<1000000x64xf32, #tpu.memory_space<hbm>>
    tpu.wait_indirect_dma semaphore(%arg13 : memref<!tpu.dma_semaphore, #tpu.memory_space<semaphore_mem>>) src(%dma_wait3A_707 : memref<1000000x64xf32, #tpu.memory_space<hbm>>) dst(%dma_wait3A_701 : memref<128x64xf32, #tpu.memory_space<vmem>>)
    %dma_wait3A_708 = arith.constant 31 : i32
    %dma_wait3A_709 = arith.constant 1152 : i32
    %dma_wait3A_710 = arith.constant 0 : i32
    %dma_wait3A_711 = tpu.memref_slice %arg10[%dma_wait3A_709, %dma_wait3A_710] : memref<1408x64xf32, #tpu.memory_space<vmem>> -> memref<128x64xf32, #tpu.memory_space<vmem>>
    %dma_wait3A_712 = arith.constant 0 : i32
    %dma_wait3A_713 = tpu.memref_slice %arg8[%dma_wait3A_708, %dma_wait3A_712] : memref<48x128xi32, #tpu.memory_space<vmem>> -> memref<1x128xi32, #tpu.memory_space<vmem>>
    %dma_wait3A_714 = tpu.memref_squeeze %dma_wait3A_713 : memref<1x128xi32, #tpu.memory_space<vmem>> -> memref<128xi32, #tpu.memory_space<vmem>>
    %dma_wait3A_715 = arith.constant 0 : i32
    %dma_wait3A_716 = arith.constant 0 : i32
    %dma_wait3A_717 = tpu.memref_slice %arg5[%dma_wait3A_715, %dma_wait3A_716] : memref<1000000x64xf32, #tpu.memory_space<hbm>> -> memref<1000000x64xf32, #tpu.memory_space<hbm>>
    tpu.wait_indirect_dma semaphore(%arg13 : memref<!tpu.dma_semaphore, #tpu.memory_space<semaphore_mem>>) src(%dma_wait3A_717 : memref<1000000x64xf32, #tpu.memory_space<hbm>>) dst(%dma_wait3A_711 : memref<128x64xf32, #tpu.memory_space<vmem>>)
    %dma_wait3A_718 = arith.constant 32 : i32
    %dma_wait3A_719 = arith.constant 1280 : i32
    %dma_wait3A_720 = arith.constant 0 : i32
    %dma_wait3A_721 = tpu.memref_slice %arg10[%dma_wait3A_719, %dma_wait3A_720] : memref<1408x64xf32, #tpu.memory_space<vmem>> -> memref<128x64xf32, #tpu.memory_space<vmem>>
    %dma_wait3A_722 = arith.constant 0 : i32
    %dma_wait3A_723 = tpu.memref_slice %arg8[%dma_wait3A_718, %dma_wait3A_722] : memref<48x128xi32, #tpu.memory_space<vmem>> -> memref<1x128xi32, #tpu.memory_space<vmem>>
    %dma_wait3A_724 = tpu.memref_squeeze %dma_wait3A_723 : memref<1x128xi32, #tpu.memory_space<vmem>> -> memref<128xi32, #tpu.memory_space<vmem>>
    %dma_wait3A_725 = arith.constant 0 : i32
    %dma_wait3A_726 = arith.constant 0 : i32
    %dma_wait3A_727 = tpu.memref_slice %arg5[%dma_wait3A_725, %dma_wait3A_726] : memref<1000000x64xf32, #tpu.memory_space<hbm>> -> memref<1000000x64xf32, #tpu.memory_space<hbm>>
    tpu.wait_indirect_dma semaphore(%arg13 : memref<!tpu.dma_semaphore, #tpu.memory_space<semaphore_mem>>) src(%dma_wait3A_727 : memref<1000000x64xf32, #tpu.memory_space<hbm>>) dst(%dma_wait3A_721 : memref<128x64xf32, #tpu.memory_space<vmem>>)
    %scan3A_728 = arith.constant 0 : i32
    %scan3A_729 = arith.constant 0 : i32
    %scan3A_730 = arith.constant 128 : i32
    %scan3A_731 = arith.addi %scan3A_729, %scan3A_730 : i32
    %scan3A_732 = arith.constant 1 : i32
    scf.for %scan3A_986 = %scan3A_729 to %scan3A_731 step %scan3A_732  : i32 {
      %get3A = arith.index_cast %scan3A_986 : i32 to index
      %get3A_987 = arith.constant 0 : index
      %get3A_988 = tpu.vector_load %arg9[%get3A, %get3A_987] {strides = array<i32>} : memref<128x64xf32, #tpu.memory_space<vmem>>, vector<1x16xf32>,
      %get3A_989 = vector.shape_cast %get3A_988 : vector<1x16xf32> to vector<16xf32>
      %get3A_990 = arith.index_cast %scan3A_986 : i32 to index
      %get3A_991 = arith.constant 16 : index
      %get3A_992 = tpu.vector_load %arg9[%get3A_990, %get3A_991] {strides = array<i32>} : memref<128x64xf32, #tpu.memory_space<vmem>>, vector<1x16xf32>,
      %get3A_993 = vector.shape_cast %get3A_992 : vector<1x16xf32> to vector<16xf32>
      %get3A_994 = arith.index_cast %scan3A_986 : i32 to index
      %get3A_995 = arith.constant 32 : index
      %get3A_996 = tpu.vector_load %arg9[%get3A_994, %get3A_995] {strides = array<i32>} : memref<128x64xf32, #tpu.memory_space<vmem>>, vector<1x16xf32>,
      %get3A_997 = vector.shape_cast %get3A_996 : vector<1x16xf32> to vector<16xf32>
      %get3A_998 = arith.index_cast %scan3A_986 : i32 to index
      %get3A_999 = arith.constant 48 : index
      %get3A_1000 = tpu.vector_load %arg9[%get3A_998, %get3A_999] {strides = array<i32>} : memref<128x64xf32, #tpu.memory_space<vmem>>, vector<1x16xf32>,
      %get3A_1001 = vector.shape_cast %get3A_1000 : vector<1x16xf32> to vector<16xf32>
      %mul3A_1002 = arith.constant 11 : i32
      %mul3A_1003 = arith.muli %scan3A_986, %mul3A_1002 : i32
      %add3A_1004 = arith.constant 0 : i32
      %add3A_1005 = arith.addi %mul3A_1003, %add3A_1004 : i32
      %get3A_1006 = arith.index_cast %add3A_1005 : i32 to index
      %get3A_1007 = arith.constant 0 : index
      %get3A_1008 = tpu.vector_load %arg10[%get3A_1006, %get3A_1007] {strides = array<i32>} : memref<1408x64xf32, #tpu.memory_space<vmem>>, vector<1x16xf32>,
      %get3A_1009 = vector.shape_cast %get3A_1008 : vector<1x16xf32> to vector<16xf32>
      %mul3A_1010 = arith.mulf %get3A_989, %get3A_1009 : vector<16xf32>
      %get3A_1011 = arith.index_cast %add3A_1005 : i32 to index
      %get3A_1012 = arith.constant 16 : index
      %get3A_1013 = tpu.vector_load %arg10[%get3A_1011, %get3A_1012] {strides = array<i32>} : memref<1408x64xf32, #tpu.memory_space<vmem>>, vector<1x16xf32>,
      %get3A_1014 = vector.shape_cast %get3A_1013 : vector<1x16xf32> to vector<16xf32>
      %mul3A_1015 = arith.mulf %get3A_993, %get3A_1014 : vector<16xf32>
      %add3A_1016 = arith.addf %mul3A_1010, %mul3A_1015 : vector<16xf32>
      %get3A_1017 = arith.index_cast %add3A_1005 : i32 to index
      %get3A_1018 = arith.constant 32 : index
      %get3A_1019 = tpu.vector_load %arg10[%get3A_1017, %get3A_1018] {strides = array<i32>} : memref<1408x64xf32, #tpu.memory_space<vmem>>, vector<1x16xf32>,
      %get3A_1020 = vector.shape_cast %get3A_1019 : vector<1x16xf32> to vector<16xf32>
      %mul3A_1021 = arith.mulf %get3A_997, %get3A_1020 : vector<16xf32>
      %add3A_1022 = arith.addf %add3A_1016, %mul3A_1021 : vector<16xf32>
      %get3A_1023 = arith.index_cast %add3A_1005 : i32 to index
      %get3A_1024 = arith.constant 48 : index
      %get3A_1025 = tpu.vector_load %arg10[%get3A_1023, %get3A_1024] {strides = array<i32>} : memref<1408x64xf32, #tpu.memory_space<vmem>>, vector<1x16xf32>,
      %get3A_1026 = vector.shape_cast %get3A_1025 : vector<1x16xf32> to vector<16xf32>
      %mul3A_1027 = arith.mulf %get3A_1001, %get3A_1026 : vector<16xf32>
      %add3A_1028 = arith.addf %add3A_1022, %mul3A_1027 : vector<16xf32>
      %swap3A = arith.index_cast %scan3A_986 : i32 to index
      %swap3A_1029 = arith.constant 0 : index
      %swap3A_1030 = tpu.vector_load %arg11[%swap3A, %swap3A_1029] {strides = array<i32>} : memref<128x176xf32, #tpu.memory_space<vmem>>, vector<1x16xf32>,
      %swap3A_1031 = vector.shape_cast %swap3A_1030 : vector<1x16xf32> to vector<16xf32>
      %swap3A_1032 = vector.shape_cast %add3A_1028 : vector<16xf32> to vector<1x16xf32>
      tpu.vector_store %arg11[%swap3A, %swap3A_1029], %swap3A_1032 {strides = array<i32>} : memref<128x176xf32, #tpu.memory_space<vmem>>, vector<1x16xf32>,
      %mul3A_1033 = arith.constant 11 : i32
      %mul3A_1034 = arith.muli %scan3A_986, %mul3A_1033 : i32
      %add3A_1035 = arith.constant 1 : i32
      %add3A_1036 = arith.addi %mul3A_1034, %add3A_1035 : i32
      %get3A_1037 = arith.index_cast %add3A_1036 : i32 to index
      %get3A_1038 = arith.constant 0 : index
      %get3A_1039 = tpu.vector_load %arg10[%get3A_1037, %get3A_1038] {strides = array<i32>} : memref<1408x64xf32, #tpu.memory_space<vmem>>, vector<1x16xf32>,
      %get3A_1040 = vector.shape_cast %get3A_1039 : vector<1x16xf32> to vector<16xf32>
      %mul3A_1041 = arith.mulf %get3A_989, %get3A_1040 : vector<16xf32>
      %get3A_1042 = arith.index_cast %add3A_1036 : i32 to index
      %get3A_1043 = arith.constant 16 : index
      %get3A_1044 = tpu.vector_load %arg10[%get3A_1042, %get3A_1043] {strides = array<i32>} : memref<1408x64xf32, #tpu.memory_space<vmem>>, vector<1x16xf32>,
      %get3A_1045 = vector.shape_cast %get3A_1044 : vector<1x16xf32> to vector<16xf32>
      %mul3A_1046 = arith.mulf %get3A_993, %get3A_1045 : vector<16xf32>
      %add3A_1047 = arith.addf %mul3A_1041, %mul3A_1046 : vector<16xf32>
      %get3A_1048 = arith.index_cast %add3A_1036 : i32 to index
      %get3A_1049 = arith.constant 32 : index
      %get3A_1050 = tpu.vector_load %arg10[%get3A_1048, %get3A_1049] {strides = array<i32>} : memref<1408x64xf32, #tpu.memory_space<vmem>>, vector<1x16xf32>,
      %get3A_1051 = vector.shape_cast %get3A_1050 : vector<1x16xf32> to vector<16xf32>
      %mul3A_1052 = arith.mulf %get3A_997, %get3A_1051 : vector<16xf32>
      %add3A_1053 = arith.addf %add3A_1047, %mul3A_1052 : vector<16xf32>
      %get3A_1054 = arith.index_cast %add3A_1036 : i32 to index
      %get3A_1055 = arith.constant 48 : index
      %get3A_1056 = tpu.vector_load %arg10[%get3A_1054, %get3A_1055] {strides = array<i32>} : memref<1408x64xf32, #tpu.memory_space<vmem>>, vector<1x16xf32>,
      %get3A_1057 = vector.shape_cast %get3A_1056 : vector<1x16xf32> to vector<16xf32>
      %mul3A_1058 = arith.mulf %get3A_1001, %get3A_1057 : vector<16xf32>
      %add3A_1059 = arith.addf %add3A_1053, %mul3A_1058 : vector<16xf32>
      %swap3A_1060 = arith.index_cast %scan3A_986 : i32 to index
      %swap3A_1061 = arith.constant 16 : index
      %swap3A_1062 = tpu.vector_load %arg11[%swap3A_1060, %swap3A_1061] {strides = array<i32>} : memref<128x176xf32, #tpu.memory_space<vmem>>, vector<1x16xf32>,
      %swap3A_1063 = vector.shape_cast %swap3A_1062 : vector<1x16xf32> to vector<16xf32>
      %swap3A_1064 = vector.shape_cast %add3A_1059 : vector<16xf32> to vector<1x16xf32>
      tpu.vector_store %arg11[%swap3A_1060, %swap3A_1061], %swap3A_1064 {strides = array<i32>} : memref<128x176xf32, #tpu.memory_space<vmem>>, vector<1x16xf32>,
      %mul3A_1065 = arith.constant 11 : i32
      %mul3A_1066 = arith.muli %scan3A_986, %mul3A_1065 : i32
      %add3A_1067 = arith.constant 2 : i32
      %add3A_1068 = arith.addi %mul3A_1066, %add3A_1067 : i32
      %get3A_1069 = arith.index_cast %add3A_1068 : i32 to index
      %get3A_1070 = arith.constant 0 : index
      %get3A_1071 = tpu.vector_load %arg10[%get3A_1069, %get3A_1070] {strides = array<i32>} : memref<1408x64xf32, #tpu.memory_space<vmem>>, vector<1x16xf32>,
      %get3A_1072 = vector.shape_cast %get3A_1071 : vector<1x16xf32> to vector<16xf32>
      %mul3A_1073 = arith.mulf %get3A_989, %get3A_1072 : vector<16xf32>
      %get3A_1074 = arith.index_cast %add3A_1068 : i32 to index
      %get3A_1075 = arith.constant 16 : index
      %get3A_1076 = tpu.vector_load %arg10[%get3A_1074, %get3A_1075] {strides = array<i32>} : memref<1408x64xf32, #tpu.memory_space<vmem>>, vector<1x16xf32>,
      %get3A_1077 = vector.shape_cast %get3A_1076 : vector<1x16xf32> to vector<16xf32>
      %mul3A_1078 = arith.mulf %get3A_993, %get3A_1077 : vector<16xf32>
      %add3A_1079 = arith.addf %mul3A_1073, %mul3A_1078 : vector<16xf32>
      %get3A_1080 = arith.index_cast %add3A_1068 : i32 to index
      %get3A_1081 = arith.constant 32 : index
      %get3A_1082 = tpu.vector_load %arg10[%get3A_1080, %get3A_1081] {strides = array<i32>} : memref<1408x64xf32, #tpu.memory_space<vmem>>, vector<1x16xf32>,
      %get3A_1083 = vector.shape_cast %get3A_1082 : vector<1x16xf32> to vector<16xf32>
      %mul3A_1084 = arith.mulf %get3A_997, %get3A_1083 : vector<16xf32>
      %add3A_1085 = arith.addf %add3A_1079, %mul3A_1084 : vector<16xf32>
      %get3A_1086 = arith.index_cast %add3A_1068 : i32 to index
      %get3A_1087 = arith.constant 48 : index
      %get3A_1088 = tpu.vector_load %arg10[%get3A_1086, %get3A_1087] {strides = array<i32>} : memref<1408x64xf32, #tpu.memory_space<vmem>>, vector<1x16xf32>,
      %get3A_1089 = vector.shape_cast %get3A_1088 : vector<1x16xf32> to vector<16xf32>
      %mul3A_1090 = arith.mulf %get3A_1001, %get3A_1089 : vector<16xf32>
      %add3A_1091 = arith.addf %add3A_1085, %mul3A_1090 : vector<16xf32>
      %swap3A_1092 = arith.index_cast %scan3A_986 : i32 to index
      %swap3A_1093 = arith.constant 32 : index
      %swap3A_1094 = tpu.vector_load %arg11[%swap3A_1092, %swap3A_1093] {strides = array<i32>} : memref<128x176xf32, #tpu.memory_space<vmem>>, vector<1x16xf32>,
      %swap3A_1095 = vector.shape_cast %swap3A_1094 : vector<1x16xf32> to vector<16xf32>
      %swap3A_1096 = vector.shape_cast %add3A_1091 : vector<16xf32> to vector<1x16xf32>
      tpu.vector_store %arg11[%swap3A_1092, %swap3A_1093], %swap3A_1096 {strides = array<i32>} : memref<128x176xf32, #tpu.memory_space<vmem>>, vector<1x16xf32>,
      %mul3A_1097 = arith.constant 11 : i32
      %mul3A_1098 = arith.muli %scan3A_986, %mul3A_1097 : i32
      %add3A_1099 = arith.constant 3 : i32
      %add3A_1100 = arith.addi %mul3A_1098, %add3A_1099 : i32
      %get3A_1101 = arith.index_cast %add3A_1100 : i32 to index
      %get3A_1102 = arith.constant 0 : index
      %get3A_1103 = tpu.vector_load %arg10[%get3A_1101, %get3A_1102] {strides = array<i32>} : memref<1408x64xf32, #tpu.memory_space<vmem>>, vector<1x16xf32>,
      %get3A_1104 = vector.shape_cast %get3A_1103 : vector<1x16xf32> to vector<16xf32>
      %mul3A_1105 = arith.mulf %get3A_989, %get3A_1104 : vector<16xf32>
      %get3A_1106 = arith.index_cast %add3A_1100 : i32 to index
      %get3A_1107 = arith.constant 16 : index
      %get3A_1108 = tpu.vector_load %arg10[%get3A_1106, %get3A_1107] {strides = array<i32>} : memref<1408x64xf32, #tpu.memory_space<vmem>>, vector<1x16xf32>,
      %get3A_1109 = vector.shape_cast %get3A_1108 : vector<1x16xf32> to vector<16xf32>
      %mul3A_1110 = arith.mulf %get3A_993, %get3A_1109 : vector<16xf32>
      %add3A_1111 = arith.addf %mul3A_1105, %mul3A_1110 : vector<16xf32>
      %get3A_1112 = arith.index_cast %add3A_1100 : i32 to index
      %get3A_1113 = arith.constant 32 : index
      %get3A_1114 = tpu.vector_load %arg10[%get3A_1112, %get3A_1113] {strides = array<i32>} : memref<1408x64xf32, #tpu.memory_space<vmem>>, vector<1x16xf32>,
      %get3A_1115 = vector.shape_cast %get3A_1114 : vector<1x16xf32> to vector<16xf32>
      %mul3A_1116 = arith.mulf %get3A_997, %get3A_1115 : vector<16xf32>
      %add3A_1117 = arith.addf %add3A_1111, %mul3A_1116 : vector<16xf32>
      %get3A_1118 = arith.index_cast %add3A_1100 : i32 to index
      %get3A_1119 = arith.constant 48 : index
      %get3A_1120 = tpu.vector_load %arg10[%get3A_1118, %get3A_1119] {strides = array<i32>} : memref<1408x64xf32, #tpu.memory_space<vmem>>, vector<1x16xf32>,
      %get3A_1121 = vector.shape_cast %get3A_1120 : vector<1x16xf32> to vector<16xf32>
      %mul3A_1122 = arith.mulf %get3A_1001, %get3A_1121 : vector<16xf32>
      %add3A_1123 = arith.addf %add3A_1117, %mul3A_1122 : vector<16xf32>
      %swap3A_1124 = arith.index_cast %scan3A_986 : i32 to index
      %swap3A_1125 = arith.constant 48 : index
      %swap3A_1126 = tpu.vector_load %arg11[%swap3A_1124, %swap3A_1125] {strides = array<i32>} : memref<128x176xf32, #tpu.memory_space<vmem>>, vector<1x16xf32>,
      %swap3A_1127 = vector.shape_cast %swap3A_1126 : vector<1x16xf32> to vector<16xf32>
      %swap3A_1128 = vector.shape_cast %add3A_1123 : vector<16xf32> to vector<1x16xf32>
      tpu.vector_store %arg11[%swap3A_1124, %swap3A_1125], %swap3A_1128 {strides = array<i32>} : memref<128x176xf32, #tpu.memory_space<vmem>>, vector<1x16xf32>,
      %mul3A_1129 = arith.constant 11 : i32
      %mul3A_1130 = arith.muli %scan3A_986, %mul3A_1129 : i32
      %add3A_1131 = arith.constant 4 : i32
      %add3A_1132 = arith.addi %mul3A_1130, %add3A_1131 : i32
      %get3A_1133 = arith.index_cast %add3A_1132 : i32 to index
      %get3A_1134 = arith.constant 0 : index
      %get3A_1135 = tpu.vector_load %arg10[%get3A_1133, %get3A_1134] {strides = array<i32>} : memref<1408x64xf32, #tpu.memory_space<vmem>>, vector<1x16xf32>,
      %get3A_1136 = vector.shape_cast %get3A_1135 : vector<1x16xf32> to vector<16xf32>
      %mul3A_1137 = arith.mulf %get3A_989, %get3A_1136 : vector<16xf32>
      %get3A_1138 = arith.index_cast %add3A_1132 : i32 to index
      %get3A_1139 = arith.constant 16 : index
      %get3A_1140 = tpu.vector_load %arg10[%get3A_1138, %get3A_1139] {strides = array<i32>} : memref<1408x64xf32, #tpu.memory_space<vmem>>, vector<1x16xf32>,
      %get3A_1141 = vector.shape_cast %get3A_1140 : vector<1x16xf32> to vector<16xf32>
      %mul3A_1142 = arith.mulf %get3A_993, %get3A_1141 : vector<16xf32>
      %add3A_1143 = arith.addf %mul3A_1137, %mul3A_1142 : vector<16xf32>
      %get3A_1144 = arith.index_cast %add3A_1132 : i32 to index
      %get3A_1145 = arith.constant 32 : index
      %get3A_1146 = tpu.vector_load %arg10[%get3A_1144, %get3A_1145] {strides = array<i32>} : memref<1408x64xf32, #tpu.memory_space<vmem>>, vector<1x16xf32>,
      %get3A_1147 = vector.shape_cast %get3A_1146 : vector<1x16xf32> to vector<16xf32>
      %mul3A_1148 = arith.mulf %get3A_997, %get3A_1147 : vector<16xf32>
      %add3A_1149 = arith.addf %add3A_1143, %mul3A_1148 : vector<16xf32>
      %get3A_1150 = arith.index_cast %add3A_1132 : i32 to index
      %get3A_1151 = arith.constant 48 : index
      %get3A_1152 = tpu.vector_load %arg10[%get3A_1150, %get3A_1151] {strides = array<i32>} : memref<1408x64xf32, #tpu.memory_space<vmem>>, vector<1x16xf32>,
      %get3A_1153 = vector.shape_cast %get3A_1152 : vector<1x16xf32> to vector<16xf32>
      %mul3A_1154 = arith.mulf %get3A_1001, %get3A_1153 : vector<16xf32>
      %add3A_1155 = arith.addf %add3A_1149, %mul3A_1154 : vector<16xf32>
      %swap3A_1156 = arith.index_cast %scan3A_986 : i32 to index
      %swap3A_1157 = arith.constant 64 : index
      %swap3A_1158 = tpu.vector_load %arg11[%swap3A_1156, %swap3A_1157] {strides = array<i32>} : memref<128x176xf32, #tpu.memory_space<vmem>>, vector<1x16xf32>,
      %swap3A_1159 = vector.shape_cast %swap3A_1158 : vector<1x16xf32> to vector<16xf32>
      %swap3A_1160 = vector.shape_cast %add3A_1155 : vector<16xf32> to vector<1x16xf32>
      tpu.vector_store %arg11[%swap3A_1156, %swap3A_1157], %swap3A_1160 {strides = array<i32>} : memref<128x176xf32, #tpu.memory_space<vmem>>, vector<1x16xf32>,
      %mul3A_1161 = arith.constant 11 : i32
      %mul3A_1162 = arith.muli %scan3A_986, %mul3A_1161 : i32
      %add3A_1163 = arith.constant 5 : i32
      %add3A_1164 = arith.addi %mul3A_1162, %add3A_1163 : i32
      %get3A_1165 = arith.index_cast %add3A_1164 : i32 to index
      %get3A_1166 = arith.constant 0 : index
      %get3A_1167 = tpu.vector_load %arg10[%get3A_1165, %get3A_1166] {strides = array<i32>} : memref<1408x64xf32, #tpu.memory_space<vmem>>, vector<1x16xf32>,
      %get3A_1168 = vector.shape_cast %get3A_1167 : vector<1x16xf32> to vector<16xf32>
      %mul3A_1169 = arith.mulf %get3A_989, %get3A_1168 : vector<16xf32>
      %get3A_1170 = arith.index_cast %add3A_1164 : i32 to index
      %get3A_1171 = arith.constant 16 : index
      %get3A_1172 = tpu.vector_load %arg10[%get3A_1170, %get3A_1171] {strides = array<i32>} : memref<1408x64xf32, #tpu.memory_space<vmem>>, vector<1x16xf32>,
      %get3A_1173 = vector.shape_cast %get3A_1172 : vector<1x16xf32> to vector<16xf32>
      %mul3A_1174 = arith.mulf %get3A_993, %get3A_1173 : vector<16xf32>
      %add3A_1175 = arith.addf %mul3A_1169, %mul3A_1174 : vector<16xf32>
      %get3A_1176 = arith.index_cast %add3A_1164 : i32 to index
      %get3A_1177 = arith.constant 32 : index
      %get3A_1178 = tpu.vector_load %arg10[%get3A_1176, %get3A_1177] {strides = array<i32>} : memref<1408x64xf32, #tpu.memory_space<vmem>>, vector<1x16xf32>,
      %get3A_1179 = vector.shape_cast %get3A_1178 : vector<1x16xf32> to vector<16xf32>
      %mul3A_1180 = arith.mulf %get3A_997, %get3A_1179 : vector<16xf32>
      %add3A_1181 = arith.addf %add3A_1175, %mul3A_1180 : vector<16xf32>
      %get3A_1182 = arith.index_cast %add3A_1164 : i32 to index
      %get3A_1183 = arith.constant 48 : index
      %get3A_1184 = tpu.vector_load %arg10[%get3A_1182, %get3A_1183] {strides = array<i32>} : memref<1408x64xf32, #tpu.memory_space<vmem>>, vector<1x16xf32>,
      %get3A_1185 = vector.shape_cast %get3A_1184 : vector<1x16xf32> to vector<16xf32>
      %mul3A_1186 = arith.mulf %get3A_1001, %get3A_1185 : vector<16xf32>
      %add3A_1187 = arith.addf %add3A_1181, %mul3A_1186 : vector<16xf32>
      %swap3A_1188 = arith.index_cast %scan3A_986 : i32 to index
      %swap3A_1189 = arith.constant 80 : index
      %swap3A_1190 = tpu.vector_load %arg11[%swap3A_1188, %swap3A_1189] {strides = array<i32>} : memref<128x176xf32, #tpu.memory_space<vmem>>, vector<1x16xf32>,
      %swap3A_1191 = vector.shape_cast %swap3A_1190 : vector<1x16xf32> to vector<16xf32>
      %swap3A_1192 = vector.shape_cast %add3A_1187 : vector<16xf32> to vector<1x16xf32>
      tpu.vector_store %arg11[%swap3A_1188, %swap3A_1189], %swap3A_1192 {strides = array<i32>} : memref<128x176xf32, #tpu.memory_space<vmem>>, vector<1x16xf32>,
      %mul3A_1193 = arith.constant 11 : i32
      %mul3A_1194 = arith.muli %scan3A_986, %mul3A_1193 : i32
      %add3A_1195 = arith.constant 6 : i32
      %add3A_1196 = arith.addi %mul3A_1194, %add3A_1195 : i32
      %get3A_1197 = arith.index_cast %add3A_1196 : i32 to index
      %get3A_1198 = arith.constant 0 : index
      %get3A_1199 = tpu.vector_load %arg10[%get3A_1197, %get3A_1198] {strides = array<i32>} : memref<1408x64xf32, #tpu.memory_space<vmem>>, vector<1x16xf32>,
      %get3A_1200 = vector.shape_cast %get3A_1199 : vector<1x16xf32> to vector<16xf32>
      %mul3A_1201 = arith.mulf %get3A_989, %get3A_1200 : vector<16xf32>
      %get3A_1202 = arith.index_cast %add3A_1196 : i32 to index
      %get3A_1203 = arith.constant 16 : index
      %get3A_1204 = tpu.vector_load %arg10[%get3A_1202, %get3A_1203] {strides = array<i32>} : memref<1408x64xf32, #tpu.memory_space<vmem>>, vector<1x16xf32>,
      %get3A_1205 = vector.shape_cast %get3A_1204 : vector<1x16xf32> to vector<16xf32>
      %mul3A_1206 = arith.mulf %get3A_993, %get3A_1205 : vector<16xf32>
      %add3A_1207 = arith.addf %mul3A_1201, %mul3A_1206 : vector<16xf32>
      %get3A_1208 = arith.index_cast %add3A_1196 : i32 to index
      %get3A_1209 = arith.constant 32 : index
      %get3A_1210 = tpu.vector_load %arg10[%get3A_1208, %get3A_1209] {strides = array<i32>} : memref<1408x64xf32, #tpu.memory_space<vmem>>, vector<1x16xf32>,
      %get3A_1211 = vector.shape_cast %get3A_1210 : vector<1x16xf32> to vector<16xf32>
      %mul3A_1212 = arith.mulf %get3A_997, %get3A_1211 : vector<16xf32>
      %add3A_1213 = arith.addf %add3A_1207, %mul3A_1212 : vector<16xf32>
      %get3A_1214 = arith.index_cast %add3A_1196 : i32 to index
      %get3A_1215 = arith.constant 48 : index
      %get3A_1216 = tpu.vector_load %arg10[%get3A_1214, %get3A_1215] {strides = array<i32>} : memref<1408x64xf32, #tpu.memory_space<vmem>>, vector<1x16xf32>,
      %get3A_1217 = vector.shape_cast %get3A_1216 : vector<1x16xf32> to vector<16xf32>
      %mul3A_1218 = arith.mulf %get3A_1001, %get3A_1217 : vector<16xf32>
      %add3A_1219 = arith.addf %add3A_1213, %mul3A_1218 : vector<16xf32>
      %swap3A_1220 = arith.index_cast %scan3A_986 : i32 to index
      %swap3A_1221 = arith.constant 96 : index
      %swap3A_1222 = tpu.vector_load %arg11[%swap3A_1220, %swap3A_1221] {strides = array<i32>} : memref<128x176xf32, #tpu.memory_space<vmem>>, vector<1x16xf32>,
      %swap3A_1223 = vector.shape_cast %swap3A_1222 : vector<1x16xf32> to vector<16xf32>
      %swap3A_1224 = vector.shape_cast %add3A_1219 : vector<16xf32> to vector<1x16xf32>
      tpu.vector_store %arg11[%swap3A_1220, %swap3A_1221], %swap3A_1224 {strides = array<i32>} : memref<128x176xf32, #tpu.memory_space<vmem>>, vector<1x16xf32>,
      %mul3A_1225 = arith.constant 11 : i32
      %mul3A_1226 = arith.muli %scan3A_986, %mul3A_1225 : i32
      %add3A_1227 = arith.constant 7 : i32
      %add3A_1228 = arith.addi %mul3A_1226, %add3A_1227 : i32
      %get3A_1229 = arith.index_cast %add3A_1228 : i32 to index
      %get3A_1230 = arith.constant 0 : index
      %get3A_1231 = tpu.vector_load %arg10[%get3A_1229, %get3A_1230] {strides = array<i32>} : memref<1408x64xf32, #tpu.memory_space<vmem>>, vector<1x16xf32>,
      %get3A_1232 = vector.shape_cast %get3A_1231 : vector<1x16xf32> to vector<16xf32>
      %mul3A_1233 = arith.mulf %get3A_989, %get3A_1232 : vector<16xf32>
      %get3A_1234 = arith.index_cast %add3A_1228 : i32 to index
      %get3A_1235 = arith.constant 16 : index
      %get3A_1236 = tpu.vector_load %arg10[%get3A_1234, %get3A_1235] {strides = array<i32>} : memref<1408x64xf32, #tpu.memory_space<vmem>>, vector<1x16xf32>,
      %get3A_1237 = vector.shape_cast %get3A_1236 : vector<1x16xf32> to vector<16xf32>
      %mul3A_1238 = arith.mulf %get3A_993, %get3A_1237 : vector<16xf32>
      %add3A_1239 = arith.addf %mul3A_1233, %mul3A_1238 : vector<16xf32>
      %get3A_1240 = arith.index_cast %add3A_1228 : i32 to index
      %get3A_1241 = arith.constant 32 : index
      %get3A_1242 = tpu.vector_load %arg10[%get3A_1240, %get3A_1241] {strides = array<i32>} : memref<1408x64xf32, #tpu.memory_space<vmem>>, vector<1x16xf32>,
      %get3A_1243 = vector.shape_cast %get3A_1242 : vector<1x16xf32> to vector<16xf32>
      %mul3A_1244 = arith.mulf %get3A_997, %get3A_1243 : vector<16xf32>
      %add3A_1245 = arith.addf %add3A_1239, %mul3A_1244 : vector<16xf32>
      %get3A_1246 = arith.index_cast %add3A_1228 : i32 to index
      %get3A_1247 = arith.constant 48 : index
      %get3A_1248 = tpu.vector_load %arg10[%get3A_1246, %get3A_1247] {strides = array<i32>} : memref<1408x64xf32, #tpu.memory_space<vmem>>, vector<1x16xf32>,
      %get3A_1249 = vector.shape_cast %get3A_1248 : vector<1x16xf32> to vector<16xf32>
      %mul3A_1250 = arith.mulf %get3A_1001, %get3A_1249 : vector<16xf32>
      %add3A_1251 = arith.addf %add3A_1245, %mul3A_1250 : vector<16xf32>
      %swap3A_1252 = arith.index_cast %scan3A_986 : i32 to index
      %swap3A_1253 = arith.constant 112 : index
      %swap3A_1254 = tpu.vector_load %arg11[%swap3A_1252, %swap3A_1253] {strides = array<i32>} : memref<128x176xf32, #tpu.memory_space<vmem>>, vector<1x16xf32>,
      %swap3A_1255 = vector.shape_cast %swap3A_1254 : vector<1x16xf32> to vector<16xf32>
      %swap3A_1256 = vector.shape_cast %add3A_1251 : vector<16xf32> to vector<1x16xf32>
      tpu.vector_store %arg11[%swap3A_1252, %swap3A_1253], %swap3A_1256 {strides = array<i32>} : memref<128x176xf32, #tpu.memory_space<vmem>>, vector<1x16xf32>,
      %mul3A_1257 = arith.constant 11 : i32
      %mul3A_1258 = arith.muli %scan3A_986, %mul3A_1257 : i32
      %add3A_1259 = arith.constant 8 : i32
      %add3A_1260 = arith.addi %mul3A_1258, %add3A_1259 : i32
      %get3A_1261 = arith.index_cast %add3A_1260 : i32 to index
      %get3A_1262 = arith.constant 0 : index
      %get3A_1263 = tpu.vector_load %arg10[%get3A_1261, %get3A_1262] {strides = array<i32>} : memref<1408x64xf32, #tpu.memory_space<vmem>>, vector<1x16xf32>,
      %get3A_1264 = vector.shape_cast %get3A_1263 : vector<1x16xf32> to vector<16xf32>
      %mul3A_1265 = arith.mulf %get3A_989, %get3A_1264 : vector<16xf32>
      %get3A_1266 = arith.index_cast %add3A_1260 : i32 to index
      %get3A_1267 = arith.constant 16 : index
      %get3A_1268 = tpu.vector_load %arg10[%get3A_1266, %get3A_1267] {strides = array<i32>} : memref<1408x64xf32, #tpu.memory_space<vmem>>, vector<1x16xf32>,
      %get3A_1269 = vector.shape_cast %get3A_1268 : vector<1x16xf32> to vector<16xf32>
      %mul3A_1270 = arith.mulf %get3A_993, %get3A_1269 : vector<16xf32>
      %add3A_1271 = arith.addf %mul3A_1265, %mul3A_1270 : vector<16xf32>
      %get3A_1272 = arith.index_cast %add3A_1260 : i32 to index
      %get3A_1273 = arith.constant 32 : index
      %get3A_1274 = tpu.vector_load %arg10[%get3A_1272, %get3A_1273] {strides = array<i32>} : memref<1408x64xf32, #tpu.memory_space<vmem>>, vector<1x16xf32>,
      %get3A_1275 = vector.shape_cast %get3A_1274 : vector<1x16xf32> to vector<16xf32>
      %mul3A_1276 = arith.mulf %get3A_997, %get3A_1275 : vector<16xf32>
      %add3A_1277 = arith.addf %add3A_1271, %mul3A_1276 : vector<16xf32>
      %get3A_1278 = arith.index_cast %add3A_1260 : i32 to index
      %get3A_1279 = arith.constant 48 : index
      %get3A_1280 = tpu.vector_load %arg10[%get3A_1278, %get3A_1279] {strides = array<i32>} : memref<1408x64xf32, #tpu.memory_space<vmem>>, vector<1x16xf32>,
      %get3A_1281 = vector.shape_cast %get3A_1280 : vector<1x16xf32> to vector<16xf32>
      %mul3A_1282 = arith.mulf %get3A_1001, %get3A_1281 : vector<16xf32>
      %add3A_1283 = arith.addf %add3A_1277, %mul3A_1282 : vector<16xf32>
      %swap3A_1284 = arith.index_cast %scan3A_986 : i32 to index
      %swap3A_1285 = arith.constant 128 : index
      %swap3A_1286 = tpu.vector_load %arg11[%swap3A_1284, %swap3A_1285] {strides = array<i32>} : memref<128x176xf32, #tpu.memory_space<vmem>>, vector<1x16xf32>,
      %swap3A_1287 = vector.shape_cast %swap3A_1286 : vector<1x16xf32> to vector<16xf32>
      %swap3A_1288 = vector.shape_cast %add3A_1283 : vector<16xf32> to vector<1x16xf32>
      tpu.vector_store %arg11[%swap3A_1284, %swap3A_1285], %swap3A_1288 {strides = array<i32>} : memref<128x176xf32, #tpu.memory_space<vmem>>, vector<1x16xf32>,
      %mul3A_1289 = arith.constant 11 : i32
      %mul3A_1290 = arith.muli %scan3A_986, %mul3A_1289 : i32
      %add3A_1291 = arith.constant 9 : i32
      %add3A_1292 = arith.addi %mul3A_1290, %add3A_1291 : i32
      %get3A_1293 = arith.index_cast %add3A_1292 : i32 to index
      %get3A_1294 = arith.constant 0 : index
      %get3A_1295 = tpu.vector_load %arg10[%get3A_1293, %get3A_1294] {strides = array<i32>} : memref<1408x64xf32, #tpu.memory_space<vmem>>, vector<1x16xf32>,
      %get3A_1296 = vector.shape_cast %get3A_1295 : vector<1x16xf32> to vector<16xf32>
      %mul3A_1297 = arith.mulf %get3A_989, %get3A_1296 : vector<16xf32>
      %get3A_1298 = arith.index_cast %add3A_1292 : i32 to index
      %get3A_1299 = arith.constant 16 : index
      %get3A_1300 = tpu.vector_load %arg10[%get3A_1298, %get3A_1299] {strides = array<i32>} : memref<1408x64xf32, #tpu.memory_space<vmem>>, vector<1x16xf32>,
      %get3A_1301 = vector.shape_cast %get3A_1300 : vector<1x16xf32> to vector<16xf32>
      %mul3A_1302 = arith.mulf %get3A_993, %get3A_1301 : vector<16xf32>
      %add3A_1303 = arith.addf %mul3A_1297, %mul3A_1302 : vector<16xf32>
      %get3A_1304 = arith.index_cast %add3A_1292 : i32 to index
      %get3A_1305 = arith.constant 32 : index
      %get3A_1306 = tpu.vector_load %arg10[%get3A_1304, %get3A_1305] {strides = array<i32>} : memref<1408x64xf32, #tpu.memory_space<vmem>>, vector<1x16xf32>,
      %get3A_1307 = vector.shape_cast %get3A_1306 : vector<1x16xf32> to vector<16xf32>
      %mul3A_1308 = arith.mulf %get3A_997, %get3A_1307 : vector<16xf32>
      %add3A_1309 = arith.addf %add3A_1303, %mul3A_1308 : vector<16xf32>
      %get3A_1310 = arith.index_cast %add3A_1292 : i32 to index
      %get3A_1311 = arith.constant 48 : index
      %get3A_1312 = tpu.vector_load %arg10[%get3A_1310, %get3A_1311] {strides = array<i32>} : memref<1408x64xf32, #tpu.memory_space<vmem>>, vector<1x16xf32>,
      %get3A_1313 = vector.shape_cast %get3A_1312 : vector<1x16xf32> to vector<16xf32>
      %mul3A_1314 = arith.mulf %get3A_1001, %get3A_1313 : vector<16xf32>
      %add3A_1315 = arith.addf %add3A_1309, %mul3A_1314 : vector<16xf32>
      %swap3A_1316 = arith.index_cast %scan3A_986 : i32 to index
      %swap3A_1317 = arith.constant 144 : index
      %swap3A_1318 = tpu.vector_load %arg11[%swap3A_1316, %swap3A_1317] {strides = array<i32>} : memref<128x176xf32, #tpu.memory_space<vmem>>, vector<1x16xf32>,
      %swap3A_1319 = vector.shape_cast %swap3A_1318 : vector<1x16xf32> to vector<16xf32>
      %swap3A_1320 = vector.shape_cast %add3A_1315 : vector<16xf32> to vector<1x16xf32>
      tpu.vector_store %arg11[%swap3A_1316, %swap3A_1317], %swap3A_1320 {strides = array<i32>} : memref<128x176xf32, #tpu.memory_space<vmem>>, vector<1x16xf32>,
      %mul3A_1321 = arith.constant 11 : i32
      %mul3A_1322 = arith.muli %scan3A_986, %mul3A_1321 : i32
      %add3A_1323 = arith.constant 10 : i32
      %add3A_1324 = arith.addi %mul3A_1322, %add3A_1323 : i32
      %get3A_1325 = arith.index_cast %add3A_1324 : i32 to index
      %get3A_1326 = arith.constant 0 : index
      %get3A_1327 = tpu.vector_load %arg10[%get3A_1325, %get3A_1326] {strides = array<i32>} : memref<1408x64xf32, #tpu.memory_space<vmem>>, vector<1x16xf32>,
      %get3A_1328 = vector.shape_cast %get3A_1327 : vector<1x16xf32> to vector<16xf32>
      %mul3A_1329 = arith.mulf %get3A_989, %get3A_1328 : vector<16xf32>
      %get3A_1330 = arith.index_cast %add3A_1324 : i32 to index
      %get3A_1331 = arith.constant 16 : index
      %get3A_1332 = tpu.vector_load %arg10[%get3A_1330, %get3A_1331] {strides = array<i32>} : memref<1408x64xf32, #tpu.memory_space<vmem>>, vector<1x16xf32>,
      %get3A_1333 = vector.shape_cast %get3A_1332 : vector<1x16xf32> to vector<16xf32>
      %mul3A_1334 = arith.mulf %get3A_993, %get3A_1333 : vector<16xf32>
      %add3A_1335 = arith.addf %mul3A_1329, %mul3A_1334 : vector<16xf32>
      %get3A_1336 = arith.index_cast %add3A_1324 : i32 to index
      %get3A_1337 = arith.constant 32 : index
      %get3A_1338 = tpu.vector_load %arg10[%get3A_1336, %get3A_1337] {strides = array<i32>} : memref<1408x64xf32, #tpu.memory_space<vmem>>, vector<1x16xf32>,
      %get3A_1339 = vector.shape_cast %get3A_1338 : vector<1x16xf32> to vector<16xf32>
      %mul3A_1340 = arith.mulf %get3A_997, %get3A_1339 : vector<16xf32>
      %add3A_1341 = arith.addf %add3A_1335, %mul3A_1340 : vector<16xf32>
      %get3A_1342 = arith.index_cast %add3A_1324 : i32 to index
      %get3A_1343 = arith.constant 48 : index
      %get3A_1344 = tpu.vector_load %arg10[%get3A_1342, %get3A_1343] {strides = array<i32>} : memref<1408x64xf32, #tpu.memory_space<vmem>>, vector<1x16xf32>,
      %get3A_1345 = vector.shape_cast %get3A_1344 : vector<1x16xf32> to vector<16xf32>
      %mul3A_1346 = arith.mulf %get3A_1001, %get3A_1345 : vector<16xf32>
      %add3A_1347 = arith.addf %add3A_1341, %mul3A_1346 : vector<16xf32>
      %swap3A_1348 = arith.index_cast %scan3A_986 : i32 to index
      %swap3A_1349 = arith.constant 160 : index
      %swap3A_1350 = tpu.vector_load %arg11[%swap3A_1348, %swap3A_1349] {strides = array<i32>} : memref<128x176xf32, #tpu.memory_space<vmem>>, vector<1x16xf32>,
      %swap3A_1351 = vector.shape_cast %swap3A_1350 : vector<1x16xf32> to vector<16xf32>
      %swap3A_1352 = vector.shape_cast %add3A_1347 : vector<16xf32> to vector<1x16xf32>
      tpu.vector_store %arg11[%swap3A_1348, %swap3A_1349], %swap3A_1352 {strides = array<i32>} : memref<128x176xf32, #tpu.memory_space<vmem>>, vector<1x16xf32>,
    }
    %scan3A_733 = arith.constant 128 : i32
    %mul3A_734 = arith.constant 4 : i32
    %mul3A_735 = arith.muli %add3A, %mul3A_734 : i32
    %add3A_736 = arith.constant 2 : i32
    %add3A_737 = arith.addi %mul3A_735, %add3A_736 : i32
    %mul3A_738 = arith.constant 128 : i32
    %mul3A_739 = arith.muli %add3A_737, %mul3A_738 : i32
    "tpu.region"() ({
      %run_scoped3A = tpu.sem_alloc : memref<!tpu.dma_semaphore, #tpu.memory_space<semaphore_mem>>
      %dma_start3A_986 = arith.constant 0 : i32
      %dma_start3A_987 = tpu.memref_slice %arg6[%mul3A_739, %dma_start3A_986] : memref<16384x176xf32, #tpu.memory_space<hbm>> -> memref<128x176xf32, #tpu.memory_space<hbm>>
      %dma_start3A_988 = arith.constant 0 : i32
      %dma_start3A_989 = tpu.memref_slice %arg6[%mul3A_739, %dma_start3A_988] : memref<16384x176xf32, #tpu.memory_space<hbm>> -> memref<128x176xf32, #tpu.memory_space<hbm>>
      tpu.enqueue_dma source(%arg11 : memref<128x176xf32, #tpu.memory_space<vmem>>) target(%dma_start3A_989 : memref<128x176xf32, #tpu.memory_space<hbm>>) target_semaphore(%run_scoped3A : memref<!tpu.dma_semaphore, #tpu.memory_space<semaphore_mem>>)
      %dma_wait3A_990 = arith.constant 0 : i32
      %dma_wait3A_991 = tpu.memref_slice %arg6[%mul3A_739, %dma_wait3A_990] : memref<16384x176xf32, #tpu.memory_space<hbm>> -> memref<128x176xf32, #tpu.memory_space<hbm>>
      %dma_wait3A_992 = arith.constant 0 : i32
      %dma_wait3A_993 = tpu.memref_slice %arg6[%mul3A_739, %dma_wait3A_992] : memref<16384x176xf32, #tpu.memory_space<hbm>> -> memref<128x176xf32, #tpu.memory_space<hbm>>
      tpu.wait_dma2 semaphore(%run_scoped3A : memref<!tpu.dma_semaphore, #tpu.memory_space<semaphore_mem>>) src(%arg11 : memref<128x176xf32, #tpu.memory_space<vmem>>) dst(%dma_wait3A_993 : memref<128x176xf32, #tpu.memory_space<hbm>>)
      tpu.yield
    }) : () -> ()
    %dma_start3A_740 = arith.constant 3 : i32
    %dma_start3A_741 = arith.constant 0 : i32
    %dma_start3A_742 = tpu.memref_slice %arg7[%dma_start3A_740, %dma_start3A_741] : memref<8x128xi32, #tpu.memory_space<vmem>> -> memref<1x128xi32, #tpu.memory_space<vmem>>
    %dma_start3A_743 = tpu.memref_squeeze %dma_start3A_742 : memref<1x128xi32, #tpu.memory_space<vmem>> -> memref<128xi32, #tpu.memory_space<vmem>>
    %dma_start3A_744 = arith.constant 0 : i32
    %dma_start3A_745 = arith.constant 0 : i32
    %dma_start3A_746 = tpu.memref_slice %arg4[%dma_start3A_744, %dma_start3A_745] : memref<1000000x64xf32, #tpu.memory_space<hbm>> -> memref<1000000x64xf32, #tpu.memory_space<hbm>>
    tpu.enqueue_indirect_dma source(%dma_start3A_746 : memref<1000000x64xf32, #tpu.memory_space<hbm>>) target(%arg9 : memref<128x64xf32, #tpu.memory_space<vmem>>) offsets(%dma_start3A_743 : memref<128xi32, #tpu.memory_space<vmem>>) semaphore(%arg12 : memref<!tpu.dma_semaphore, #tpu.memory_space<semaphore_mem>>)
    %dma_start3A_747 = arith.constant 33 : i32
    %dma_start3A_748 = arith.constant 0 : i32
    %dma_start3A_749 = arith.constant 0 : i32
    %dma_start3A_750 = tpu.memref_slice %arg10[%dma_start3A_748, %dma_start3A_749] : memref<1408x64xf32, #tpu.memory_space<vmem>> -> memref<128x64xf32, #tpu.memory_space<vmem>>
    %dma_start3A_751 = arith.constant 0 : i32
    %dma_start3A_752 = tpu.memref_slice %arg8[%dma_start3A_747, %dma_start3A_751] : memref<48x128xi32, #tpu.memory_space<vmem>> -> memref<1x128xi32, #tpu.memory_space<vmem>>
    %dma_start3A_753 = tpu.memref_squeeze %dma_start3A_752 : memref<1x128xi32, #tpu.memory_space<vmem>> -> memref<128xi32, #tpu.memory_space<vmem>>
    %dma_start3A_754 = arith.constant 0 : i32
    %dma_start3A_755 = arith.constant 0 : i32
    %dma_start3A_756 = tpu.memref_slice %arg5[%dma_start3A_754, %dma_start3A_755] : memref<1000000x64xf32, #tpu.memory_space<hbm>> -> memref<1000000x64xf32, #tpu.memory_space<hbm>>
    tpu.enqueue_indirect_dma source(%dma_start3A_756 : memref<1000000x64xf32, #tpu.memory_space<hbm>>) target(%dma_start3A_750 : memref<128x64xf32, #tpu.memory_space<vmem>>) offsets(%dma_start3A_753 : memref<128xi32, #tpu.memory_space<vmem>>) semaphore(%arg13 : memref<!tpu.dma_semaphore, #tpu.memory_space<semaphore_mem>>)
    %dma_start3A_757 = arith.constant 34 : i32
    %dma_start3A_758 = arith.constant 128 : i32
    %dma_start3A_759 = arith.constant 0 : i32
    %dma_start3A_760 = tpu.memref_slice %arg10[%dma_start3A_758, %dma_start3A_759] : memref<1408x64xf32, #tpu.memory_space<vmem>> -> memref<128x64xf32, #tpu.memory_space<vmem>>
    %dma_start3A_761 = arith.constant 0 : i32
    %dma_start3A_762 = tpu.memref_slice %arg8[%dma_start3A_757, %dma_start3A_761] : memref<48x128xi32, #tpu.memory_space<vmem>> -> memref<1x128xi32, #tpu.memory_space<vmem>>
    %dma_start3A_763 = tpu.memref_squeeze %dma_start3A_762 : memref<1x128xi32, #tpu.memory_space<vmem>> -> memref<128xi32, #tpu.memory_space<vmem>>
    %dma_start3A_764 = arith.constant 0 : i32
    %dma_start3A_765 = arith.constant 0 : i32
    %dma_start3A_766 = tpu.memref_slice %arg5[%dma_start3A_764, %dma_start3A_765] : memref<1000000x64xf32, #tpu.memory_space<hbm>> -> memref<1000000x64xf32, #tpu.memory_space<hbm>>
    tpu.enqueue_indirect_dma source(%dma_start3A_766 : memref<1000000x64xf32, #tpu.memory_space<hbm>>) target(%dma_start3A_760 : memref<128x64xf32, #tpu.memory_space<vmem>>) offsets(%dma_start3A_763 : memref<128xi32, #tpu.memory_space<vmem>>) semaphore(%arg13 : memref<!tpu.dma_semaphore, #tpu.memory_space<semaphore_mem>>)
    %dma_start3A_767 = arith.constant 35 : i32
    %dma_start3A_768 = arith.constant 256 : i32
    %dma_start3A_769 = arith.constant 0 : i32
    %dma_start3A_770 = tpu.memref_slice %arg10[%dma_start3A_768, %dma_start3A_769] : memref<1408x64xf32, #tpu.memory_space<vmem>> -> memref<128x64xf32, #tpu.memory_space<vmem>>
    %dma_start3A_771 = arith.constant 0 : i32
    %dma_start3A_772 = tpu.memref_slice %arg8[%dma_start3A_767, %dma_start3A_771] : memref<48x128xi32, #tpu.memory_space<vmem>> -> memref<1x128xi32, #tpu.memory_space<vmem>>
    %dma_start3A_773 = tpu.memref_squeeze %dma_start3A_772 : memref<1x128xi32, #tpu.memory_space<vmem>> -> memref<128xi32, #tpu.memory_space<vmem>>
    %dma_start3A_774 = arith.constant 0 : i32
    %dma_start3A_775 = arith.constant 0 : i32
    %dma_start3A_776 = tpu.memref_slice %arg5[%dma_start3A_774, %dma_start3A_775] : memref<1000000x64xf32, #tpu.memory_space<hbm>> -> memref<1000000x64xf32, #tpu.memory_space<hbm>>
    tpu.enqueue_indirect_dma source(%dma_start3A_776 : memref<1000000x64xf32, #tpu.memory_space<hbm>>) target(%dma_start3A_770 : memref<128x64xf32, #tpu.memory_space<vmem>>) offsets(%dma_start3A_773 : memref<128xi32, #tpu.memory_space<vmem>>) semaphore(%arg13 : memref<!tpu.dma_semaphore, #tpu.memory_space<semaphore_mem>>)
    %dma_start3A_777 = arith.constant 36 : i32
    %dma_start3A_778 = arith.constant 384 : i32
    %dma_start3A_779 = arith.constant 0 : i32
    %dma_start3A_780 = tpu.memref_slice %arg10[%dma_start3A_778, %dma_start3A_779] : memref<1408x64xf32, #tpu.memory_space<vmem>> -> memref<128x64xf32, #tpu.memory_space<vmem>>
    %dma_start3A_781 = arith.constant 0 : i32
    %dma_start3A_782 = tpu.memref_slice %arg8[%dma_start3A_777, %dma_start3A_781] : memref<48x128xi32, #tpu.memory_space<vmem>> -> memref<1x128xi32, #tpu.memory_space<vmem>>
    %dma_start3A_783 = tpu.memref_squeeze %dma_start3A_782 : memref<1x128xi32, #tpu.memory_space<vmem>> -> memref<128xi32, #tpu.memory_space<vmem>>
    %dma_start3A_784 = arith.constant 0 : i32
    %dma_start3A_785 = arith.constant 0 : i32
    %dma_start3A_786 = tpu.memref_slice %arg5[%dma_start3A_784, %dma_start3A_785] : memref<1000000x64xf32, #tpu.memory_space<hbm>> -> memref<1000000x64xf32, #tpu.memory_space<hbm>>
    tpu.enqueue_indirect_dma source(%dma_start3A_786 : memref<1000000x64xf32, #tpu.memory_space<hbm>>) target(%dma_start3A_780 : memref<128x64xf32, #tpu.memory_space<vmem>>) offsets(%dma_start3A_783 : memref<128xi32, #tpu.memory_space<vmem>>) semaphore(%arg13 : memref<!tpu.dma_semaphore, #tpu.memory_space<semaphore_mem>>)
    %dma_start3A_787 = arith.constant 37 : i32
    %dma_start3A_788 = arith.constant 512 : i32
    %dma_start3A_789 = arith.constant 0 : i32
    %dma_start3A_790 = tpu.memref_slice %arg10[%dma_start3A_788, %dma_start3A_789] : memref<1408x64xf32, #tpu.memory_space<vmem>> -> memref<128x64xf32, #tpu.memory_space<vmem>>
    %dma_start3A_791 = arith.constant 0 : i32
    %dma_start3A_792 = tpu.memref_slice %arg8[%dma_start3A_787, %dma_start3A_791] : memref<48x128xi32, #tpu.memory_space<vmem>> -> memref<1x128xi32, #tpu.memory_space<vmem>>
    %dma_start3A_793 = tpu.memref_squeeze %dma_start3A_792 : memref<1x128xi32, #tpu.memory_space<vmem>> -> memref<128xi32, #tpu.memory_space<vmem>>
    %dma_start3A_794 = arith.constant 0 : i32
    %dma_start3A_795 = arith.constant 0 : i32
    %dma_start3A_796 = tpu.memref_slice %arg5[%dma_start3A_794, %dma_start3A_795] : memref<1000000x64xf32, #tpu.memory_space<hbm>> -> memref<1000000x64xf32, #tpu.memory_space<hbm>>
    tpu.enqueue_indirect_dma source(%dma_start3A_796 : memref<1000000x64xf32, #tpu.memory_space<hbm>>) target(%dma_start3A_790 : memref<128x64xf32, #tpu.memory_space<vmem>>) offsets(%dma_start3A_793 : memref<128xi32, #tpu.memory_space<vmem>>) semaphore(%arg13 : memref<!tpu.dma_semaphore, #tpu.memory_space<semaphore_mem>>)
    %dma_start3A_797 = arith.constant 38 : i32
    %dma_start3A_798 = arith.constant 640 : i32
    %dma_start3A_799 = arith.constant 0 : i32
    %dma_start3A_800 = tpu.memref_slice %arg10[%dma_start3A_798, %dma_start3A_799] : memref<1408x64xf32, #tpu.memory_space<vmem>> -> memref<128x64xf32, #tpu.memory_space<vmem>>
    %dma_start3A_801 = arith.constant 0 : i32
    %dma_start3A_802 = tpu.memref_slice %arg8[%dma_start3A_797, %dma_start3A_801] : memref<48x128xi32, #tpu.memory_space<vmem>> -> memref<1x128xi32, #tpu.memory_space<vmem>>
    %dma_start3A_803 = tpu.memref_squeeze %dma_start3A_802 : memref<1x128xi32, #tpu.memory_space<vmem>> -> memref<128xi32, #tpu.memory_space<vmem>>
    %dma_start3A_804 = arith.constant 0 : i32
    %dma_start3A_805 = arith.constant 0 : i32
    %dma_start3A_806 = tpu.memref_slice %arg5[%dma_start3A_804, %dma_start3A_805] : memref<1000000x64xf32, #tpu.memory_space<hbm>> -> memref<1000000x64xf32, #tpu.memory_space<hbm>>
    tpu.enqueue_indirect_dma source(%dma_start3A_806 : memref<1000000x64xf32, #tpu.memory_space<hbm>>) target(%dma_start3A_800 : memref<128x64xf32, #tpu.memory_space<vmem>>) offsets(%dma_start3A_803 : memref<128xi32, #tpu.memory_space<vmem>>) semaphore(%arg13 : memref<!tpu.dma_semaphore, #tpu.memory_space<semaphore_mem>>)
    %dma_start3A_807 = arith.constant 39 : i32
    %dma_start3A_808 = arith.constant 768 : i32
    %dma_start3A_809 = arith.constant 0 : i32
    %dma_start3A_810 = tpu.memref_slice %arg10[%dma_start3A_808, %dma_start3A_809] : memref<1408x64xf32, #tpu.memory_space<vmem>> -> memref<128x64xf32, #tpu.memory_space<vmem>>
    %dma_start3A_811 = arith.constant 0 : i32
    %dma_start3A_812 = tpu.memref_slice %arg8[%dma_start3A_807, %dma_start3A_811] : memref<48x128xi32, #tpu.memory_space<vmem>> -> memref<1x128xi32, #tpu.memory_space<vmem>>
    %dma_start3A_813 = tpu.memref_squeeze %dma_start3A_812 : memref<1x128xi32, #tpu.memory_space<vmem>> -> memref<128xi32, #tpu.memory_space<vmem>>
    %dma_start3A_814 = arith.constant 0 : i32
    %dma_start3A_815 = arith.constant 0 : i32
    %dma_start3A_816 = tpu.memref_slice %arg5[%dma_start3A_814, %dma_start3A_815] : memref<1000000x64xf32, #tpu.memory_space<hbm>> -> memref<1000000x64xf32, #tpu.memory_space<hbm>>
    tpu.enqueue_indirect_dma source(%dma_start3A_816 : memref<1000000x64xf32, #tpu.memory_space<hbm>>) target(%dma_start3A_810 : memref<128x64xf32, #tpu.memory_space<vmem>>) offsets(%dma_start3A_813 : memref<128xi32, #tpu.memory_space<vmem>>) semaphore(%arg13 : memref<!tpu.dma_semaphore, #tpu.memory_space<semaphore_mem>>)
    %dma_start3A_817 = arith.constant 40 : i32
    %dma_start3A_818 = arith.constant 896 : i32
    %dma_start3A_819 = arith.constant 0 : i32
    %dma_start3A_820 = tpu.memref_slice %arg10[%dma_start3A_818, %dma_start3A_819] : memref<1408x64xf32, #tpu.memory_space<vmem>> -> memref<128x64xf32, #tpu.memory_space<vmem>>
    %dma_start3A_821 = arith.constant 0 : i32
    %dma_start3A_822 = tpu.memref_slice %arg8[%dma_start3A_817, %dma_start3A_821] : memref<48x128xi32, #tpu.memory_space<vmem>> -> memref<1x128xi32, #tpu.memory_space<vmem>>
    %dma_start3A_823 = tpu.memref_squeeze %dma_start3A_822 : memref<1x128xi32, #tpu.memory_space<vmem>> -> memref<128xi32, #tpu.memory_space<vmem>>
    %dma_start3A_824 = arith.constant 0 : i32
    %dma_start3A_825 = arith.constant 0 : i32
    %dma_start3A_826 = tpu.memref_slice %arg5[%dma_start3A_824, %dma_start3A_825] : memref<1000000x64xf32, #tpu.memory_space<hbm>> -> memref<1000000x64xf32, #tpu.memory_space<hbm>>
    tpu.enqueue_indirect_dma source(%dma_start3A_826 : memref<1000000x64xf32, #tpu.memory_space<hbm>>) target(%dma_start3A_820 : memref<128x64xf32, #tpu.memory_space<vmem>>) offsets(%dma_start3A_823 : memref<128xi32, #tpu.memory_space<vmem>>) semaphore(%arg13 : memref<!tpu.dma_semaphore, #tpu.memory_space<semaphore_mem>>)
    %dma_start3A_827 = arith.constant 41 : i32
    %dma_start3A_828 = arith.constant 1024 : i32
    %dma_start3A_829 = arith.constant 0 : i32
    %dma_start3A_830 = tpu.memref_slice %arg10[%dma_start3A_828, %dma_start3A_829] : memref<1408x64xf32, #tpu.memory_space<vmem>> -> memref<128x64xf32, #tpu.memory_space<vmem>>
    %dma_start3A_831 = arith.constant 0 : i32
    %dma_start3A_832 = tpu.memref_slice %arg8[%dma_start3A_827, %dma_start3A_831] : memref<48x128xi32, #tpu.memory_space<vmem>> -> memref<1x128xi32, #tpu.memory_space<vmem>>
    %dma_start3A_833 = tpu.memref_squeeze %dma_start3A_832 : memref<1x128xi32, #tpu.memory_space<vmem>> -> memref<128xi32, #tpu.memory_space<vmem>>
    %dma_start3A_834 = arith.constant 0 : i32
    %dma_start3A_835 = arith.constant 0 : i32
    %dma_start3A_836 = tpu.memref_slice %arg5[%dma_start3A_834, %dma_start3A_835] : memref<1000000x64xf32, #tpu.memory_space<hbm>> -> memref<1000000x64xf32, #tpu.memory_space<hbm>>
    tpu.enqueue_indirect_dma source(%dma_start3A_836 : memref<1000000x64xf32, #tpu.memory_space<hbm>>) target(%dma_start3A_830 : memref<128x64xf32, #tpu.memory_space<vmem>>) offsets(%dma_start3A_833 : memref<128xi32, #tpu.memory_space<vmem>>) semaphore(%arg13 : memref<!tpu.dma_semaphore, #tpu.memory_space<semaphore_mem>>)
    %dma_start3A_837 = arith.constant 42 : i32
    %dma_start3A_838 = arith.constant 1152 : i32
    %dma_start3A_839 = arith.constant 0 : i32
    %dma_start3A_840 = tpu.memref_slice %arg10[%dma_start3A_838, %dma_start3A_839] : memref<1408x64xf32, #tpu.memory_space<vmem>> -> memref<128x64xf32, #tpu.memory_space<vmem>>
    %dma_start3A_841 = arith.constant 0 : i32
    %dma_start3A_842 = tpu.memref_slice %arg8[%dma_start3A_837, %dma_start3A_841] : memref<48x128xi32, #tpu.memory_space<vmem>> -> memref<1x128xi32, #tpu.memory_space<vmem>>
    %dma_start3A_843 = tpu.memref_squeeze %dma_start3A_842 : memref<1x128xi32, #tpu.memory_space<vmem>> -> memref<128xi32, #tpu.memory_space<vmem>>
    %dma_start3A_844 = arith.constant 0 : i32
    %dma_start3A_845 = arith.constant 0 : i32
    %dma_start3A_846 = tpu.memref_slice %arg5[%dma_start3A_844, %dma_start3A_845] : memref<1000000x64xf32, #tpu.memory_space<hbm>> -> memref<1000000x64xf32, #tpu.memory_space<hbm>>
    tpu.enqueue_indirect_dma source(%dma_start3A_846 : memref<1000000x64xf32, #tpu.memory_space<hbm>>) target(%dma_start3A_840 : memref<128x64xf32, #tpu.memory_space<vmem>>) offsets(%dma_start3A_843 : memref<128xi32, #tpu.memory_space<vmem>>) semaphore(%arg13 : memref<!tpu.dma_semaphore, #tpu.memory_space<semaphore_mem>>)
    %dma_start3A_847 = arith.constant 43 : i32
    %dma_start3A_848 = arith.constant 1280 : i32
    %dma_start3A_849 = arith.constant 0 : i32
    %dma_start3A_850 = tpu.memref_slice %arg10[%dma_start3A_848, %dma_start3A_849] : memref<1408x64xf32, #tpu.memory_space<vmem>> -> memref<128x64xf32, #tpu.memory_space<vmem>>
    %dma_start3A_851 = arith.constant 0 : i32
    %dma_start3A_852 = tpu.memref_slice %arg8[%dma_start3A_847, %dma_start3A_851] : memref<48x128xi32, #tpu.memory_space<vmem>> -> memref<1x128xi32, #tpu.memory_space<vmem>>
    %dma_start3A_853 = tpu.memref_squeeze %dma_start3A_852 : memref<1x128xi32, #tpu.memory_space<vmem>> -> memref<128xi32, #tpu.memory_space<vmem>>
    %dma_start3A_854 = arith.constant 0 : i32
    %dma_start3A_855 = arith.constant 0 : i32
    %dma_start3A_856 = tpu.memref_slice %arg5[%dma_start3A_854, %dma_start3A_855] : memref<1000000x64xf32, #tpu.memory_space<hbm>> -> memref<1000000x64xf32, #tpu.memory_space<hbm>>
    tpu.enqueue_indirect_dma source(%dma_start3A_856 : memref<1000000x64xf32, #tpu.memory_space<hbm>>) target(%dma_start3A_850 : memref<128x64xf32, #tpu.memory_space<vmem>>) offsets(%dma_start3A_853 : memref<128xi32, #tpu.memory_space<vmem>>) semaphore(%arg13 : memref<!tpu.dma_semaphore, #tpu.memory_space<semaphore_mem>>)
    %dma_wait3A_857 = arith.constant 3 : i32
    %dma_wait3A_858 = arith.constant 0 : i32
    %dma_wait3A_859 = tpu.memref_slice %arg7[%dma_wait3A_857, %dma_wait3A_858] : memref<8x128xi32, #tpu.memory_space<vmem>> -> memref<1x128xi32, #tpu.memory_space<vmem>>
    %dma_wait3A_860 = tpu.memref_squeeze %dma_wait3A_859 : memref<1x128xi32, #tpu.memory_space<vmem>> -> memref<128xi32, #tpu.memory_space<vmem>>
    %dma_wait3A_861 = arith.constant 0 : i32
    %dma_wait3A_862 = arith.constant 0 : i32
    %dma_wait3A_863 = tpu.memref_slice %arg4[%dma_wait3A_861, %dma_wait3A_862] : memref<1000000x64xf32, #tpu.memory_space<hbm>> -> memref<1000000x64xf32, #tpu.memory_space<hbm>>
    tpu.wait_indirect_dma semaphore(%arg12 : memref<!tpu.dma_semaphore, #tpu.memory_space<semaphore_mem>>) src(%dma_wait3A_863 : memref<1000000x64xf32, #tpu.memory_space<hbm>>) dst(%arg9 : memref<128x64xf32, #tpu.memory_space<vmem>>)
    %dma_wait3A_864 = arith.constant 33 : i32
    %dma_wait3A_865 = arith.constant 0 : i32
    %dma_wait3A_866 = arith.constant 0 : i32
    %dma_wait3A_867 = tpu.memref_slice %arg10[%dma_wait3A_865, %dma_wait3A_866] : memref<1408x64xf32, #tpu.memory_space<vmem>> -> memref<128x64xf32, #tpu.memory_space<vmem>>
    %dma_wait3A_868 = arith.constant 0 : i32
    %dma_wait3A_869 = tpu.memref_slice %arg8[%dma_wait3A_864, %dma_wait3A_868] : memref<48x128xi32, #tpu.memory_space<vmem>> -> memref<1x128xi32, #tpu.memory_space<vmem>>
    %dma_wait3A_870 = tpu.memref_squeeze %dma_wait3A_869 : memref<1x128xi32, #tpu.memory_space<vmem>> -> memref<128xi32, #tpu.memory_space<vmem>>
    %dma_wait3A_871 = arith.constant 0 : i32
    %dma_wait3A_872 = arith.constant 0 : i32
    %dma_wait3A_873 = tpu.memref_slice %arg5[%dma_wait3A_871, %dma_wait3A_872] : memref<1000000x64xf32, #tpu.memory_space<hbm>> -> memref<1000000x64xf32, #tpu.memory_space<hbm>>
    tpu.wait_indirect_dma semaphore(%arg13 : memref<!tpu.dma_semaphore, #tpu.memory_space<semaphore_mem>>) src(%dma_wait3A_873 : memref<1000000x64xf32, #tpu.memory_space<hbm>>) dst(%dma_wait3A_867 : memref<128x64xf32, #tpu.memory_space<vmem>>)
    %dma_wait3A_874 = arith.constant 34 : i32
    %dma_wait3A_875 = arith.constant 128 : i32
    %dma_wait3A_876 = arith.constant 0 : i32
    %dma_wait3A_877 = tpu.memref_slice %arg10[%dma_wait3A_875, %dma_wait3A_876] : memref<1408x64xf32, #tpu.memory_space<vmem>> -> memref<128x64xf32, #tpu.memory_space<vmem>>
    %dma_wait3A_878 = arith.constant 0 : i32
    %dma_wait3A_879 = tpu.memref_slice %arg8[%dma_wait3A_874, %dma_wait3A_878] : memref<48x128xi32, #tpu.memory_space<vmem>> -> memref<1x128xi32, #tpu.memory_space<vmem>>
    %dma_wait3A_880 = tpu.memref_squeeze %dma_wait3A_879 : memref<1x128xi32, #tpu.memory_space<vmem>> -> memref<128xi32, #tpu.memory_space<vmem>>
    %dma_wait3A_881 = arith.constant 0 : i32
    %dma_wait3A_882 = arith.constant 0 : i32
    %dma_wait3A_883 = tpu.memref_slice %arg5[%dma_wait3A_881, %dma_wait3A_882] : memref<1000000x64xf32, #tpu.memory_space<hbm>> -> memref<1000000x64xf32, #tpu.memory_space<hbm>>
    tpu.wait_indirect_dma semaphore(%arg13 : memref<!tpu.dma_semaphore, #tpu.memory_space<semaphore_mem>>) src(%dma_wait3A_883 : memref<1000000x64xf32, #tpu.memory_space<hbm>>) dst(%dma_wait3A_877 : memref<128x64xf32, #tpu.memory_space<vmem>>)
    %dma_wait3A_884 = arith.constant 35 : i32
    %dma_wait3A_885 = arith.constant 256 : i32
    %dma_wait3A_886 = arith.constant 0 : i32
    %dma_wait3A_887 = tpu.memref_slice %arg10[%dma_wait3A_885, %dma_wait3A_886] : memref<1408x64xf32, #tpu.memory_space<vmem>> -> memref<128x64xf32, #tpu.memory_space<vmem>>
    %dma_wait3A_888 = arith.constant 0 : i32
    %dma_wait3A_889 = tpu.memref_slice %arg8[%dma_wait3A_884, %dma_wait3A_888] : memref<48x128xi32, #tpu.memory_space<vmem>> -> memref<1x128xi32, #tpu.memory_space<vmem>>
    %dma_wait3A_890 = tpu.memref_squeeze %dma_wait3A_889 : memref<1x128xi32, #tpu.memory_space<vmem>> -> memref<128xi32, #tpu.memory_space<vmem>>
    %dma_wait3A_891 = arith.constant 0 : i32
    %dma_wait3A_892 = arith.constant 0 : i32
    %dma_wait3A_893 = tpu.memref_slice %arg5[%dma_wait3A_891, %dma_wait3A_892] : memref<1000000x64xf32, #tpu.memory_space<hbm>> -> memref<1000000x64xf32, #tpu.memory_space<hbm>>
    tpu.wait_indirect_dma semaphore(%arg13 : memref<!tpu.dma_semaphore, #tpu.memory_space<semaphore_mem>>) src(%dma_wait3A_893 : memref<1000000x64xf32, #tpu.memory_space<hbm>>) dst(%dma_wait3A_887 : memref<128x64xf32, #tpu.memory_space<vmem>>)
    %dma_wait3A_894 = arith.constant 36 : i32
    %dma_wait3A_895 = arith.constant 384 : i32
    %dma_wait3A_896 = arith.constant 0 : i32
    %dma_wait3A_897 = tpu.memref_slice %arg10[%dma_wait3A_895, %dma_wait3A_896] : memref<1408x64xf32, #tpu.memory_space<vmem>> -> memref<128x64xf32, #tpu.memory_space<vmem>>
    %dma_wait3A_898 = arith.constant 0 : i32
    %dma_wait3A_899 = tpu.memref_slice %arg8[%dma_wait3A_894, %dma_wait3A_898] : memref<48x128xi32, #tpu.memory_space<vmem>> -> memref<1x128xi32, #tpu.memory_space<vmem>>
    %dma_wait3A_900 = tpu.memref_squeeze %dma_wait3A_899 : memref<1x128xi32, #tpu.memory_space<vmem>> -> memref<128xi32, #tpu.memory_space<vmem>>
    %dma_wait3A_901 = arith.constant 0 : i32
    %dma_wait3A_902 = arith.constant 0 : i32
    %dma_wait3A_903 = tpu.memref_slice %arg5[%dma_wait3A_901, %dma_wait3A_902] : memref<1000000x64xf32, #tpu.memory_space<hbm>> -> memref<1000000x64xf32, #tpu.memory_space<hbm>>
    tpu.wait_indirect_dma semaphore(%arg13 : memref<!tpu.dma_semaphore, #tpu.memory_space<semaphore_mem>>) src(%dma_wait3A_903 : memref<1000000x64xf32, #tpu.memory_space<hbm>>) dst(%dma_wait3A_897 : memref<128x64xf32, #tpu.memory_space<vmem>>)
    %dma_wait3A_904 = arith.constant 37 : i32
    %dma_wait3A_905 = arith.constant 512 : i32
    %dma_wait3A_906 = arith.constant 0 : i32
    %dma_wait3A_907 = tpu.memref_slice %arg10[%dma_wait3A_905, %dma_wait3A_906] : memref<1408x64xf32, #tpu.memory_space<vmem>> -> memref<128x64xf32, #tpu.memory_space<vmem>>
    %dma_wait3A_908 = arith.constant 0 : i32
    %dma_wait3A_909 = tpu.memref_slice %arg8[%dma_wait3A_904, %dma_wait3A_908] : memref<48x128xi32, #tpu.memory_space<vmem>> -> memref<1x128xi32, #tpu.memory_space<vmem>>
    %dma_wait3A_910 = tpu.memref_squeeze %dma_wait3A_909 : memref<1x128xi32, #tpu.memory_space<vmem>> -> memref<128xi32, #tpu.memory_space<vmem>>
    %dma_wait3A_911 = arith.constant 0 : i32
    %dma_wait3A_912 = arith.constant 0 : i32
    %dma_wait3A_913 = tpu.memref_slice %arg5[%dma_wait3A_911, %dma_wait3A_912] : memref<1000000x64xf32, #tpu.memory_space<hbm>> -> memref<1000000x64xf32, #tpu.memory_space<hbm>>
    tpu.wait_indirect_dma semaphore(%arg13 : memref<!tpu.dma_semaphore, #tpu.memory_space<semaphore_mem>>) src(%dma_wait3A_913 : memref<1000000x64xf32, #tpu.memory_space<hbm>>) dst(%dma_wait3A_907 : memref<128x64xf32, #tpu.memory_space<vmem>>)
    %dma_wait3A_914 = arith.constant 38 : i32
    %dma_wait3A_915 = arith.constant 640 : i32
    %dma_wait3A_916 = arith.constant 0 : i32
    %dma_wait3A_917 = tpu.memref_slice %arg10[%dma_wait3A_915, %dma_wait3A_916] : memref<1408x64xf32, #tpu.memory_space<vmem>> -> memref<128x64xf32, #tpu.memory_space<vmem>>
    %dma_wait3A_918 = arith.constant 0 : i32
    %dma_wait3A_919 = tpu.memref_slice %arg8[%dma_wait3A_914, %dma_wait3A_918] : memref<48x128xi32, #tpu.memory_space<vmem>> -> memref<1x128xi32, #tpu.memory_space<vmem>>
    %dma_wait3A_920 = tpu.memref_squeeze %dma_wait3A_919 : memref<1x128xi32, #tpu.memory_space<vmem>> -> memref<128xi32, #tpu.memory_space<vmem>>
    %dma_wait3A_921 = arith.constant 0 : i32
    %dma_wait3A_922 = arith.constant 0 : i32
    %dma_wait3A_923 = tpu.memref_slice %arg5[%dma_wait3A_921, %dma_wait3A_922] : memref<1000000x64xf32, #tpu.memory_space<hbm>> -> memref<1000000x64xf32, #tpu.memory_space<hbm>>
    tpu.wait_indirect_dma semaphore(%arg13 : memref<!tpu.dma_semaphore, #tpu.memory_space<semaphore_mem>>) src(%dma_wait3A_923 : memref<1000000x64xf32, #tpu.memory_space<hbm>>) dst(%dma_wait3A_917 : memref<128x64xf32, #tpu.memory_space<vmem>>)
    %dma_wait3A_924 = arith.constant 39 : i32
    %dma_wait3A_925 = arith.constant 768 : i32
    %dma_wait3A_926 = arith.constant 0 : i32
    %dma_wait3A_927 = tpu.memref_slice %arg10[%dma_wait3A_925, %dma_wait3A_926] : memref<1408x64xf32, #tpu.memory_space<vmem>> -> memref<128x64xf32, #tpu.memory_space<vmem>>
    %dma_wait3A_928 = arith.constant 0 : i32
    %dma_wait3A_929 = tpu.memref_slice %arg8[%dma_wait3A_924, %dma_wait3A_928] : memref<48x128xi32, #tpu.memory_space<vmem>> -> memref<1x128xi32, #tpu.memory_space<vmem>>
    %dma_wait3A_930 = tpu.memref_squeeze %dma_wait3A_929 : memref<1x128xi32, #tpu.memory_space<vmem>> -> memref<128xi32, #tpu.memory_space<vmem>>
    %dma_wait3A_931 = arith.constant 0 : i32
    %dma_wait3A_932 = arith.constant 0 : i32
    %dma_wait3A_933 = tpu.memref_slice %arg5[%dma_wait3A_931, %dma_wait3A_932] : memref<1000000x64xf32, #tpu.memory_space<hbm>> -> memref<1000000x64xf32, #tpu.memory_space<hbm>>
    tpu.wait_indirect_dma semaphore(%arg13 : memref<!tpu.dma_semaphore, #tpu.memory_space<semaphore_mem>>) src(%dma_wait3A_933 : memref<1000000x64xf32, #tpu.memory_space<hbm>>) dst(%dma_wait3A_927 : memref<128x64xf32, #tpu.memory_space<vmem>>)
    %dma_wait3A_934 = arith.constant 40 : i32
    %dma_wait3A_935 = arith.constant 896 : i32
    %dma_wait3A_936 = arith.constant 0 : i32
    %dma_wait3A_937 = tpu.memref_slice %arg10[%dma_wait3A_935, %dma_wait3A_936] : memref<1408x64xf32, #tpu.memory_space<vmem>> -> memref<128x64xf32, #tpu.memory_space<vmem>>
    %dma_wait3A_938 = arith.constant 0 : i32
    %dma_wait3A_939 = tpu.memref_slice %arg8[%dma_wait3A_934, %dma_wait3A_938] : memref<48x128xi32, #tpu.memory_space<vmem>> -> memref<1x128xi32, #tpu.memory_space<vmem>>
    %dma_wait3A_940 = tpu.memref_squeeze %dma_wait3A_939 : memref<1x128xi32, #tpu.memory_space<vmem>> -> memref<128xi32, #tpu.memory_space<vmem>>
    %dma_wait3A_941 = arith.constant 0 : i32
    %dma_wait3A_942 = arith.constant 0 : i32
    %dma_wait3A_943 = tpu.memref_slice %arg5[%dma_wait3A_941, %dma_wait3A_942] : memref<1000000x64xf32, #tpu.memory_space<hbm>> -> memref<1000000x64xf32, #tpu.memory_space<hbm>>
    tpu.wait_indirect_dma semaphore(%arg13 : memref<!tpu.dma_semaphore, #tpu.memory_space<semaphore_mem>>) src(%dma_wait3A_943 : memref<1000000x64xf32, #tpu.memory_space<hbm>>) dst(%dma_wait3A_937 : memref<128x64xf32, #tpu.memory_space<vmem>>)
    %dma_wait3A_944 = arith.constant 41 : i32
    %dma_wait3A_945 = arith.constant 1024 : i32
    %dma_wait3A_946 = arith.constant 0 : i32
    %dma_wait3A_947 = tpu.memref_slice %arg10[%dma_wait3A_945, %dma_wait3A_946] : memref<1408x64xf32, #tpu.memory_space<vmem>> -> memref<128x64xf32, #tpu.memory_space<vmem>>
    %dma_wait3A_948 = arith.constant 0 : i32
    %dma_wait3A_949 = tpu.memref_slice %arg8[%dma_wait3A_944, %dma_wait3A_948] : memref<48x128xi32, #tpu.memory_space<vmem>> -> memref<1x128xi32, #tpu.memory_space<vmem>>
    %dma_wait3A_950 = tpu.memref_squeeze %dma_wait3A_949 : memref<1x128xi32, #tpu.memory_space<vmem>> -> memref<128xi32, #tpu.memory_space<vmem>>
    %dma_wait3A_951 = arith.constant 0 : i32
    %dma_wait3A_952 = arith.constant 0 : i32
    %dma_wait3A_953 = tpu.memref_slice %arg5[%dma_wait3A_951, %dma_wait3A_952] : memref<1000000x64xf32, #tpu.memory_space<hbm>> -> memref<1000000x64xf32, #tpu.memory_space<hbm>>
    tpu.wait_indirect_dma semaphore(%arg13 : memref<!tpu.dma_semaphore, #tpu.memory_space<semaphore_mem>>) src(%dma_wait3A_953 : memref<1000000x64xf32, #tpu.memory_space<hbm>>) dst(%dma_wait3A_947 : memref<128x64xf32, #tpu.memory_space<vmem>>)
    %dma_wait3A_954 = arith.constant 42 : i32
    %dma_wait3A_955 = arith.constant 1152 : i32
    %dma_wait3A_956 = arith.constant 0 : i32
    %dma_wait3A_957 = tpu.memref_slice %arg10[%dma_wait3A_955, %dma_wait3A_956] : memref<1408x64xf32, #tpu.memory_space<vmem>> -> memref<128x64xf32, #tpu.memory_space<vmem>>
    %dma_wait3A_958 = arith.constant 0 : i32
    %dma_wait3A_959 = tpu.memref_slice %arg8[%dma_wait3A_954, %dma_wait3A_958] : memref<48x128xi32, #tpu.memory_space<vmem>> -> memref<1x128xi32, #tpu.memory_space<vmem>>
    %dma_wait3A_960 = tpu.memref_squeeze %dma_wait3A_959 : memref<1x128xi32, #tpu.memory_space<vmem>> -> memref<128xi32, #tpu.memory_space<vmem>>
    %dma_wait3A_961 = arith.constant 0 : i32
    %dma_wait3A_962 = arith.constant 0 : i32
    %dma_wait3A_963 = tpu.memref_slice %arg5[%dma_wait3A_961, %dma_wait3A_962] : memref<1000000x64xf32, #tpu.memory_space<hbm>> -> memref<1000000x64xf32, #tpu.memory_space<hbm>>
    tpu.wait_indirect_dma semaphore(%arg13 : memref<!tpu.dma_semaphore, #tpu.memory_space<semaphore_mem>>) src(%dma_wait3A_963 : memref<1000000x64xf32, #tpu.memory_space<hbm>>) dst(%dma_wait3A_957 : memref<128x64xf32, #tpu.memory_space<vmem>>)
    %dma_wait3A_964 = arith.constant 43 : i32
    %dma_wait3A_965 = arith.constant 1280 : i32
    %dma_wait3A_966 = arith.constant 0 : i32
    %dma_wait3A_967 = tpu.memref_slice %arg10[%dma_wait3A_965, %dma_wait3A_966] : memref<1408x64xf32, #tpu.memory_space<vmem>> -> memref<128x64xf32, #tpu.memory_space<vmem>>
    %dma_wait3A_968 = arith.constant 0 : i32
    %dma_wait3A_969 = tpu.memref_slice %arg8[%dma_wait3A_964, %dma_wait3A_968] : memref<48x128xi32, #tpu.memory_space<vmem>> -> memref<1x128xi32, #tpu.memory_space<vmem>>
    %dma_wait3A_970 = tpu.memref_squeeze %dma_wait3A_969 : memref<1x128xi32, #tpu.memory_space<vmem>> -> memref<128xi32, #tpu.memory_space<vmem>>
    %dma_wait3A_971 = arith.constant 0 : i32
    %dma_wait3A_972 = arith.constant 0 : i32
    %dma_wait3A_973 = tpu.memref_slice %arg5[%dma_wait3A_971, %dma_wait3A_972] : memref<1000000x64xf32, #tpu.memory_space<hbm>> -> memref<1000000x64xf32, #tpu.memory_space<hbm>>
    tpu.wait_indirect_dma semaphore(%arg13 : memref<!tpu.dma_semaphore, #tpu.memory_space<semaphore_mem>>) src(%dma_wait3A_973 : memref<1000000x64xf32, #tpu.memory_space<hbm>>) dst(%dma_wait3A_967 : memref<128x64xf32, #tpu.memory_space<vmem>>)
    %scan3A_974 = arith.constant 0 : i32
    %scan3A_975 = arith.constant 0 : i32
    %scan3A_976 = arith.constant 128 : i32
    %scan3A_977 = arith.addi %scan3A_975, %scan3A_976 : i32
    %scan3A_978 = arith.constant 1 : i32
    scf.for %scan3A_986 = %scan3A_975 to %scan3A_977 step %scan3A_978  : i32 {
      %get3A = arith.index_cast %scan3A_986 : i32 to index
      %get3A_987 = arith.constant 0 : index
      %get3A_988 = tpu.vector_load %arg9[%get3A, %get3A_987] {strides = array<i32>} : memref<128x64xf32, #tpu.memory_space<vmem>>, vector<1x16xf32>,
      %get3A_989 = vector.shape_cast %get3A_988 : vector<1x16xf32> to vector<16xf32>
      %get3A_990 = arith.index_cast %scan3A_986 : i32 to index
      %get3A_991 = arith.constant 16 : index
      %get3A_992 = tpu.vector_load %arg9[%get3A_990, %get3A_991] {strides = array<i32>} : memref<128x64xf32, #tpu.memory_space<vmem>>, vector<1x16xf32>,
      %get3A_993 = vector.shape_cast %get3A_992 : vector<1x16xf32> to vector<16xf32>
      %get3A_994 = arith.index_cast %scan3A_986 : i32 to index
      %get3A_995 = arith.constant 32 : index
      %get3A_996 = tpu.vector_load %arg9[%get3A_994, %get3A_995] {strides = array<i32>} : memref<128x64xf32, #tpu.memory_space<vmem>>, vector<1x16xf32>,
      %get3A_997 = vector.shape_cast %get3A_996 : vector<1x16xf32> to vector<16xf32>
      %get3A_998 = arith.index_cast %scan3A_986 : i32 to index
      %get3A_999 = arith.constant 48 : index
      %get3A_1000 = tpu.vector_load %arg9[%get3A_998, %get3A_999] {strides = array<i32>} : memref<128x64xf32, #tpu.memory_space<vmem>>, vector<1x16xf32>,
      %get3A_1001 = vector.shape_cast %get3A_1000 : vector<1x16xf32> to vector<16xf32>
      %mul3A_1002 = arith.constant 11 : i32
      %mul3A_1003 = arith.muli %scan3A_986, %mul3A_1002 : i32
      %add3A_1004 = arith.constant 0 : i32
      %add3A_1005 = arith.addi %mul3A_1003, %add3A_1004 : i32
      %get3A_1006 = arith.index_cast %add3A_1005 : i32 to index
      %get3A_1007 = arith.constant 0 : index
      %get3A_1008 = tpu.vector_load %arg10[%get3A_1006, %get3A_1007] {strides = array<i32>} : memref<1408x64xf32, #tpu.memory_space<vmem>>, vector<1x16xf32>,
      %get3A_1009 = vector.shape_cast %get3A_1008 : vector<1x16xf32> to vector<16xf32>
      %mul3A_1010 = arith.mulf %get3A_989, %get3A_1009 : vector<16xf32>
      %get3A_1011 = arith.index_cast %add3A_1005 : i32 to index
      %get3A_1012 = arith.constant 16 : index
      %get3A_1013 = tpu.vector_load %arg10[%get3A_1011, %get3A_1012] {strides = array<i32>} : memref<1408x64xf32, #tpu.memory_space<vmem>>, vector<1x16xf32>,
      %get3A_1014 = vector.shape_cast %get3A_1013 : vector<1x16xf32> to vector<16xf32>
      %mul3A_1015 = arith.mulf %get3A_993, %get3A_1014 : vector<16xf32>
      %add3A_1016 = arith.addf %mul3A_1010, %mul3A_1015 : vector<16xf32>
      %get3A_1017 = arith.index_cast %add3A_1005 : i32 to index
      %get3A_1018 = arith.constant 32 : index
      %get3A_1019 = tpu.vector_load %arg10[%get3A_1017, %get3A_1018] {strides = array<i32>} : memref<1408x64xf32, #tpu.memory_space<vmem>>, vector<1x16xf32>,
      %get3A_1020 = vector.shape_cast %get3A_1019 : vector<1x16xf32> to vector<16xf32>
      %mul3A_1021 = arith.mulf %get3A_997, %get3A_1020 : vector<16xf32>
      %add3A_1022 = arith.addf %add3A_1016, %mul3A_1021 : vector<16xf32>
      %get3A_1023 = arith.index_cast %add3A_1005 : i32 to index
      %get3A_1024 = arith.constant 48 : index
      %get3A_1025 = tpu.vector_load %arg10[%get3A_1023, %get3A_1024] {strides = array<i32>} : memref<1408x64xf32, #tpu.memory_space<vmem>>, vector<1x16xf32>,
      %get3A_1026 = vector.shape_cast %get3A_1025 : vector<1x16xf32> to vector<16xf32>
      %mul3A_1027 = arith.mulf %get3A_1001, %get3A_1026 : vector<16xf32>
      %add3A_1028 = arith.addf %add3A_1022, %mul3A_1027 : vector<16xf32>
      %swap3A = arith.index_cast %scan3A_986 : i32 to index
      %swap3A_1029 = arith.constant 0 : index
      %swap3A_1030 = tpu.vector_load %arg11[%swap3A, %swap3A_1029] {strides = array<i32>} : memref<128x176xf32, #tpu.memory_space<vmem>>, vector<1x16xf32>,
      %swap3A_1031 = vector.shape_cast %swap3A_1030 : vector<1x16xf32> to vector<16xf32>
      %swap3A_1032 = vector.shape_cast %add3A_1028 : vector<16xf32> to vector<1x16xf32>
      tpu.vector_store %arg11[%swap3A, %swap3A_1029], %swap3A_1032 {strides = array<i32>} : memref<128x176xf32, #tpu.memory_space<vmem>>, vector<1x16xf32>,
      %mul3A_1033 = arith.constant 11 : i32
      %mul3A_1034 = arith.muli %scan3A_986, %mul3A_1033 : i32
      %add3A_1035 = arith.constant 1 : i32
      %add3A_1036 = arith.addi %mul3A_1034, %add3A_1035 : i32
      %get3A_1037 = arith.index_cast %add3A_1036 : i32 to index
      %get3A_1038 = arith.constant 0 : index
      %get3A_1039 = tpu.vector_load %arg10[%get3A_1037, %get3A_1038] {strides = array<i32>} : memref<1408x64xf32, #tpu.memory_space<vmem>>, vector<1x16xf32>,
      %get3A_1040 = vector.shape_cast %get3A_1039 : vector<1x16xf32> to vector<16xf32>
      %mul3A_1041 = arith.mulf %get3A_989, %get3A_1040 : vector<16xf32>
      %get3A_1042 = arith.index_cast %add3A_1036 : i32 to index
      %get3A_1043 = arith.constant 16 : index
      %get3A_1044 = tpu.vector_load %arg10[%get3A_1042, %get3A_1043] {strides = array<i32>} : memref<1408x64xf32, #tpu.memory_space<vmem>>, vector<1x16xf32>,
      %get3A_1045 = vector.shape_cast %get3A_1044 : vector<1x16xf32> to vector<16xf32>
      %mul3A_1046 = arith.mulf %get3A_993, %get3A_1045 : vector<16xf32>
      %add3A_1047 = arith.addf %mul3A_1041, %mul3A_1046 : vector<16xf32>
      %get3A_1048 = arith.index_cast %add3A_1036 : i32 to index
      %get3A_1049 = arith.constant 32 : index
      %get3A_1050 = tpu.vector_load %arg10[%get3A_1048, %get3A_1049] {strides = array<i32>} : memref<1408x64xf32, #tpu.memory_space<vmem>>, vector<1x16xf32>,
      %get3A_1051 = vector.shape_cast %get3A_1050 : vector<1x16xf32> to vector<16xf32>
      %mul3A_1052 = arith.mulf %get3A_997, %get3A_1051 : vector<16xf32>
      %add3A_1053 = arith.addf %add3A_1047, %mul3A_1052 : vector<16xf32>
      %get3A_1054 = arith.index_cast %add3A_1036 : i32 to index
      %get3A_1055 = arith.constant 48 : index
      %get3A_1056 = tpu.vector_load %arg10[%get3A_1054, %get3A_1055] {strides = array<i32>} : memref<1408x64xf32, #tpu.memory_space<vmem>>, vector<1x16xf32>,
      %get3A_1057 = vector.shape_cast %get3A_1056 : vector<1x16xf32> to vector<16xf32>
      %mul3A_1058 = arith.mulf %get3A_1001, %get3A_1057 : vector<16xf32>
      %add3A_1059 = arith.addf %add3A_1053, %mul3A_1058 : vector<16xf32>
      %swap3A_1060 = arith.index_cast %scan3A_986 : i32 to index
      %swap3A_1061 = arith.constant 16 : index
      %swap3A_1062 = tpu.vector_load %arg11[%swap3A_1060, %swap3A_1061] {strides = array<i32>} : memref<128x176xf32, #tpu.memory_space<vmem>>, vector<1x16xf32>,
      %swap3A_1063 = vector.shape_cast %swap3A_1062 : vector<1x16xf32> to vector<16xf32>
      %swap3A_1064 = vector.shape_cast %add3A_1059 : vector<16xf32> to vector<1x16xf32>
      tpu.vector_store %arg11[%swap3A_1060, %swap3A_1061], %swap3A_1064 {strides = array<i32>} : memref<128x176xf32, #tpu.memory_space<vmem>>, vector<1x16xf32>,
      %mul3A_1065 = arith.constant 11 : i32
      %mul3A_1066 = arith.muli %scan3A_986, %mul3A_1065 : i32
      %add3A_1067 = arith.constant 2 : i32
      %add3A_1068 = arith.addi %mul3A_1066, %add3A_1067 : i32
      %get3A_1069 = arith.index_cast %add3A_1068 : i32 to index
      %get3A_1070 = arith.constant 0 : index
      %get3A_1071 = tpu.vector_load %arg10[%get3A_1069, %get3A_1070] {strides = array<i32>} : memref<1408x64xf32, #tpu.memory_space<vmem>>, vector<1x16xf32>,
      %get3A_1072 = vector.shape_cast %get3A_1071 : vector<1x16xf32> to vector<16xf32>
      %mul3A_1073 = arith.mulf %get3A_989, %get3A_1072 : vector<16xf32>
      %get3A_1074 = arith.index_cast %add3A_1068 : i32 to index
      %get3A_1075 = arith.constant 16 : index
      %get3A_1076 = tpu.vector_load %arg10[%get3A_1074, %get3A_1075] {strides = array<i32>} : memref<1408x64xf32, #tpu.memory_space<vmem>>, vector<1x16xf32>,
      %get3A_1077 = vector.shape_cast %get3A_1076 : vector<1x16xf32> to vector<16xf32>
      %mul3A_1078 = arith.mulf %get3A_993, %get3A_1077 : vector<16xf32>
      %add3A_1079 = arith.addf %mul3A_1073, %mul3A_1078 : vector<16xf32>
      %get3A_1080 = arith.index_cast %add3A_1068 : i32 to index
      %get3A_1081 = arith.constant 32 : index
      %get3A_1082 = tpu.vector_load %arg10[%get3A_1080, %get3A_1081] {strides = array<i32>} : memref<1408x64xf32, #tpu.memory_space<vmem>>, vector<1x16xf32>,
      %get3A_1083 = vector.shape_cast %get3A_1082 : vector<1x16xf32> to vector<16xf32>
      %mul3A_1084 = arith.mulf %get3A_997, %get3A_1083 : vector<16xf32>
      %add3A_1085 = arith.addf %add3A_1079, %mul3A_1084 : vector<16xf32>
      %get3A_1086 = arith.index_cast %add3A_1068 : i32 to index
      %get3A_1087 = arith.constant 48 : index
      %get3A_1088 = tpu.vector_load %arg10[%get3A_1086, %get3A_1087] {strides = array<i32>} : memref<1408x64xf32, #tpu.memory_space<vmem>>, vector<1x16xf32>,
      %get3A_1089 = vector.shape_cast %get3A_1088 : vector<1x16xf32> to vector<16xf32>
      %mul3A_1090 = arith.mulf %get3A_1001, %get3A_1089 : vector<16xf32>
      %add3A_1091 = arith.addf %add3A_1085, %mul3A_1090 : vector<16xf32>
      %swap3A_1092 = arith.index_cast %scan3A_986 : i32 to index
      %swap3A_1093 = arith.constant 32 : index
      %swap3A_1094 = tpu.vector_load %arg11[%swap3A_1092, %swap3A_1093] {strides = array<i32>} : memref<128x176xf32, #tpu.memory_space<vmem>>, vector<1x16xf32>,
      %swap3A_1095 = vector.shape_cast %swap3A_1094 : vector<1x16xf32> to vector<16xf32>
      %swap3A_1096 = vector.shape_cast %add3A_1091 : vector<16xf32> to vector<1x16xf32>
      tpu.vector_store %arg11[%swap3A_1092, %swap3A_1093], %swap3A_1096 {strides = array<i32>} : memref<128x176xf32, #tpu.memory_space<vmem>>, vector<1x16xf32>,
      %mul3A_1097 = arith.constant 11 : i32
      %mul3A_1098 = arith.muli %scan3A_986, %mul3A_1097 : i32
      %add3A_1099 = arith.constant 3 : i32
      %add3A_1100 = arith.addi %mul3A_1098, %add3A_1099 : i32
      %get3A_1101 = arith.index_cast %add3A_1100 : i32 to index
      %get3A_1102 = arith.constant 0 : index
      %get3A_1103 = tpu.vector_load %arg10[%get3A_1101, %get3A_1102] {strides = array<i32>} : memref<1408x64xf32, #tpu.memory_space<vmem>>, vector<1x16xf32>,
      %get3A_1104 = vector.shape_cast %get3A_1103 : vector<1x16xf32> to vector<16xf32>
      %mul3A_1105 = arith.mulf %get3A_989, %get3A_1104 : vector<16xf32>
      %get3A_1106 = arith.index_cast %add3A_1100 : i32 to index
      %get3A_1107 = arith.constant 16 : index
      %get3A_1108 = tpu.vector_load %arg10[%get3A_1106, %get3A_1107] {strides = array<i32>} : memref<1408x64xf32, #tpu.memory_space<vmem>>, vector<1x16xf32>,
      %get3A_1109 = vector.shape_cast %get3A_1108 : vector<1x16xf32> to vector<16xf32>
      %mul3A_1110 = arith.mulf %get3A_993, %get3A_1109 : vector<16xf32>
      %add3A_1111 = arith.addf %mul3A_1105, %mul3A_1110 : vector<16xf32>
      %get3A_1112 = arith.index_cast %add3A_1100 : i32 to index
      %get3A_1113 = arith.constant 32 : index
      %get3A_1114 = tpu.vector_load %arg10[%get3A_1112, %get3A_1113] {strides = array<i32>} : memref<1408x64xf32, #tpu.memory_space<vmem>>, vector<1x16xf32>,
      %get3A_1115 = vector.shape_cast %get3A_1114 : vector<1x16xf32> to vector<16xf32>
      %mul3A_1116 = arith.mulf %get3A_997, %get3A_1115 : vector<16xf32>
      %add3A_1117 = arith.addf %add3A_1111, %mul3A_1116 : vector<16xf32>
      %get3A_1118 = arith.index_cast %add3A_1100 : i32 to index
      %get3A_1119 = arith.constant 48 : index
      %get3A_1120 = tpu.vector_load %arg10[%get3A_1118, %get3A_1119] {strides = array<i32>} : memref<1408x64xf32, #tpu.memory_space<vmem>>, vector<1x16xf32>,
      %get3A_1121 = vector.shape_cast %get3A_1120 : vector<1x16xf32> to vector<16xf32>
      %mul3A_1122 = arith.mulf %get3A_1001, %get3A_1121 : vector<16xf32>
      %add3A_1123 = arith.addf %add3A_1117, %mul3A_1122 : vector<16xf32>
      %swap3A_1124 = arith.index_cast %scan3A_986 : i32 to index
      %swap3A_1125 = arith.constant 48 : index
      %swap3A_1126 = tpu.vector_load %arg11[%swap3A_1124, %swap3A_1125] {strides = array<i32>} : memref<128x176xf32, #tpu.memory_space<vmem>>, vector<1x16xf32>,
      %swap3A_1127 = vector.shape_cast %swap3A_1126 : vector<1x16xf32> to vector<16xf32>
      %swap3A_1128 = vector.shape_cast %add3A_1123 : vector<16xf32> to vector<1x16xf32>
      tpu.vector_store %arg11[%swap3A_1124, %swap3A_1125], %swap3A_1128 {strides = array<i32>} : memref<128x176xf32, #tpu.memory_space<vmem>>, vector<1x16xf32>,
      %mul3A_1129 = arith.constant 11 : i32
      %mul3A_1130 = arith.muli %scan3A_986, %mul3A_1129 : i32
      %add3A_1131 = arith.constant 4 : i32
      %add3A_1132 = arith.addi %mul3A_1130, %add3A_1131 : i32
      %get3A_1133 = arith.index_cast %add3A_1132 : i32 to index
      %get3A_1134 = arith.constant 0 : index
      %get3A_1135 = tpu.vector_load %arg10[%get3A_1133, %get3A_1134] {strides = array<i32>} : memref<1408x64xf32, #tpu.memory_space<vmem>>, vector<1x16xf32>,
      %get3A_1136 = vector.shape_cast %get3A_1135 : vector<1x16xf32> to vector<16xf32>
      %mul3A_1137 = arith.mulf %get3A_989, %get3A_1136 : vector<16xf32>
      %get3A_1138 = arith.index_cast %add3A_1132 : i32 to index
      %get3A_1139 = arith.constant 16 : index
      %get3A_1140 = tpu.vector_load %arg10[%get3A_1138, %get3A_1139] {strides = array<i32>} : memref<1408x64xf32, #tpu.memory_space<vmem>>, vector<1x16xf32>,
      %get3A_1141 = vector.shape_cast %get3A_1140 : vector<1x16xf32> to vector<16xf32>
      %mul3A_1142 = arith.mulf %get3A_993, %get3A_1141 : vector<16xf32>
      %add3A_1143 = arith.addf %mul3A_1137, %mul3A_1142 : vector<16xf32>
      %get3A_1144 = arith.index_cast %add3A_1132 : i32 to index
      %get3A_1145 = arith.constant 32 : index
      %get3A_1146 = tpu.vector_load %arg10[%get3A_1144, %get3A_1145] {strides = array<i32>} : memref<1408x64xf32, #tpu.memory_space<vmem>>, vector<1x16xf32>,
      %get3A_1147 = vector.shape_cast %get3A_1146 : vector<1x16xf32> to vector<16xf32>
      %mul3A_1148 = arith.mulf %get3A_997, %get3A_1147 : vector<16xf32>
      %add3A_1149 = arith.addf %add3A_1143, %mul3A_1148 : vector<16xf32>
      %get3A_1150 = arith.index_cast %add3A_1132 : i32 to index
      %get3A_1151 = arith.constant 48 : index
      %get3A_1152 = tpu.vector_load %arg10[%get3A_1150, %get3A_1151] {strides = array<i32>} : memref<1408x64xf32, #tpu.memory_space<vmem>>, vector<1x16xf32>,
      %get3A_1153 = vector.shape_cast %get3A_1152 : vector<1x16xf32> to vector<16xf32>
      %mul3A_1154 = arith.mulf %get3A_1001, %get3A_1153 : vector<16xf32>
      %add3A_1155 = arith.addf %add3A_1149, %mul3A_1154 : vector<16xf32>
      %swap3A_1156 = arith.index_cast %scan3A_986 : i32 to index
      %swap3A_1157 = arith.constant 64 : index
      %swap3A_1158 = tpu.vector_load %arg11[%swap3A_1156, %swap3A_1157] {strides = array<i32>} : memref<128x176xf32, #tpu.memory_space<vmem>>, vector<1x16xf32>,
      %swap3A_1159 = vector.shape_cast %swap3A_1158 : vector<1x16xf32> to vector<16xf32>
      %swap3A_1160 = vector.shape_cast %add3A_1155 : vector<16xf32> to vector<1x16xf32>
      tpu.vector_store %arg11[%swap3A_1156, %swap3A_1157], %swap3A_1160 {strides = array<i32>} : memref<128x176xf32, #tpu.memory_space<vmem>>, vector<1x16xf32>,
      %mul3A_1161 = arith.constant 11 : i32
      %mul3A_1162 = arith.muli %scan3A_986, %mul3A_1161 : i32
      %add3A_1163 = arith.constant 5 : i32
      %add3A_1164 = arith.addi %mul3A_1162, %add3A_1163 : i32
      %get3A_1165 = arith.index_cast %add3A_1164 : i32 to index
      %get3A_1166 = arith.constant 0 : index
      %get3A_1167 = tpu.vector_load %arg10[%get3A_1165, %get3A_1166] {strides = array<i32>} : memref<1408x64xf32, #tpu.memory_space<vmem>>, vector<1x16xf32>,
      %get3A_1168 = vector.shape_cast %get3A_1167 : vector<1x16xf32> to vector<16xf32>
      %mul3A_1169 = arith.mulf %get3A_989, %get3A_1168 : vector<16xf32>
      %get3A_1170 = arith.index_cast %add3A_1164 : i32 to index
      %get3A_1171 = arith.constant 16 : index
      %get3A_1172 = tpu.vector_load %arg10[%get3A_1170, %get3A_1171] {strides = array<i32>} : memref<1408x64xf32, #tpu.memory_space<vmem>>, vector<1x16xf32>,
      %get3A_1173 = vector.shape_cast %get3A_1172 : vector<1x16xf32> to vector<16xf32>
      %mul3A_1174 = arith.mulf %get3A_993, %get3A_1173 : vector<16xf32>
      %add3A_1175 = arith.addf %mul3A_1169, %mul3A_1174 : vector<16xf32>
      %get3A_1176 = arith.index_cast %add3A_1164 : i32 to index
      %get3A_1177 = arith.constant 32 : index
      %get3A_1178 = tpu.vector_load %arg10[%get3A_1176, %get3A_1177] {strides = array<i32>} : memref<1408x64xf32, #tpu.memory_space<vmem>>, vector<1x16xf32>,
      %get3A_1179 = vector.shape_cast %get3A_1178 : vector<1x16xf32> to vector<16xf32>
      %mul3A_1180 = arith.mulf %get3A_997, %get3A_1179 : vector<16xf32>
      %add3A_1181 = arith.addf %add3A_1175, %mul3A_1180 : vector<16xf32>
      %get3A_1182 = arith.index_cast %add3A_1164 : i32 to index
      %get3A_1183 = arith.constant 48 : index
      %get3A_1184 = tpu.vector_load %arg10[%get3A_1182, %get3A_1183] {strides = array<i32>} : memref<1408x64xf32, #tpu.memory_space<vmem>>, vector<1x16xf32>,
      %get3A_1185 = vector.shape_cast %get3A_1184 : vector<1x16xf32> to vector<16xf32>
      %mul3A_1186 = arith.mulf %get3A_1001, %get3A_1185 : vector<16xf32>
      %add3A_1187 = arith.addf %add3A_1181, %mul3A_1186 : vector<16xf32>
      %swap3A_1188 = arith.index_cast %scan3A_986 : i32 to index
      %swap3A_1189 = arith.constant 80 : index
      %swap3A_1190 = tpu.vector_load %arg11[%swap3A_1188, %swap3A_1189] {strides = array<i32>} : memref<128x176xf32, #tpu.memory_space<vmem>>, vector<1x16xf32>,
      %swap3A_1191 = vector.shape_cast %swap3A_1190 : vector<1x16xf32> to vector<16xf32>
      %swap3A_1192 = vector.shape_cast %add3A_1187 : vector<16xf32> to vector<1x16xf32>
      tpu.vector_store %arg11[%swap3A_1188, %swap3A_1189], %swap3A_1192 {strides = array<i32>} : memref<128x176xf32, #tpu.memory_space<vmem>>, vector<1x16xf32>,
      %mul3A_1193 = arith.constant 11 : i32
      %mul3A_1194 = arith.muli %scan3A_986, %mul3A_1193 : i32
      %add3A_1195 = arith.constant 6 : i32
      %add3A_1196 = arith.addi %mul3A_1194, %add3A_1195 : i32
      %get3A_1197 = arith.index_cast %add3A_1196 : i32 to index
      %get3A_1198 = arith.constant 0 : index
      %get3A_1199 = tpu.vector_load %arg10[%get3A_1197, %get3A_1198] {strides = array<i32>} : memref<1408x64xf32, #tpu.memory_space<vmem>>, vector<1x16xf32>,
      %get3A_1200 = vector.shape_cast %get3A_1199 : vector<1x16xf32> to vector<16xf32>
      %mul3A_1201 = arith.mulf %get3A_989, %get3A_1200 : vector<16xf32>
      %get3A_1202 = arith.index_cast %add3A_1196 : i32 to index
      %get3A_1203 = arith.constant 16 : index
      %get3A_1204 = tpu.vector_load %arg10[%get3A_1202, %get3A_1203] {strides = array<i32>} : memref<1408x64xf32, #tpu.memory_space<vmem>>, vector<1x16xf32>,
      %get3A_1205 = vector.shape_cast %get3A_1204 : vector<1x16xf32> to vector<16xf32>
      %mul3A_1206 = arith.mulf %get3A_993, %get3A_1205 : vector<16xf32>
      %add3A_1207 = arith.addf %mul3A_1201, %mul3A_1206 : vector<16xf32>
      %get3A_1208 = arith.index_cast %add3A_1196 : i32 to index
      %get3A_1209 = arith.constant 32 : index
      %get3A_1210 = tpu.vector_load %arg10[%get3A_1208, %get3A_1209] {strides = array<i32>} : memref<1408x64xf32, #tpu.memory_space<vmem>>, vector<1x16xf32>,
      %get3A_1211 = vector.shape_cast %get3A_1210 : vector<1x16xf32> to vector<16xf32>
      %mul3A_1212 = arith.mulf %get3A_997, %get3A_1211 : vector<16xf32>
      %add3A_1213 = arith.addf %add3A_1207, %mul3A_1212 : vector<16xf32>
      %get3A_1214 = arith.index_cast %add3A_1196 : i32 to index
      %get3A_1215 = arith.constant 48 : index
      %get3A_1216 = tpu.vector_load %arg10[%get3A_1214, %get3A_1215] {strides = array<i32>} : memref<1408x64xf32, #tpu.memory_space<vmem>>, vector<1x16xf32>,
      %get3A_1217 = vector.shape_cast %get3A_1216 : vector<1x16xf32> to vector<16xf32>
      %mul3A_1218 = arith.mulf %get3A_1001, %get3A_1217 : vector<16xf32>
      %add3A_1219 = arith.addf %add3A_1213, %mul3A_1218 : vector<16xf32>
      %swap3A_1220 = arith.index_cast %scan3A_986 : i32 to index
      %swap3A_1221 = arith.constant 96 : index
      %swap3A_1222 = tpu.vector_load %arg11[%swap3A_1220, %swap3A_1221] {strides = array<i32>} : memref<128x176xf32, #tpu.memory_space<vmem>>, vector<1x16xf32>,
      %swap3A_1223 = vector.shape_cast %swap3A_1222 : vector<1x16xf32> to vector<16xf32>
      %swap3A_1224 = vector.shape_cast %add3A_1219 : vector<16xf32> to vector<1x16xf32>
      tpu.vector_store %arg11[%swap3A_1220, %swap3A_1221], %swap3A_1224 {strides = array<i32>} : memref<128x176xf32, #tpu.memory_space<vmem>>, vector<1x16xf32>,
      %mul3A_1225 = arith.constant 11 : i32
      %mul3A_1226 = arith.muli %scan3A_986, %mul3A_1225 : i32
      %add3A_1227 = arith.constant 7 : i32
      %add3A_1228 = arith.addi %mul3A_1226, %add3A_1227 : i32
      %get3A_1229 = arith.index_cast %add3A_1228 : i32 to index
      %get3A_1230 = arith.constant 0 : index
      %get3A_1231 = tpu.vector_load %arg10[%get3A_1229, %get3A_1230] {strides = array<i32>} : memref<1408x64xf32, #tpu.memory_space<vmem>>, vector<1x16xf32>,
      %get3A_1232 = vector.shape_cast %get3A_1231 : vector<1x16xf32> to vector<16xf32>
      %mul3A_1233 = arith.mulf %get3A_989, %get3A_1232 : vector<16xf32>
      %get3A_1234 = arith.index_cast %add3A_1228 : i32 to index
      %get3A_1235 = arith.constant 16 : index
      %get3A_1236 = tpu.vector_load %arg10[%get3A_1234, %get3A_1235] {strides = array<i32>} : memref<1408x64xf32, #tpu.memory_space<vmem>>, vector<1x16xf32>,
      %get3A_1237 = vector.shape_cast %get3A_1236 : vector<1x16xf32> to vector<16xf32>
      %mul3A_1238 = arith.mulf %get3A_993, %get3A_1237 : vector<16xf32>
      %add3A_1239 = arith.addf %mul3A_1233, %mul3A_1238 : vector<16xf32>
      %get3A_1240 = arith.index_cast %add3A_1228 : i32 to index
      %get3A_1241 = arith.constant 32 : index
      %get3A_1242 = tpu.vector_load %arg10[%get3A_1240, %get3A_1241] {strides = array<i32>} : memref<1408x64xf32, #tpu.memory_space<vmem>>, vector<1x16xf32>,
      %get3A_1243 = vector.shape_cast %get3A_1242 : vector<1x16xf32> to vector<16xf32>
      %mul3A_1244 = arith.mulf %get3A_997, %get3A_1243 : vector<16xf32>
      %add3A_1245 = arith.addf %add3A_1239, %mul3A_1244 : vector<16xf32>
      %get3A_1246 = arith.index_cast %add3A_1228 : i32 to index
      %get3A_1247 = arith.constant 48 : index
      %get3A_1248 = tpu.vector_load %arg10[%get3A_1246, %get3A_1247] {strides = array<i32>} : memref<1408x64xf32, #tpu.memory_space<vmem>>, vector<1x16xf32>,
      %get3A_1249 = vector.shape_cast %get3A_1248 : vector<1x16xf32> to vector<16xf32>
      %mul3A_1250 = arith.mulf %get3A_1001, %get3A_1249 : vector<16xf32>
      %add3A_1251 = arith.addf %add3A_1245, %mul3A_1250 : vector<16xf32>
      %swap3A_1252 = arith.index_cast %scan3A_986 : i32 to index
      %swap3A_1253 = arith.constant 112 : index
      %swap3A_1254 = tpu.vector_load %arg11[%swap3A_1252, %swap3A_1253] {strides = array<i32>} : memref<128x176xf32, #tpu.memory_space<vmem>>, vector<1x16xf32>,
      %swap3A_1255 = vector.shape_cast %swap3A_1254 : vector<1x16xf32> to vector<16xf32>
      %swap3A_1256 = vector.shape_cast %add3A_1251 : vector<16xf32> to vector<1x16xf32>
      tpu.vector_store %arg11[%swap3A_1252, %swap3A_1253], %swap3A_1256 {strides = array<i32>} : memref<128x176xf32, #tpu.memory_space<vmem>>, vector<1x16xf32>,
      %mul3A_1257 = arith.constant 11 : i32
      %mul3A_1258 = arith.muli %scan3A_986, %mul3A_1257 : i32
      %add3A_1259 = arith.constant 8 : i32
      %add3A_1260 = arith.addi %mul3A_1258, %add3A_1259 : i32
      %get3A_1261 = arith.index_cast %add3A_1260 : i32 to index
      %get3A_1262 = arith.constant 0 : index
      %get3A_1263 = tpu.vector_load %arg10[%get3A_1261, %get3A_1262] {strides = array<i32>} : memref<1408x64xf32, #tpu.memory_space<vmem>>, vector<1x16xf32>,
      %get3A_1264 = vector.shape_cast %get3A_1263 : vector<1x16xf32> to vector<16xf32>
      %mul3A_1265 = arith.mulf %get3A_989, %get3A_1264 : vector<16xf32>
      %get3A_1266 = arith.index_cast %add3A_1260 : i32 to index
      %get3A_1267 = arith.constant 16 : index
      %get3A_1268 = tpu.vector_load %arg10[%get3A_1266, %get3A_1267] {strides = array<i32>} : memref<1408x64xf32, #tpu.memory_space<vmem>>, vector<1x16xf32>,
      %get3A_1269 = vector.shape_cast %get3A_1268 : vector<1x16xf32> to vector<16xf32>
      %mul3A_1270 = arith.mulf %get3A_993, %get3A_1269 : vector<16xf32>
      %add3A_1271 = arith.addf %mul3A_1265, %mul3A_1270 : vector<16xf32>
      %get3A_1272 = arith.index_cast %add3A_1260 : i32 to index
      %get3A_1273 = arith.constant 32 : index
      %get3A_1274 = tpu.vector_load %arg10[%get3A_1272, %get3A_1273] {strides = array<i32>} : memref<1408x64xf32, #tpu.memory_space<vmem>>, vector<1x16xf32>,
      %get3A_1275 = vector.shape_cast %get3A_1274 : vector<1x16xf32> to vector<16xf32>
      %mul3A_1276 = arith.mulf %get3A_997, %get3A_1275 : vector<16xf32>
      %add3A_1277 = arith.addf %add3A_1271, %mul3A_1276 : vector<16xf32>
      %get3A_1278 = arith.index_cast %add3A_1260 : i32 to index
      %get3A_1279 = arith.constant 48 : index
      %get3A_1280 = tpu.vector_load %arg10[%get3A_1278, %get3A_1279] {strides = array<i32>} : memref<1408x64xf32, #tpu.memory_space<vmem>>, vector<1x16xf32>,
      %get3A_1281 = vector.shape_cast %get3A_1280 : vector<1x16xf32> to vector<16xf32>
      %mul3A_1282 = arith.mulf %get3A_1001, %get3A_1281 : vector<16xf32>
      %add3A_1283 = arith.addf %add3A_1277, %mul3A_1282 : vector<16xf32>
      %swap3A_1284 = arith.index_cast %scan3A_986 : i32 to index
      %swap3A_1285 = arith.constant 128 : index
      %swap3A_1286 = tpu.vector_load %arg11[%swap3A_1284, %swap3A_1285] {strides = array<i32>} : memref<128x176xf32, #tpu.memory_space<vmem>>, vector<1x16xf32>,
      %swap3A_1287 = vector.shape_cast %swap3A_1286 : vector<1x16xf32> to vector<16xf32>
      %swap3A_1288 = vector.shape_cast %add3A_1283 : vector<16xf32> to vector<1x16xf32>
      tpu.vector_store %arg11[%swap3A_1284, %swap3A_1285], %swap3A_1288 {strides = array<i32>} : memref<128x176xf32, #tpu.memory_space<vmem>>, vector<1x16xf32>,
      %mul3A_1289 = arith.constant 11 : i32
      %mul3A_1290 = arith.muli %scan3A_986, %mul3A_1289 : i32
      %add3A_1291 = arith.constant 9 : i32
      %add3A_1292 = arith.addi %mul3A_1290, %add3A_1291 : i32
      %get3A_1293 = arith.index_cast %add3A_1292 : i32 to index
      %get3A_1294 = arith.constant 0 : index
      %get3A_1295 = tpu.vector_load %arg10[%get3A_1293, %get3A_1294] {strides = array<i32>} : memref<1408x64xf32, #tpu.memory_space<vmem>>, vector<1x16xf32>,
      %get3A_1296 = vector.shape_cast %get3A_1295 : vector<1x16xf32> to vector<16xf32>
      %mul3A_1297 = arith.mulf %get3A_989, %get3A_1296 : vector<16xf32>
      %get3A_1298 = arith.index_cast %add3A_1292 : i32 to index
      %get3A_1299 = arith.constant 16 : index
      %get3A_1300 = tpu.vector_load %arg10[%get3A_1298, %get3A_1299] {strides = array<i32>} : memref<1408x64xf32, #tpu.memory_space<vmem>>, vector<1x16xf32>,
      %get3A_1301 = vector.shape_cast %get3A_1300 : vector<1x16xf32> to vector<16xf32>
      %mul3A_1302 = arith.mulf %get3A_993, %get3A_1301 : vector<16xf32>
      %add3A_1303 = arith.addf %mul3A_1297, %mul3A_1302 : vector<16xf32>
      %get3A_1304 = arith.index_cast %add3A_1292 : i32 to index
      %get3A_1305 = arith.constant 32 : index
      %get3A_1306 = tpu.vector_load %arg10[%get3A_1304, %get3A_1305] {strides = array<i32>} : memref<1408x64xf32, #tpu.memory_space<vmem>>, vector<1x16xf32>,
      %get3A_1307 = vector.shape_cast %get3A_1306 : vector<1x16xf32> to vector<16xf32>
      %mul3A_1308 = arith.mulf %get3A_997, %get3A_1307 : vector<16xf32>
      %add3A_1309 = arith.addf %add3A_1303, %mul3A_1308 : vector<16xf32>
      %get3A_1310 = arith.index_cast %add3A_1292 : i32 to index
      %get3A_1311 = arith.constant 48 : index
      %get3A_1312 = tpu.vector_load %arg10[%get3A_1310, %get3A_1311] {strides = array<i32>} : memref<1408x64xf32, #tpu.memory_space<vmem>>, vector<1x16xf32>,
      %get3A_1313 = vector.shape_cast %get3A_1312 : vector<1x16xf32> to vector<16xf32>
      %mul3A_1314 = arith.mulf %get3A_1001, %get3A_1313 : vector<16xf32>
      %add3A_1315 = arith.addf %add3A_1309, %mul3A_1314 : vector<16xf32>
      %swap3A_1316 = arith.index_cast %scan3A_986 : i32 to index
      %swap3A_1317 = arith.constant 144 : index
      %swap3A_1318 = tpu.vector_load %arg11[%swap3A_1316, %swap3A_1317] {strides = array<i32>} : memref<128x176xf32, #tpu.memory_space<vmem>>, vector<1x16xf32>,
      %swap3A_1319 = vector.shape_cast %swap3A_1318 : vector<1x16xf32> to vector<16xf32>
      %swap3A_1320 = vector.shape_cast %add3A_1315 : vector<16xf32> to vector<1x16xf32>
      tpu.vector_store %arg11[%swap3A_1316, %swap3A_1317], %swap3A_1320 {strides = array<i32>} : memref<128x176xf32, #tpu.memory_space<vmem>>, vector<1x16xf32>,
      %mul3A_1321 = arith.constant 11 : i32
      %mul3A_1322 = arith.muli %scan3A_986, %mul3A_1321 : i32
      %add3A_1323 = arith.constant 10 : i32
      %add3A_1324 = arith.addi %mul3A_1322, %add3A_1323 : i32
      %get3A_1325 = arith.index_cast %add3A_1324 : i32 to index
      %get3A_1326 = arith.constant 0 : index
      %get3A_1327 = tpu.vector_load %arg10[%get3A_1325, %get3A_1326] {strides = array<i32>} : memref<1408x64xf32, #tpu.memory_space<vmem>>, vector<1x16xf32>,
      %get3A_1328 = vector.shape_cast %get3A_1327 : vector<1x16xf32> to vector<16xf32>
      %mul3A_1329 = arith.mulf %get3A_989, %get3A_1328 : vector<16xf32>
      %get3A_1330 = arith.index_cast %add3A_1324 : i32 to index
      %get3A_1331 = arith.constant 16 : index
      %get3A_1332 = tpu.vector_load %arg10[%get3A_1330, %get3A_1331] {strides = array<i32>} : memref<1408x64xf32, #tpu.memory_space<vmem>>, vector<1x16xf32>,
      %get3A_1333 = vector.shape_cast %get3A_1332 : vector<1x16xf32> to vector<16xf32>
      %mul3A_1334 = arith.mulf %get3A_993, %get3A_1333 : vector<16xf32>
      %add3A_1335 = arith.addf %mul3A_1329, %mul3A_1334 : vector<16xf32>
      %get3A_1336 = arith.index_cast %add3A_1324 : i32 to index
      %get3A_1337 = arith.constant 32 : index
      %get3A_1338 = tpu.vector_load %arg10[%get3A_1336, %get3A_1337] {strides = array<i32>} : memref<1408x64xf32, #tpu.memory_space<vmem>>, vector<1x16xf32>,
      %get3A_1339 = vector.shape_cast %get3A_1338 : vector<1x16xf32> to vector<16xf32>
      %mul3A_1340 = arith.mulf %get3A_997, %get3A_1339 : vector<16xf32>
      %add3A_1341 = arith.addf %add3A_1335, %mul3A_1340 : vector<16xf32>
      %get3A_1342 = arith.index_cast %add3A_1324 : i32 to index
      %get3A_1343 = arith.constant 48 : index
      %get3A_1344 = tpu.vector_load %arg10[%get3A_1342, %get3A_1343] {strides = array<i32>} : memref<1408x64xf32, #tpu.memory_space<vmem>>, vector<1x16xf32>,
      %get3A_1345 = vector.shape_cast %get3A_1344 : vector<1x16xf32> to vector<16xf32>
      %mul3A_1346 = arith.mulf %get3A_1001, %get3A_1345 : vector<16xf32>
      %add3A_1347 = arith.addf %add3A_1341, %mul3A_1346 : vector<16xf32>
      %swap3A_1348 = arith.index_cast %scan3A_986 : i32 to index
      %swap3A_1349 = arith.constant 160 : index
      %swap3A_1350 = tpu.vector_load %arg11[%swap3A_1348, %swap3A_1349] {strides = array<i32>} : memref<128x176xf32, #tpu.memory_space<vmem>>, vector<1x16xf32>,
      %swap3A_1351 = vector.shape_cast %swap3A_1350 : vector<1x16xf32> to vector<16xf32>
      %swap3A_1352 = vector.shape_cast %add3A_1347 : vector<16xf32> to vector<1x16xf32>
      tpu.vector_store %arg11[%swap3A_1348, %swap3A_1349], %swap3A_1352 {strides = array<i32>} : memref<128x176xf32, #tpu.memory_space<vmem>>, vector<1x16xf32>,
    }
    %scan3A_979 = arith.constant 128 : i32
    %mul3A_980 = arith.constant 4 : i32
    %mul3A_981 = arith.muli %add3A, %mul3A_980 : i32
    %add3A_982 = arith.constant 3 : i32
    %add3A_983 = arith.addi %mul3A_981, %add3A_982 : i32
    %mul3A_984 = arith.constant 128 : i32
    %mul3A_985 = arith.muli %add3A_983, %mul3A_984 : i32
    "tpu.region"() ({
      %run_scoped3A = tpu.sem_alloc : memref<!tpu.dma_semaphore, #tpu.memory_space<semaphore_mem>>
      %dma_start3A_986 = arith.constant 0 : i32
      %dma_start3A_987 = tpu.memref_slice %arg6[%mul3A_985, %dma_start3A_986] : memref<16384x176xf32, #tpu.memory_space<hbm>> -> memref<128x176xf32, #tpu.memory_space<hbm>>
      %dma_start3A_988 = arith.constant 0 : i32
      %dma_start3A_989 = tpu.memref_slice %arg6[%mul3A_985, %dma_start3A_988] : memref<16384x176xf32, #tpu.memory_space<hbm>> -> memref<128x176xf32, #tpu.memory_space<hbm>>
      tpu.enqueue_dma source(%arg11 : memref<128x176xf32, #tpu.memory_space<vmem>>) target(%dma_start3A_989 : memref<128x176xf32, #tpu.memory_space<hbm>>) target_semaphore(%run_scoped3A : memref<!tpu.dma_semaphore, #tpu.memory_space<semaphore_mem>>)
      %dma_wait3A_990 = arith.constant 0 : i32
      %dma_wait3A_991 = tpu.memref_slice %arg6[%mul3A_985, %dma_wait3A_990] : memref<16384x176xf32, #tpu.memory_space<hbm>> -> memref<128x176xf32, #tpu.memory_space<hbm>>
      %dma_wait3A_992 = arith.constant 0 : i32
      %dma_wait3A_993 = tpu.memref_slice %arg6[%mul3A_985, %dma_wait3A_992] : memref<16384x176xf32, #tpu.memory_space<hbm>> -> memref<128x176xf32, #tpu.memory_space<hbm>>
      tpu.wait_dma2 semaphore(%run_scoped3A : memref<!tpu.dma_semaphore, #tpu.memory_space<semaphore_mem>>) src(%arg11 : memref<128x176xf32, #tpu.memory_space<vmem>>) dst(%dma_wait3A_993 : memref<128x176xf32, #tpu.memory_space<hbm>>)
      tpu.yield
    }) : () -> ()
    return
  }
}

module attributes {stable_mosaic.version = 14 : i64} {
  func.func @body(%arg0: i32, %arg1: memref<512x176xf32, #tpu.memory_space<vmem>>, %arg2: memref<176x11xf32, #tpu.memory_space<vmem>>, %arg3: memref<1x1xf32, #tpu.memory_space<vmem>>) attributes {dimension_semantics = [#tpu.dimension_semantics<arbitrary>], iteration_bounds = array<i64: 32>, scalar_prefetch = 0 : i64, scratch_operands = 0 : i64, tpu.core_type = #tpu.core_type<tc>, window_params = [{transform_indices = @transform_0, window_bounds = array<i64: 512, 176>}, {pipeline_mode = #tpu.pipeline_mode<synchronous>, transform_indices = @transform_1, window_bounds = array<i64: 176, 11>}, {pipeline_mode = #tpu.pipeline_mode<synchronous>, transform_indices = @transform_2, window_bounds = array<i64: 1, 1>}]} {
    %get3A = arith.constant 0 : index
    %get3A_0 = arith.constant 0 : index
    %get3A_1 = vector.load %arg1[%get3A, %get3A_0] : memref<512x176xf32, #tpu.memory_space<vmem>>, vector<512x176xf32>
    %get3A_2 = arith.constant 0 : index
    %get3A_3 = arith.constant 0 : index
    %get3A_4 = vector.load %arg2[%get3A_2, %get3A_3] : memref<176x11xf32, #tpu.memory_space<vmem>>, vector<176x11xf32>
    %dot_general3A = arith.constant dense<0.000000e+00> : vector<512x11xf32>
    %dot_general3A_5 = tpu.matmul %get3A_1, %get3A_4, %dot_general3A {dimension_numbers = #tpu.dot_dimension_numbers<[1], [0], [0], [1], [0, 0, 1, 1], [], []>, transpose_lhs_hint = false} : vector<512x176xf32>, vector<176x11xf32>, vector<512x11xf32> -> vector<512x11xf32>
    %iota3A = tpu.iota {dimensions = array<i32: 1>} : vector<512x11xi32>
    %eq3A = arith.constant 0 : i32
    %eq3A_6 = vector.broadcast %eq3A : i32 to vector<512x11xi32>
    %eq3A_7 = arith.cmpi eq, %iota3A, %eq3A_6 : vector<512x11xi32>
    %neg3A = arith.constant 0.000000e+00 : f32
    %neg3A_8 = vector.broadcast %neg3A : f32 to vector<512x11xf32>
    %neg3A_9 = arith.subf %neg3A_8, %dot_general3A_5 : vector<512x11xf32>
    %select_n3A = arith.select %eq3A_7, %dot_general3A_5, %neg3A_9 : vector<512x11xi1>, vector<512x11xf32>
    %logistic3A = arith.negf %select_n3A : vector<512x11xf32>
    %logistic3A_10 = math.exp %logistic3A : vector<512x11xf32>
    %logistic3A_11 = arith.constant 1.000000e+00 : f32
    %logistic3A_12 = vector.broadcast %logistic3A_11 : f32 to vector<512x11xf32>
    %logistic3A_13 = arith.addf %logistic3A_12, %logistic3A_10 : vector<512x11xf32>
    %logistic3A_14 = arith.divf %logistic3A_12, %logistic3A_13 : vector<512x11xf32>
    %add3A = arith.constant 9.99999971E-10 : f32
    %add3A_15 = vector.broadcast %add3A : f32 to vector<512x11xf32>
    %add3A_16 = arith.addf %logistic3A_14, %add3A_15 : vector<512x11xf32>
    %log3A = math.log %add3A_16 : vector<512x11xf32>
    %neg3A_17 = arith.constant 0.000000e+00 : f32
    %neg3A_18 = vector.broadcast %neg3A_17 : f32 to vector<512x11xf32>
    %neg3A_19 = arith.subf %neg3A_18, %log3A : vector<512x11xf32>
    %eq3A_20 = arith.constant 0 : i32
    %eq3A_21 = arith.cmpi eq, %arg0, %eq3A_20 : i32
    %convert_element_type3A = arith.extui %eq3A_21 : i1 to i32
    %cond3A = arith.constant 0 : i32
    %cond3A_22 = arith.cmpi ne, %convert_element_type3A, %cond3A : i32
    scf.if %cond3A_22 {
      %broadcast_in_dim3A = arith.constant 0.000000e+00 : f32
      %broadcast_in_dim3A_39 = vector.broadcast %broadcast_in_dim3A : f32 to vector<1x1xf32>
      %swap3A_40 = arith.constant 0 : index
      %swap3A_41 = arith.constant 0 : index
      %swap3A_42 = vector.load %arg3[%swap3A_40, %swap3A_41] : memref<1x1xf32, #tpu.memory_space<vmem>>, vector<1x1xf32>
      tpu.vector_store %arg3[%swap3A_40, %swap3A_41], %broadcast_in_dim3A_39 {strides = array<i32>} : memref<1x1xf32, #tpu.memory_space<vmem>>, vector<1x1xf32>,
    } else {
    }
    %get3A_23 = arith.constant 0 : index
    %get3A_24 = arith.constant 0 : index
    %get3A_25 = vector.load %arg3[%get3A_23, %get3A_24] : memref<1x1xf32, #tpu.memory_space<vmem>>, vector<1x1xf32>
    %reduce_sum3A = vector.shape_cast %neg3A_19 : vector<512x11xf32> to vector<1x512x11xf32>
    %reduce_sum3A_26 = arith.constant dense<0.000000e+00> : vector<1xf32>
    %reduce_sum3A_27 = vector.multi_reduction <add>, %reduce_sum3A, %reduce_sum3A_26 [1, 2] : vector<1x512x11xf32> to vector<1xf32>
    %reduce_sum3A_28 = vector.shape_cast %reduce_sum3A_27 : vector<1xf32> to vector<1x1x1xf32>
    %reduce_sum3A_29 = vector.extract %reduce_sum3A_28[0, 0, 0] : f32 from vector<1x1x1xf32>
    %add3A_30 = vector.broadcast %reduce_sum3A_29 : f32 to vector<1x1xf32>
    %add3A_31 = arith.addf %get3A_25, %add3A_30 : vector<1x1xf32>
    %swap3A = arith.constant 0 : index
    %swap3A_32 = arith.constant 0 : index
    %swap3A_33 = vector.load %arg3[%swap3A, %swap3A_32] : memref<1x1xf32, #tpu.memory_space<vmem>>, vector<1x1xf32>
    tpu.vector_store %arg3[%swap3A, %swap3A_32], %add3A_31 {strides = array<i32>} : memref<1x1xf32, #tpu.memory_space<vmem>>, vector<1x1xf32>,
    %eq3A_34 = arith.constant 31 : i32
    %eq3A_35 = arith.cmpi eq, %arg0, %eq3A_34 : i32
    %convert_element_type3A_36 = arith.extui %eq3A_35 : i1 to i32
    %cond3A_37 = arith.constant 0 : i32
    %cond3A_38 = arith.cmpi ne, %convert_element_type3A_36, %cond3A_37 : i32
    scf.if %cond3A_38 {
      %get3A_39 = arith.constant 0 : index
      %get3A_40 = arith.constant 0 : index
      %get3A_41 = vector.load %arg3[%get3A_39, %get3A_40] : memref<1x1xf32, #tpu.memory_space<vmem>>, vector<1x1xf32>
      %div3A = arith.constant 1.638400e+04 : f32
      %div3A_42 = vector.broadcast %div3A : f32 to vector<1x1xf32>
      %div3A_43 = arith.divf %get3A_41, %div3A_42 : vector<1x1xf32>
      %swap3A_44 = arith.constant 0 : index
      %swap3A_45 = arith.constant 0 : index
      %swap3A_46 = vector.load %arg3[%swap3A_44, %swap3A_45] : memref<1x1xf32, #tpu.memory_space<vmem>>, vector<1x1xf32>
      tpu.vector_store %arg3[%swap3A_44, %swap3A_45], %div3A_43 {strides = array<i32>} : memref<1x1xf32, #tpu.memory_space<vmem>>, vector<1x1xf32>,
    } else {
    }
    return
  }
  func.func @transform_0(%arg0: i32) -> (i32, i32) {
    %c0_i32 = arith.constant 0 : i32
    %c0_i32_0 = arith.constant 0 : i32
    return %arg0, %c0_i32 : i32, i32
  }
  func.func @transform_1(%arg0: i32) -> (i32, i32) {
    %c0_i32 = arith.constant 0 : i32
    %c0_i32_0 = arith.constant 0 : i32
    %c0_i32_1 = arith.constant 0 : i32
    return %c0_i32, %c0_i32_0 : i32, i32
  }
  func.func @transform_2(%arg0: i32) -> (i32, i32) {
    %c0_i32 = arith.constant 0 : i32
    %c0_i32_0 = arith.constant 0 : i32
    %c0_i32_1 = arith.constant 0 : i32
    return %c0_i32, %c0_i32_0 : i32, i32
  }
}

</mosaic_0001>

<sc_bundles>
// kernel: kernel.4.cloned.1.call-start
scs
__scs_entry_jumppad:
0x0: {  	(pc) =	sbr.rel $0x88, $3  }
0x1: {  	(tag) =	ssettag $0x0;
	lr =	simm.s32 $0x1  }
0x2: {  	[smem:$0x3F9C] =	sst lr;
	_ =	strace $0xD0000000  }
0x3: {  	_ = 	snop  }
0x4: {  	_ = 	snop  }
0x5: {  	_ = 	snop  }
0x6: {  	_ = 	snop  }
0x7: {  	_ = 	snop  }
__scs_overlays_trampoline_lowered:
0x8: {  	[smem:$0x3FAB] =	sst s0  }
0x9: {  	[smem:$0x3FAC] =	sst s1  }
0xa: {  	[smem:$0x3FAD] =	sst s2  }
0xb: {  	[smem:$0x3FAE] =	sst s3  }
0xc: {  	[smem:$0x3FAF] =	sst s4  }
0xd: {  	[smem:$0x3FB0] =	sst s5  }
0xe: {  	[smem:$0x3FB1] =	sst s6  }
0xf: {  	[smem:$0x3FB2] =	sst s7  }
0x10: {  	[smem:$0x3FB3] =	sst s8  }
0x11: {  	[smem:$0x3FB4] =	sst s9;
	s0 =	simm.s32 @!p0 $0x0  }
0x12: {  	s1 =	sld [smem:$0x3F9A];
	s0 =	simm.s32 @p0 $0x1  }
0x13: {  	[smem:$0x3FB5] =	sst s0;
	s0 =	simm.s32 @!p1 $0x0  }
0x14: {  	s2 =	sld [smem:$0x3F99];
	s0 =	simm.s32 @p1 $0x1  }
0x15: {  	[smem:$0x3FB6] =	sst s0;
	s0 =	simm.s32 @!p2 $0x0  }
0x16: {  	s3 =	sld [smem:$0x3FDB];
	s0 =	simm.s32 @p2 $0x1  }
0x17: {  	s4 =	simm.s32 $0x1BF5;
	[smem:$0x3FB8] =	sst s0  }
0x18: {  	s0 =	sld [smem:$0x3F9B];
	_ =	swait.ge [sflag:s4], $0x0  }
0x19: {  	s7 =	sld [smem:$0x3F9C]  }
0x1a: {  	s8 =	sadd.s32 $0xFFFFE003, lr  }
0x1b: {  	s9 =	sadd.s32 $0xFFFFFEF7, lr;
	s5 =	simm.s32 $0xFFFFFFFF;
	p2 =	slt.u32 s8, $0xFFFFF086  }
0x1c: {  	p1 =	slt.u32 s9, $0xF7A;
	s5 =	simm.s32 @!p2 $0x0  }
0x1d: {  	s5 =	simm.s32 @p1 $0x1;
	p0 =	seq.s32 s7, s2  }
0x1e: {  	s7 =	smul.u32 @!p0 $0xF7A, s2;
	p2 =	seq.s32 @!p0 s5, $0x0  }
0x1f: {  	s9 =	smul.u32 $0xF7A, s1;
	s8 =	simm.s32 @!p0 $0x1BF5;
	p2 =	por !p2, p0  }
0x20: {  	[sflag:s8] =	ssyncset.s32 @!p0 $0xFFFFF086;
	s6 =	sadd.s32 @!p0 s3, s7;
	s7 =	simm.s32 @!p0 $0x108  }
0x21: {  	s3 =	sadd.s32 s3, s9;
	s6 =	sadd.s32 @!p0 $0x88, s6;
	s7 =	simm.s32 @p2 $0x1082  }
0x22: {  	[simem:s7], [sflag:s8] =	dma.local @!p0 [hbm:s6], $0xF7A  }
0x23: {  	s9 =	sor.u32 $0xD0000000, s2;
	s6 =	simm.s32 $0x108;
	_ =	swait.ge @!p0 [sflag:s8], $0x0  }
0x24: {  	s3 =	sadd.s32 $0x88, s3;
	s6 =	simm.s32 @!p1 $0x1082;
	[sflag:s4] =	ssyncset.s32 $0xFFFFF086  }
0x25: {  	[simem:s6], [sflag:s4] =	dma.local [hbm:s3], $0xF7A  }
0x26: {  	[smem:$0x3F9C] =	sst s1;
	(tag) =	ssettag s2;
	_ =	strace s9  }
0x27: {  	s1 =	sld [smem:$0x3FAC]  }
0x28: {  	s2 =	sld [smem:$0x3FAD]  }
0x29: {  	s4 =	sld [smem:$0x3FAF]  }
0x2a: {  	p0 =	seq.s32 s5, $0x0;
	s5 =	sld [smem:$0x3FB0]  }
0x2b: {  	s6 =	sld [smem:$0x3FB1]  }
0x2c: {  	s7 =	sld [smem:$0x3FB2]  }
0x2d: {  	s3 =	simm.s32 $0x108;
	s8 =	sld [smem:$0x3FB3]  }
0x2e: {  	s3 =	simm.s32 @!p0 $0x1082;
	s9 =	sld [smem:$0x3FB4]  }
0x2f: {  	lr =	sadd.s32 s0, s3;
	s0 =	sld [smem:$0x3FAB]  }
0x30: {  	s3 =	sld [smem:$0x3FAE]  }
0x31: {  	[smem:$0x3FB7] =	sst s10  }
0x32: {  	s10 =	sld [smem:$0x3FB5];
	_ =	sdelay $0x3  }
0x33: {  	p0 =	seq.s32 s10, $0x1;
	s10 =	sld [smem:$0x3FB7];
	_ =	sdelay $0x3  }
0x34: {  	[smem:$0x3FB7] =	sst s10  }
0x35: {  	s10 =	sld [smem:$0x3FB6];
	_ =	sdelay $0x3  }
0x36: {  	p1 =	seq.s32 s10, $0x1;
	s10 =	sld [smem:$0x3FB7];
	_ =	sdelay $0x3  }
0x37: {  	[smem:$0x3FB7] =	sst s10  }
0x38: {  	s10 =	sld [smem:$0x3FB8]  }
0x39: {  	_ = 	snop;
	(pc) =	sbr.ind lr, $3  }
0x3a: {  	_ = 	snop  }
0x3b: {  	_ = 	snop  }
0x3c: {  	p2 =	seq.s32 s10, $0x1;
	s10 =	sld [smem:$0x3FB7]  }
0x3d: {  	_ =	shalt  }
0x3e: {  	_ =	shalt  }
0x3f: {  	_ =	shalt  }
0x40: {  	_ =	shalt  }
0x41: {  	_ =	shalt  }
0x42: {  	_ =	shalt  }
0x43: {  	_ =	shalt  }
0x44: {  	_ =	shalt  }
0x45: {  	_ =	shalt  }
0x46: {  	_ =	shalt  }
0x47: {  	_ =	shalt  }
0x48: {  	_ =	shalt  }
0x49: {  	_ =	shalt  }
0x4a: {  	_ =	shalt  }
0x4b: {  	_ =	shalt  }
0x4c: {  	_ =	shalt  }
0x4d: {  	_ =	shalt  }
0x4e: {  	_ =	shalt  }
0x4f: {  	_ =	shalt  }
0x50: {  	_ =	shalt  }
0x51: {  	_ =	shalt  }
0x52: {  	_ =	shalt  }
0x53: {  	_ =	shalt  }
0x54: {  	_ =	shalt  }
0x55: {  	_ =	shalt  }
0x56: {  	_ =	shalt  }
0x57: {  	_ =	shalt  }
0x58: {  	_ =	shalt  }
0x59: {  	_ =	shalt  }
0x5a: {  	_ =	shalt  }
0x5b: {  	_ =	shalt  }
0x5c: {  	_ =	shalt  }
0x5d: {  	_ =	shalt  }
0x5e: {  	_ =	shalt  }
0x5f: {  	_ =	shalt  }
0x60: {  	_ =	shalt  }
0x61: {  	_ =	shalt  }
0x62: {  	_ =	shalt  }
0x63: {  	_ =	shalt  }
0x64: {  	_ =	shalt  }
0x65: {  	_ =	shalt  }
0x66: {  	_ =	shalt  }
0x67: {  	_ =	shalt  }
0x68: {  	_ =	shalt  }
0x69: {  	_ =	shalt  }
0x6a: {  	_ =	shalt  }
0x6b: {  	_ =	shalt  }
0x6c: {  	_ =	shalt  }
0x6d: {  	_ =	shalt  }
0x6e: {  	_ =	shalt  }
0x6f: {  	_ =	shalt  }
0x70: {  	_ =	shalt  }
0x71: {  	_ =	shalt  }
0x72: {  	_ =	shalt  }
0x73: {  	_ =	shalt  }
0x74: {  	_ =	shalt  }
0x75: {  	_ =	shalt  }
0x76: {  	_ =	shalt  }
0x77: {  	_ =	shalt  }
0x78: {  	_ =	shalt  }
0x79: {  	_ =	shalt  }
0x7a: {  	_ =	shalt  }
0x7b: {  	_ =	shalt  }
0x7c: {  	_ =	shalt  }
0x7d: {  	_ =	shalt  }
0x7e: {  	_ =	shalt  }
0x7f: {  	_ =	shalt  }
0x80: {  	_ =	shalt  }
0x81: {  	_ =	shalt  }
0x82: {  	_ =	shalt  }
0x83: {  	_ =	shalt  }
0x84: {  	_ =	shalt  }
0x85: {  	_ =	shalt  }
0x86: {  	_ =	shalt  }
0x87: {  	_ =	shalt  }
.Lfunc_end0:
.L_simem_size_0:
called_computation_lowered:
.L_overlay_start_0:
0x88: {  	s2 =	sld [smem:$0x3FD9]  }
0x89: {  	s3 =	sld [smem:$0x3FFE];
	_ =	sdelay $0x1  }
0x8a: {  	s1 =	srdreg.scid  }
0x8b: {  	s0 =	sand.u32 $0x1, s1  }
0x8c: {  	s16 =	sshll.u32 s0, $0xA;
	s2 =	sadd.s32 s3, s2  }
0x8d: {  	s2 =	sadd.s32 s2, s16  }
0x8e: {  	[smem:$0x3FC3] =	sst s2  }
0x8f: {  	_ = 	snop  }
0x90: {  	(tm) =	ssettm $0x1  }
0x91: {  	s17 =	sld [smem:$0x3FFB];
	_ =	sdelay $0x3  }
0x92: {  	_ =	strace s17  }
0x93: {  	s2 =	sld [smem:$0x3FFC];
	_ =	sdelay $0x3  }
0x94: {  	_ =	strace s2  }
0x95: {  	s2 =	sld [smem:$0x3FFD];
	_ =	sdelay $0x3  }
0x96: {  	_ =	strace s2  }
0x97: {  	_ =	strace $0x8FFFFFFF  }
0x98: {  	s18 =	sld [smem:$0x3FDB];
	_ =	sdelay $0x1  }
0x99: {  	s19 =	simm.s32 $_scs_section_size  }
0x9a: {  	s4 =	simm.s32 $_size__tile_overlayer_lowered;
	s5 =	simm.s32 $_tile_overlayer_lowered  }
0x9b: {  	s22 =	simm.s32 $0x1BFF;
	s21 =	sshll.u32 s5, $0x1;
	s2 =	sadd.s32 s19, s18  }
0x9c: {  	s6 =	simm.s32 $0x0;
	s20 =	sshll.u32 s4, $0x1;
	s4 =	sadd.s32 s21, s2  }
0x9d: {  	[timem:s6], [sflag:s22] =	dma.local [hbm:s4], s20  }
0x9e: {  	_ =	swait.ge [sflag:s22], s20  }
0x9f: {  	s3 =	ssub.s32 $0x0, s20;
	[sflag:s22] =	ssyncset.done $0x0  }
0xa0: {  	[sflag:s22] =	ssyncadd.s32 s3;
	_ =	sdelay $0x1  }
0xa1: {  	s23 =	simm.s32 $0x1B8B  }
0xa2: {  	_ =	swait.ge [sflag:s23], $0x1  }
0xa3: {  	[sflag:s23] =	ssyncset.done $0x0  }
0xa4: {  	s25 =	simm.s32 $0x1B8E;
	s24 =	sld [smem:$0x3FFE];
	[sflag:s23] =	ssyncadd.s32 $0xFFFFFFFF  }
0xa5: {  	s26 =	simm.s32 $execute0_lowered;
	[smem:$0x3FD2] =	sst s25  }
0xa6: {  	s4 =	sshll.u32 s26, $0x1;
	_ =	strace $0x80000046;
	[dreg:$0x1] =	wrdreg $0xFFFFFFFF  }
0xa7: {  	s28 =	simm.s32 $_size_execute0_lowered;
	s2 =	sadd.s32 s2, s4;
	[dreg:$0x0] =	wrdreg $0x0  }
0xa8: {  	s4 =	sshll.u32 s28, $0x1;
	[dreg:$0x2] =	wrdreg s2  }
0xa9: {  	[dreg:$0x3] =	wrdreg s4  }
0xaa: {  	[dreg:$0x4] =	wrdreg $0xC0  }
0xab: {  	_ =	task [dreg:s6], $0x5FFFF  }
0xac: {  	[dreg:$0x1] =	wrdreg $0xFFFFFFFF  }
0xad: {  	[dreg:$0x0] =	wrdreg $0x60  }
0xae: {  	[dreg:$0x2] =	wrdreg s24  }
0xaf: {  	[dreg:$0x3] =	wrdreg $0x9  }
0xb0: {  	_ =	task.clear_ibuf [dreg:s6], $0x4FFFF;
	_ =	strace $0x90000046  }
0xb1: {  	s29 =	simm.s32 $0x9;
	_ =	strace $0x80000048  }
0xb2: {  	_ =	swait.ge [sflag:s29], $0x1  }
0xb3: {  	[sflag:s29] =	ssyncadd.s32 $0xFFFFFFFF  }
0xb4: {  	_ =	strace $0x90000048  }
0xb5: {  	_ =	sfence  }
0xb6: {  	s30 =	sld [smem:$0x0];
	_ =	sdelay $0x2  }
0xb7: {  	s31 =	sshll.u32 s1, $0xD;
	s1 =	sshrl.u32 s1, $0x2  }
0xb8: {  	s3 =	sand.u32 $0x4000, s31;
	s1 =	sadd.s32 s1, s30  }
0xb9: {  	s0 =	sor.u32 s3, s0;
	s1 =	sshll.u32 s1, $0x11  }
0xba: {  	s0 =	sor.u32 s1, s0  }
0xbb: {  	s0 =	sadd.s32 $0x8F2B, s0  }
0xbc: {  	[sflag:s0] =	ssyncadd.remote.s32 $0x1  }
0xbd: {  	_ =	sfence.sel $0xFFFF  }
0xbe: {  	[dreg:$0x0] =	wrdreg $0xFFFFFFFF;
	(pc) =	sbr.abs _section_cstart, $3  }
0xbf: {  	[dreg:$0x1] =	wrdreg $0xFFFFFFFF  }
0xc0: {  	_ =	task.clear_ibuf [dreg:s6], $0x2FFFF;
	_ =	strace $0x9FFFFFFF  }
0xc1: {  	(tm) =	ssettm $0x7FFFFFFF  }
tec
execute0_lowered:
.L_overlay_start_1:
0x0: {  	(tag) =	ssettag $0x1  }
0x1: {  	s0 =	srdreg.scid  }
0x2: {  	s1 =	stileid.u32;
	s5 =	rddreg [dreg:$0x0]  }
0x3: {  	s2 =	simm.s32 $0x0;
	s12 =	simm.s32 $0x3;
	s14 =	simm.s32 $0x80  }
0x4: {  	s15 =	simm.s32 $0x1C00;
	s16 =	simm.s32 $0x3C00;
	s18 =	simm.s32 $0x5C00  }
0x5: {  	s20 =	simm.s32 $0x7C00;
	s22 =	simm.s32 $0x9C00;
	s24 =	simm.s32 $0xBC00  }
0x6: {  	s29 =	simm.s32 $0xFC00;
	s31 =	simm.s32 $0x11C00;
	s19 =	simm.s32 $0x15C00  }
0x7: {  	s23 =	simm.s32 $0x17C00;
	s0 =	sand.u32 $0x1, s0;
	s1 =	sshll.u32 s1, $0x1  }
0x8: {  	s28 =	simm.s32 $0x2;
	s30 =	simm.s32 $0x19C00;
	s1 =	sor.u32 s0, s1  }
0x9: {  	s21 =	simm.s32 $0x0;
	[smem:$0x7FF] =	sst s2;
	s3 =	smul.u32 $0x300, s1  }
0xa: {  	_ =	strace $0x80000047;
	s0 =	ssub.s32 $0x2, s0;
	s8 =	smul.u32 $0x16000, s1  }
0xb: {  	s4 =	sshll.u32 s1, $0x7;
	s9 =	sshrl.u32 s0, $0x1;
	s1 =	smul.u32 $0x2C00, s1  }
0xc: {  	s6 =	sadd.s32 s4, s5;
	s4 =	sadd.s32 $0xF43000, s5;
	s0 =	ssub.s32 s0, s9  }
0xd: {  	s7 =	sadd.s32 s3, s5;
	s3 =	sadd.s32 $0x16E4200, s5;
	s5 =	sadd.s32 $0x7C00, s5  }
0xe: {  	s8 =	sshrl.u32 s8, $0x3;
	s6 =	sadd.s32 $0x6C00, s6;
	s11 =	smax.u32 s0, $0x1  }
0xf: {  	s0 =	simm.s32 $0x13C00;
	[dreg:$0x2] =	wrdreg s6;
	s25 =	sadd.s32 $0xC00, s7  }
0x10: {  	s26 =	sadd.s32 s5, s8;
	s1 =	sadd.s32 s5, s1;
	[dreg:$0x3] =	wrdreg s25  }
0x11: {  	[dreg:$0x4] =	wrdreg s1;
	s8 =	sadd.s32 $0xB00, s26;
	s9 =	sadd.s32 $0x1600, s26  }
0x12: {  	s10 =	sadd.s32 $0x2100, s26;
	s26 =	simm.s32 $0xDC00;
	s25 =	simm.s32 $0x1  }
.LBB2_1:
0x13: {  	s1 =	rddreg [dreg:$0x2]  }
0x14: {  	[tilespmem:s2], [sflag:$0x3] =	stream.linear.gather [hbm4b:s1+s2], $0x400, $0x38;
	[tilespmem:$0x1F400] =	vst v63  }
0x15: {  	_ =	swait.ge [sflag:s12], $0x400  }
0x16: {  	[sflag:s12] =	ssyncset.done $0x0  }
0x17: {  	s5 =	simm.s32 $0x400;
	s13 =	rddreg [dreg:$0x3];
	[sflag:s12] =	ssyncadd.s32 $0xFFFFFC00  }
0x18: {  	[tilespmem:s5], [sflag:$0x3] =	stream.linear.gather [hbm4b:s13+s2], $0x1800, $0x38;
	[tilespmem:$0x1F400] =	vst v63  }
0x19: {  	_ =	swait.ge [sflag:s12], $0x1800  }
0x1a: {  	[sflag:s12] =	ssyncset.done $0x0  }
0x1b: {  	[sflag:s12] =	ssyncadd.s32 $0xFFFFE800  }
0x1c: {  	[tilespmem:s15], [sflag:$0x1] =	stream.indirect.gather [hbm4b:s3+s14], $0x40, s2, s14, $0xb8;
	[tilespmem:$0x1F400] =	vst v63  }
0x1d: {  	_ = 	snop  }
0x1e: {  	[tilespmem:s16], [sflag:$0x2] =	stream.indirect.gather [hbm4b:s4+s14], $0x40, s5, s14, $0xb8;
	[tilespmem:$0x1F400] =	vst v63  }
0x1f: {  	s17 =	simm.s32 $0x480  }
0x20: {  	[tilespmem:s18], [sflag:$0x2] =	stream.indirect.gather [hbm4b:s4+s14], $0x40, s17, s14, $0xb8;
	[tilespmem:$0x1F400] =	vst v63  }
0x21: {  	s5 =	simm.s32 $0x500  }
0x22: {  	[tilespmem:s20], [sflag:$0x2] =	stream.indirect.gather [hbm4b:s4+s14], $0x40, s5, s14, $0xb8;
	[tilespmem:$0x1F400] =	vst v63  }
0x23: {  	s6 =	simm.s32 $0x580  }
0x24: {  	[tilespmem:s22], [sflag:$0x2] =	stream.indirect.gather [hbm4b:s4+s14], $0x40, s6, s14, $0xb8;
	[tilespmem:$0x1F400] =	vst v63  }
0x25: {  	s7 =	simm.s32 $0x600  }
0x26: {  	[tilespmem:s24], [sflag:$0x2] =	stream.indirect.gather [hbm4b:s4+s14], $0x40, s7, s14, $0xb8;
	[tilespmem:$0x1F400] =	vst v63  }
0x27: {  	s13 =	simm.s32 $0x680  }
0x28: {  	[tilespmem:s26], [sflag:$0x2] =	stream.indirect.gather [hbm4b:s4+s14], $0x40, s13, s14, $0xb8;
	[tilespmem:$0x1F400] =	vst v63  }
0x29: {  	s17 =	simm.s32 $0x700  }
0x2a: {  	[tilespmem:s29], [sflag:$0x2] =	stream.indirect.gather [hbm4b:s4+s14], $0x40, s17, s14, $0xb8;
	[tilespmem:$0x1F400] =	vst v63  }
0x2b: {  	s5 =	simm.s32 $0x780  }
0x2c: {  	[tilespmem:s31], [sflag:$0x2] =	stream.indirect.gather [hbm4b:s4+s14], $0x40, s5, s14, $0xb8;
	[tilespmem:$0x1F400] =	vst v63  }
0x2d: {  	s6 =	simm.s32 $0x800  }
0x2e: {  	[tilespmem:s0], [sflag:$0x2] =	stream.indirect.gather [hbm4b:s4+s14], $0x40, s6, s14, $0xb8;
	[tilespmem:$0x1F400] =	vst v63  }
0x2f: {  	s7 =	simm.s32 $0x880  }
0x30: {  	[tilespmem:s19], [sflag:$0x2] =	stream.indirect.gather [hbm4b:s4+s14], $0x40, s7, s14, $0xb8;
	[tilespmem:$0x1F400] =	vst v63  }
0x31: {  	s13 =	simm.s32 $0x900  }
0x32: {  	[tilespmem:s23], [sflag:$0x2] =	stream.indirect.gather [hbm4b:s4+s14], $0x40, s13, s14, $0xb8;
	[tilespmem:$0x1F400] =	vst v63  }
0x33: {  	_ =	swait.ge [sflag:s25], $0x2000  }
0x34: {  	[sflag:s25] =	ssyncset.done $0x0  }
0x35: {  	[sflag:s25] =	ssyncadd.s32 $0xFFFFE000  }
0x36: {  	_ =	swait.ge [sflag:s28], $0x2000  }
0x37: {  	[sflag:s28] =	ssyncset.done $0x0  }
0x38: {  	[sflag:s28] =	ssyncadd.s32 $0xFFFFE000  }
0x39: {  	_ =	swait.ge [sflag:s28], $0x2000  }
0x3a: {  	[sflag:s28] =	ssyncset.done $0x0  }
0x3b: {  	[sflag:s28] =	ssyncadd.s32 $0xFFFFE000  }
0x3c: {  	_ =	swait.ge [sflag:s28], $0x2000  }
0x3d: {  	[sflag:s28] =	ssyncset.done $0x0  }
0x3e: {  	[sflag:s28] =	ssyncadd.s32 $0xFFFFE000  }
0x3f: {  	_ =	swait.ge [sflag:s28], $0x2000  }
0x40: {  	[sflag:s28] =	ssyncset.done $0x0  }
0x41: {  	[sflag:s28] =	ssyncadd.s32 $0xFFFFE000  }
0x42: {  	_ =	swait.ge [sflag:s28], $0x2000  }
0x43: {  	[sflag:s28] =	ssyncset.done $0x0  }
0x44: {  	[sflag:s28] =	ssyncadd.s32 $0xFFFFE000  }
0x45: {  	_ =	swait.ge [sflag:s28], $0x2000  }
0x46: {  	[sflag:s28] =	ssyncset.done $0x0  }
0x47: {  	[sflag:s28] =	ssyncadd.s32 $0xFFFFE000  }
0x48: {  	_ =	swait.ge [sflag:s28], $0x2000  }
0x49: {  	[sflag:s28] =	ssyncset.done $0x0  }
0x4a: {  	[sflag:s28] =	ssyncadd.s32 $0xFFFFE000  }
0x4b: {  	_ =	swait.ge [sflag:s28], $0x2000  }
0x4c: {  	[sflag:s28] =	ssyncset.done $0x0  }
0x4d: {  	[sflag:s28] =	ssyncadd.s32 $0xFFFFE000  }
0x4e: {  	_ =	swait.ge [sflag:s28], $0x2000  }
0x4f: {  	[sflag:s28] =	ssyncset.done $0x0  }
0x50: {  	[sflag:s28] =	ssyncadd.s32 $0xFFFFE000  }
0x51: {  	_ =	swait.ge [sflag:s28], $0x2000  }
0x52: {  	[sflag:s28] =	ssyncset.done $0x0  }
0x53: {  	[sflag:s28] =	ssyncadd.s32 $0xFFFFE000  }
0x54: {  	_ =	swait.ge [sflag:s28], $0x2000  }
0x55: {  	[sflag:s28] =	ssyncset.done $0x0  }
0x56: {  	s17 =	simm.s32 $0x0;
	[sflag:s28] =	ssyncadd.s32 $0xFFFFE000  }
0x57: {  	v0 =	vld [tilespmem:s17+$0x1C10]  }
0x58: {  	s1 =	simm.s32 $0x3D60;
	v1 =	vld [tilespmem:s17+$0x1C00]  }
0x59: {  	v4 =	vld [tilespmem:s1+$0xFFFFFEA0]  }
0x5a: {  	v5 =	vld [tilespmem:s1+$0xFFFFFEB0]  }
0x5b: {  	v6 =	vld [tilespmem:s1+$0xFFFFFEC0]  }
0x5c: {  	v2 =	vld [tilespmem:s17+$0x1C20]  }
0x5d: {  	v7 =	vld [tilespmem:s1+$0xFFFFFED0]  }
0x5e: {  	v3 =	vld [tilespmem:s17+$0x1C30]  }
0x5f: {  	v4 =	vmul.f32 v4, v1;
	v5 =	vmul.f32 v5, v0;
	_ =	sdelay $0x1  }
0x60: {  	v6 =	vmul.f32 v6, v2;
	v4 =	vadd.f32 v5, v4;
	_ =	sdelay $0x1  }
0x61: {  	v5 =	vmul.f32 v7, v3;
	v4 =	vadd.f32 v6, v4;
	_ =	sdelay $0x1  }
0x62: {  	v4 =	vadd.f32 v5, v4  }
0x63: {  	s17 =	simm.s32 $0x19C50  }
0x64: {  	[tilespmem:s17+$0xFFFFFFB0] =	vst v4  }
0x65: {  	v4 =	vld [tilespmem:s1+$0xFFFFFEE0]  }
0x66: {  	v5 =	vld [tilespmem:s1+$0xFFFFFEF0];
	_ =	sdelay $0x1  }
0x67: {  	v6 =	vld [tilespmem:s1+$0xFFFFFF00];
	_ =	sdelay $0x1  }
0x68: {  	v7 =	vld [tilespmem:s1+$0xFFFFFF10]  }
0x69: {  	v4 =	vmul.f32 v4, v1;
	v5 =	vmul.f32 v5, v0;
	_ =	sdelay $0x1  }
0x6a: {  	v4 =	vadd.f32 v5, v4;
	v5 =	vmul.f32 v6, v2;
	_ =	sdelay $0x1  }
0x6b: {  	v4 =	vadd.f32 v5, v4;
	v5 =	vmul.f32 v7, v3;
	_ =	sdelay $0x1  }
0x6c: {  	v4 =	vadd.f32 v5, v4;
	_ =	sdelay $0x1  }
0x6d: {  	[tilespmem:s17+$0xFFFFFFC0] =	vst v4  }
0x6e: {  	v4 =	vld [tilespmem:s1+$0xFFFFFF20]  }
0x6f: {  	v5 =	vld [tilespmem:s1+$0xFFFFFF30];
	_ =	sdelay $0x1  }
0x70: {  	v6 =	vld [tilespmem:s1+$0xFFFFFF40];
	_ =	sdelay $0x1  }
0x71: {  	v7 =	vld [tilespmem:s1+$0xFFFFFF50]  }
0x72: {  	v4 =	vmul.f32 v4, v1;
	v5 =	vmul.f32 v5, v0;
	_ =	sdelay $0x1  }
0x73: {  	v4 =	vadd.f32 v5, v4;
	v5 =	vmul.f32 v6, v2;
	_ =	sdelay $0x1  }
0x74: {  	v4 =	vadd.f32 v5, v4;
	v5 =	vmul.f32 v7, v3;
	_ =	sdelay $0x1  }
0x75: {  	v4 =	vadd.f32 v5, v4;
	_ =	sdelay $0x1  }
0x76: {  	[tilespmem:s17+$0xFFFFFFD0] =	vst v4  }
0x77: {  	v4 =	vld [tilespmem:s1+$0xFFFFFF60]  }
0x78: {  	v5 =	vld [tilespmem:s1+$0xFFFFFF70];
	_ =	sdelay $0x1  }
0x79: {  	v6 =	vld [tilespmem:s1+$0xFFFFFF80];
	_ =	sdelay $0x1  }
0x7a: {  	v7 =	vld [tilespmem:s1+$0xFFFFFF90]  }
0x7b: {  	v4 =	vmul.f32 v4, v1;
	v5 =	vmul.f32 v5, v0;
	_ =	sdelay $0x1  }
0x7c: {  	v4 =	vadd.f32 v5, v4;
	v5 =	vmul.f32 v6, v2;
	_ =	sdelay $0x1  }
0x7d: {  	v4 =	vadd.f32 v5, v4;
	v5 =	vmul.f32 v7, v3;
	_ =	sdelay $0x1  }
0x7e: {  	v4 =	vadd.f32 v5, v4;
	_ =	sdelay $0x1  }
0x7f: {  	[tilespmem:s17+$0xFFFFFFE0] =	vst v4  }
0x80: {  	v4 =	vld [tilespmem:s1+$0xFFFFFFB0]  }
0x81: {  	v5 =	vld [tilespmem:s1+$0xFFFFFFA0];
	_ =	sdelay $0x1  }
0x82: {  	v6 =	vld [tilespmem:s1+$0xFFFFFFC0];
	_ =	sdelay $0x1  }
0x83: {  	v7 =	vld [tilespmem:s1+$0xFFFFFFD0]  }
0x84: {  	v4 =	vmul.f32 v4, v0;
	v5 =	vmul.f32 v5, v1;
	_ =	sdelay $0x1  }
0x85: {  	v4 =	vadd.f32 v4, v5;
	v5 =	vmul.f32 v6, v2;
	_ =	sdelay $0x1  }
0x86: {  	v4 =	vadd.f32 v5, v4;
	v5 =	vmul.f32 v7, v3;
	_ =	sdelay $0x1  }
0x87: {  	v4 =	vadd.f32 v5, v4;
	_ =	sdelay $0x1  }
0x88: {  	[tilespmem:s17+$0xFFFFFFF0] =	vst v4  }
0x89: {  	v4 =	vld [tilespmem:s1+$0xFFFFFFE0]  }
0x8a: {  	v5 =	vld [tilespmem:s1+$0xFFFFFFF0];
	_ =	sdelay $0x1  }
0x8b: {  	v6 =	vld [tilespmem:s1+$0x0];
	_ =	sdelay $0x1  }
0x8c: {  	v7 =	vld [tilespmem:s1+$0x10]  }
0x8d: {  	v4 =	vmul.f32 v4, v1;
	v5 =	vmul.f32 v5, v0;
	_ =	sdelay $0x1  }
0x8e: {  	v6 =	vmul.f32 v6, v2;
	v4 =	vadd.f32 v5, v4;
	_ =	sdelay $0x1  }
0x8f: {  	v5 =	vmul.f32 v7, v3;
	v4 =	vadd.f32 v6, v4;
	_ =	sdelay $0x1  }
0x90: {  	v4 =	vadd.f32 v5, v4;
	_ =	sdelay $0x1  }
0x91: {  	[tilespmem:s17+$0x0] =	vst v4  }
0x92: {  	v4 =	vld [tilespmem:s1+$0x20]  }
0x93: {  	v5 =	vld [tilespmem:s1+$0x30];
	_ =	sdelay $0x1  }
0x94: {  	v6 =	vld [tilespmem:s1+$0x40];
	_ =	sdelay $0x1  }
0x95: {  	v7 =	vld [tilespmem:s1+$0x50]  }
0x96: {  	v4 =	vmul.f32 v4, v1;
	v5 =	vmul.f32 v5, v0;
	_ =	sdelay $0x1  }
0x97: {  	v6 =	vmul.f32 v6, v2;
	v4 =	vadd.f32 v5, v4;
	_ =	sdelay $0x1  }
0x98: {  	v5 =	vmul.f32 v7, v3;
	v4 =	vadd.f32 v6, v4;
	_ =	sdelay $0x1  }
0x99: {  	v4 =	vadd.f32 v5, v4;
	_ =	sdelay $0x1  }
0x9a: {  	[tilespmem:s17+$0x10] =	vst v4  }
0x9b: {  	v4 =	vld [tilespmem:s1+$0x60]  }
0x9c: {  	v5 =	vld [tilespmem:s1+$0x70];
	_ =	sdelay $0x1  }
0x9d: {  	v6 =	vld [tilespmem:s1+$0x80];
	_ =	sdelay $0x1  }
0x9e: {  	v7 =	vld [tilespmem:s1+$0x90]  }
0x9f: {  	v4 =	vmul.f32 v4, v1;
	v5 =	vmul.f32 v5, v0;
	_ =	sdelay $0x1  }
0xa0: {  	v4 =	vadd.f32 v5, v4;
	v5 =	vmul.f32 v6, v2;
	_ =	sdelay $0x1  }
0xa1: {  	v6 =	vmul.f32 v7, v3;
	v4 =	vadd.f32 v5, v4;
	_ =	sdelay $0x1  }
0xa2: {  	v4 =	vadd.f32 v6, v4;
	_ =	sdelay $0x1  }
0xa3: {  	[tilespmem:s17+$0x20] =	vst v4  }
0xa4: {  	v4 =	vld [tilespmem:s1+$0xA0]  }
0xa5: {  	v5 =	vld [tilespmem:s1+$0xB0];
	_ =	sdelay $0x1  }
0xa6: {  	v6 =	vld [tilespmem:s1+$0xC0];
	_ =	sdelay $0x1  }
0xa7: {  	v7 =	vld [tilespmem:s1+$0xD0]  }
0xa8: {  	v4 =	vmul.f32 v4, v1;
	v5 =	vmul.f32 v5, v0;
	_ =	sdelay $0x1  }
0xa9: {  	v4 =	vadd.f32 v5, v4;
	v5 =	vmul.f32 v6, v2;
	_ =	sdelay $0x1  }
0xaa: {  	v6 =	vmul.f32 v7, v3;
	v4 =	vadd.f32 v5, v4;
	_ =	sdelay $0x1  }
0xab: {  	v4 =	vadd.f32 v6, v4;
	_ =	sdelay $0x1  }
0xac: {  	[tilespmem:s17+$0x30] =	vst v4  }
0xad: {  	v4 =	vld [tilespmem:s1+$0xF0]  }
0xae: {  	s5 =	simm.s32 $0x100;
	s6 =	simm.s32 $0x3D60;
	s13 =	simm.s32 $0x19C50;
	v5 =	vld [tilespmem:s1+$0xE0]  }
.LBB2_2:
0xaf: {  	p0 =	sne.s32 s5, $0x7F00;
	v6 =	vld [tilespmem:s1+$0x100];
	s17 =	sadd.s32 $0xB0, s17;
	s6 =	sadd.s32 $0x2C0, s6  }
0xb0: {  	s7 =	smov.u32 s5;
	s5 =	sadd.s32 $0x100, s5;
	v7 =	vld [tilespmem:s1+$0x110];
	_ =	sdelay $0x2  }
0xb1: {  	v4 =	vmul.f32 v4, v0;
	v5 =	vmul.f32 v5, v1;
	_ =	sdelay $0x1  }
0xb2: {  	v4 =	vadd.f32 v4, v5;
	v5 =	vmul.f32 v6, v2;
	v6 =	vmul.f32 v7, v3;
	_ =	sdelay $0x1  }
0xb3: {  	v4 =	vadd.f32 v5, v4;
	_ =	sdelay $0x1  }
0xb4: {  	v4 =	vadd.f32 v6, v4;
	_ =	sdelay $0x1  }
0xb5: {  	[tilespmem:s13+$0x40] =	vst v4  }
0xb6: {  	v4 =	vld [tilespmem:s1+$0x120]  }
0xb7: {  	s7 =	sshra.s32 s7, $0x2;
	v5 =	vld [tilespmem:s1+$0x130]  }
0xb8: {  	v6 =	vld [tilespmem:s1+$0x140]  }
0xb9: {  	v7 =	vld [tilespmem:s1+$0x150];
	s1 =	smov.u32 s6;
	_ =	sdelay $0x2  }
0xba: {  	v1 =	vmul.f32 v4, v1;
	v0 =	vmul.f32 v5, v0;
	_ =	sdelay $0x1  }
0xbb: {  	v0 =	vadd.f32 v0, v1;
	v1 =	vmul.f32 v6, v2;
	v2 =	vmul.f32 v7, v3;
	_ =	sdelay $0x1  }
0xbc: {  	v0 =	vadd.f32 v1, v0;
	_ =	sdelay $0x1  }
0xbd: {  	v0 =	vadd.f32 v2, v0;
	_ =	sdelay $0x1  }
0xbe: {  	[tilespmem:s13+$0x50] =	vst v0;
	s13 =	smov.u32 s17  }
0xbf: {  	v0 =	vld [tilespmem:s7+$0x1C10]  }
0xc0: {  	v1 =	vld [tilespmem:s7+$0x1C00]  }
0xc1: {  	v4 =	vld [tilespmem:s6+$0xFFFFFEA0]  }
0xc2: {  	v5 =	vld [tilespmem:s6+$0xFFFFFEC0]  }
0xc3: {  	v6 =	vld [tilespmem:s6+$0xFFFFFEB0]  }
0xc4: {  	v2 =	vld [tilespmem:s7+$0x1C20];
	_ =	sdelay $0x1  }
0xc5: {  	v7 =	vld [tilespmem:s6+$0xFFFFFED0]  }
0xc6: {  	v3 =	vld [tilespmem:s7+$0x1C30]  }
0xc7: {  	v4 =	vmul.f32 v4, v1;
	v6 =	vmul.f32 v6, v0  }
0xc8: {  	v5 =	vmul.f32 v5, v2  }
0xc9: {  	v4 =	vadd.f32 v6, v4;
	_ =	sdelay $0x1  }
0xca: {  	v4 =	vadd.f32 v5, v4;
	v5 =	vmul.f32 v7, v3;
	_ =	sdelay $0x1  }
0xcb: {  	v4 =	vadd.f32 v5, v4;
	_ =	sdelay $0x1  }
0xcc: {  	[tilespmem:s17+$0xFFFFFFB0] =	vst v4  }
0xcd: {  	v4 =	vld [tilespmem:s6+$0xFFFFFEE0]  }
0xce: {  	v5 =	vld [tilespmem:s6+$0xFFFFFEF0];
	_ =	sdelay $0x1  }
0xcf: {  	v6 =	vld [tilespmem:s6+$0xFFFFFF00];
	_ =	sdelay $0x1  }
0xd0: {  	v4 =	vmul.f32 v4, v1;
	v7 =	vld [tilespmem:s6+$0xFFFFFF10]  }
0xd1: {  	v5 =	vmul.f32 v5, v0;
	_ =	sdelay $0x1  }
0xd2: {  	v4 =	vadd.f32 v5, v4;
	v5 =	vmul.f32 v6, v2;
	_ =	sdelay $0x1  }
0xd3: {  	v4 =	vadd.f32 v5, v4;
	v5 =	vmul.f32 v7, v3;
	_ =	sdelay $0x1  }
0xd4: {  	v4 =	vadd.f32 v5, v4;
	_ =	sdelay $0x1  }
0xd5: {  	[tilespmem:s17+$0xFFFFFFC0] =	vst v4  }
0xd6: {  	v4 =	vld [tilespmem:s6+$0xFFFFFF20]  }
0xd7: {  	v5 =	vld [tilespmem:s6+$0xFFFFFF30];
	_ =	sdelay $0x1  }
0xd8: {  	v6 =	vld [tilespmem:s6+$0xFFFFFF40];
	_ =	sdelay $0x1  }
0xd9: {  	v4 =	vmul.f32 v4, v1;
	v7 =	vld [tilespmem:s6+$0xFFFFFF50]  }
0xda: {  	v5 =	vmul.f32 v5, v0;
	_ =	sdelay $0x1  }
0xdb: {  	v4 =	vadd.f32 v5, v4;
	v5 =	vmul.f32 v6, v2;
	_ =	sdelay $0x1  }
0xdc: {  	v4 =	vadd.f32 v5, v4;
	v5 =	vmul.f32 v7, v3;
	_ =	sdelay $0x1  }
0xdd: {  	v4 =	vadd.f32 v5, v4;
	_ =	sdelay $0x1  }
0xde: {  	[tilespmem:s17+$0xFFFFFFD0] =	vst v4  }
0xdf: {  	v4 =	vld [tilespmem:s6+$0xFFFFFF60]  }
0xe0: {  	v5 =	vld [tilespmem:s6+$0xFFFFFF70];
	_ =	sdelay $0x1  }
0xe1: {  	v6 =	vld [tilespmem:s6+$0xFFFFFF80];
	_ =	sdelay $0x1  }
0xe2: {  	v4 =	vmul.f32 v4, v1;
	v7 =	vld [tilespmem:s6+$0xFFFFFF90]  }
0xe3: {  	v5 =	vmul.f32 v5, v0;
	_ =	sdelay $0x1  }
0xe4: {  	v4 =	vadd.f32 v5, v4;
	v5 =	vmul.f32 v6, v2;
	_ =	sdelay $0x1  }
0xe5: {  	v4 =	vadd.f32 v5, v4;
	v5 =	vmul.f32 v7, v3;
	_ =	sdelay $0x1  }
0xe6: {  	v4 =	vadd.f32 v5, v4;
	_ =	sdelay $0x1  }
0xe7: {  	[tilespmem:s17+$0xFFFFFFE0] =	vst v4  }
0xe8: {  	v4 =	vld [tilespmem:s6+$0xFFFFFFB0]  }
0xe9: {  	v5 =	vld [tilespmem:s6+$0xFFFFFFA0]  }
0xea: {  	v6 =	vld [tilespmem:s6+$0xFFFFFFD0]  }
0xeb: {  	v7 =	vld [tilespmem:s6+$0xFFFFFFC0];
	_ =	sdelay $0x1  }
0xec: {  	v4 =	vmul.f32 v4, v0  }
0xed: {  	v5 =	vmul.f32 v5, v1;
	_ =	sdelay $0x1  }
0xee: {  	v4 =	vadd.f32 v4, v5;
	v5 =	vmul.f32 v7, v2;
	_ =	sdelay $0x1  }
0xef: {  	v4 =	vadd.f32 v5, v4;
	v5 =	vmul.f32 v6, v3;
	_ =	sdelay $0x1  }
0xf0: {  	v4 =	vadd.f32 v5, v4;
	_ =	sdelay $0x1  }
0xf1: {  	[tilespmem:s17+$0xFFFFFFF0] =	vst v4  }
0xf2: {  	v4 =	vld [tilespmem:s6+$0xFFFFFFE0]  }
0xf3: {  	v5 =	vld [tilespmem:s6+$0xFFFFFFF0]  }
0xf4: {  	v6 =	vld [tilespmem:s6+$0x0]  }
0xf5: {  	v7 =	vld [tilespmem:s6+$0x10];
	_ =	sdelay $0x1  }
0xf6: {  	v4 =	vmul.f32 v4, v1  }
0xf7: {  	v5 =	vmul.f32 v5, v0  }
0xf8: {  	v6 =	vmul.f32 v6, v2  }
0xf9: {  	v4 =	vadd.f32 v5, v4;
	_ =	sdelay $0x1  }
0xfa: {  	v5 =	vmul.f32 v7, v3;
	v4 =	vadd.f32 v6, v4;
	_ =	sdelay $0x1  }
0xfb: {  	v4 =	vadd.f32 v5, v4;
	_ =	sdelay $0x1  }
0xfc: {  	[tilespmem:s17+$0x0] =	vst v4  }
0xfd: {  	v4 =	vld [tilespmem:s6+$0x20]  }
0xfe: {  	v5 =	vld [tilespmem:s6+$0x30]  }
0xff: {  	v6 =	vld [tilespmem:s6+$0x40]  }
0x100: {  	v7 =	vld [tilespmem:s6+$0x50];
	_ =	sdelay $0x1  }
0x101: {  	v4 =	vmul.f32 v4, v1  }
0x102: {  	v5 =	vmul.f32 v5, v0  }
0x103: {  	v6 =	vmul.f32 v6, v2  }
0x104: {  	v4 =	vadd.f32 v5, v4;
	_ =	sdelay $0x1  }
0x105: {  	v5 =	vmul.f32 v7, v3;
	v4 =	vadd.f32 v6, v4;
	_ =	sdelay $0x1  }
0x106: {  	v4 =	vadd.f32 v5, v4;
	_ =	sdelay $0x1  }
0x107: {  	[tilespmem:s17+$0x10] =	vst v4  }
0x108: {  	v4 =	vld [tilespmem:s6+$0x60]  }
0x109: {  	v5 =	vld [tilespmem:s6+$0x70]  }
0x10a: {  	v6 =	vld [tilespmem:s6+$0x90]  }
0x10b: {  	v7 =	vld [tilespmem:s6+$0x80];
	_ =	sdelay $0x1  }
0x10c: {  	v4 =	vmul.f32 v4, v1  }
0x10d: {  	v5 =	vmul.f32 v5, v0  }
0x10e: {  	v6 =	vmul.f32 v6, v3  }
0x10f: {  	v4 =	vadd.f32 v5, v4;
	v5 =	vmul.f32 v7, v2;
	_ =	sdelay $0x1  }
0x110: {  	v4 =	vadd.f32 v5, v4;
	_ =	sdelay $0x1  }
0x111: {  	v4 =	vadd.f32 v6, v4;
	_ =	sdelay $0x1  }
0x112: {  	[tilespmem:s17+$0x20] =	vst v4  }
0x113: {  	v4 =	vld [tilespmem:s6+$0xA0]  }
0x114: {  	v5 =	vld [tilespmem:s6+$0xB0]  }
0x115: {  	v6 =	vld [tilespmem:s6+$0xC0]  }
0x116: {  	v7 =	vld [tilespmem:s6+$0xD0];
	_ =	sdelay $0x1  }
0x117: {  	v4 =	vmul.f32 v4, v1  }
0x118: {  	v5 =	vmul.f32 v5, v0;
	_ =	sdelay $0x1  }
0x119: {  	v4 =	vadd.f32 v5, v4;
	v5 =	vmul.f32 v6, v2;
	v6 =	vmul.f32 v7, v3;
	_ =	sdelay $0x1  }
0x11a: {  	v4 =	vadd.f32 v5, v4;
	_ =	sdelay $0x1  }
.Ltmp0:
0x11b: {  	v4 =	vadd.f32 v6, v4;
	(pc) =	sbr.rel @p0 .LBB2_2-.Ltmp0, $4  }
0x11c: {  	_ = 	snop  }
0x11d: {  	[tilespmem:s17+$0x30] =	vst v4  }
0x11e: {  	v4 =	vld [tilespmem:s6+$0xF0]  }
0x11f: {  	v5 =	vld [tilespmem:s6+$0xE0]  }
0x120: {  	_ = 	snop  }
0x121: {  	v6 =	vld [tilespmem:s1+$0x100];
	_ =	sdelay $0x1  }
0x122: {  	v7 =	vld [tilespmem:s1+$0x110]  }
0x123: {  	v4 =	vmul.f32 v4, v0;
	v5 =	vmul.f32 v5, v1;
	_ =	sdelay $0x1  }
0x124: {  	v4 =	vadd.f32 v4, v5;
	v5 =	vmul.f32 v6, v2;
	_ =	sdelay $0x1  }
0x125: {  	v6 =	vmul.f32 v7, v3;
	v4 =	vadd.f32 v5, v4;
	_ =	sdelay $0x1  }
0x126: {  	v4 =	vadd.f32 v6, v4;
	_ =	sdelay $0x1  }
0x127: {  	[tilespmem:s13+$0x40] =	vst v4  }
0x128: {  	v4 =	vld [tilespmem:s1+$0x120]  }
0x129: {  	v5 =	vld [tilespmem:s1+$0x130];
	_ =	sdelay $0x1  }
0x12a: {  	v6 =	vld [tilespmem:s1+$0x140];
	_ =	sdelay $0x1  }
0x12b: {  	v7 =	vld [tilespmem:s1+$0x150]  }
0x12c: {  	v1 =	vmul.f32 v4, v1;
	v0 =	vmul.f32 v5, v0;
	_ =	sdelay $0x1  }
0x12d: {  	v0 =	vadd.f32 v0, v1;
	v1 =	vmul.f32 v6, v2;
	_ =	sdelay $0x1  }
0x12e: {  	v2 =	vmul.f32 v7, v3;
	v0 =	vadd.f32 v1, v0;
	_ =	sdelay $0x1  }
0x12f: {  	v0 =	vadd.f32 v2, v0;
	_ =	sdelay $0x1  }
0x130: {  	s7 =	simm.s32 $0x0;
	s5 =	rddreg [dreg:$0x4];
	[tilespmem:s13+$0x50] =	vst v0  }
0x131: {  	[hbm4b:s5+s7] =	stream.linear.scatter [tilespmem:s30], [sflag:$0x3], $0x5800, $0x38;
	[tilespmem:$0x1F400] =	vst v63  }
0x132: {  	_ =	swait.ge [sflag:s12], $0x5800  }
0x133: {  	[sflag:s12] =	ssyncset.done $0x0  }
0x134: {  	[sflag:s12] =	ssyncadd.s32 $0xFFFFA800  }
0x135: {  	[tilespmem:s15], [sflag:$0x1] =	stream.indirect.gather [hbm4b:s3+s14], $0x40, s14, s14, $0xb8;
	[tilespmem:$0x1F400] =	vst v63  }
0x136: {  	s13 =	simm.s32 $0x980  }
0x137: {  	[tilespmem:s16], [sflag:$0x2] =	stream.indirect.gather [hbm4b:s4+s14], $0x40, s13, s14, $0xb8;
	[tilespmem:$0x1F400] =	vst v63  }
0x138: {  	s17 =	simm.s32 $0xA00  }
0x139: {  	[tilespmem:s18], [sflag:$0x2] =	stream.indirect.gather [hbm4b:s4+s14], $0x40, s17, s14, $0xb8;
	[tilespmem:$0x1F400] =	vst v63  }
0x13a: {  	s5 =	simm.s32 $0xA80  }
0x13b: {  	[tilespmem:s20], [sflag:$0x2] =	stream.indirect.gather [hbm4b:s4+s14], $0x40, s5, s14, $0xb8;
	[tilespmem:$0x1F400] =	vst v63  }
0x13c: {  	s6 =	simm.s32 $0xB00  }
0x13d: {  	[tilespmem:s22], [sflag:$0x2] =	stream.indirect.gather [hbm4b:s4+s14], $0x40, s6, s14, $0xb8;
	[tilespmem:$0x1F400] =	vst v63  }
0x13e: {  	s7 =	simm.s32 $0xB80  }
0x13f: {  	[tilespmem:s24], [sflag:$0x2] =	stream.indirect.gather [hbm4b:s4+s14], $0x40, s7, s14, $0xb8;
	[tilespmem:$0x1F400] =	vst v63  }
0x140: {  	s13 =	simm.s32 $0xC00  }
0x141: {  	[tilespmem:s26], [sflag:$0x2] =	stream.indirect.gather [hbm4b:s4+s14], $0x40, s13, s14, $0xb8;
	[tilespmem:$0x1F400] =	vst v63  }
0x142: {  	s17 =	simm.s32 $0xC80  }
0x143: {  	[tilespmem:s29], [sflag:$0x2] =	stream.indirect.gather [hbm4b:s4+s14], $0x40, s17, s14, $0xb8;
	[tilespmem:$0x1F400] =	vst v63  }
0x144: {  	s5 =	simm.s32 $0xD00  }
0x145: {  	[tilespmem:s31], [sflag:$0x2] =	stream.indirect.gather [hbm4b:s4+s14], $0x40, s5, s14, $0xb8;
	[tilespmem:$0x1F400] =	vst v63  }
0x146: {  	s6 =	simm.s32 $0xD80  }
0x147: {  	[tilespmem:s0], [sflag:$0x2] =	stream.indirect.gather [hbm4b:s4+s14], $0x40, s6, s14, $0xb8;
	[tilespmem:$0x1F400] =	vst v63  }
0x148: {  	s7 =	simm.s32 $0xE00  }
0x149: {  	[tilespmem:s19], [sflag:$0x2] =	stream.indirect.gather [hbm4b:s4+s14], $0x40, s7, s14, $0xb8;
	[tilespmem:$0x1F400] =	vst v63  }
0x14a: {  	s13 =	simm.s32 $0xE80  }
0x14b: {  	[tilespmem:s23], [sflag:$0x2] =	stream.indirect.gather [hbm4b:s4+s14], $0x40, s13, s14, $0xb8;
	[tilespmem:$0x1F400] =	vst v63  }
0x14c: {  	_ =	swait.ge [sflag:s25], $0x2000  }
0x14d: {  	[sflag:s25] =	ssyncset.done $0x0  }
0x14e: {  	[sflag:s25] =	ssyncadd.s32 $0xFFFFE000  }
0x14f: {  	_ =	swait.ge [sflag:s28], $0x2000  }
0x150: {  	[sflag:s28] =	ssyncset.done $0x0  }
0x151: {  	[sflag:s28] =	ssyncadd.s32 $0xFFFFE000  }
0x152: {  	_ =	swait.ge [sflag:s28], $0x2000  }
0x153: {  	[sflag:s28] =	ssyncset.done $0x0  }
0x154: {  	[sflag:s28] =	ssyncadd.s32 $0xFFFFE000  }
0x155: {  	_ =	swait.ge [sflag:s28], $0x2000  }
0x156: {  	[sflag:s28] =	ssyncset.done $0x0  }
0x157: {  	[sflag:s28] =	ssyncadd.s32 $0xFFFFE000  }
0x158: {  	_ =	swait.ge [sflag:s28], $0x2000  }
0x159: {  	[sflag:s28] =	ssyncset.done $0x0  }
0x15a: {  	[sflag:s28] =	ssyncadd.s32 $0xFFFFE000  }
0x15b: {  	_ =	swait.ge [sflag:s28], $0x2000  }
0x15c: {  	[sflag:s28] =	ssyncset.done $0x0  }
0x15d: {  	[sflag:s28] =	ssyncadd.s32 $0xFFFFE000  }
0x15e: {  	_ =	swait.ge [sflag:s28], $0x2000  }
0x15f: {  	[sflag:s28] =	ssyncset.done $0x0  }
0x160: {  	[sflag:s28] =	ssyncadd.s32 $0xFFFFE000  }
0x161: {  	_ =	swait.ge [sflag:s28], $0x2000  }
0x162: {  	[sflag:s28] =	ssyncset.done $0x0  }
0x163: {  	[sflag:s28] =	ssyncadd.s32 $0xFFFFE000  }
0x164: {  	_ =	swait.ge [sflag:s28], $0x2000  }
0x165: {  	[sflag:s28] =	ssyncset.done $0x0  }
0x166: {  	[sflag:s28] =	ssyncadd.s32 $0xFFFFE000  }
0x167: {  	_ =	swait.ge [sflag:s28], $0x2000  }
0x168: {  	[sflag:s28] =	ssyncset.done $0x0  }
0x169: {  	[sflag:s28] =	ssyncadd.s32 $0xFFFFE000  }
0x16a: {  	_ =	swait.ge [sflag:s28], $0x2000  }
0x16b: {  	[sflag:s28] =	ssyncset.done $0x0  }
0x16c: {  	[sflag:s28] =	ssyncadd.s32 $0xFFFFE000  }
0x16d: {  	_ =	swait.ge [sflag:s28], $0x2000  }
0x16e: {  	[sflag:s28] =	ssyncset.done $0x0  }
0x16f: {  	s17 =	simm.s32 $0x0;
	[sflag:s28] =	ssyncadd.s32 $0xFFFFE000  }
0x170: {  	v0 =	vld [tilespmem:s17+$0x1C10]  }
0x171: {  	s1 =	simm.s32 $0x3D60;
	v1 =	vld [tilespmem:s17+$0x1C00]  }
0x172: {  	v4 =	vld [tilespmem:s1+$0xFFFFFEA0]  }
0x173: {  	v5 =	vld [tilespmem:s1+$0xFFFFFEB0]  }
0x174: {  	v6 =	vld [tilespmem:s1+$0xFFFFFEC0]  }
0x175: {  	v2 =	vld [tilespmem:s17+$0x1C20]  }
0x176: {  	v7 =	vld [tilespmem:s1+$0xFFFFFED0]  }
0x177: {  	v3 =	vld [tilespmem:s17+$0x1C30]  }
0x178: {  	v4 =	vmul.f32 v4, v1;
	v5 =	vmul.f32 v5, v0;
	_ =	sdelay $0x1  }
0x179: {  	v6 =	vmul.f32 v6, v2;
	v4 =	vadd.f32 v5, v4;
	_ =	sdelay $0x1  }
0x17a: {  	v5 =	vmul.f32 v7, v3;
	v4 =	vadd.f32 v6, v4;
	_ =	sdelay $0x1  }
0x17b: {  	v4 =	vadd.f32 v5, v4  }
0x17c: {  	s17 =	simm.s32 $0x19C50  }
0x17d: {  	[tilespmem:s17+$0xFFFFFFB0] =	vst v4  }
0x17e: {  	v4 =	vld [tilespmem:s1+$0xFFFFFEE0]  }
0x17f: {  	v5 =	vld [tilespmem:s1+$0xFFFFFEF0];
	_ =	sdelay $0x1  }
0x180: {  	v6 =	vld [tilespmem:s1+$0xFFFFFF00];
	_ =	sdelay $0x1  }
0x181: {  	v7 =	vld [tilespmem:s1+$0xFFFFFF10]  }
0x182: {  	v4 =	vmul.f32 v4, v1;
	v5 =	vmul.f32 v5, v0;
	_ =	sdelay $0x1  }
0x183: {  	v4 =	vadd.f32 v5, v4;
	v5 =	vmul.f32 v6, v2;
	_ =	sdelay $0x1  }
0x184: {  	v4 =	vadd.f32 v5, v4;
	v5 =	vmul.f32 v7, v3;
	_ =	sdelay $0x1  }
0x185: {  	v4 =	vadd.f32 v5, v4;
	_ =	sdelay $0x1  }
0x186: {  	[tilespmem:s17+$0xFFFFFFC0] =	vst v4  }
0x187: {  	v4 =	vld [tilespmem:s1+$0xFFFFFF20]  }
0x188: {  	v5 =	vld [tilespmem:s1+$0xFFFFFF30];
	_ =	sdelay $0x1  }
0x189: {  	v6 =	vld [tilespmem:s1+$0xFFFFFF40];
	_ =	sdelay $0x1  }
0x18a: {  	v7 =	vld [tilespmem:s1+$0xFFFFFF50]  }
0x18b: {  	v4 =	vmul.f32 v4, v1;
	v5 =	vmul.f32 v5, v0;
	_ =	sdelay $0x1  }
0x18c: {  	v4 =	vadd.f32 v5, v4;
	v5 =	vmul.f32 v6, v2;
	_ =	sdelay $0x1  }
0x18d: {  	v4 =	vadd.f32 v5, v4;
	v5 =	vmul.f32 v7, v3;
	_ =	sdelay $0x1  }
0x18e: {  	v4 =	vadd.f32 v5, v4;
	_ =	sdelay $0x1  }
0x18f: {  	[tilespmem:s17+$0xFFFFFFD0] =	vst v4  }
0x190: {  	v4 =	vld [tilespmem:s1+$0xFFFFFF60]  }
0x191: {  	v5 =	vld [tilespmem:s1+$0xFFFFFF70];
	_ =	sdelay $0x1  }
0x192: {  	v6 =	vld [tilespmem:s1+$0xFFFFFF80];
	_ =	sdelay $0x1  }
0x193: {  	v7 =	vld [tilespmem:s1+$0xFFFFFF90]  }
0x194: {  	v4 =	vmul.f32 v4, v1;
	v5 =	vmul.f32 v5, v0;
	_ =	sdelay $0x1  }
0x195: {  	v4 =	vadd.f32 v5, v4;
	v5 =	vmul.f32 v6, v2;
	_ =	sdelay $0x1  }
0x196: {  	v4 =	vadd.f32 v5, v4;
	v5 =	vmul.f32 v7, v3;
	_ =	sdelay $0x1  }
0x197: {  	v4 =	vadd.f32 v5, v4;
	_ =	sdelay $0x1  }
0x198: {  	[tilespmem:s17+$0xFFFFFFE0] =	vst v4  }
0x199: {  	v4 =	vld [tilespmem:s1+$0xFFFFFFB0]  }
0x19a: {  	v5 =	vld [tilespmem:s1+$0xFFFFFFA0];
	_ =	sdelay $0x1  }
0x19b: {  	v6 =	vld [tilespmem:s1+$0xFFFFFFC0];
	_ =	sdelay $0x1  }
0x19c: {  	v7 =	vld [tilespmem:s1+$0xFFFFFFD0]  }
0x19d: {  	v4 =	vmul.f32 v4, v0;
	v5 =	vmul.f32 v5, v1;
	_ =	sdelay $0x1  }
0x19e: {  	v4 =	vadd.f32 v4, v5;
	v5 =	vmul.f32 v6, v2;
	_ =	sdelay $0x1  }
0x19f: {  	v4 =	vadd.f32 v5, v4;
	v5 =	vmul.f32 v7, v3;
	_ =	sdelay $0x1  }
0x1a0: {  	v4 =	vadd.f32 v5, v4;
	_ =	sdelay $0x1  }
0x1a1: {  	[tilespmem:s17+$0xFFFFFFF0] =	vst v4  }
0x1a2: {  	v4 =	vld [tilespmem:s1+$0xFFFFFFE0]  }
0x1a3: {  	v5 =	vld [tilespmem:s1+$0xFFFFFFF0];
	_ =	sdelay $0x1  }
0x1a4: {  	v6 =	vld [tilespmem:s1+$0x0];
	_ =	sdelay $0x1  }
0x1a5: {  	v7 =	vld [tilespmem:s1+$0x10]  }
0x1a6: {  	v4 =	vmul.f32 v4, v1;
	v5 =	vmul.f32 v5, v0;
	_ =	sdelay $0x1  }
0x1a7: {  	v6 =	vmul.f32 v6, v2;
	v4 =	vadd.f32 v5, v4;
	_ =	sdelay $0x1  }
0x1a8: {  	v5 =	vmul.f32 v7, v3;
	v4 =	vadd.f32 v6, v4;
	_ =	sdelay $0x1  }
0x1a9: {  	v4 =	vadd.f32 v5, v4;
	_ =	sdelay $0x1  }
0x1aa: {  	[tilespmem:s17+$0x0] =	vst v4  }
0x1ab: {  	v4 =	vld [tilespmem:s1+$0x20]  }
0x1ac: {  	v5 =	vld [tilespmem:s1+$0x30];
	_ =	sdelay $0x1  }
0x1ad: {  	v6 =	vld [tilespmem:s1+$0x40];
	_ =	sdelay $0x1  }
0x1ae: {  	v7 =	vld [tilespmem:s1+$0x50]  }
0x1af: {  	v4 =	vmul.f32 v4, v1;
	v5 =	vmul.f32 v5, v0;
	_ =	sdelay $0x1  }
0x1b0: {  	v6 =	vmul.f32 v6, v2;
	v4 =	vadd.f32 v5, v4;
	_ =	sdelay $0x1  }
0x1b1: {  	v5 =	vmul.f32 v7, v3;
	v4 =	vadd.f32 v6, v4;
	_ =	sdelay $0x1  }
0x1b2: {  	v4 =	vadd.f32 v5, v4;
	_ =	sdelay $0x1  }
0x1b3: {  	[tilespmem:s17+$0x10] =	vst v4  }
0x1b4: {  	v4 =	vld [tilespmem:s1+$0x60]  }
0x1b5: {  	v5 =	vld [tilespmem:s1+$0x70];
	_ =	sdelay $0x1  }
0x1b6: {  	v6 =	vld [tilespmem:s1+$0x80];
	_ =	sdelay $0x1  }
0x1b7: {  	v7 =	vld [tilespmem:s1+$0x90]  }
0x1b8: {  	v4 =	vmul.f32 v4, v1;
	v5 =	vmul.f32 v5, v0;
	_ =	sdelay $0x1  }
0x1b9: {  	v4 =	vadd.f32 v5, v4;
	v5 =	vmul.f32 v6, v2;
	_ =	sdelay $0x1  }
0x1ba: {  	v6 =	vmul.f32 v7, v3;
	v4 =	vadd.f32 v5, v4;
	_ =	sdelay $0x1  }
0x1bb: {  	v4 =	vadd.f32 v6, v4;
	_ =	sdelay $0x1  }
0x1bc: {  	[tilespmem:s17+$0x20] =	vst v4  }
0x1bd: {  	v4 =	vld [tilespmem:s1+$0xA0]  }
0x1be: {  	v5 =	vld [tilespmem:s1+$0xB0];
	_ =	sdelay $0x1  }
0x1bf: {  	v6 =	vld [tilespmem:s1+$0xC0];
	_ =	sdelay $0x1  }
0x1c0: {  	v7 =	vld [tilespmem:s1+$0xD0]  }
0x1c1: {  	v4 =	vmul.f32 v4, v1;
	v5 =	vmul.f32 v5, v0;
	_ =	sdelay $0x1  }
0x1c2: {  	v4 =	vadd.f32 v5, v4;
	v5 =	vmul.f32 v6, v2;
	_ =	sdelay $0x1  }
0x1c3: {  	v6 =	vmul.f32 v7, v3;
	v4 =	vadd.f32 v5, v4;
	_ =	sdelay $0x1  }
0x1c4: {  	v4 =	vadd.f32 v6, v4;
	_ =	sdelay $0x1  }
0x1c5: {  	[tilespmem:s17+$0x30] =	vst v4  }
0x1c6: {  	v4 =	vld [tilespmem:s1+$0xF0]  }
0x1c7: {  	s5 =	simm.s32 $0x100;
	s6 =	simm.s32 $0x3D60;
	s13 =	simm.s32 $0x19C50;
	v5 =	vld [tilespmem:s1+$0xE0]  }
.LBB2_4:
0x1c8: {  	p0 =	sne.s32 s5, $0x7F00;
	v6 =	vld [tilespmem:s1+$0x100];
	s17 =	sadd.s32 $0xB0, s17;
	s6 =	sadd.s32 $0x2C0, s6  }
0x1c9: {  	s7 =	smov.u32 s5;
	s5 =	sadd.s32 $0x100, s5;
	v7 =	vld [tilespmem:s1+$0x110];
	_ =	sdelay $0x2  }
0x1ca: {  	v4 =	vmul.f32 v4, v0;
	v5 =	vmul.f32 v5, v1;
	_ =	sdelay $0x1  }
0x1cb: {  	v4 =	vadd.f32 v4, v5;
	v5 =	vmul.f32 v6, v2;
	v6 =	vmul.f32 v7, v3;
	_ =	sdelay $0x1  }
0x1cc: {  	v4 =	vadd.f32 v5, v4;
	_ =	sdelay $0x1  }
0x1cd: {  	v4 =	vadd.f32 v6, v4;
	_ =	sdelay $0x1  }
0x1ce: {  	[tilespmem:s13+$0x40] =	vst v4  }
0x1cf: {  	v4 =	vld [tilespmem:s1+$0x120]  }
0x1d0: {  	s7 =	sshra.s32 s7, $0x2;
	v5 =	vld [tilespmem:s1+$0x130]  }
0x1d1: {  	v6 =	vld [tilespmem:s1+$0x140]  }
0x1d2: {  	v7 =	vld [tilespmem:s1+$0x150];
	s1 =	smov.u32 s6;
	_ =	sdelay $0x2  }
0x1d3: {  	v1 =	vmul.f32 v4, v1;
	v0 =	vmul.f32 v5, v0;
	_ =	sdelay $0x1  }
0x1d4: {  	v0 =	vadd.f32 v0, v1;
	v1 =	vmul.f32 v6, v2;
	v2 =	vmul.f32 v7, v3;
	_ =	sdelay $0x1  }
0x1d5: {  	v0 =	vadd.f32 v1, v0;
	_ =	sdelay $0x1  }
0x1d6: {  	v0 =	vadd.f32 v2, v0;
	_ =	sdelay $0x1  }
0x1d7: {  	[tilespmem:s13+$0x50] =	vst v0;
	s13 =	smov.u32 s17  }
0x1d8: {  	v0 =	vld [tilespmem:s7+$0x1C10]  }
0x1d9: {  	v1 =	vld [tilespmem:s7+$0x1C00]  }
0x1da: {  	v4 =	vld [tilespmem:s6+$0xFFFFFEA0]  }
0x1db: {  	v5 =	vld [tilespmem:s6+$0xFFFFFEC0]  }
0x1dc: {  	v6 =	vld [tilespmem:s6+$0xFFFFFEB0]  }
0x1dd: {  	v2 =	vld [tilespmem:s7+$0x1C20];
	_ =	sdelay $0x1  }
0x1de: {  	v7 =	vld [tilespmem:s6+$0xFFFFFED0]  }
0x1df: {  	v3 =	vld [tilespmem:s7+$0x1C30]  }
0x1e0: {  	v4 =	vmul.f32 v4, v1;
	v6 =	vmul.f32 v6, v0  }
0x1e1: {  	v5 =	vmul.f32 v5, v2  }
0x1e2: {  	v4 =	vadd.f32 v6, v4;
	_ =	sdelay $0x1  }
0x1e3: {  	v4 =	vadd.f32 v5, v4;
	v5 =	vmul.f32 v7, v3;
	_ =	sdelay $0x1  }
0x1e4: {  	v4 =	vadd.f32 v5, v4;
	_ =	sdelay $0x1  }
0x1e5: {  	[tilespmem:s17+$0xFFFFFFB0] =	vst v4  }
0x1e6: {  	v4 =	vld [tilespmem:s6+$0xFFFFFEE0]  }
0x1e7: {  	v5 =	vld [tilespmem:s6+$0xFFFFFEF0];
	_ =	sdelay $0x1  }
0x1e8: {  	v6 =	vld [tilespmem:s6+$0xFFFFFF00];
	_ =	sdelay $0x1  }
0x1e9: {  	v4 =	vmul.f32 v4, v1;
	v7 =	vld [tilespmem:s6+$0xFFFFFF10]  }
0x1ea: {  	v5 =	vmul.f32 v5, v0;
	_ =	sdelay $0x1  }
0x1eb: {  	v4 =	vadd.f32 v5, v4;
	v5 =	vmul.f32 v6, v2;
	_ =	sdelay $0x1  }
0x1ec: {  	v4 =	vadd.f32 v5, v4;
	v5 =	vmul.f32 v7, v3;
	_ =	sdelay $0x1  }
0x1ed: {  	v4 =	vadd.f32 v5, v4;
	_ =	sdelay $0x1  }
0x1ee: {  	[tilespmem:s17+$0xFFFFFFC0] =	vst v4  }
0x1ef: {  	v4 =	vld [tilespmem:s6+$0xFFFFFF20]  }
0x1f0: {  	v5 =	vld [tilespmem:s6+$0xFFFFFF30];
	_ =	sdelay $0x1  }
0x1f1: {  	v6 =	vld [tilespmem:s6+$0xFFFFFF40];
	_ =	sdelay $0x1  }
0x1f2: {  	v4 =	vmul.f32 v4, v1;
	v7 =	vld [tilespmem:s6+$0xFFFFFF50]  }
0x1f3: {  	v5 =	vmul.f32 v5, v0;
	_ =	sdelay $0x1  }
0x1f4: {  	v4 =	vadd.f32 v5, v4;
	v5 =	vmul.f32 v6, v2;
	_ =	sdelay $0x1  }
0x1f5: {  	v4 =	vadd.f32 v5, v4;
	v5 =	vmul.f32 v7, v3;
	_ =	sdelay $0x1  }
0x1f6: {  	v4 =	vadd.f32 v5, v4;
	_ =	sdelay $0x1  }
0x1f7: {  	[tilespmem:s17+$0xFFFFFFD0] =	vst v4  }
0x1f8: {  	v4 =	vld [tilespmem:s6+$0xFFFFFF60]  }
0x1f9: {  	v5 =	vld [tilespmem:s6+$0xFFFFFF70];
	_ =	sdelay $0x1  }
0x1fa: {  	v6 =	vld [tilespmem:s6+$0xFFFFFF80];
	_ =	sdelay $0x1  }
0x1fb: {  	v4 =	vmul.f32 v4, v1;
	v7 =	vld [tilespmem:s6+$0xFFFFFF90]  }
0x1fc: {  	v5 =	vmul.f32 v5, v0;
	_ =	sdelay $0x1  }
0x1fd: {  	v4 =	vadd.f32 v5, v4;
	v5 =	vmul.f32 v6, v2;
	_ =	sdelay $0x1  }
0x1fe: {  	v4 =	vadd.f32 v5, v4;
	v5 =	vmul.f32 v7, v3;
	_ =	sdelay $0x1  }
0x1ff: {  	v4 =	vadd.f32 v5, v4;
	_ =	sdelay $0x1  }
0x200: {  	[tilespmem:s17+$0xFFFFFFE0] =	vst v4  }
0x201: {  	v4 =	vld [tilespmem:s6+$0xFFFFFFB0]  }
0x202: {  	v5 =	vld [tilespmem:s6+$0xFFFFFFA0]  }
0x203: {  	v6 =	vld [tilespmem:s6+$0xFFFFFFD0]  }
0x204: {  	v7 =	vld [tilespmem:s6+$0xFFFFFFC0];
	_ =	sdelay $0x1  }
0x205: {  	v4 =	vmul.f32 v4, v0  }
0x206: {  	v5 =	vmul.f32 v5, v1;
	_ =	sdelay $0x1  }
0x207: {  	v4 =	vadd.f32 v4, v5;
	v5 =	vmul.f32 v7, v2;
	_ =	sdelay $0x1  }
0x208: {  	v4 =	vadd.f32 v5, v4;
	v5 =	vmul.f32 v6, v3;
	_ =	sdelay $0x1  }
0x209: {  	v4 =	vadd.f32 v5, v4;
	_ =	sdelay $0x1  }
0x20a: {  	[tilespmem:s17+$0xFFFFFFF0] =	vst v4  }
0x20b: {  	v4 =	vld [tilespmem:s6+$0xFFFFFFE0]  }
0x20c: {  	v5 =	vld [tilespmem:s6+$0xFFFFFFF0]  }
0x20d: {  	v6 =	vld [tilespmem:s6+$0x0]  }
0x20e: {  	v7 =	vld [tilespmem:s6+$0x10];
	_ =	sdelay $0x1  }
0x20f: {  	v4 =	vmul.f32 v4, v1  }
0x210: {  	v5 =	vmul.f32 v5, v0  }
0x211: {  	v6 =	vmul.f32 v6, v2  }
0x212: {  	v4 =	vadd.f32 v5, v4;
	_ =	sdelay $0x1  }
0x213: {  	v5 =	vmul.f32 v7, v3;
	v4 =	vadd.f32 v6, v4;
	_ =	sdelay $0x1  }
0x214: {  	v4 =	vadd.f32 v5, v4;
	_ =	sdelay $0x1  }
0x215: {  	[tilespmem:s17+$0x0] =	vst v4  }
0x216: {  	v4 =	vld [tilespmem:s6+$0x20]  }
0x217: {  	v5 =	vld [tilespmem:s6+$0x30]  }
0x218: {  	v6 =	vld [tilespmem:s6+$0x40]  }
0x219: {  	v7 =	vld [tilespmem:s6+$0x50];
	_ =	sdelay $0x1  }
0x21a: {  	v4 =	vmul.f32 v4, v1  }
0x21b: {  	v5 =	vmul.f32 v5, v0  }
0x21c: {  	v6 =	vmul.f32 v6, v2  }
0x21d: {  	v4 =	vadd.f32 v5, v4;
	_ =	sdelay $0x1  }
0x21e: {  	v5 =	vmul.f32 v7, v3;
	v4 =	vadd.f32 v6, v4;
	_ =	sdelay $0x1  }
0x21f: {  	v4 =	vadd.f32 v5, v4;
	_ =	sdelay $0x1  }
0x220: {  	[tilespmem:s17+$0x10] =	vst v4  }
0x221: {  	v4 =	vld [tilespmem:s6+$0x60]  }
0x222: {  	v5 =	vld [tilespmem:s6+$0x70]  }
0x223: {  	v6 =	vld [tilespmem:s6+$0x90]  }
0x224: {  	v7 =	vld [tilespmem:s6+$0x80];
	_ =	sdelay $0x1  }
0x225: {  	v4 =	vmul.f32 v4, v1  }
0x226: {  	v5 =	vmul.f32 v5, v0  }
0x227: {  	v6 =	vmul.f32 v6, v3  }
0x228: {  	v4 =	vadd.f32 v5, v4;
	v5 =	vmul.f32 v7, v2;
	_ =	sdelay $0x1  }
0x229: {  	v4 =	vadd.f32 v5, v4;
	_ =	sdelay $0x1  }
0x22a: {  	v4 =	vadd.f32 v6, v4;
	_ =	sdelay $0x1  }
0x22b: {  	[tilespmem:s17+$0x20] =	vst v4  }
0x22c: {  	v4 =	vld [tilespmem:s6+$0xA0]  }
0x22d: {  	v5 =	vld [tilespmem:s6+$0xB0]  }
0x22e: {  	v6 =	vld [tilespmem:s6+$0xC0]  }
0x22f: {  	v7 =	vld [tilespmem:s6+$0xD0];
	_ =	sdelay $0x1  }
0x230: {  	v4 =	vmul.f32 v4, v1  }
0x231: {  	v5 =	vmul.f32 v5, v0;
	_ =	sdelay $0x1  }
0x232: {  	v4 =	vadd.f32 v5, v4;
	v5 =	vmul.f32 v6, v2;
	v6 =	vmul.f32 v7, v3;
	_ =	sdelay $0x1  }
0x233: {  	v4 =	vadd.f32 v5, v4;
	_ =	sdelay $0x1  }
.Ltmp1:
0x234: {  	v4 =	vadd.f32 v6, v4;
	(pc) =	sbr.rel @p0 .LBB2_4-.Ltmp1, $4  }
0x235: {  	_ = 	snop  }
0x236: {  	[tilespmem:s17+$0x30] =	vst v4  }
0x237: {  	v4 =	vld [tilespmem:s6+$0xF0]  }
0x238: {  	v5 =	vld [tilespmem:s6+$0xE0]  }
0x239: {  	_ = 	snop  }
0x23a: {  	v6 =	vld [tilespmem:s1+$0x100];
	_ =	sdelay $0x1  }
0x23b: {  	v7 =	vld [tilespmem:s1+$0x110]  }
0x23c: {  	v4 =	vmul.f32 v4, v0;
	v5 =	vmul.f32 v5, v1;
	_ =	sdelay $0x1  }
0x23d: {  	v4 =	vadd.f32 v4, v5;
	v5 =	vmul.f32 v6, v2;
	_ =	sdelay $0x1  }
0x23e: {  	v6 =	vmul.f32 v7, v3;
	v4 =	vadd.f32 v5, v4;
	_ =	sdelay $0x1  }
0x23f: {  	v4 =	vadd.f32 v6, v4;
	_ =	sdelay $0x1  }
0x240: {  	[tilespmem:s13+$0x40] =	vst v4  }
0x241: {  	v4 =	vld [tilespmem:s1+$0x120]  }
0x242: {  	v5 =	vld [tilespmem:s1+$0x130];
	_ =	sdelay $0x1  }
0x243: {  	v6 =	vld [tilespmem:s1+$0x140];
	_ =	sdelay $0x1  }
0x244: {  	v7 =	vld [tilespmem:s1+$0x150]  }
0x245: {  	v1 =	vmul.f32 v4, v1;
	v0 =	vmul.f32 v5, v0;
	_ =	sdelay $0x1  }
0x246: {  	v0 =	vadd.f32 v0, v1;
	v1 =	vmul.f32 v6, v2;
	_ =	sdelay $0x1  }
0x247: {  	v2 =	vmul.f32 v7, v3;
	v0 =	vadd.f32 v1, v0;
	_ =	sdelay $0x1  }
0x248: {  	v0 =	vadd.f32 v2, v0;
	_ =	sdelay $0x1  }
0x249: {  	s7 =	simm.s32 $0x0;
	[tilespmem:s13+$0x50] =	vst v0  }
0x24a: {  	[hbm4b:s8+s7] =	stream.linear.scatter [tilespmem:s30], [sflag:$0x3], $0x5800, $0x38;
	[tilespmem:$0x1F400] =	vst v63  }
0x24b: {  	_ =	swait.ge [sflag:s12], $0x5800  }
0x24c: {  	[sflag:s12] =	ssyncset.done $0x0  }
0x24d: {  	s13 =	simm.s32 $0x100;
	[sflag:s12] =	ssyncadd.s32 $0xFFFFA800  }
0x24e: {  	[tilespmem:s15], [sflag:$0x1] =	stream.indirect.gather [hbm4b:s3+s14], $0x40, s13, s14, $0xb8;
	[tilespmem:$0x1F400] =	vst v63  }
0x24f: {  	s17 =	simm.s32 $0xF00  }
0x250: {  	[tilespmem:s16], [sflag:$0x2] =	stream.indirect.gather [hbm4b:s4+s14], $0x40, s17, s14, $0xb8;
	[tilespmem:$0x1F400] =	vst v63  }
0x251: {  	s5 =	simm.s32 $0xF80  }
0x252: {  	[tilespmem:s18], [sflag:$0x2] =	stream.indirect.gather [hbm4b:s4+s14], $0x40, s5, s14, $0xb8;
	[tilespmem:$0x1F400] =	vst v63  }
0x253: {  	s6 =	simm.s32 $0x1000  }
0x254: {  	[tilespmem:s20], [sflag:$0x2] =	stream.indirect.gather [hbm4b:s4+s14], $0x40, s6, s14, $0xb8;
	[tilespmem:$0x1F400] =	vst v63  }
0x255: {  	s7 =	simm.s32 $0x1080  }
0x256: {  	[tilespmem:s22], [sflag:$0x2] =	stream.indirect.gather [hbm4b:s4+s14], $0x40, s7, s14, $0xb8;
	[tilespmem:$0x1F400] =	vst v63  }
0x257: {  	s13 =	simm.s32 $0x1100  }
0x258: {  	[tilespmem:s24], [sflag:$0x2] =	stream.indirect.gather [hbm4b:s4+s14], $0x40, s13, s14, $0xb8;
	[tilespmem:$0x1F400] =	vst v63  }
0x259: {  	s17 =	simm.s32 $0x1180  }
0x25a: {  	[tilespmem:s26], [sflag:$0x2] =	stream.indirect.gather [hbm4b:s4+s14], $0x40, s17, s14, $0xb8;
	[tilespmem:$0x1F400] =	vst v63  }
0x25b: {  	s5 =	simm.s32 $0x1200  }
0x25c: {  	[tilespmem:s29], [sflag:$0x2] =	stream.indirect.gather [hbm4b:s4+s14], $0x40, s5, s14, $0xb8;
	[tilespmem:$0x1F400] =	vst v63  }
0x25d: {  	s6 =	simm.s32 $0x1280  }
0x25e: {  	[tilespmem:s31], [sflag:$0x2] =	stream.indirect.gather [hbm4b:s4+s14], $0x40, s6, s14, $0xb8;
	[tilespmem:$0x1F400] =	vst v63  }
0x25f: {  	s7 =	simm.s32 $0x1300  }
0x260: {  	[tilespmem:s0], [sflag:$0x2] =	stream.indirect.gather [hbm4b:s4+s14], $0x40, s7, s14, $0xb8;
	[tilespmem:$0x1F400] =	vst v63  }
0x261: {  	s13 =	simm.s32 $0x1380  }
0x262: {  	[tilespmem:s19], [sflag:$0x2] =	stream.indirect.gather [hbm4b:s4+s14], $0x40, s13, s14, $0xb8;
	[tilespmem:$0x1F400] =	vst v63  }
0x263: {  	s17 =	simm.s32 $0x1400  }
0x264: {  	[tilespmem:s23], [sflag:$0x2] =	stream.indirect.gather [hbm4b:s4+s14], $0x40, s17, s14, $0xb8;
	[tilespmem:$0x1F400] =	vst v63  }
0x265: {  	_ =	swait.ge [sflag:s25], $0x2000  }
0x266: {  	[sflag:s25] =	ssyncset.done $0x0  }
0x267: {  	[sflag:s25] =	ssyncadd.s32 $0xFFFFE000  }
0x268: {  	_ =	swait.ge [sflag:s28], $0x2000  }
0x269: {  	[sflag:s28] =	ssyncset.done $0x0  }
0x26a: {  	[sflag:s28] =	ssyncadd.s32 $0xFFFFE000  }
0x26b: {  	_ =	swait.ge [sflag:s28], $0x2000  }
0x26c: {  	[sflag:s28] =	ssyncset.done $0x0  }
0x26d: {  	[sflag:s28] =	ssyncadd.s32 $0xFFFFE000  }
0x26e: {  	_ =	swait.ge [sflag:s28], $0x2000  }
0x26f: {  	[sflag:s28] =	ssyncset.done $0x0  }
0x270: {  	[sflag:s28] =	ssyncadd.s32 $0xFFFFE000  }
0x271: {  	_ =	swait.ge [sflag:s28], $0x2000  }
0x272: {  	[sflag:s28] =	ssyncset.done $0x0  }
0x273: {  	[sflag:s28] =	ssyncadd.s32 $0xFFFFE000  }
0x274: {  	_ =	swait.ge [sflag:s28], $0x2000  }
0x275: {  	[sflag:s28] =	ssyncset.done $0x0  }
0x276: {  	[sflag:s28] =	ssyncadd.s32 $0xFFFFE000  }
0x277: {  	_ =	swait.ge [sflag:s28], $0x2000  }
0x278: {  	[sflag:s28] =	ssyncset.done $0x0  }
0x279: {  	[sflag:s28] =	ssyncadd.s32 $0xFFFFE000  }
0x27a: {  	_ =	swait.ge [sflag:s28], $0x2000  }
0x27b: {  	[sflag:s28] =	ssyncset.done $0x0  }
0x27c: {  	[sflag:s28] =	ssyncadd.s32 $0xFFFFE000  }
0x27d: {  	_ =	swait.ge [sflag:s28], $0x2000  }
0x27e: {  	[sflag:s28] =	ssyncset.done $0x0  }
0x27f: {  	[sflag:s28] =	ssyncadd.s32 $0xFFFFE000  }
0x280: {  	_ =	swait.ge [sflag:s28], $0x2000  }
0x281: {  	[sflag:s28] =	ssyncset.done $0x0  }
0x282: {  	[sflag:s28] =	ssyncadd.s32 $0xFFFFE000  }
0x283: {  	_ =	swait.ge [sflag:s28], $0x2000  }
0x284: {  	[sflag:s28] =	ssyncset.done $0x0  }
0x285: {  	[sflag:s28] =	ssyncadd.s32 $0xFFFFE000  }
0x286: {  	_ =	swait.ge [sflag:s28], $0x2000  }
0x287: {  	[sflag:s28] =	ssyncset.done $0x0  }
0x288: {  	s5 =	simm.s32 $0x0;
	[sflag:s28] =	ssyncadd.s32 $0xFFFFE000  }
0x289: {  	v0 =	vld [tilespmem:s5+$0x1C10]  }
0x28a: {  	s1 =	simm.s32 $0x3D60;
	v1 =	vld [tilespmem:s5+$0x1C00]  }
0x28b: {  	v4 =	vld [tilespmem:s1+$0xFFFFFEA0]  }
0x28c: {  	v5 =	vld [tilespmem:s1+$0xFFFFFEB0]  }
0x28d: {  	v6 =	vld [tilespmem:s1+$0xFFFFFEC0]  }
0x28e: {  	v2 =	vld [tilespmem:s5+$0x1C20]  }
0x28f: {  	v7 =	vld [tilespmem:s1+$0xFFFFFED0]  }
0x290: {  	v3 =	vld [tilespmem:s5+$0x1C30]  }
0x291: {  	v4 =	vmul.f32 v4, v1;
	v5 =	vmul.f32 v5, v0;
	_ =	sdelay $0x1  }
0x292: {  	v6 =	vmul.f32 v6, v2;
	v4 =	vadd.f32 v5, v4;
	_ =	sdelay $0x1  }
0x293: {  	v5 =	vmul.f32 v7, v3;
	v4 =	vadd.f32 v6, v4;
	_ =	sdelay $0x1  }
0x294: {  	v4 =	vadd.f32 v5, v4  }
0x295: {  	s17 =	simm.s32 $0x19C50  }
0x296: {  	[tilespmem:s17+$0xFFFFFFB0] =	vst v4  }
0x297: {  	v4 =	vld [tilespmem:s1+$0xFFFFFEE0]  }
0x298: {  	v5 =	vld [tilespmem:s1+$0xFFFFFEF0];
	_ =	sdelay $0x1  }
0x299: {  	v6 =	vld [tilespmem:s1+$0xFFFFFF00];
	_ =	sdelay $0x1  }
0x29a: {  	v7 =	vld [tilespmem:s1+$0xFFFFFF10]  }
0x29b: {  	v4 =	vmul.f32 v4, v1;
	v5 =	vmul.f32 v5, v0;
	_ =	sdelay $0x1  }
0x29c: {  	v4 =	vadd.f32 v5, v4;
	v5 =	vmul.f32 v6, v2;
	_ =	sdelay $0x1  }
0x29d: {  	v4 =	vadd.f32 v5, v4;
	v5 =	vmul.f32 v7, v3;
	_ =	sdelay $0x1  }
0x29e: {  	v4 =	vadd.f32 v5, v4;
	_ =	sdelay $0x1  }
0x29f: {  	[tilespmem:s17+$0xFFFFFFC0] =	vst v4  }
0x2a0: {  	v4 =	vld [tilespmem:s1+$0xFFFFFF20]  }
0x2a1: {  	v5 =	vld [tilespmem:s1+$0xFFFFFF30];
	_ =	sdelay $0x1  }
0x2a2: {  	v6 =	vld [tilespmem:s1+$0xFFFFFF40];
	_ =	sdelay $0x1  }
0x2a3: {  	v7 =	vld [tilespmem:s1+$0xFFFFFF50]  }
0x2a4: {  	v4 =	vmul.f32 v4, v1;
	v5 =	vmul.f32 v5, v0;
	_ =	sdelay $0x1  }
0x2a5: {  	v4 =	vadd.f32 v5, v4;
	v5 =	vmul.f32 v6, v2;
	_ =	sdelay $0x1  }
0x2a6: {  	v4 =	vadd.f32 v5, v4;
	v5 =	vmul.f32 v7, v3;
	_ =	sdelay $0x1  }
0x2a7: {  	v4 =	vadd.f32 v5, v4;
	_ =	sdelay $0x1  }
0x2a8: {  	[tilespmem:s17+$0xFFFFFFD0] =	vst v4  }
0x2a9: {  	v4 =	vld [tilespmem:s1+$0xFFFFFF60]  }
0x2aa: {  	v5 =	vld [tilespmem:s1+$0xFFFFFF70];
	_ =	sdelay $0x1  }
0x2ab: {  	v6 =	vld [tilespmem:s1+$0xFFFFFF80];
	_ =	sdelay $0x1  }
0x2ac: {  	v7 =	vld [tilespmem:s1+$0xFFFFFF90]  }
0x2ad: {  	v4 =	vmul.f32 v4, v1;
	v5 =	vmul.f32 v5, v0;
	_ =	sdelay $0x1  }
0x2ae: {  	v4 =	vadd.f32 v5, v4;
	v5 =	vmul.f32 v6, v2;
	_ =	sdelay $0x1  }
0x2af: {  	v4 =	vadd.f32 v5, v4;
	v5 =	vmul.f32 v7, v3;
	_ =	sdelay $0x1  }
0x2b0: {  	v4 =	vadd.f32 v5, v4;
	_ =	sdelay $0x1  }
0x2b1: {  	[tilespmem:s17+$0xFFFFFFE0] =	vst v4  }
0x2b2: {  	v4 =	vld [tilespmem:s1+$0xFFFFFFB0]  }
0x2b3: {  	v5 =	vld [tilespmem:s1+$0xFFFFFFA0];
	_ =	sdelay $0x1  }
0x2b4: {  	v6 =	vld [tilespmem:s1+$0xFFFFFFC0];
	_ =	sdelay $0x1  }
0x2b5: {  	v7 =	vld [tilespmem:s1+$0xFFFFFFD0]  }
0x2b6: {  	v4 =	vmul.f32 v4, v0;
	v5 =	vmul.f32 v5, v1;
	_ =	sdelay $0x1  }
0x2b7: {  	v4 =	vadd.f32 v4, v5;
	v5 =	vmul.f32 v6, v2;
	_ =	sdelay $0x1  }
0x2b8: {  	v4 =	vadd.f32 v5, v4;
	v5 =	vmul.f32 v7, v3;
	_ =	sdelay $0x1  }
0x2b9: {  	v4 =	vadd.f32 v5, v4;
	_ =	sdelay $0x1  }
0x2ba: {  	[tilespmem:s17+$0xFFFFFFF0] =	vst v4  }
0x2bb: {  	v4 =	vld [tilespmem:s1+$0xFFFFFFE0]  }
0x2bc: {  	v5 =	vld [tilespmem:s1+$0xFFFFFFF0];
	_ =	sdelay $0x1  }
0x2bd: {  	v6 =	vld [tilespmem:s1+$0x0];
	_ =	sdelay $0x1  }
0x2be: {  	v7 =	vld [tilespmem:s1+$0x10]  }
0x2bf: {  	v4 =	vmul.f32 v4, v1;
	v5 =	vmul.f32 v5, v0;
	_ =	sdelay $0x1  }
0x2c0: {  	v6 =	vmul.f32 v6, v2;
	v4 =	vadd.f32 v5, v4;
	_ =	sdelay $0x1  }
0x2c1: {  	v5 =	vmul.f32 v7, v3;
	v4 =	vadd.f32 v6, v4;
	_ =	sdelay $0x1  }
0x2c2: {  	v4 =	vadd.f32 v5, v4;
	_ =	sdelay $0x1  }
0x2c3: {  	[tilespmem:s17+$0x0] =	vst v4  }
0x2c4: {  	v4 =	vld [tilespmem:s1+$0x20]  }
0x2c5: {  	v5 =	vld [tilespmem:s1+$0x30];
	_ =	sdelay $0x1  }
0x2c6: {  	v6 =	vld [tilespmem:s1+$0x40];
	_ =	sdelay $0x1  }
0x2c7: {  	v7 =	vld [tilespmem:s1+$0x50]  }
0x2c8: {  	v4 =	vmul.f32 v4, v1;
	v5 =	vmul.f32 v5, v0;
	_ =	sdelay $0x1  }
0x2c9: {  	v6 =	vmul.f32 v6, v2;
	v4 =	vadd.f32 v5, v4;
	_ =	sdelay $0x1  }
0x2ca: {  	v5 =	vmul.f32 v7, v3;
	v4 =	vadd.f32 v6, v4;
	_ =	sdelay $0x1  }
0x2cb: {  	v4 =	vadd.f32 v5, v4;
	_ =	sdelay $0x1  }
0x2cc: {  	[tilespmem:s17+$0x10] =	vst v4  }
0x2cd: {  	v4 =	vld [tilespmem:s1+$0x60]  }
0x2ce: {  	v5 =	vld [tilespmem:s1+$0x70];
	_ =	sdelay $0x1  }
0x2cf: {  	v6 =	vld [tilespmem:s1+$0x80];
	_ =	sdelay $0x1  }
0x2d0: {  	v7 =	vld [tilespmem:s1+$0x90]  }
0x2d1: {  	v4 =	vmul.f32 v4, v1;
	v5 =	vmul.f32 v5, v0;
	_ =	sdelay $0x1  }
0x2d2: {  	v4 =	vadd.f32 v5, v4;
	v5 =	vmul.f32 v6, v2;
	_ =	sdelay $0x1  }
0x2d3: {  	v6 =	vmul.f32 v7, v3;
	v4 =	vadd.f32 v5, v4;
	_ =	sdelay $0x1  }
0x2d4: {  	v4 =	vadd.f32 v6, v4;
	_ =	sdelay $0x1  }
0x2d5: {  	[tilespmem:s17+$0x20] =	vst v4  }
0x2d6: {  	v4 =	vld [tilespmem:s1+$0xA0]  }
0x2d7: {  	v5 =	vld [tilespmem:s1+$0xB0];
	_ =	sdelay $0x1  }
0x2d8: {  	v6 =	vld [tilespmem:s1+$0xC0];
	_ =	sdelay $0x1  }
0x2d9: {  	v7 =	vld [tilespmem:s1+$0xD0]  }
0x2da: {  	v4 =	vmul.f32 v4, v1;
	v5 =	vmul.f32 v5, v0;
	_ =	sdelay $0x1  }
0x2db: {  	v4 =	vadd.f32 v5, v4;
	v5 =	vmul.f32 v6, v2;
	_ =	sdelay $0x1  }
0x2dc: {  	v6 =	vmul.f32 v7, v3;
	v4 =	vadd.f32 v5, v4;
	_ =	sdelay $0x1  }
0x2dd: {  	v4 =	vadd.f32 v6, v4;
	_ =	sdelay $0x1  }
0x2de: {  	[tilespmem:s17+$0x30] =	vst v4  }
0x2df: {  	v4 =	vld [tilespmem:s1+$0xF0]  }
0x2e0: {  	s6 =	simm.s32 $0x3D60;
	s13 =	simm.s32 $0x19C50;
	s5 =	simm.s32 $0x100;
	v5 =	vld [tilespmem:s1+$0xE0]  }
.LBB2_6:
0x2e1: {  	p0 =	sne.s32 s5, $0x7F00;
	v6 =	vld [tilespmem:s1+$0x100];
	s17 =	sadd.s32 $0xB0, s17;
	s6 =	sadd.s32 $0x2C0, s6  }
0x2e2: {  	s7 =	smov.u32 s5;
	s5 =	sadd.s32 $0x100, s5;
	v7 =	vld [tilespmem:s1+$0x110];
	_ =	sdelay $0x2  }
0x2e3: {  	v4 =	vmul.f32 v4, v0;
	v5 =	vmul.f32 v5, v1;
	_ =	sdelay $0x1  }
0x2e4: {  	v4 =	vadd.f32 v4, v5;
	v5 =	vmul.f32 v6, v2;
	v6 =	vmul.f32 v7, v3;
	_ =	sdelay $0x1  }
0x2e5: {  	v4 =	vadd.f32 v5, v4;
	_ =	sdelay $0x1  }
0x2e6: {  	v4 =	vadd.f32 v6, v4;
	_ =	sdelay $0x1  }
0x2e7: {  	[tilespmem:s13+$0x40] =	vst v4  }
0x2e8: {  	v4 =	vld [tilespmem:s1+$0x120]  }
0x2e9: {  	s7 =	sshra.s32 s7, $0x2;
	v5 =	vld [tilespmem:s1+$0x130]  }
0x2ea: {  	v6 =	vld [tilespmem:s1+$0x140]  }
0x2eb: {  	v7 =	vld [tilespmem:s1+$0x150];
	s1 =	smov.u32 s6;
	_ =	sdelay $0x2  }
0x2ec: {  	v1 =	vmul.f32 v4, v1;
	v0 =	vmul.f32 v5, v0;
	_ =	sdelay $0x1  }
0x2ed: {  	v0 =	vadd.f32 v0, v1;
	v1 =	vmul.f32 v6, v2;
	v2 =	vmul.f32 v7, v3;
	_ =	sdelay $0x1  }
0x2ee: {  	v0 =	vadd.f32 v1, v0;
	_ =	sdelay $0x1  }
0x2ef: {  	v0 =	vadd.f32 v2, v0;
	_ =	sdelay $0x1  }
0x2f0: {  	[tilespmem:s13+$0x50] =	vst v0;
	s13 =	smov.u32 s17  }
0x2f1: {  	v0 =	vld [tilespmem:s7+$0x1C10]  }
0x2f2: {  	v1 =	vld [tilespmem:s7+$0x1C00]  }
0x2f3: {  	v4 =	vld [tilespmem:s6+$0xFFFFFEA0]  }
0x2f4: {  	v5 =	vld [tilespmem:s6+$0xFFFFFEC0]  }
0x2f5: {  	v6 =	vld [tilespmem:s6+$0xFFFFFEB0]  }
0x2f6: {  	v2 =	vld [tilespmem:s7+$0x1C20];
	_ =	sdelay $0x1  }
0x2f7: {  	v7 =	vld [tilespmem:s6+$0xFFFFFED0]  }
0x2f8: {  	v3 =	vld [tilespmem:s7+$0x1C30]  }
0x2f9: {  	v4 =	vmul.f32 v4, v1;
	v6 =	vmul.f32 v6, v0  }
0x2fa: {  	v5 =	vmul.f32 v5, v2  }
0x2fb: {  	v4 =	vadd.f32 v6, v4;
	_ =	sdelay $0x1  }
0x2fc: {  	v4 =	vadd.f32 v5, v4;
	v5 =	vmul.f32 v7, v3;
	_ =	sdelay $0x1  }
0x2fd: {  	v4 =	vadd.f32 v5, v4;
	_ =	sdelay $0x1  }
0x2fe: {  	[tilespmem:s17+$0xFFFFFFB0] =	vst v4  }
0x2ff: {  	v4 =	vld [tilespmem:s6+$0xFFFFFEE0]  }
0x300: {  	v5 =	vld [tilespmem:s6+$0xFFFFFEF0];
	_ =	sdelay $0x1  }
0x301: {  	v6 =	vld [tilespmem:s6+$0xFFFFFF00];
	_ =	sdelay $0x1  }
0x302: {  	v4 =	vmul.f32 v4, v1;
	v7 =	vld [tilespmem:s6+$0xFFFFFF10]  }
0x303: {  	v5 =	vmul.f32 v5, v0;
	_ =	sdelay $0x1  }
0x304: {  	v4 =	vadd.f32 v5, v4;
	v5 =	vmul.f32 v6, v2;
	_ =	sdelay $0x1  }
0x305: {  	v4 =	vadd.f32 v5, v4;
	v5 =	vmul.f32 v7, v3;
	_ =	sdelay $0x1  }
0x306: {  	v4 =	vadd.f32 v5, v4;
	_ =	sdelay $0x1  }
0x307: {  	[tilespmem:s17+$0xFFFFFFC0] =	vst v4  }
0x308: {  	v4 =	vld [tilespmem:s6+$0xFFFFFF20]  }
0x309: {  	v5 =	vld [tilespmem:s6+$0xFFFFFF30];
	_ =	sdelay $0x1  }
0x30a: {  	v6 =	vld [tilespmem:s6+$0xFFFFFF40];
	_ =	sdelay $0x1  }
0x30b: {  	v4 =	vmul.f32 v4, v1;
	v7 =	vld [tilespmem:s6+$0xFFFFFF50]  }
0x30c: {  	v5 =	vmul.f32 v5, v0;
	_ =	sdelay $0x1  }
0x30d: {  	v4 =	vadd.f32 v5, v4;
	v5 =	vmul.f32 v6, v2;
	_ =	sdelay $0x1  }
0x30e: {  	v4 =	vadd.f32 v5, v4;
	v5 =	vmul.f32 v7, v3;
	_ =	sdelay $0x1  }
0x30f: {  	v4 =	vadd.f32 v5, v4;
	_ =	sdelay $0x1  }
0x310: {  	[tilespmem:s17+$0xFFFFFFD0] =	vst v4  }
0x311: {  	v4 =	vld [tilespmem:s6+$0xFFFFFF60]  }
0x312: {  	v5 =	vld [tilespmem:s6+$0xFFFFFF70];
	_ =	sdelay $0x1  }
0x313: {  	v6 =	vld [tilespmem:s6+$0xFFFFFF80];
	_ =	sdelay $0x1  }
0x314: {  	v4 =	vmul.f32 v4, v1;
	v7 =	vld [tilespmem:s6+$0xFFFFFF90]  }
0x315: {  	v5 =	vmul.f32 v5, v0;
	_ =	sdelay $0x1  }
0x316: {  	v4 =	vadd.f32 v5, v4;
	v5 =	vmul.f32 v6, v2;
	_ =	sdelay $0x1  }
0x317: {  	v4 =	vadd.f32 v5, v4;
	v5 =	vmul.f32 v7, v3;
	_ =	sdelay $0x1  }
0x318: {  	v4 =	vadd.f32 v5, v4;
	_ =	sdelay $0x1  }
0x319: {  	[tilespmem:s17+$0xFFFFFFE0] =	vst v4  }
0x31a: {  	v4 =	vld [tilespmem:s6+$0xFFFFFFB0]  }
0x31b: {  	v5 =	vld [tilespmem:s6+$0xFFFFFFA0]  }
0x31c: {  	v6 =	vld [tilespmem:s6+$0xFFFFFFD0]  }
0x31d: {  	v7 =	vld [tilespmem:s6+$0xFFFFFFC0];
	_ =	sdelay $0x1  }
0x31e: {  	v4 =	vmul.f32 v4, v0  }
0x31f: {  	v5 =	vmul.f32 v5, v1;
	_ =	sdelay $0x1  }
0x320: {  	v4 =	vadd.f32 v4, v5;
	v5 =	vmul.f32 v7, v2;
	_ =	sdelay $0x1  }
0x321: {  	v4 =	vadd.f32 v5, v4;
	v5 =	vmul.f32 v6, v3;
	_ =	sdelay $0x1  }
0x322: {  	v4 =	vadd.f32 v5, v4;
	_ =	sdelay $0x1  }
0x323: {  	[tilespmem:s17+$0xFFFFFFF0] =	vst v4  }
0x324: {  	v4 =	vld [tilespmem:s6+$0xFFFFFFE0]  }
0x325: {  	v5 =	vld [tilespmem:s6+$0xFFFFFFF0]  }
0x326: {  	v6 =	vld [tilespmem:s6+$0x0]  }
0x327: {  	v7 =	vld [tilespmem:s6+$0x10];
	_ =	sdelay $0x1  }
0x328: {  	v4 =	vmul.f32 v4, v1  }
0x329: {  	v5 =	vmul.f32 v5, v0  }
0x32a: {  	v6 =	vmul.f32 v6, v2  }
0x32b: {  	v4 =	vadd.f32 v5, v4;
	_ =	sdelay $0x1  }
0x32c: {  	v5 =	vmul.f32 v7, v3;
	v4 =	vadd.f32 v6, v4;
	_ =	sdelay $0x1  }
0x32d: {  	v4 =	vadd.f32 v5, v4;
	_ =	sdelay $0x1  }
0x32e: {  	[tilespmem:s17+$0x0] =	vst v4  }
0x32f: {  	v4 =	vld [tilespmem:s6+$0x20]  }
0x330: {  	v5 =	vld [tilespmem:s6+$0x30]  }
0x331: {  	v6 =	vld [tilespmem:s6+$0x40]  }
0x332: {  	v7 =	vld [tilespmem:s6+$0x50];
	_ =	sdelay $0x1  }
0x333: {  	v4 =	vmul.f32 v4, v1  }
0x334: {  	v5 =	vmul.f32 v5, v0  }
0x335: {  	v6 =	vmul.f32 v6, v2  }
0x336: {  	v4 =	vadd.f32 v5, v4;
	_ =	sdelay $0x1  }
0x337: {  	v5 =	vmul.f32 v7, v3;
	v4 =	vadd.f32 v6, v4;
	_ =	sdelay $0x1  }
0x338: {  	v4 =	vadd.f32 v5, v4;
	_ =	sdelay $0x1  }
0x339: {  	[tilespmem:s17+$0x10] =	vst v4  }
0x33a: {  	v4 =	vld [tilespmem:s6+$0x60]  }
0x33b: {  	v5 =	vld [tilespmem:s6+$0x70]  }
0x33c: {  	v6 =	vld [tilespmem:s6+$0x90]  }
0x33d: {  	v7 =	vld [tilespmem:s6+$0x80];
	_ =	sdelay $0x1  }
0x33e: {  	v4 =	vmul.f32 v4, v1  }
0x33f: {  	v5 =	vmul.f32 v5, v0  }
0x340: {  	v6 =	vmul.f32 v6, v3  }
0x341: {  	v4 =	vadd.f32 v5, v4;
	v5 =	vmul.f32 v7, v2;
	_ =	sdelay $0x1  }
0x342: {  	v4 =	vadd.f32 v5, v4;
	_ =	sdelay $0x1  }
0x343: {  	v4 =	vadd.f32 v6, v4;
	_ =	sdelay $0x1  }
0x344: {  	[tilespmem:s17+$0x20] =	vst v4  }
0x345: {  	v4 =	vld [tilespmem:s6+$0xA0]  }
0x346: {  	v5 =	vld [tilespmem:s6+$0xB0]  }
0x347: {  	v6 =	vld [tilespmem:s6+$0xC0]  }
0x348: {  	v7 =	vld [tilespmem:s6+$0xD0];
	_ =	sdelay $0x1  }
0x349: {  	v4 =	vmul.f32 v4, v1  }
0x34a: {  	v5 =	vmul.f32 v5, v0;
	_ =	sdelay $0x1  }
0x34b: {  	v4 =	vadd.f32 v5, v4;
	v5 =	vmul.f32 v6, v2;
	v6 =	vmul.f32 v7, v3;
	_ =	sdelay $0x1  }
0x34c: {  	v4 =	vadd.f32 v5, v4;
	_ =	sdelay $0x1  }
.Ltmp2:
0x34d: {  	v4 =	vadd.f32 v6, v4;
	(pc) =	sbr.rel @p0 .LBB2_6-.Ltmp2, $4  }
0x34e: {  	_ = 	snop  }
0x34f: {  	[tilespmem:s17+$0x30] =	vst v4  }
0x350: {  	v4 =	vld [tilespmem:s6+$0xF0]  }
0x351: {  	v5 =	vld [tilespmem:s6+$0xE0]  }
0x352: {  	_ = 	snop  }
0x353: {  	v6 =	vld [tilespmem:s1+$0x100];
	_ =	sdelay $0x1  }
0x354: {  	v7 =	vld [tilespmem:s1+$0x110]  }
0x355: {  	v4 =	vmul.f32 v4, v0;
	v5 =	vmul.f32 v5, v1;
	_ =	sdelay $0x1  }
0x356: {  	v4 =	vadd.f32 v4, v5;
	v5 =	vmul.f32 v6, v2;
	_ =	sdelay $0x1  }
0x357: {  	v6 =	vmul.f32 v7, v3;
	v4 =	vadd.f32 v5, v4;
	_ =	sdelay $0x1  }
0x358: {  	v4 =	vadd.f32 v6, v4;
	_ =	sdelay $0x1  }
0x359: {  	[tilespmem:s13+$0x40] =	vst v4  }
0x35a: {  	v4 =	vld [tilespmem:s1+$0x120]  }
0x35b: {  	v5 =	vld [tilespmem:s1+$0x130];
	_ =	sdelay $0x1  }
0x35c: {  	v6 =	vld [tilespmem:s1+$0x140];
	_ =	sdelay $0x1  }
0x35d: {  	v7 =	vld [tilespmem:s1+$0x150]  }
0x35e: {  	v1 =	vmul.f32 v4, v1;
	v0 =	vmul.f32 v5, v0;
	_ =	sdelay $0x1  }
0x35f: {  	v0 =	vadd.f32 v0, v1;
	v1 =	vmul.f32 v6, v2;
	_ =	sdelay $0x1  }
0x360: {  	v2 =	vmul.f32 v7, v3;
	v0 =	vadd.f32 v1, v0;
	_ =	sdelay $0x1  }
0x361: {  	v0 =	vadd.f32 v2, v0;
	_ =	sdelay $0x1  }
0x362: {  	s7 =	simm.s32 $0x0;
	[tilespmem:s13+$0x50] =	vst v0  }
0x363: {  	[hbm4b:s9+s7] =	stream.linear.scatter [tilespmem:s30], [sflag:$0x3], $0x5800, $0x38;
	[tilespmem:$0x1F400] =	vst v63  }
0x364: {  	_ =	swait.ge [sflag:s12], $0x5800  }
0x365: {  	[sflag:s12] =	ssyncset.done $0x0  }
0x366: {  	s13 =	simm.s32 $0x180;
	[sflag:s12] =	ssyncadd.s32 $0xFFFFA800  }
0x367: {  	[tilespmem:s15], [sflag:$0x1] =	stream.indirect.gather [hbm4b:s3+s14], $0x40, s13, s14, $0xb8;
	[tilespmem:$0x1F400] =	vst v63  }
0x368: {  	s17 =	simm.s32 $0x1480  }
0x369: {  	[tilespmem:s16], [sflag:$0x2] =	stream.indirect.gather [hbm4b:s4+s14], $0x40, s17, s14, $0xb8;
	[tilespmem:$0x1F400] =	vst v63  }
0x36a: {  	s5 =	simm.s32 $0x1500  }
0x36b: {  	[tilespmem:s18], [sflag:$0x2] =	stream.indirect.gather [hbm4b:s4+s14], $0x40, s5, s14, $0xb8;
	[tilespmem:$0x1F400] =	vst v63  }
0x36c: {  	s6 =	simm.s32 $0x1580  }
0x36d: {  	[tilespmem:s20], [sflag:$0x2] =	stream.indirect.gather [hbm4b:s4+s14], $0x40, s6, s14, $0xb8;
	[tilespmem:$0x1F400] =	vst v63  }
0x36e: {  	s7 =	simm.s32 $0x1600  }
0x36f: {  	[tilespmem:s22], [sflag:$0x2] =	stream.indirect.gather [hbm4b:s4+s14], $0x40, s7, s14, $0xb8;
	[tilespmem:$0x1F400] =	vst v63  }
0x370: {  	s13 =	simm.s32 $0x1680  }
0x371: {  	[tilespmem:s24], [sflag:$0x2] =	stream.indirect.gather [hbm4b:s4+s14], $0x40, s13, s14, $0xb8;
	[tilespmem:$0x1F400] =	vst v63  }
0x372: {  	s17 =	simm.s32 $0x1700  }
0x373: {  	[tilespmem:s26], [sflag:$0x2] =	stream.indirect.gather [hbm4b:s4+s14], $0x40, s17, s14, $0xb8;
	[tilespmem:$0x1F400] =	vst v63  }
0x374: {  	s5 =	simm.s32 $0x1780  }
0x375: {  	[tilespmem:s29], [sflag:$0x2] =	stream.indirect.gather [hbm4b:s4+s14], $0x40, s5, s14, $0xb8;
	[tilespmem:$0x1F400] =	vst v63  }
0x376: {  	s6 =	simm.s32 $0x1800  }
0x377: {  	[tilespmem:s31], [sflag:$0x2] =	stream.indirect.gather [hbm4b:s4+s14], $0x40, s6, s14, $0xb8;
	[tilespmem:$0x1F400] =	vst v63  }
0x378: {  	s7 =	simm.s32 $0x1880  }
0x379: {  	[tilespmem:s0], [sflag:$0x2] =	stream.indirect.gather [hbm4b:s4+s14], $0x40, s7, s14, $0xb8;
	[tilespmem:$0x1F400] =	vst v63  }
0x37a: {  	s13 =	simm.s32 $0x1900  }
0x37b: {  	[tilespmem:s19], [sflag:$0x2] =	stream.indirect.gather [hbm4b:s4+s14], $0x40, s13, s14, $0xb8;
	[tilespmem:$0x1F400] =	vst v63  }
0x37c: {  	s17 =	simm.s32 $0x1980  }
0x37d: {  	[tilespmem:s23], [sflag:$0x2] =	stream.indirect.gather [hbm4b:s4+s14], $0x40, s17, s14, $0xb8;
	[tilespmem:$0x1F400] =	vst v63  }
0x37e: {  	_ =	swait.ge [sflag:s25], $0x2000  }
0x37f: {  	[sflag:s25] =	ssyncset.done $0x0  }
0x380: {  	[sflag:s25] =	ssyncadd.s32 $0xFFFFE000  }
0x381: {  	_ =	swait.ge [sflag:s28], $0x2000  }
0x382: {  	[sflag:s28] =	ssyncset.done $0x0  }
0x383: {  	[sflag:s28] =	ssyncadd.s32 $0xFFFFE000  }
0x384: {  	_ =	swait.ge [sflag:s28], $0x2000  }
0x385: {  	[sflag:s28] =	ssyncset.done $0x0  }
0x386: {  	[sflag:s28] =	ssyncadd.s32 $0xFFFFE000  }
0x387: {  	_ =	swait.ge [sflag:s28], $0x2000  }
0x388: {  	[sflag:s28] =	ssyncset.done $0x0  }
0x389: {  	[sflag:s28] =	ssyncadd.s32 $0xFFFFE000  }
0x38a: {  	_ =	swait.ge [sflag:s28], $0x2000  }
0x38b: {  	[sflag:s28] =	ssyncset.done $0x0  }
0x38c: {  	[sflag:s28] =	ssyncadd.s32 $0xFFFFE000  }
0x38d: {  	_ =	swait.ge [sflag:s28], $0x2000  }
0x38e: {  	[sflag:s28] =	ssyncset.done $0x0  }
0x38f: {  	[sflag:s28] =	ssyncadd.s32 $0xFFFFE000  }
0x390: {  	_ =	swait.ge [sflag:s28], $0x2000  }
0x391: {  	[sflag:s28] =	ssyncset.done $0x0  }
0x392: {  	[sflag:s28] =	ssyncadd.s32 $0xFFFFE000  }
0x393: {  	_ =	swait.ge [sflag:s28], $0x2000  }
0x394: {  	[sflag:s28] =	ssyncset.done $0x0  }
0x395: {  	[sflag:s28] =	ssyncadd.s32 $0xFFFFE000  }
0x396: {  	_ =	swait.ge [sflag:s28], $0x2000  }
0x397: {  	[sflag:s28] =	ssyncset.done $0x0  }
0x398: {  	[sflag:s28] =	ssyncadd.s32 $0xFFFFE000  }
0x399: {  	_ =	swait.ge [sflag:s28], $0x2000  }
0x39a: {  	[sflag:s28] =	ssyncset.done $0x0  }
0x39b: {  	[sflag:s28] =	ssyncadd.s32 $0xFFFFE000  }
0x39c: {  	_ =	swait.ge [sflag:s28], $0x2000  }
0x39d: {  	[sflag:s28] =	ssyncset.done $0x0  }
0x39e: {  	[sflag:s28] =	ssyncadd.s32 $0xFFFFE000  }
0x39f: {  	_ =	swait.ge [sflag:s28], $0x2000  }
0x3a0: {  	[sflag:s28] =	ssyncset.done $0x0  }
0x3a1: {  	s5 =	simm.s32 $0x0;
	[sflag:s28] =	ssyncadd.s32 $0xFFFFE000  }
0x3a2: {  	v0 =	vld [tilespmem:s5+$0x1C10]  }
0x3a3: {  	s1 =	simm.s32 $0x3D60;
	v1 =	vld [tilespmem:s5+$0x1C00]  }
0x3a4: {  	v4 =	vld [tilespmem:s1+$0xFFFFFEA0]  }
0x3a5: {  	v5 =	vld [tilespmem:s1+$0xFFFFFEB0]  }
0x3a6: {  	v6 =	vld [tilespmem:s1+$0xFFFFFEC0]  }
0x3a7: {  	v2 =	vld [tilespmem:s5+$0x1C20]  }
0x3a8: {  	v7 =	vld [tilespmem:s1+$0xFFFFFED0]  }
0x3a9: {  	v3 =	vld [tilespmem:s5+$0x1C30]  }
0x3aa: {  	v4 =	vmul.f32 v4, v1;
	v5 =	vmul.f32 v5, v0;
	_ =	sdelay $0x1  }
0x3ab: {  	v6 =	vmul.f32 v6, v2;
	v4 =	vadd.f32 v5, v4;
	_ =	sdelay $0x1  }
0x3ac: {  	v5 =	vmul.f32 v7, v3;
	v4 =	vadd.f32 v6, v4;
	_ =	sdelay $0x1  }
0x3ad: {  	v4 =	vadd.f32 v5, v4  }
0x3ae: {  	s17 =	simm.s32 $0x19C50  }
0x3af: {  	[tilespmem:s17+$0xFFFFFFB0] =	vst v4  }
0x3b0: {  	v4 =	vld [tilespmem:s1+$0xFFFFFEE0]  }
0x3b1: {  	v5 =	vld [tilespmem:s1+$0xFFFFFEF0];
	_ =	sdelay $0x1  }
0x3b2: {  	v6 =	vld [tilespmem:s1+$0xFFFFFF00];
	_ =	sdelay $0x1  }
0x3b3: {  	v7 =	vld [tilespmem:s1+$0xFFFFFF10]  }
0x3b4: {  	v4 =	vmul.f32 v4, v1;
	v5 =	vmul.f32 v5, v0;
	_ =	sdelay $0x1  }
0x3b5: {  	v4 =	vadd.f32 v5, v4;
	v5 =	vmul.f32 v6, v2;
	_ =	sdelay $0x1  }
0x3b6: {  	v4 =	vadd.f32 v5, v4;
	v5 =	vmul.f32 v7, v3;
	_ =	sdelay $0x1  }
0x3b7: {  	v4 =	vadd.f32 v5, v4;
	_ =	sdelay $0x1  }
0x3b8: {  	[tilespmem:s17+$0xFFFFFFC0] =	vst v4  }
0x3b9: {  	v4 =	vld [tilespmem:s1+$0xFFFFFF20]  }
0x3ba: {  	v5 =	vld [tilespmem:s1+$0xFFFFFF30];
	_ =	sdelay $0x1  }
0x3bb: {  	v6 =	vld [tilespmem:s1+$0xFFFFFF40];
	_ =	sdelay $0x1  }
0x3bc: {  	v7 =	vld [tilespmem:s1+$0xFFFFFF50]  }
0x3bd: {  	v4 =	vmul.f32 v4, v1;
	v5 =	vmul.f32 v5, v0;
	_ =	sdelay $0x1  }
0x3be: {  	v4 =	vadd.f32 v5, v4;
	v5 =	vmul.f32 v6, v2;
	_ =	sdelay $0x1  }
0x3bf: {  	v4 =	vadd.f32 v5, v4;
	v5 =	vmul.f32 v7, v3;
	_ =	sdelay $0x1  }
0x3c0: {  	v4 =	vadd.f32 v5, v4;
	_ =	sdelay $0x1  }
0x3c1: {  	[tilespmem:s17+$0xFFFFFFD0] =	vst v4  }
0x3c2: {  	v4 =	vld [tilespmem:s1+$0xFFFFFF60]  }
0x3c3: {  	v5 =	vld [tilespmem:s1+$0xFFFFFF70];
	_ =	sdelay $0x1  }
0x3c4: {  	v6 =	vld [tilespmem:s1+$0xFFFFFF80];
	_ =	sdelay $0x1  }
0x3c5: {  	v7 =	vld [tilespmem:s1+$0xFFFFFF90]  }
0x3c6: {  	v4 =	vmul.f32 v4, v1;
	v5 =	vmul.f32 v5, v0;
	_ =	sdelay $0x1  }
0x3c7: {  	v4 =	vadd.f32 v5, v4;
	v5 =	vmul.f32 v6, v2;
	_ =	sdelay $0x1  }
0x3c8: {  	v4 =	vadd.f32 v5, v4;
	v5 =	vmul.f32 v7, v3;
	_ =	sdelay $0x1  }
0x3c9: {  	v4 =	vadd.f32 v5, v4;
	_ =	sdelay $0x1  }
0x3ca: {  	[tilespmem:s17+$0xFFFFFFE0] =	vst v4  }
0x3cb: {  	v4 =	vld [tilespmem:s1+$0xFFFFFFB0]  }
0x3cc: {  	v5 =	vld [tilespmem:s1+$0xFFFFFFA0];
	_ =	sdelay $0x1  }
0x3cd: {  	v6 =	vld [tilespmem:s1+$0xFFFFFFC0];
	_ =	sdelay $0x1  }
0x3ce: {  	v7 =	vld [tilespmem:s1+$0xFFFFFFD0]  }
0x3cf: {  	v4 =	vmul.f32 v4, v0;
	v5 =	vmul.f32 v5, v1;
	_ =	sdelay $0x1  }
0x3d0: {  	v4 =	vadd.f32 v4, v5;
	v5 =	vmul.f32 v6, v2;
	_ =	sdelay $0x1  }
0x3d1: {  	v4 =	vadd.f32 v5, v4;
	v5 =	vmul.f32 v7, v3;
	_ =	sdelay $0x1  }
0x3d2: {  	v4 =	vadd.f32 v5, v4;
	_ =	sdelay $0x1  }
0x3d3: {  	[tilespmem:s17+$0xFFFFFFF0] =	vst v4  }
0x3d4: {  	v4 =	vld [tilespmem:s1+$0xFFFFFFE0]  }
0x3d5: {  	v5 =	vld [tilespmem:s1+$0xFFFFFFF0];
	_ =	sdelay $0x1  }
0x3d6: {  	v6 =	vld [tilespmem:s1+$0x0];
	_ =	sdelay $0x1  }
0x3d7: {  	v7 =	vld [tilespmem:s1+$0x10]  }
0x3d8: {  	v4 =	vmul.f32 v4, v1;
	v5 =	vmul.f32 v5, v0;
	_ =	sdelay $0x1  }
0x3d9: {  	v6 =	vmul.f32 v6, v2;
	v4 =	vadd.f32 v5, v4;
	_ =	sdelay $0x1  }
0x3da: {  	v5 =	vmul.f32 v7, v3;
	v4 =	vadd.f32 v6, v4;
	_ =	sdelay $0x1  }
0x3db: {  	v4 =	vadd.f32 v5, v4;
	_ =	sdelay $0x1  }
0x3dc: {  	[tilespmem:s17+$0x0] =	vst v4  }
0x3dd: {  	v4 =	vld [tilespmem:s1+$0x20]  }
0x3de: {  	v5 =	vld [tilespmem:s1+$0x30];
	_ =	sdelay $0x1  }
0x3df: {  	v6 =	vld [tilespmem:s1+$0x40];
	_ =	sdelay $0x1  }
0x3e0: {  	v7 =	vld [tilespmem:s1+$0x50]  }
0x3e1: {  	v4 =	vmul.f32 v4, v1;
	v5 =	vmul.f32 v5, v0;
	_ =	sdelay $0x1  }
0x3e2: {  	v6 =	vmul.f32 v6, v2;
	v4 =	vadd.f32 v5, v4;
	_ =	sdelay $0x1  }
0x3e3: {  	v5 =	vmul.f32 v7, v3;
	v4 =	vadd.f32 v6, v4;
	_ =	sdelay $0x1  }
0x3e4: {  	v4 =	vadd.f32 v5, v4;
	_ =	sdelay $0x1  }
0x3e5: {  	[tilespmem:s17+$0x10] =	vst v4  }
0x3e6: {  	v4 =	vld [tilespmem:s1+$0x60]  }
0x3e7: {  	v5 =	vld [tilespmem:s1+$0x70];
	_ =	sdelay $0x1  }
0x3e8: {  	v6 =	vld [tilespmem:s1+$0x80];
	_ =	sdelay $0x1  }
0x3e9: {  	v7 =	vld [tilespmem:s1+$0x90]  }
0x3ea: {  	v4 =	vmul.f32 v4, v1;
	v5 =	vmul.f32 v5, v0;
	_ =	sdelay $0x1  }
0x3eb: {  	v4 =	vadd.f32 v5, v4;
	v5 =	vmul.f32 v6, v2;
	_ =	sdelay $0x1  }
0x3ec: {  	v6 =	vmul.f32 v7, v3;
	v4 =	vadd.f32 v5, v4;
	_ =	sdelay $0x1  }
0x3ed: {  	v4 =	vadd.f32 v6, v4;
	_ =	sdelay $0x1  }
0x3ee: {  	[tilespmem:s17+$0x20] =	vst v4  }
0x3ef: {  	v4 =	vld [tilespmem:s1+$0xA0]  }
0x3f0: {  	v5 =	vld [tilespmem:s1+$0xB0];
	_ =	sdelay $0x1  }
0x3f1: {  	v6 =	vld [tilespmem:s1+$0xC0];
	_ =	sdelay $0x1  }
0x3f2: {  	v7 =	vld [tilespmem:s1+$0xD0]  }
0x3f3: {  	v4 =	vmul.f32 v4, v1;
	v5 =	vmul.f32 v5, v0;
	_ =	sdelay $0x1  }
0x3f4: {  	v4 =	vadd.f32 v5, v4;
	v5 =	vmul.f32 v6, v2;
	_ =	sdelay $0x1  }
0x3f5: {  	v6 =	vmul.f32 v7, v3;
	v4 =	vadd.f32 v5, v4;
	_ =	sdelay $0x1  }
0x3f6: {  	v4 =	vadd.f32 v6, v4;
	_ =	sdelay $0x1  }
0x3f7: {  	[tilespmem:s17+$0x30] =	vst v4  }
0x3f8: {  	v4 =	vld [tilespmem:s1+$0xF0]  }
0x3f9: {  	s6 =	simm.s32 $0x3D60;
	s13 =	simm.s32 $0x19C50;
	s5 =	simm.s32 $0x100;
	v5 =	vld [tilespmem:s1+$0xE0]  }
.LBB2_8:
0x3fa: {  	p0 =	sne.s32 s5, $0x7F00;
	v6 =	vld [tilespmem:s1+$0x100];
	s17 =	sadd.s32 $0xB0, s17;
	s6 =	sadd.s32 $0x2C0, s6  }
0x3fb: {  	s7 =	smov.u32 s5;
	s5 =	sadd.s32 $0x100, s5;
	v7 =	vld [tilespmem:s1+$0x110];
	_ =	sdelay $0x2  }
0x3fc: {  	v4 =	vmul.f32 v4, v0;
	v5 =	vmul.f32 v5, v1;
	_ =	sdelay $0x1  }
0x3fd: {  	v4 =	vadd.f32 v4, v5;
	v5 =	vmul.f32 v6, v2;
	v6 =	vmul.f32 v7, v3;
	_ =	sdelay $0x1  }
0x3fe: {  	v4 =	vadd.f32 v5, v4;
	_ =	sdelay $0x1  }
0x3ff: {  	v4 =	vadd.f32 v6, v4;
	_ =	sdelay $0x1  }
0x400: {  	[tilespmem:s13+$0x40] =	vst v4  }
0x401: {  	v4 =	vld [tilespmem:s1+$0x120]  }
0x402: {  	s7 =	sshra.s32 s7, $0x2;
	v5 =	vld [tilespmem:s1+$0x130]  }
0x403: {  	v6 =	vld [tilespmem:s1+$0x140]  }
0x404: {  	v7 =	vld [tilespmem:s1+$0x150];
	s1 =	smov.u32 s6;
	_ =	sdelay $0x2  }
0x405: {  	v1 =	vmul.f32 v4, v1;
	v0 =	vmul.f32 v5, v0;
	_ =	sdelay $0x1  }
0x406: {  	v0 =	vadd.f32 v0, v1;
	v1 =	vmul.f32 v6, v2;
	v2 =	vmul.f32 v7, v3;
	_ =	sdelay $0x1  }
0x407: {  	v0 =	vadd.f32 v1, v0;
	_ =	sdelay $0x1  }
0x408: {  	v0 =	vadd.f32 v2, v0;
	_ =	sdelay $0x1  }
0x409: {  	[tilespmem:s13+$0x50] =	vst v0;
	s13 =	smov.u32 s17  }
0x40a: {  	v0 =	vld [tilespmem:s7+$0x1C10]  }
0x40b: {  	v1 =	vld [tilespmem:s7+$0x1C00]  }
0x40c: {  	v4 =	vld [tilespmem:s6+$0xFFFFFEA0]  }
0x40d: {  	v5 =	vld [tilespmem:s6+$0xFFFFFEC0]  }
0x40e: {  	v6 =	vld [tilespmem:s6+$0xFFFFFEB0]  }
0x40f: {  	v2 =	vld [tilespmem:s7+$0x1C20];
	_ =	sdelay $0x1  }
0x410: {  	v7 =	vld [tilespmem:s6+$0xFFFFFED0]  }
0x411: {  	v3 =	vld [tilespmem:s7+$0x1C30]  }
0x412: {  	v4 =	vmul.f32 v4, v1;
	v6 =	vmul.f32 v6, v0  }
0x413: {  	v5 =	vmul.f32 v5, v2  }
0x414: {  	v4 =	vadd.f32 v6, v4;
	_ =	sdelay $0x1  }
0x415: {  	v4 =	vadd.f32 v5, v4;
	v5 =	vmul.f32 v7, v3;
	_ =	sdelay $0x1  }
0x416: {  	v4 =	vadd.f32 v5, v4;
	_ =	sdelay $0x1  }
0x417: {  	[tilespmem:s17+$0xFFFFFFB0] =	vst v4  }
0x418: {  	v4 =	vld [tilespmem:s6+$0xFFFFFEE0]  }
0x419: {  	v5 =	vld [tilespmem:s6+$0xFFFFFEF0];
	_ =	sdelay $0x1  }
0x41a: {  	v6 =	vld [tilespmem:s6+$0xFFFFFF00];
	_ =	sdelay $0x1  }
0x41b: {  	v4 =	vmul.f32 v4, v1;
	v7 =	vld [tilespmem:s6+$0xFFFFFF10]  }
0x41c: {  	v5 =	vmul.f32 v5, v0;
	_ =	sdelay $0x1  }
0x41d: {  	v4 =	vadd.f32 v5, v4;
	v5 =	vmul.f32 v6, v2;
	_ =	sdelay $0x1  }
0x41e: {  	v4 =	vadd.f32 v5, v4;
	v5 =	vmul.f32 v7, v3;
	_ =	sdelay $0x1  }
0x41f: {  	v4 =	vadd.f32 v5, v4;
	_ =	sdelay $0x1  }
0x420: {  	[tilespmem:s17+$0xFFFFFFC0] =	vst v4  }
0x421: {  	v4 =	vld [tilespmem:s6+$0xFFFFFF20]  }
0x422: {  	v5 =	vld [tilespmem:s6+$0xFFFFFF30];
	_ =	sdelay $0x1  }
0x423: {  	v6 =	vld [tilespmem:s6+$0xFFFFFF40];
	_ =	sdelay $0x1  }
0x424: {  	v4 =	vmul.f32 v4, v1;
	v7 =	vld [tilespmem:s6+$0xFFFFFF50]  }
0x425: {  	v5 =	vmul.f32 v5, v0;
	_ =	sdelay $0x1  }
0x426: {  	v4 =	vadd.f32 v5, v4;
	v5 =	vmul.f32 v6, v2;
	_ =	sdelay $0x1  }
0x427: {  	v4 =	vadd.f32 v5, v4;
	v5 =	vmul.f32 v7, v3;
	_ =	sdelay $0x1  }
0x428: {  	v4 =	vadd.f32 v5, v4;
	_ =	sdelay $0x1  }
0x429: {  	[tilespmem:s17+$0xFFFFFFD0] =	vst v4  }
0x42a: {  	v4 =	vld [tilespmem:s6+$0xFFFFFF60]  }
0x42b: {  	v5 =	vld [tilespmem:s6+$0xFFFFFF70];
	_ =	sdelay $0x1  }
0x42c: {  	v6 =	vld [tilespmem:s6+$0xFFFFFF80];
	_ =	sdelay $0x1  }
0x42d: {  	v4 =	vmul.f32 v4, v1;
	v7 =	vld [tilespmem:s6+$0xFFFFFF90]  }
0x42e: {  	v5 =	vmul.f32 v5, v0;
	_ =	sdelay $0x1  }
0x42f: {  	v4 =	vadd.f32 v5, v4;
	v5 =	vmul.f32 v6, v2;
	_ =	sdelay $0x1  }
0x430: {  	v4 =	vadd.f32 v5, v4;
	v5 =	vmul.f32 v7, v3;
	_ =	sdelay $0x1  }
0x431: {  	v4 =	vadd.f32 v5, v4;
	_ =	sdelay $0x1  }
0x432: {  	[tilespmem:s17+$0xFFFFFFE0] =	vst v4  }
0x433: {  	v4 =	vld [tilespmem:s6+$0xFFFFFFB0]  }
0x434: {  	v5 =	vld [tilespmem:s6+$0xFFFFFFA0]  }
0x435: {  	v6 =	vld [tilespmem:s6+$0xFFFFFFD0]  }
0x436: {  	v7 =	vld [tilespmem:s6+$0xFFFFFFC0];
	_ =	sdelay $0x1  }
0x437: {  	v4 =	vmul.f32 v4, v0  }
0x438: {  	v5 =	vmul.f32 v5, v1;
	_ =	sdelay $0x1  }
0x439: {  	v4 =	vadd.f32 v4, v5;
	v5 =	vmul.f32 v7, v2;
	_ =	sdelay $0x1  }
0x43a: {  	v4 =	vadd.f32 v5, v4;
	v5 =	vmul.f32 v6, v3;
	_ =	sdelay $0x1  }
0x43b: {  	v4 =	vadd.f32 v5, v4;
	_ =	sdelay $0x1  }
0x43c: {  	[tilespmem:s17+$0xFFFFFFF0] =	vst v4  }
0x43d: {  	v4 =	vld [tilespmem:s6+$0xFFFFFFE0]  }
0x43e: {  	v5 =	vld [tilespmem:s6+$0xFFFFFFF0]  }
0x43f: {  	v6 =	vld [tilespmem:s6+$0x0]  }
0x440: {  	v7 =	vld [tilespmem:s6+$0x10];
	_ =	sdelay $0x1  }
0x441: {  	v4 =	vmul.f32 v4, v1  }
0x442: {  	v5 =	vmul.f32 v5, v0  }
0x443: {  	v6 =	vmul.f32 v6, v2  }
0x444: {  	v4 =	vadd.f32 v5, v4;
	_ =	sdelay $0x1  }
0x445: {  	v5 =	vmul.f32 v7, v3;
	v4 =	vadd.f32 v6, v4;
	_ =	sdelay $0x1  }
0x446: {  	v4 =	vadd.f32 v5, v4;
	_ =	sdelay $0x1  }
0x447: {  	[tilespmem:s17+$0x0] =	vst v4  }
0x448: {  	v4 =	vld [tilespmem:s6+$0x20]  }
0x449: {  	v5 =	vld [tilespmem:s6+$0x30]  }
0x44a: {  	v6 =	vld [tilespmem:s6+$0x40]  }
0x44b: {  	v7 =	vld [tilespmem:s6+$0x50];
	_ =	sdelay $0x1  }
0x44c: {  	v4 =	vmul.f32 v4, v1  }
0x44d: {  	v5 =	vmul.f32 v5, v0  }
0x44e: {  	v6 =	vmul.f32 v6, v2  }
0x44f: {  	v4 =	vadd.f32 v5, v4;
	_ =	sdelay $0x1  }
0x450: {  	v5 =	vmul.f32 v7, v3;
	v4 =	vadd.f32 v6, v4;
	_ =	sdelay $0x1  }
0x451: {  	v4 =	vadd.f32 v5, v4;
	_ =	sdelay $0x1  }
0x452: {  	[tilespmem:s17+$0x10] =	vst v4  }
0x453: {  	v4 =	vld [tilespmem:s6+$0x60]  }
0x454: {  	v5 =	vld [tilespmem:s6+$0x70]  }
0x455: {  	v6 =	vld [tilespmem:s6+$0x90]  }
0x456: {  	v7 =	vld [tilespmem:s6+$0x80];
	_ =	sdelay $0x1  }
0x457: {  	v4 =	vmul.f32 v4, v1  }
0x458: {  	v5 =	vmul.f32 v5, v0  }
0x459: {  	v6 =	vmul.f32 v6, v3  }
0x45a: {  	v4 =	vadd.f32 v5, v4;
	v5 =	vmul.f32 v7, v2;
	_ =	sdelay $0x1  }
0x45b: {  	v4 =	vadd.f32 v5, v4;
	_ =	sdelay $0x1  }
0x45c: {  	v4 =	vadd.f32 v6, v4;
	_ =	sdelay $0x1  }
0x45d: {  	[tilespmem:s17+$0x20] =	vst v4  }
0x45e: {  	v4 =	vld [tilespmem:s6+$0xA0]  }
0x45f: {  	v5 =	vld [tilespmem:s6+$0xB0]  }
0x460: {  	v6 =	vld [tilespmem:s6+$0xC0]  }
0x461: {  	v7 =	vld [tilespmem:s6+$0xD0];
	_ =	sdelay $0x1  }
0x462: {  	v4 =	vmul.f32 v4, v1  }
0x463: {  	v5 =	vmul.f32 v5, v0;
	_ =	sdelay $0x1  }
0x464: {  	v4 =	vadd.f32 v5, v4;
	v5 =	vmul.f32 v6, v2;
	v6 =	vmul.f32 v7, v3;
	_ =	sdelay $0x1  }
0x465: {  	v4 =	vadd.f32 v5, v4;
	_ =	sdelay $0x1  }
.Ltmp3:
0x466: {  	v4 =	vadd.f32 v6, v4;
	(pc) =	sbr.rel @p0 .LBB2_8-.Ltmp3, $4  }
0x467: {  	_ = 	snop  }
0x468: {  	[tilespmem:s17+$0x30] =	vst v4  }
0x469: {  	v4 =	vld [tilespmem:s6+$0xF0]  }
0x46a: {  	v5 =	vld [tilespmem:s6+$0xE0]  }
0x46b: {  	_ = 	snop  }
0x46c: {  	v6 =	vld [tilespmem:s1+$0x100];
	_ =	sdelay $0x1  }
0x46d: {  	v7 =	vld [tilespmem:s1+$0x110]  }
0x46e: {  	v4 =	vmul.f32 v4, v0;
	v5 =	vmul.f32 v5, v1;
	_ =	sdelay $0x1  }
0x46f: {  	v55 =	vmul.f32 v6, v2;
	v4 =	vadd.f32 v4, v5;
	_ =	sdelay $0x1  }
0x470: {  	v56 =	vmul.f32 v7, v3;
	v4 =	vadd.f32 v55, v4;
	_ =	sdelay $0x1  }
0x471: {  	v4 =	vadd.f32 v56, v4;
	_ =	sdelay $0x1  }
0x472: {  	[tilespmem:s13+$0x40] =	vst v4  }
0x473: {  	v4 =	vld [tilespmem:s1+$0x120]  }
0x474: {  	v57 =	vld [tilespmem:s1+$0x130];
	_ =	sdelay $0x1  }
0x475: {  	v58 =	vld [tilespmem:s1+$0x140];
	_ =	sdelay $0x1  }
0x476: {  	v59 =	vld [tilespmem:s1+$0x150]  }
0x477: {  	v60 =	vmul.f32 v4, v1;
	v61 =	vmul.f32 v57, v0;
	_ =	sdelay $0x1  }
0x478: {  	v62 =	vmul.f32 v58, v2;
	v0 =	vadd.f32 v61, v60;
	_ =	sdelay $0x1  }
0x479: {  	v63 =	vmul.f32 v59, v3;
	v0 =	vadd.f32 v62, v0;
	_ =	sdelay $0x1  }
0x47a: {  	s21 =	sadd.s32 $0x1, s21;
	v0 =	vadd.f32 v63, v0  }
0x47b: {  	p0 =	sne.s32 s21, s11  }
.Ltmp4:
0x47c: {  	[tilespmem:s13+$0x50] =	vst v0;
	(pc) =	sbr.rel @p0 .LBB2_1-.Ltmp4, $4  }
0x47d: {  	[hbm4b:s10+s2] =	stream.linear.scatter [tilespmem:s30], [sflag:$0x3], $0x5800, $0x38;
	[tilespmem:$0x1F400] =	vst v63  }
0x47e: {  	_ =	swait.ge [sflag:s12], $0x5800  }
0x47f: {  	[sflag:s12] =	ssyncset.done $0x0  }
0x480: {  	[sflag:s12] =	ssyncadd.s32 $0xFFFFA800  }
0x481: {  	_ =	sfence.sel $0x180000  }
0x482: {  	[bflag:$0x0] =	sbarrier.arrive $0xFFFF  }
0x483: {  	_ =	strace $0x90000047  }
0x484: {  	s0 =	stileid.u32;
	[bflag:$0x2] =	sbarrier.arrive $0xFFFF  }
0x485: {  	p0 =	sne.s32 s0, $0x0;
	s0 =	rddreg [dreg:$0x1]  }
0x486: {  	s0 =	sadd.s32 @!p0 $0x100000, s0  }
0x487: {  	[sflag:s0] =	ssyncadd.tile.s32 @!p0 $0x1;
	_ =	shalt  }
.Lfunc_end2:
_tile_overlayer_lowered:
.L_overlay_start_2:
0x488: {  	(tag) =	ssettag $0x2  }
0x489: {  	s0 =	rddreg [dreg:$0x0];
	s2 =	stileid.u32  }
0x48a: {  	s1 =	rddreg [dreg:$0x1];
	p0 =	sne.s32 s2, $0x0  }
0x48b: {  	s3 =	rddreg [dreg:$0x2];
	[bflag:$0x3] =	sbarrier.arrive $0xFFFF;
	s2 =	simm.s32 @!p0 $0x1C03  }
0x48c: {  	[timem:s3], [sflag:s2] =	dma.local @!p0 [hbm:s0], s1  }
0x48d: {  	s0 =	simm.s32 @!p0 $0x3  }
0x48e: {  	_ =	swait.ge @!p0 [sflag:s0], s1  }
0x48f: {  	s1 =	ssub.s32 @!p0 $0x0, s1;
	[sflag:s0] =	ssyncset.done @!p0 $0x0  }
0x490: {  	[sflag:s0] =	ssyncadd.s32 @!p0 s1  }
0x491: {  	[bflag:$0x3] =	sbarrier.arrive $0xFFFF  }
0x492: {  	_ =	shalt  }

</sc_bundles>
